<compile_context>
chip_gen: v7x
topology: tpu7x:2x2x1
jax: 0.10.2.dev20260603
libtpu: 0.0.44.dev20260713+nightly
codegen_flags: <defaults>
</compile_context>

<pallas_src>
import jax
import jax.numpy as jnp
from jax import lax
from jax.experimental import pallas as pl
from jax.experimental.pallas import tpu as pltpu
from jax.experimental.pallas import tpu_sc as plsc

N = 4194304
C = 10
L = 16
NC = 2
NS = 16
NW = NC * NS
NBLK = N // 128
STATS = 4
NBANK = 4

B_TC = 2048
B_SC = NBLK - B_TC
PBLK = B_SC // NW
TB = 64
NCHUNK = PBLK // TB
T = TB * 128
TBC = 32
NSTEP = B_TC // TBC


def _sc_stats_body(feat_hbm, ys_hbm, out_hbm, xy0, xy1, ys0, ys1,
                   acc_c, acc_x, acc_y, acc_n, pub, sem0, sem1):
    wid = lax.axis_index("s") * NC + lax.axis_index("c")
    base_blk = B_TC + wid * PBLK
    base = base_blk * 128
    z = jnp.zeros((L,), jnp.float32)
    for r in range(C * NBANK):
        acc_c[pl.ds(r * L, L)] = z
        acc_x[pl.ds(r * L, L)] = z
        acc_y[pl.ds(r * L, L)] = z
        acc_n[pl.ds(r * L, L)] = z
    lane = lax.iota(jnp.int32, L)
    lane_b = [lane + k * (C * L) for k in range(NBANK)]
    ones = jnp.ones((L,), jnp.float32)

    def issue(xy_v, ys_v, sem, g):
        pltpu.async_copy(feat_hbm.at[pl.ds(base_blk + g * TB, TB)], xy_v, sem)
        pltpu.async_copy(ys_hbm.at[pl.ds(base + g * T, T)], ys_v, sem)

    def wait(xy_v, ys_v, sem):
        pltpu.make_async_copy(feat_hbm.at[pl.ds(0, TB)], xy_v, sem).wait()
        pltpu.make_async_copy(ys_hbm.at[pl.ds(0, T)], ys_v, sem).wait()

    def compute(xy_v, ys_v):
        @plsc.parallel_loop(0, TB, unroll=2)
        def _blk(b):
            for grp in range(8):
                ys_f = ys_v[pl.ds(b * 128 + grp * L, L)]
                cls = ys_f.astype(jnp.int32)
                xv = xy_v[b, 0, pl.ds(grp * L, L)]
                yv = xy_v[b, 1, pl.ds(grp * L, L)]
                nv = xv * xv + yv * yv
                sidx = cls * L + lane_b[grp % NBANK]
                plsc.addupdate_scatter(acc_c, [sidx], ones)
                plsc.addupdate_scatter(acc_x, [sidx], xv)
                plsc.addupdate_scatter(acc_y, [sidx], yv)
                plsc.addupdate_scatter(acc_n, [sidx], nv)

    issue(xy0, ys0, sem0, 0)
    NPAIR = NCHUNK - (NCHUNK % 2)

    @pl.loop(0, NPAIR, step=2)
    def _chunk(g):
        @pl.when(g + 1 < NCHUNK)
        def _():
            issue(xy1, ys1, sem1, g + 1)
        wait(xy0, ys0, sem0)
        compute(xy0, ys0)

        @pl.when(g + 2 < NCHUNK)
        def _():
            issue(xy0, ys0, sem0, g + 2)
        wait(xy1, ys1, sem1)
        compute(xy1, ys1)

    if NCHUNK % 2:
        wait(xy0, ys0, sem0)
        compute(xy0, ys0)

    for k, acc in enumerate((acc_c, acc_x, acc_y, acc_n)):
        for r in range(C):
            s = pl.ds(r * L, L)
            v = acc[s]
            for q in range(1, NBANK):
                v = v + acc[pl.ds(q * C * L + r * L, L)]
            pub[s] = v
        pltpu.sync_copy(pub, out_hbm.at[wid, k])


def _run_sc(feat_blk, ys):
    mesh = plsc.VectorSubcoreMesh(core_axis_name="c", subcore_axis_name="s")
    kfn = pl.kernel(
        _sc_stats_body,
        out_type=jax.ShapeDtypeStruct((NW, STATS, C * L), jnp.float32),
        mesh=mesh,
        compiler_params=pltpu.CompilerParams(needs_layout_passes=False),
        scratch_types=[
            pltpu.VMEM((TB, 2, 128), jnp.float32),
            pltpu.VMEM((TB, 2, 128), jnp.float32),
            pltpu.VMEM((T,), jnp.float32),
            pltpu.VMEM((T,), jnp.float32),
            pltpu.VMEM((NBANK * C * L,), jnp.float32),
            pltpu.VMEM((NBANK * C * L,), jnp.float32),
            pltpu.VMEM((NBANK * C * L,), jnp.float32),
            pltpu.VMEM((NBANK * C * L,), jnp.float32),
            pltpu.VMEM((C * L,), jnp.float32),
            pltpu.SemaphoreType.DMA,
            pltpu.SemaphoreType.DMA,
        ],
    )
    return kfn(feat_blk, ys)


def _tc_stats_body(feat_ref, ys_ref, out_ref):
    i = pl.program_id(0)

    @pl.when(i == 0)
    def _():
        out_ref[...] = jnp.zeros((STATS, C * 128), jnp.float32)

    xb = feat_ref[:, 0, :]
    yb = feat_ref[:, 1, :]
    ysb = ys_ref[...]
    nb = xb * xb + yb * yb
    onesrow = jnp.ones((1, TBC), jnp.float32)
    for c in range(C):
        m = (ysb == float(c)).astype(jnp.float32)
        sl = pl.ds(c * 128, 128)
        out_ref[0:1, sl] += jnp.dot(onesrow, m,
                                    preferred_element_type=jnp.float32)
        out_ref[1:2, sl] += jnp.dot(onesrow, m * xb,
                                    preferred_element_type=jnp.float32)
        out_ref[2:3, sl] += jnp.dot(onesrow, m * yb,
                                    preferred_element_type=jnp.float32)
        out_ref[3:4, sl] += jnp.dot(onesrow, m * nb,
                                    preferred_element_type=jnp.float32)


def _run_tc(feat_blk, ys2):
    return pl.pallas_call(
        _tc_stats_body,
        grid=(NSTEP,),
        in_specs=[
            pl.BlockSpec((TBC, 2, 128), lambda i: (i, 0, 0)),
            pl.BlockSpec((TBC, 128), lambda i: (i, 0)),
        ],
        out_specs=pl.BlockSpec((STATS, C * 128), lambda i: (0, 0)),
        out_shape=jax.ShapeDtypeStruct((STATS, C * 128), jnp.float32),
    )(feat_blk, ys2)


def _fin_body(sc_ref, tc_ref, m_ref, m3_ref, ct_ref, scale_ref, out_ref):
    red = jnp.dot(jnp.sum(sc_ref[...], axis=0), m_ref[...],
                  preferred_element_type=jnp.float32)
    red = red + jnp.dot(tc_ref[...], m3_ref[...],
                        preferred_element_type=jnp.float32)
    cnt, sx, sy, sn = red[0:1], red[1:2], red[2:3], red[3:4]
    cx, cy = ct_ref[0:1], ct_ref[1:2]
    term = sn - 2.0 * (cx * sx + cy * sy) + cnt * (cx * cx + cy * cy)
    safe = jnp.where(cnt > 0, cnt, 1.0)
    per = jnp.where(cnt > 0, term / safe, 0.0)
    out_ref[...] = jnp.sum(per, axis=1, keepdims=True) * scale_ref[...]


def kernel(features, ys, center, lambdas):
    feat_blk = features.reshape(NBLK, 128, 2).transpose(0, 2, 1)
    ys2 = ys.reshape(NBLK, 128)
    sc_stats = _run_sc(feat_blk, ys)
    if B_TC:
        tc_stats = _run_tc(feat_blk, ys2)
    else:
        tc_stats = jnp.zeros((STATS, C * 128), jnp.float32)
    m = jnp.kron(jnp.eye(C, dtype=jnp.float32),
                 jnp.ones((L, 1), jnp.float32))
    m3 = jnp.kron(jnp.eye(C, dtype=jnp.float32),
                  jnp.ones((128, 1), jnp.float32))
    ct = center.T
    scale = (jnp.asarray(lambdas, jnp.float32) / 2.0 / N).reshape(1, 1)
    out = pl.pallas_call(
        _fin_body,
        out_shape=jax.ShapeDtypeStruct((1, 1), jnp.float32),
    )(sc_stats, tc_stats, m, m3, ct, scale)
    return out[0, 0]

# --- scband reference (transcript-rebuilt; emitter-appended) ---
"""Pipeline reference for scband-centerloss-6880537608553 (READ-ONLY COPY).

The authoritative reference and input builder live on the scoring server;
editing this copy changes nothing except your own understanding.
"""

import jax, jax.numpy as jnp
import numpy as np

N = 4194304
NUM_CLASSES = 10
FEAT_DIM = 2


def setup_inputs(seed: int = 0) -> dict:
    key = jax.random.key(seed)
    k1, k2, k3 = jax.random.split(key, 3)
    features = jax.random.normal(k1, (N, FEAT_DIM), dtype=jnp.float32)
    # ys is a float tensor of integer class labels (torch.histc requires float input)
    ys = jax.random.randint(k2, (N,), 0, NUM_CLASSES).astype(jnp.float32)
    # learned parameter: self.center = nn.Parameter(torch.randn(10, 2))
    center = jax.random.normal(k3, (NUM_CLASSES, FEAT_DIM), dtype=jnp.float32)
    return {"features": features, "ys": ys, "center": center, "lambdas": 2}


def reference(features, ys, center, lambdas=2):
    ys_i = ys.astype(jnp.int32)
    # center.index_select(0, ys.long()) -> gather
    center_exp = jnp.take(center, ys_i, axis=0)
    # torch.histc(ys, bins=max(ys)+1, min=0, max=max(ys)) on integer-valued labels
    # == per-class counts -> bincount
    nbins = center.shape[0]
    count = jnp.bincount(ys_i, length=nbins).astype(jnp.float32)
    # count.index_select(0, ys.long()) -> gather
    count_exp = jnp.take(count, ys_i, axis=0)
    sq_dist = jnp.sum(jnp.power(features - center_exp, 2), axis=1)
    loss = (lambdas / 2) * jnp.mean(sq_dist / count_exp)
    return loss

if __name__ == "__main__":
    import jax
    _d = setup_inputs()
    print(jax.jit(kernel)(*tuple(_d.values())))

</pallas_src>

<mosaic_0001>
#map = affine_map<(d0, d1) -> (0, 0, 0)>
#map1 = affine_map<(d0, d1) -> (0)>
module attributes {stable_mosaic.version = 14 : i64} {
  func.func @_sc_stats_body(%arg0: i32, %arg1: i32, %arg2: memref<32768x2x128xf32, #tpu.memory_space<hbm>>, %arg3: memref<4194304xf32, #tpu.memory_space<hbm>>, %arg4: memref<32x4x160xf32, #tpu.memory_space<hbm>>, %arg5: memref<64x2x128xf32, #tpu.memory_space<vmem>>, %arg6: memref<64x2x128xf32, #tpu.memory_space<vmem>>, %arg7: memref<8192xf32, #tpu.memory_space<vmem>>, %arg8: memref<8192xf32, #tpu.memory_space<vmem>>, %arg9: memref<640xf32, #tpu.memory_space<vmem>>, %arg10: memref<640xf32, #tpu.memory_space<vmem>>, %arg11: memref<640xf32, #tpu.memory_space<vmem>>, %arg12: memref<640xf32, #tpu.memory_space<vmem>>, %arg13: memref<160xf32, #tpu.memory_space<vmem>>, %arg14: memref<!tpu.dma_semaphore, #tpu.memory_space<semaphore_mem>>, %arg15: memref<!tpu.dma_semaphore, #tpu.memory_space<semaphore_mem>>) attributes {dimension_semantics = [#tpu.dimension_semantics<core_parallel>, #tpu.dimension_semantics<subcore_parallel>], iteration_bounds = array<i64: 2, 16>, scalar_prefetch = 0 : i64, scratch_operands = 11 : i64, tpu.core_type = #tpu.core_type<sc_vector_subcore>, window_params = [{transform_indices = #map}, {transform_indices = #map1}, {transform_indices = #map}]} {
    %mul3A = arith.constant 2 : i32
    %mul3A_0 = arith.muli %arg1, %mul3A : i32
    %add3A = arith.addi %mul3A_0, %arg0 : i32
    %mul3A_1 = arith.constant 960 : i32
    %mul3A_2 = arith.muli %add3A, %mul3A_1 : i32
    %add3A_3 = arith.constant 2048 : i32
    %add3A_4 = arith.addi %add3A_3, %mul3A_2 : i32
    %mul3A_5 = arith.constant 128 : i32
    %mul3A_6 = arith.muli %add3A_4, %mul3A_5 : i32
    %broadcast_in_dim3A = arith.constant 0.000000e+00 : f32
    %broadcast_in_dim3A_7 = vector.broadcast %broadcast_in_dim3A : f32 to vector<16xf32>
    %swap3A = arith.constant 0 : index
    %swap3A_8 = tpu.vector_load %arg9[%swap3A] {strides = array<i32>} : memref<640xf32, #tpu.memory_space<vmem>>, vector<16xf32>,
    tpu.vector_store %arg9[%swap3A], %broadcast_in_dim3A_7 {strides = array<i32>} : memref<640xf32, #tpu.memory_space<vmem>>, vector<16xf32>,
    %swap3A_9 = arith.constant 0 : index
    %swap3A_10 = tpu.vector_load %arg10[%swap3A_9] {strides = array<i32>} : memref<640xf32, #tpu.memory_space<vmem>>, vector<16xf32>,
    tpu.vector_store %arg10[%swap3A_9], %broadcast_in_dim3A_7 {strides = array<i32>} : memref<640xf32, #tpu.memory_space<vmem>>, vector<16xf32>,
    %swap3A_11 = arith.constant 0 : index
    %swap3A_12 = tpu.vector_load %arg11[%swap3A_11] {strides = array<i32>} : memref<640xf32, #tpu.memory_space<vmem>>, vector<16xf32>,
    tpu.vector_store %arg11[%swap3A_11], %broadcast_in_dim3A_7 {strides = array<i32>} : memref<640xf32, #tpu.memory_space<vmem>>, vector<16xf32>,
    %swap3A_13 = arith.constant 0 : index
    %swap3A_14 = tpu.vector_load %arg12[%swap3A_13] {strides = array<i32>} : memref<640xf32, #tpu.memory_space<vmem>>, vector<16xf32>,
    tpu.vector_store %arg12[%swap3A_13], %broadcast_in_dim3A_7 {strides = array<i32>} : memref<640xf32, #tpu.memory_space<vmem>>, vector<16xf32>,
    %swap3A_15 = arith.constant 16 : index
    %swap3A_16 = tpu.vector_load %arg9[%swap3A_15] {strides = array<i32>} : memref<640xf32, #tpu.memory_space<vmem>>, vector<16xf32>,
    tpu.vector_store %arg9[%swap3A_15], %broadcast_in_dim3A_7 {strides = array<i32>} : memref<640xf32, #tpu.memory_space<vmem>>, vector<16xf32>,
    %swap3A_17 = arith.constant 16 : index
    %swap3A_18 = tpu.vector_load %arg10[%swap3A_17] {strides = array<i32>} : memref<640xf32, #tpu.memory_space<vmem>>, vector<16xf32>,
    tpu.vector_store %arg10[%swap3A_17], %broadcast_in_dim3A_7 {strides = array<i32>} : memref<640xf32, #tpu.memory_space<vmem>>, vector<16xf32>,
    %swap3A_19 = arith.constant 16 : index
    %swap3A_20 = tpu.vector_load %arg11[%swap3A_19] {strides = array<i32>} : memref<640xf32, #tpu.memory_space<vmem>>, vector<16xf32>,
    tpu.vector_store %arg11[%swap3A_19], %broadcast_in_dim3A_7 {strides = array<i32>} : memref<640xf32, #tpu.memory_space<vmem>>, vector<16xf32>,
    %swap3A_21 = arith.constant 16 : index
    %swap3A_22 = tpu.vector_load %arg12[%swap3A_21] {strides = array<i32>} : memref<640xf32, #tpu.memory_space<vmem>>, vector<16xf32>,
    tpu.vector_store %arg12[%swap3A_21], %broadcast_in_dim3A_7 {strides = array<i32>} : memref<640xf32, #tpu.memory_space<vmem>>, vector<16xf32>,
    %swap3A_23 = arith.constant 32 : index
    %swap3A_24 = tpu.vector_load %arg9[%swap3A_23] {strides = array<i32>} : memref<640xf32, #tpu.memory_space<vmem>>, vector<16xf32>,
    tpu.vector_store %arg9[%swap3A_23], %broadcast_in_dim3A_7 {strides = array<i32>} : memref<640xf32, #tpu.memory_space<vmem>>, vector<16xf32>,
    %swap3A_25 = arith.constant 32 : index
    %swap3A_26 = tpu.vector_load %arg10[%swap3A_25] {strides = array<i32>} : memref<640xf32, #tpu.memory_space<vmem>>, vector<16xf32>,
    tpu.vector_store %arg10[%swap3A_25], %broadcast_in_dim3A_7 {strides = array<i32>} : memref<640xf32, #tpu.memory_space<vmem>>, vector<16xf32>,
    %swap3A_27 = arith.constant 32 : index
    %swap3A_28 = tpu.vector_load %arg11[%swap3A_27] {strides = array<i32>} : memref<640xf32, #tpu.memory_space<vmem>>, vector<16xf32>,
    tpu.vector_store %arg11[%swap3A_27], %broadcast_in_dim3A_7 {strides = array<i32>} : memref<640xf32, #tpu.memory_space<vmem>>, vector<16xf32>,
    %swap3A_29 = arith.constant 32 : index
    %swap3A_30 = tpu.vector_load %arg12[%swap3A_29] {strides = array<i32>} : memref<640xf32, #tpu.memory_space<vmem>>, vector<16xf32>,
    tpu.vector_store %arg12[%swap3A_29], %broadcast_in_dim3A_7 {strides = array<i32>} : memref<640xf32, #tpu.memory_space<vmem>>, vector<16xf32>,
    %swap3A_31 = arith.constant 48 : index
    %swap3A_32 = tpu.vector_load %arg9[%swap3A_31] {strides = array<i32>} : memref<640xf32, #tpu.memory_space<vmem>>, vector<16xf32>,
    tpu.vector_store %arg9[%swap3A_31], %broadcast_in_dim3A_7 {strides = array<i32>} : memref<640xf32, #tpu.memory_space<vmem>>, vector<16xf32>,
    %swap3A_33 = arith.constant 48 : index
    %swap3A_34 = tpu.vector_load %arg10[%swap3A_33] {strides = array<i32>} : memref<640xf32, #tpu.memory_space<vmem>>, vector<16xf32>,
    tpu.vector_store %arg10[%swap3A_33], %broadcast_in_dim3A_7 {strides = array<i32>} : memref<640xf32, #tpu.memory_space<vmem>>, vector<16xf32>,
    %swap3A_35 = arith.constant 48 : index
    %swap3A_36 = tpu.vector_load %arg11[%swap3A_35] {strides = array<i32>} : memref<640xf32, #tpu.memory_space<vmem>>, vector<16xf32>,
    tpu.vector_store %arg11[%swap3A_35], %broadcast_in_dim3A_7 {strides = array<i32>} : memref<640xf32, #tpu.memory_space<vmem>>, vector<16xf32>,
    %swap3A_37 = arith.constant 48 : index
    %swap3A_38 = tpu.vector_load %arg12[%swap3A_37] {strides = array<i32>} : memref<640xf32, #tpu.memory_space<vmem>>, vector<16xf32>,
    tpu.vector_store %arg12[%swap3A_37], %broadcast_in_dim3A_7 {strides = array<i32>} : memref<640xf32, #tpu.memory_space<vmem>>, vector<16xf32>,
    %swap3A_39 = arith.constant 64 : index
    %swap3A_40 = tpu.vector_load %arg9[%swap3A_39] {strides = array<i32>} : memref<640xf32, #tpu.memory_space<vmem>>, vector<16xf32>,
    tpu.vector_store %arg9[%swap3A_39], %broadcast_in_dim3A_7 {strides = array<i32>} : memref<640xf32, #tpu.memory_space<vmem>>, vector<16xf32>,
    %swap3A_41 = arith.constant 64 : index
    %swap3A_42 = tpu.vector_load %arg10[%swap3A_41] {strides = array<i32>} : memref<640xf32, #tpu.memory_space<vmem>>, vector<16xf32>,
    tpu.vector_store %arg10[%swap3A_41], %broadcast_in_dim3A_7 {strides = array<i32>} : memref<640xf32, #tpu.memory_space<vmem>>, vector<16xf32>,
    %swap3A_43 = arith.constant 64 : index
    %swap3A_44 = tpu.vector_load %arg11[%swap3A_43] {strides = array<i32>} : memref<640xf32, #tpu.memory_space<vmem>>, vector<16xf32>,
    tpu.vector_store %arg11[%swap3A_43], %broadcast_in_dim3A_7 {strides = array<i32>} : memref<640xf32, #tpu.memory_space<vmem>>, vector<16xf32>,
    %swap3A_45 = arith.constant 64 : index
    %swap3A_46 = tpu.vector_load %arg12[%swap3A_45] {strides = array<i32>} : memref<640xf32, #tpu.memory_space<vmem>>, vector<16xf32>,
    tpu.vector_store %arg12[%swap3A_45], %broadcast_in_dim3A_7 {strides = array<i32>} : memref<640xf32, #tpu.memory_space<vmem>>, vector<16xf32>,
    %swap3A_47 = arith.constant 80 : index
    %swap3A_48 = tpu.vector_load %arg9[%swap3A_47] {strides = array<i32>} : memref<640xf32, #tpu.memory_space<vmem>>, vector<16xf32>,
    tpu.vector_store %arg9[%swap3A_47], %broadcast_in_dim3A_7 {strides = array<i32>} : memref<640xf32, #tpu.memory_space<vmem>>, vector<16xf32>,
    %swap3A_49 = arith.constant 80 : index
    %swap3A_50 = tpu.vector_load %arg10[%swap3A_49] {strides = array<i32>} : memref<640xf32, #tpu.memory_space<vmem>>, vector<16xf32>,
    tpu.vector_store %arg10[%swap3A_49], %broadcast_in_dim3A_7 {strides = array<i32>} : memref<640xf32, #tpu.memory_space<vmem>>, vector<16xf32>,
    %swap3A_51 = arith.constant 80 : index
    %swap3A_52 = tpu.vector_load %arg11[%swap3A_51] {strides = array<i32>} : memref<640xf32, #tpu.memory_space<vmem>>, vector<16xf32>,
    tpu.vector_store %arg11[%swap3A_51], %broadcast_in_dim3A_7 {strides = array<i32>} : memref<640xf32, #tpu.memory_space<vmem>>, vector<16xf32>,
    %swap3A_53 = arith.constant 80 : index
    %swap3A_54 = tpu.vector_load %arg12[%swap3A_53] {strides = array<i32>} : memref<640xf32, #tpu.memory_space<vmem>>, vector<16xf32>,
    tpu.vector_store %arg12[%swap3A_53], %broadcast_in_dim3A_7 {strides = array<i32>} : memref<640xf32, #tpu.memory_space<vmem>>, vector<16xf32>,
    %swap3A_55 = arith.constant 96 : index
    %swap3A_56 = tpu.vector_load %arg9[%swap3A_55] {strides = array<i32>} : memref<640xf32, #tpu.memory_space<vmem>>, vector<16xf32>,
    tpu.vector_store %arg9[%swap3A_55], %broadcast_in_dim3A_7 {strides = array<i32>} : memref<640xf32, #tpu.memory_space<vmem>>, vector<16xf32>,
    %swap3A_57 = arith.constant 96 : index
    %swap3A_58 = tpu.vector_load %arg10[%swap3A_57] {strides = array<i32>} : memref<640xf32, #tpu.memory_space<vmem>>, vector<16xf32>,
    tpu.vector_store %arg10[%swap3A_57], %broadcast_in_dim3A_7 {strides = array<i32>} : memref<640xf32, #tpu.memory_space<vmem>>, vector<16xf32>,
    %swap3A_59 = arith.constant 96 : index
    %swap3A_60 = tpu.vector_load %arg11[%swap3A_59] {strides = array<i32>} : memref<640xf32, #tpu.memory_space<vmem>>, vector<16xf32>,
    tpu.vector_store %arg11[%swap3A_59], %broadcast_in_dim3A_7 {strides = array<i32>} : memref<640xf32, #tpu.memory_space<vmem>>, vector<16xf32>,
    %swap3A_61 = arith.constant 96 : index
    %swap3A_62 = tpu.vector_load %arg12[%swap3A_61] {strides = array<i32>} : memref<640xf32, #tpu.memory_space<vmem>>, vector<16xf32>,
    tpu.vector_store %arg12[%swap3A_61], %broadcast_in_dim3A_7 {strides = array<i32>} : memref<640xf32, #tpu.memory_space<vmem>>, vector<16xf32>,
    %swap3A_63 = arith.constant 112 : index
    %swap3A_64 = tpu.vector_load %arg9[%swap3A_63] {strides = array<i32>} : memref<640xf32, #tpu.memory_space<vmem>>, vector<16xf32>,
    tpu.vector_store %arg9[%swap3A_63], %broadcast_in_dim3A_7 {strides = array<i32>} : memref<640xf32, #tpu.memory_space<vmem>>, vector<16xf32>,
    %swap3A_65 = arith.constant 112 : index
    %swap3A_66 = tpu.vector_load %arg10[%swap3A_65] {strides = array<i32>} : memref<640xf32, #tpu.memory_space<vmem>>, vector<16xf32>,
    tpu.vector_store %arg10[%swap3A_65], %broadcast_in_dim3A_7 {strides = array<i32>} : memref<640xf32, #tpu.memory_space<vmem>>, vector<16xf32>,
    %swap3A_67 = arith.constant 112 : index
    %swap3A_68 = tpu.vector_load %arg11[%swap3A_67] {strides = array<i32>} : memref<640xf32, #tpu.memory_space<vmem>>, vector<16xf32>,
    tpu.vector_store %arg11[%swap3A_67], %broadcast_in_dim3A_7 {strides = array<i32>} : memref<640xf32, #tpu.memory_space<vmem>>, vector<16xf32>,
    %swap3A_69 = arith.constant 112 : index
    %swap3A_70 = tpu.vector_load %arg12[%swap3A_69] {strides = array<i32>} : memref<640xf32, #tpu.memory_space<vmem>>, vector<16xf32>,
    tpu.vector_store %arg12[%swap3A_69], %broadcast_in_dim3A_7 {strides = array<i32>} : memref<640xf32, #tpu.memory_space<vmem>>, vector<16xf32>,
    %swap3A_71 = arith.constant 128 : index
    %swap3A_72 = tpu.vector_load %arg9[%swap3A_71] {strides = array<i32>} : memref<640xf32, #tpu.memory_space<vmem>>, vector<16xf32>,
    tpu.vector_store %arg9[%swap3A_71], %broadcast_in_dim3A_7 {strides = array<i32>} : memref<640xf32, #tpu.memory_space<vmem>>, vector<16xf32>,
    %swap3A_73 = arith.constant 128 : index
    %swap3A_74 = tpu.vector_load %arg10[%swap3A_73] {strides = array<i32>} : memref<640xf32, #tpu.memory_space<vmem>>, vector<16xf32>,
    tpu.vector_store %arg10[%swap3A_73], %broadcast_in_dim3A_7 {strides = array<i32>} : memref<640xf32, #tpu.memory_space<vmem>>, vector<16xf32>,
    %swap3A_75 = arith.constant 128 : index
    %swap3A_76 = tpu.vector_load %arg11[%swap3A_75] {strides = array<i32>} : memref<640xf32, #tpu.memory_space<vmem>>, vector<16xf32>,
    tpu.vector_store %arg11[%swap3A_75], %broadcast_in_dim3A_7 {strides = array<i32>} : memref<640xf32, #tpu.memory_space<vmem>>, vector<16xf32>,
    %swap3A_77 = arith.constant 128 : index
    %swap3A_78 = tpu.vector_load %arg12[%swap3A_77] {strides = array<i32>} : memref<640xf32, #tpu.memory_space<vmem>>, vector<16xf32>,
    tpu.vector_store %arg12[%swap3A_77], %broadcast_in_dim3A_7 {strides = array<i32>} : memref<640xf32, #tpu.memory_space<vmem>>, vector<16xf32>,
    %swap3A_79 = arith.constant 144 : index
    %swap3A_80 = tpu.vector_load %arg9[%swap3A_79] {strides = array<i32>} : memref<640xf32, #tpu.memory_space<vmem>>, vector<16xf32>,
    tpu.vector_store %arg9[%swap3A_79], %broadcast_in_dim3A_7 {strides = array<i32>} : memref<640xf32, #tpu.memory_space<vmem>>, vector<16xf32>,
    %swap3A_81 = arith.constant 144 : index
    %swap3A_82 = tpu.vector_load %arg10[%swap3A_81] {strides = array<i32>} : memref<640xf32, #tpu.memory_space<vmem>>, vector<16xf32>,
    tpu.vector_store %arg10[%swap3A_81], %broadcast_in_dim3A_7 {strides = array<i32>} : memref<640xf32, #tpu.memory_space<vmem>>, vector<16xf32>,
    %swap3A_83 = arith.constant 144 : index
    %swap3A_84 = tpu.vector_load %arg11[%swap3A_83] {strides = array<i32>} : memref<640xf32, #tpu.memory_space<vmem>>, vector<16xf32>,
    tpu.vector_store %arg11[%swap3A_83], %broadcast_in_dim3A_7 {strides = array<i32>} : memref<640xf32, #tpu.memory_space<vmem>>, vector<16xf32>,
    %swap3A_85 = arith.constant 144 : index
    %swap3A_86 = tpu.vector_load %arg12[%swap3A_85] {strides = array<i32>} : memref<640xf32, #tpu.memory_space<vmem>>, vector<16xf32>,
    tpu.vector_store %arg12[%swap3A_85], %broadcast_in_dim3A_7 {strides = array<i32>} : memref<640xf32, #tpu.memory_space<vmem>>, vector<16xf32>,
    %swap3A_87 = arith.constant 160 : index
    %swap3A_88 = tpu.vector_load %arg9[%swap3A_87] {strides = array<i32>} : memref<640xf32, #tpu.memory_space<vmem>>, vector<16xf32>,
    tpu.vector_store %arg9[%swap3A_87], %broadcast_in_dim3A_7 {strides = array<i32>} : memref<640xf32, #tpu.memory_space<vmem>>, vector<16xf32>,
    %swap3A_89 = arith.constant 160 : index
    %swap3A_90 = tpu.vector_load %arg10[%swap3A_89] {strides = array<i32>} : memref<640xf32, #tpu.memory_space<vmem>>, vector<16xf32>,
    tpu.vector_store %arg10[%swap3A_89], %broadcast_in_dim3A_7 {strides = array<i32>} : memref<640xf32, #tpu.memory_space<vmem>>, vector<16xf32>,
    %swap3A_91 = arith.constant 160 : index
    %swap3A_92 = tpu.vector_load %arg11[%swap3A_91] {strides = array<i32>} : memref<640xf32, #tpu.memory_space<vmem>>, vector<16xf32>,
    tpu.vector_store %arg11[%swap3A_91], %broadcast_in_dim3A_7 {strides = array<i32>} : memref<640xf32, #tpu.memory_space<vmem>>, vector<16xf32>,
    %swap3A_93 = arith.constant 160 : index
    %swap3A_94 = tpu.vector_load %arg12[%swap3A_93] {strides = array<i32>} : memref<640xf32, #tpu.memory_space<vmem>>, vector<16xf32>,
    tpu.vector_store %arg12[%swap3A_93], %broadcast_in_dim3A_7 {strides = array<i32>} : memref<640xf32, #tpu.memory_space<vmem>>, vector<16xf32>,
    %swap3A_95 = arith.constant 176 : index
    %swap3A_96 = tpu.vector_load %arg9[%swap3A_95] {strides = array<i32>} : memref<640xf32, #tpu.memory_space<vmem>>, vector<16xf32>,
    tpu.vector_store %arg9[%swap3A_95], %broadcast_in_dim3A_7 {strides = array<i32>} : memref<640xf32, #tpu.memory_space<vmem>>, vector<16xf32>,
    %swap3A_97 = arith.constant 176 : index
    %swap3A_98 = tpu.vector_load %arg10[%swap3A_97] {strides = array<i32>} : memref<640xf32, #tpu.memory_space<vmem>>, vector<16xf32>,
    tpu.vector_store %arg10[%swap3A_97], %broadcast_in_dim3A_7 {strides = array<i32>} : memref<640xf32, #tpu.memory_space<vmem>>, vector<16xf32>,
    %swap3A_99 = arith.constant 176 : index
    %swap3A_100 = tpu.vector_load %arg11[%swap3A_99] {strides = array<i32>} : memref<640xf32, #tpu.memory_space<vmem>>, vector<16xf32>,
    tpu.vector_store %arg11[%swap3A_99], %broadcast_in_dim3A_7 {strides = array<i32>} : memref<640xf32, #tpu.memory_space<vmem>>, vector<16xf32>,
    %swap3A_101 = arith.constant 176 : index
    %swap3A_102 = tpu.vector_load %arg12[%swap3A_101] {strides = array<i32>} : memref<640xf32, #tpu.memory_space<vmem>>, vector<16xf32>,
    tpu.vector_store %arg12[%swap3A_101], %broadcast_in_dim3A_7 {strides = array<i32>} : memref<640xf32, #tpu.memory_space<vmem>>, vector<16xf32>,
    %swap3A_103 = arith.constant 192 : index
    %swap3A_104 = tpu.vector_load %arg9[%swap3A_103] {strides = array<i32>} : memref<640xf32, #tpu.memory_space<vmem>>, vector<16xf32>,
    tpu.vector_store %arg9[%swap3A_103], %broadcast_in_dim3A_7 {strides = array<i32>} : memref<640xf32, #tpu.memory_space<vmem>>, vector<16xf32>,
    %swap3A_105 = arith.constant 192 : index
    %swap3A_106 = tpu.vector_load %arg10[%swap3A_105] {strides = array<i32>} : memref<640xf32, #tpu.memory_space<vmem>>, vector<16xf32>,
    tpu.vector_store %arg10[%swap3A_105], %broadcast_in_dim3A_7 {strides = array<i32>} : memref<640xf32, #tpu.memory_space<vmem>>, vector<16xf32>,
    %swap3A_107 = arith.constant 192 : index
    %swap3A_108 = tpu.vector_load %arg11[%swap3A_107] {strides = array<i32>} : memref<640xf32, #tpu.memory_space<vmem>>, vector<16xf32>,
    tpu.vector_store %arg11[%swap3A_107], %broadcast_in_dim3A_7 {strides = array<i32>} : memref<640xf32, #tpu.memory_space<vmem>>, vector<16xf32>,
    %swap3A_109 = arith.constant 192 : index
    %swap3A_110 = tpu.vector_load %arg12[%swap3A_109] {strides = array<i32>} : memref<640xf32, #tpu.memory_space<vmem>>, vector<16xf32>,
    tpu.vector_store %arg12[%swap3A_109], %broadcast_in_dim3A_7 {strides = array<i32>} : memref<640xf32, #tpu.memory_space<vmem>>, vector<16xf32>,
    %swap3A_111 = arith.constant 208 : index
    %swap3A_112 = tpu.vector_load %arg9[%swap3A_111] {strides = array<i32>} : memref<640xf32, #tpu.memory_space<vmem>>, vector<16xf32>,
    tpu.vector_store %arg9[%swap3A_111], %broadcast_in_dim3A_7 {strides = array<i32>} : memref<640xf32, #tpu.memory_space<vmem>>, vector<16xf32>,
    %swap3A_113 = arith.constant 208 : index
    %swap3A_114 = tpu.vector_load %arg10[%swap3A_113] {strides = array<i32>} : memref<640xf32, #tpu.memory_space<vmem>>, vector<16xf32>,
    tpu.vector_store %arg10[%swap3A_113], %broadcast_in_dim3A_7 {strides = array<i32>} : memref<640xf32, #tpu.memory_space<vmem>>, vector<16xf32>,
    %swap3A_115 = arith.constant 208 : index
    %swap3A_116 = tpu.vector_load %arg11[%swap3A_115] {strides = array<i32>} : memref<640xf32, #tpu.memory_space<vmem>>, vector<16xf32>,
    tpu.vector_store %arg11[%swap3A_115], %broadcast_in_dim3A_7 {strides = array<i32>} : memref<640xf32, #tpu.memory_space<vmem>>, vector<16xf32>,
    %swap3A_117 = arith.constant 208 : index
    %swap3A_118 = tpu.vector_load %arg12[%swap3A_117] {strides = array<i32>} : memref<640xf32, #tpu.memory_space<vmem>>, vector<16xf32>,
    tpu.vector_store %arg12[%swap3A_117], %broadcast_in_dim3A_7 {strides = array<i32>} : memref<640xf32, #tpu.memory_space<vmem>>, vector<16xf32>,
    %swap3A_119 = arith.constant 224 : index
    %swap3A_120 = tpu.vector_load %arg9[%swap3A_119] {strides = array<i32>} : memref<640xf32, #tpu.memory_space<vmem>>, vector<16xf32>,
    tpu.vector_store %arg9[%swap3A_119], %broadcast_in_dim3A_7 {strides = array<i32>} : memref<640xf32, #tpu.memory_space<vmem>>, vector<16xf32>,
    %swap3A_121 = arith.constant 224 : index
    %swap3A_122 = tpu.vector_load %arg10[%swap3A_121] {strides = array<i32>} : memref<640xf32, #tpu.memory_space<vmem>>, vector<16xf32>,
    tpu.vector_store %arg10[%swap3A_121], %broadcast_in_dim3A_7 {strides = array<i32>} : memref<640xf32, #tpu.memory_space<vmem>>, vector<16xf32>,
    %swap3A_123 = arith.constant 224 : index
    %swap3A_124 = tpu.vector_load %arg11[%swap3A_123] {strides = array<i32>} : memref<640xf32, #tpu.memory_space<vmem>>, vector<16xf32>,
    tpu.vector_store %arg11[%swap3A_123], %broadcast_in_dim3A_7 {strides = array<i32>} : memref<640xf32, #tpu.memory_space<vmem>>, vector<16xf32>,
    %swap3A_125 = arith.constant 224 : index
    %swap3A_126 = tpu.vector_load %arg12[%swap3A_125] {strides = array<i32>} : memref<640xf32, #tpu.memory_space<vmem>>, vector<16xf32>,
    tpu.vector_store %arg12[%swap3A_125], %broadcast_in_dim3A_7 {strides = array<i32>} : memref<640xf32, #tpu.memory_space<vmem>>, vector<16xf32>,
    %swap3A_127 = arith.constant 240 : index
    %swap3A_128 = tpu.vector_load %arg9[%swap3A_127] {strides = array<i32>} : memref<640xf32, #tpu.memory_space<vmem>>, vector<16xf32>,
    tpu.vector_store %arg9[%swap3A_127], %broadcast_in_dim3A_7 {strides = array<i32>} : memref<640xf32, #tpu.memory_space<vmem>>, vector<16xf32>,
    %swap3A_129 = arith.constant 240 : index
    %swap3A_130 = tpu.vector_load %arg10[%swap3A_129] {strides = array<i32>} : memref<640xf32, #tpu.memory_space<vmem>>, vector<16xf32>,
    tpu.vector_store %arg10[%swap3A_129], %broadcast_in_dim3A_7 {strides = array<i32>} : memref<640xf32, #tpu.memory_space<vmem>>, vector<16xf32>,
    %swap3A_131 = arith.constant 240 : index
    %swap3A_132 = tpu.vector_load %arg11[%swap3A_131] {strides = array<i32>} : memref<640xf32, #tpu.memory_space<vmem>>, vector<16xf32>,
    tpu.vector_store %arg11[%swap3A_131], %broadcast_in_dim3A_7 {strides = array<i32>} : memref<640xf32, #tpu.memory_space<vmem>>, vector<16xf32>,
    %swap3A_133 = arith.constant 240 : index
    %swap3A_134 = tpu.vector_load %arg12[%swap3A_133] {strides = array<i32>} : memref<640xf32, #tpu.memory_space<vmem>>, vector<16xf32>,
    tpu.vector_store %arg12[%swap3A_133], %broadcast_in_dim3A_7 {strides = array<i32>} : memref<640xf32, #tpu.memory_space<vmem>>, vector<16xf32>,
    %swap3A_135 = arith.constant 256 : index
    %swap3A_136 = tpu.vector_load %arg9[%swap3A_135] {strides = array<i32>} : memref<640xf32, #tpu.memory_space<vmem>>, vector<16xf32>,
    tpu.vector_store %arg9[%swap3A_135], %broadcast_in_dim3A_7 {strides = array<i32>} : memref<640xf32, #tpu.memory_space<vmem>>, vector<16xf32>,
    %swap3A_137 = arith.constant 256 : index
    %swap3A_138 = tpu.vector_load %arg10[%swap3A_137] {strides = array<i32>} : memref<640xf32, #tpu.memory_space<vmem>>, vector<16xf32>,
    tpu.vector_store %arg10[%swap3A_137], %broadcast_in_dim3A_7 {strides = array<i32>} : memref<640xf32, #tpu.memory_space<vmem>>, vector<16xf32>,
    %swap3A_139 = arith.constant 256 : index
    %swap3A_140 = tpu.vector_load %arg11[%swap3A_139] {strides = array<i32>} : memref<640xf32, #tpu.memory_space<vmem>>, vector<16xf32>,
    tpu.vector_store %arg11[%swap3A_139], %broadcast_in_dim3A_7 {strides = array<i32>} : memref<640xf32, #tpu.memory_space<vmem>>, vector<16xf32>,
    %swap3A_141 = arith.constant 256 : index
    %swap3A_142 = tpu.vector_load %arg12[%swap3A_141] {strides = array<i32>} : memref<640xf32, #tpu.memory_space<vmem>>, vector<16xf32>,
    tpu.vector_store %arg12[%swap3A_141], %broadcast_in_dim3A_7 {strides = array<i32>} : memref<640xf32, #tpu.memory_space<vmem>>, vector<16xf32>,
    %swap3A_143 = arith.constant 272 : index
    %swap3A_144 = tpu.vector_load %arg9[%swap3A_143] {strides = array<i32>} : memref<640xf32, #tpu.memory_space<vmem>>, vector<16xf32>,
    tpu.vector_store %arg9[%swap3A_143], %broadcast_in_dim3A_7 {strides = array<i32>} : memref<640xf32, #tpu.memory_space<vmem>>, vector<16xf32>,
    %swap3A_145 = arith.constant 272 : index
    %swap3A_146 = tpu.vector_load %arg10[%swap3A_145] {strides = array<i32>} : memref<640xf32, #tpu.memory_space<vmem>>, vector<16xf32>,
    tpu.vector_store %arg10[%swap3A_145], %broadcast_in_dim3A_7 {strides = array<i32>} : memref<640xf32, #tpu.memory_space<vmem>>, vector<16xf32>,
    %swap3A_147 = arith.constant 272 : index
    %swap3A_148 = tpu.vector_load %arg11[%swap3A_147] {strides = array<i32>} : memref<640xf32, #tpu.memory_space<vmem>>, vector<16xf32>,
    tpu.vector_store %arg11[%swap3A_147], %broadcast_in_dim3A_7 {strides = array<i32>} : memref<640xf32, #tpu.memory_space<vmem>>, vector<16xf32>,
    %swap3A_149 = arith.constant 272 : index
    %swap3A_150 = tpu.vector_load %arg12[%swap3A_149] {strides = array<i32>} : memref<640xf32, #tpu.memory_space<vmem>>, vector<16xf32>,
    tpu.vector_store %arg12[%swap3A_149], %broadcast_in_dim3A_7 {strides = array<i32>} : memref<640xf32, #tpu.memory_space<vmem>>, vector<16xf32>,
    %swap3A_151 = arith.constant 288 : index
    %swap3A_152 = tpu.vector_load %arg9[%swap3A_151] {strides = array<i32>} : memref<640xf32, #tpu.memory_space<vmem>>, vector<16xf32>,
    tpu.vector_store %arg9[%swap3A_151], %broadcast_in_dim3A_7 {strides = array<i32>} : memref<640xf32, #tpu.memory_space<vmem>>, vector<16xf32>,
    %swap3A_153 = arith.constant 288 : index
    %swap3A_154 = tpu.vector_load %arg10[%swap3A_153] {strides = array<i32>} : memref<640xf32, #tpu.memory_space<vmem>>, vector<16xf32>,
    tpu.vector_store %arg10[%swap3A_153], %broadcast_in_dim3A_7 {strides = array<i32>} : memref<640xf32, #tpu.memory_space<vmem>>, vector<16xf32>,
    %swap3A_155 = arith.constant 288 : index
    %swap3A_156 = tpu.vector_load %arg11[%swap3A_155] {strides = array<i32>} : memref<640xf32, #tpu.memory_space<vmem>>, vector<16xf32>,
    tpu.vector_store %arg11[%swap3A_155], %broadcast_in_dim3A_7 {strides = array<i32>} : memref<640xf32, #tpu.memory_space<vmem>>, vector<16xf32>,
    %swap3A_157 = arith.constant 288 : index
    %swap3A_158 = tpu.vector_load %arg12[%swap3A_157] {strides = array<i32>} : memref<640xf32, #tpu.memory_space<vmem>>, vector<16xf32>,
    tpu.vector_store %arg12[%swap3A_157], %broadcast_in_dim3A_7 {strides = array<i32>} : memref<640xf32, #tpu.memory_space<vmem>>, vector<16xf32>,
    %swap3A_159 = arith.constant 304 : index
    %swap3A_160 = tpu.vector_load %arg9[%swap3A_159] {strides = array<i32>} : memref<640xf32, #tpu.memory_space<vmem>>, vector<16xf32>,
    tpu.vector_store %arg9[%swap3A_159], %broadcast_in_dim3A_7 {strides = array<i32>} : memref<640xf32, #tpu.memory_space<vmem>>, vector<16xf32>,
    %swap3A_161 = arith.constant 304 : index
    %swap3A_162 = tpu.vector_load %arg10[%swap3A_161] {strides = array<i32>} : memref<640xf32, #tpu.memory_space<vmem>>, vector<16xf32>,
    tpu.vector_store %arg10[%swap3A_161], %broadcast_in_dim3A_7 {strides = array<i32>} : memref<640xf32, #tpu.memory_space<vmem>>, vector<16xf32>,
    %swap3A_163 = arith.constant 304 : index
    %swap3A_164 = tpu.vector_load %arg11[%swap3A_163] {strides = array<i32>} : memref<640xf32, #tpu.memory_space<vmem>>, vector<16xf32>,
    tpu.vector_store %arg11[%swap3A_163], %broadcast_in_dim3A_7 {strides = array<i32>} : memref<640xf32, #tpu.memory_space<vmem>>, vector<16xf32>,
    %swap3A_165 = arith.constant 304 : index
    %swap3A_166 = tpu.vector_load %arg12[%swap3A_165] {strides = array<i32>} : memref<640xf32, #tpu.memory_space<vmem>>, vector<16xf32>,
    tpu.vector_store %arg12[%swap3A_165], %broadcast_in_dim3A_7 {strides = array<i32>} : memref<640xf32, #tpu.memory_space<vmem>>, vector<16xf32>,
    %swap3A_167 = arith.constant 320 : index
    %swap3A_168 = tpu.vector_load %arg9[%swap3A_167] {strides = array<i32>} : memref<640xf32, #tpu.memory_space<vmem>>, vector<16xf32>,
    tpu.vector_store %arg9[%swap3A_167], %broadcast_in_dim3A_7 {strides = array<i32>} : memref<640xf32, #tpu.memory_space<vmem>>, vector<16xf32>,
    %swap3A_169 = arith.constant 320 : index
    %swap3A_170 = tpu.vector_load %arg10[%swap3A_169] {strides = array<i32>} : memref<640xf32, #tpu.memory_space<vmem>>, vector<16xf32>,
    tpu.vector_store %arg10[%swap3A_169], %broadcast_in_dim3A_7 {strides = array<i32>} : memref<640xf32, #tpu.memory_space<vmem>>, vector<16xf32>,
    %swap3A_171 = arith.constant 320 : index
    %swap3A_172 = tpu.vector_load %arg11[%swap3A_171] {strides = array<i32>} : memref<640xf32, #tpu.memory_space<vmem>>, vector<16xf32>,
    tpu.vector_store %arg11[%swap3A_171], %broadcast_in_dim3A_7 {strides = array<i32>} : memref<640xf32, #tpu.memory_space<vmem>>, vector<16xf32>,
    %swap3A_173 = arith.constant 320 : index
    %swap3A_174 = tpu.vector_load %arg12[%swap3A_173] {strides = array<i32>} : memref<640xf32, #tpu.memory_space<vmem>>, vector<16xf32>,
    tpu.vector_store %arg12[%swap3A_173], %broadcast_in_dim3A_7 {strides = array<i32>} : memref<640xf32, #tpu.memory_space<vmem>>, vector<16xf32>,
    %swap3A_175 = arith.constant 336 : index
    %swap3A_176 = tpu.vector_load %arg9[%swap3A_175] {strides = array<i32>} : memref<640xf32, #tpu.memory_space<vmem>>, vector<16xf32>,
    tpu.vector_store %arg9[%swap3A_175], %broadcast_in_dim3A_7 {strides = array<i32>} : memref<640xf32, #tpu.memory_space<vmem>>, vector<16xf32>,
    %swap3A_177 = arith.constant 336 : index
    %swap3A_178 = tpu.vector_load %arg10[%swap3A_177] {strides = array<i32>} : memref<640xf32, #tpu.memory_space<vmem>>, vector<16xf32>,
    tpu.vector_store %arg10[%swap3A_177], %broadcast_in_dim3A_7 {strides = array<i32>} : memref<640xf32, #tpu.memory_space<vmem>>, vector<16xf32>,
    %swap3A_179 = arith.constant 336 : index
    %swap3A_180 = tpu.vector_load %arg11[%swap3A_179] {strides = array<i32>} : memref<640xf32, #tpu.memory_space<vmem>>, vector<16xf32>,
    tpu.vector_store %arg11[%swap3A_179], %broadcast_in_dim3A_7 {strides = array<i32>} : memref<640xf32, #tpu.memory_space<vmem>>, vector<16xf32>,
    %swap3A_181 = arith.constant 336 : index
    %swap3A_182 = tpu.vector_load %arg12[%swap3A_181] {strides = array<i32>} : memref<640xf32, #tpu.memory_space<vmem>>, vector<16xf32>,
    tpu.vector_store %arg12[%swap3A_181], %broadcast_in_dim3A_7 {strides = array<i32>} : memref<640xf32, #tpu.memory_space<vmem>>, vector<16xf32>,
    %swap3A_183 = arith.constant 352 : index
    %swap3A_184 = tpu.vector_load %arg9[%swap3A_183] {strides = array<i32>} : memref<640xf32, #tpu.memory_space<vmem>>, vector<16xf32>,
    tpu.vector_store %arg9[%swap3A_183], %broadcast_in_dim3A_7 {strides = array<i32>} : memref<640xf32, #tpu.memory_space<vmem>>, vector<16xf32>,
    %swap3A_185 = arith.constant 352 : index
    %swap3A_186 = tpu.vector_load %arg10[%swap3A_185] {strides = array<i32>} : memref<640xf32, #tpu.memory_space<vmem>>, vector<16xf32>,
    tpu.vector_store %arg10[%swap3A_185], %broadcast_in_dim3A_7 {strides = array<i32>} : memref<640xf32, #tpu.memory_space<vmem>>, vector<16xf32>,
    %swap3A_187 = arith.constant 352 : index
    %swap3A_188 = tpu.vector_load %arg11[%swap3A_187] {strides = array<i32>} : memref<640xf32, #tpu.memory_space<vmem>>, vector<16xf32>,
    tpu.vector_store %arg11[%swap3A_187], %broadcast_in_dim3A_7 {strides = array<i32>} : memref<640xf32, #tpu.memory_space<vmem>>, vector<16xf32>,
    %swap3A_189 = arith.constant 352 : index
    %swap3A_190 = tpu.vector_load %arg12[%swap3A_189] {strides = array<i32>} : memref<640xf32, #tpu.memory_space<vmem>>, vector<16xf32>,
    tpu.vector_store %arg12[%swap3A_189], %broadcast_in_dim3A_7 {strides = array<i32>} : memref<640xf32, #tpu.memory_space<vmem>>, vector<16xf32>,
    %swap3A_191 = arith.constant 368 : index
    %swap3A_192 = tpu.vector_load %arg9[%swap3A_191] {strides = array<i32>} : memref<640xf32, #tpu.memory_space<vmem>>, vector<16xf32>,
    tpu.vector_store %arg9[%swap3A_191], %broadcast_in_dim3A_7 {strides = array<i32>} : memref<640xf32, #tpu.memory_space<vmem>>, vector<16xf32>,
    %swap3A_193 = arith.constant 368 : index
    %swap3A_194 = tpu.vector_load %arg10[%swap3A_193] {strides = array<i32>} : memref<640xf32, #tpu.memory_space<vmem>>, vector<16xf32>,
    tpu.vector_store %arg10[%swap3A_193], %broadcast_in_dim3A_7 {strides = array<i32>} : memref<640xf32, #tpu.memory_space<vmem>>, vector<16xf32>,
    %swap3A_195 = arith.constant 368 : index
    %swap3A_196 = tpu.vector_load %arg11[%swap3A_195] {strides = array<i32>} : memref<640xf32, #tpu.memory_space<vmem>>, vector<16xf32>,
    tpu.vector_store %arg11[%swap3A_195], %broadcast_in_dim3A_7 {strides = array<i32>} : memref<640xf32, #tpu.memory_space<vmem>>, vector<16xf32>,
    %swap3A_197 = arith.constant 368 : index
    %swap3A_198 = tpu.vector_load %arg12[%swap3A_197] {strides = array<i32>} : memref<640xf32, #tpu.memory_space<vmem>>, vector<16xf32>,
    tpu.vector_store %arg12[%swap3A_197], %broadcast_in_dim3A_7 {strides = array<i32>} : memref<640xf32, #tpu.memory_space<vmem>>, vector<16xf32>,
    %swap3A_199 = arith.constant 384 : index
    %swap3A_200 = tpu.vector_load %arg9[%swap3A_199] {strides = array<i32>} : memref<640xf32, #tpu.memory_space<vmem>>, vector<16xf32>,
    tpu.vector_store %arg9[%swap3A_199], %broadcast_in_dim3A_7 {strides = array<i32>} : memref<640xf32, #tpu.memory_space<vmem>>, vector<16xf32>,
    %swap3A_201 = arith.constant 384 : index
    %swap3A_202 = tpu.vector_load %arg10[%swap3A_201] {strides = array<i32>} : memref<640xf32, #tpu.memory_space<vmem>>, vector<16xf32>,
    tpu.vector_store %arg10[%swap3A_201], %broadcast_in_dim3A_7 {strides = array<i32>} : memref<640xf32, #tpu.memory_space<vmem>>, vector<16xf32>,
    %swap3A_203 = arith.constant 384 : index
    %swap3A_204 = tpu.vector_load %arg11[%swap3A_203] {strides = array<i32>} : memref<640xf32, #tpu.memory_space<vmem>>, vector<16xf32>,
    tpu.vector_store %arg11[%swap3A_203], %broadcast_in_dim3A_7 {strides = array<i32>} : memref<640xf32, #tpu.memory_space<vmem>>, vector<16xf32>,
    %swap3A_205 = arith.constant 384 : index
    %swap3A_206 = tpu.vector_load %arg12[%swap3A_205] {strides = array<i32>} : memref<640xf32, #tpu.memory_space<vmem>>, vector<16xf32>,
    tpu.vector_store %arg12[%swap3A_205], %broadcast_in_dim3A_7 {strides = array<i32>} : memref<640xf32, #tpu.memory_space<vmem>>, vector<16xf32>,
    %swap3A_207 = arith.constant 400 : index
    %swap3A_208 = tpu.vector_load %arg9[%swap3A_207] {strides = array<i32>} : memref<640xf32, #tpu.memory_space<vmem>>, vector<16xf32>,
    tpu.vector_store %arg9[%swap3A_207], %broadcast_in_dim3A_7 {strides = array<i32>} : memref<640xf32, #tpu.memory_space<vmem>>, vector<16xf32>,
    %swap3A_209 = arith.constant 400 : index
    %swap3A_210 = tpu.vector_load %arg10[%swap3A_209] {strides = array<i32>} : memref<640xf32, #tpu.memory_space<vmem>>, vector<16xf32>,
    tpu.vector_store %arg10[%swap3A_209], %broadcast_in_dim3A_7 {strides = array<i32>} : memref<640xf32, #tpu.memory_space<vmem>>, vector<16xf32>,
    %swap3A_211 = arith.constant 400 : index
    %swap3A_212 = tpu.vector_load %arg11[%swap3A_211] {strides = array<i32>} : memref<640xf32, #tpu.memory_space<vmem>>, vector<16xf32>,
    tpu.vector_store %arg11[%swap3A_211], %broadcast_in_dim3A_7 {strides = array<i32>} : memref<640xf32, #tpu.memory_space<vmem>>, vector<16xf32>,
    %swap3A_213 = arith.constant 400 : index
    %swap3A_214 = tpu.vector_load %arg12[%swap3A_213] {strides = array<i32>} : memref<640xf32, #tpu.memory_space<vmem>>, vector<16xf32>,
    tpu.vector_store %arg12[%swap3A_213], %broadcast_in_dim3A_7 {strides = array<i32>} : memref<640xf32, #tpu.memory_space<vmem>>, vector<16xf32>,
    %swap3A_215 = arith.constant 416 : index
    %swap3A_216 = tpu.vector_load %arg9[%swap3A_215] {strides = array<i32>} : memref<640xf32, #tpu.memory_space<vmem>>, vector<16xf32>,
    tpu.vector_store %arg9[%swap3A_215], %broadcast_in_dim3A_7 {strides = array<i32>} : memref<640xf32, #tpu.memory_space<vmem>>, vector<16xf32>,
    %swap3A_217 = arith.constant 416 : index
    %swap3A_218 = tpu.vector_load %arg10[%swap3A_217] {strides = array<i32>} : memref<640xf32, #tpu.memory_space<vmem>>, vector<16xf32>,
    tpu.vector_store %arg10[%swap3A_217], %broadcast_in_dim3A_7 {strides = array<i32>} : memref<640xf32, #tpu.memory_space<vmem>>, vector<16xf32>,
    %swap3A_219 = arith.constant 416 : index
    %swap3A_220 = tpu.vector_load %arg11[%swap3A_219] {strides = array<i32>} : memref<640xf32, #tpu.memory_space<vmem>>, vector<16xf32>,
    tpu.vector_store %arg11[%swap3A_219], %broadcast_in_dim3A_7 {strides = array<i32>} : memref<640xf32, #tpu.memory_space<vmem>>, vector<16xf32>,
    %swap3A_221 = arith.constant 416 : index
    %swap3A_222 = tpu.vector_load %arg12[%swap3A_221] {strides = array<i32>} : memref<640xf32, #tpu.memory_space<vmem>>, vector<16xf32>,
    tpu.vector_store %arg12[%swap3A_221], %broadcast_in_dim3A_7 {strides = array<i32>} : memref<640xf32, #tpu.memory_space<vmem>>, vector<16xf32>,
    %swap3A_223 = arith.constant 432 : index
    %swap3A_224 = tpu.vector_load %arg9[%swap3A_223] {strides = array<i32>} : memref<640xf32, #tpu.memory_space<vmem>>, vector<16xf32>,
    tpu.vector_store %arg9[%swap3A_223], %broadcast_in_dim3A_7 {strides = array<i32>} : memref<640xf32, #tpu.memory_space<vmem>>, vector<16xf32>,
    %swap3A_225 = arith.constant 432 : index
    %swap3A_226 = tpu.vector_load %arg10[%swap3A_225] {strides = array<i32>} : memref<640xf32, #tpu.memory_space<vmem>>, vector<16xf32>,
    tpu.vector_store %arg10[%swap3A_225], %broadcast_in_dim3A_7 {strides = array<i32>} : memref<640xf32, #tpu.memory_space<vmem>>, vector<16xf32>,
    %swap3A_227 = arith.constant 432 : index
    %swap3A_228 = tpu.vector_load %arg11[%swap3A_227] {strides = array<i32>} : memref<640xf32, #tpu.memory_space<vmem>>, vector<16xf32>,
    tpu.vector_store %arg11[%swap3A_227], %broadcast_in_dim3A_7 {strides = array<i32>} : memref<640xf32, #tpu.memory_space<vmem>>, vector<16xf32>,
    %swap3A_229 = arith.constant 432 : index
    %swap3A_230 = tpu.vector_load %arg12[%swap3A_229] {strides = array<i32>} : memref<640xf32, #tpu.memory_space<vmem>>, vector<16xf32>,
    tpu.vector_store %arg12[%swap3A_229], %broadcast_in_dim3A_7 {strides = array<i32>} : memref<640xf32, #tpu.memory_space<vmem>>, vector<16xf32>,
    %swap3A_231 = arith.constant 448 : index
    %swap3A_232 = tpu.vector_load %arg9[%swap3A_231] {strides = array<i32>} : memref<640xf32, #tpu.memory_space<vmem>>, vector<16xf32>,
    tpu.vector_store %arg9[%swap3A_231], %broadcast_in_dim3A_7 {strides = array<i32>} : memref<640xf32, #tpu.memory_space<vmem>>, vector<16xf32>,
    %swap3A_233 = arith.constant 448 : index
    %swap3A_234 = tpu.vector_load %arg10[%swap3A_233] {strides = array<i32>} : memref<640xf32, #tpu.memory_space<vmem>>, vector<16xf32>,
    tpu.vector_store %arg10[%swap3A_233], %broadcast_in_dim3A_7 {strides = array<i32>} : memref<640xf32, #tpu.memory_space<vmem>>, vector<16xf32>,
    %swap3A_235 = arith.constant 448 : index
    %swap3A_236 = tpu.vector_load %arg11[%swap3A_235] {strides = array<i32>} : memref<640xf32, #tpu.memory_space<vmem>>, vector<16xf32>,
    tpu.vector_store %arg11[%swap3A_235], %broadcast_in_dim3A_7 {strides = array<i32>} : memref<640xf32, #tpu.memory_space<vmem>>, vector<16xf32>,
    %swap3A_237 = arith.constant 448 : index
    %swap3A_238 = tpu.vector_load %arg12[%swap3A_237] {strides = array<i32>} : memref<640xf32, #tpu.memory_space<vmem>>, vector<16xf32>,
    tpu.vector_store %arg12[%swap3A_237], %broadcast_in_dim3A_7 {strides = array<i32>} : memref<640xf32, #tpu.memory_space<vmem>>, vector<16xf32>,
    %swap3A_239 = arith.constant 464 : index
    %swap3A_240 = tpu.vector_load %arg9[%swap3A_239] {strides = array<i32>} : memref<640xf32, #tpu.memory_space<vmem>>, vector<16xf32>,
    tpu.vector_store %arg9[%swap3A_239], %broadcast_in_dim3A_7 {strides = array<i32>} : memref<640xf32, #tpu.memory_space<vmem>>, vector<16xf32>,
    %swap3A_241 = arith.constant 464 : index
    %swap3A_242 = tpu.vector_load %arg10[%swap3A_241] {strides = array<i32>} : memref<640xf32, #tpu.memory_space<vmem>>, vector<16xf32>,
    tpu.vector_store %arg10[%swap3A_241], %broadcast_in_dim3A_7 {strides = array<i32>} : memref<640xf32, #tpu.memory_space<vmem>>, vector<16xf32>,
    %swap3A_243 = arith.constant 464 : index
    %swap3A_244 = tpu.vector_load %arg11[%swap3A_243] {strides = array<i32>} : memref<640xf32, #tpu.memory_space<vmem>>, vector<16xf32>,
    tpu.vector_store %arg11[%swap3A_243], %broadcast_in_dim3A_7 {strides = array<i32>} : memref<640xf32, #tpu.memory_space<vmem>>, vector<16xf32>,
    %swap3A_245 = arith.constant 464 : index
    %swap3A_246 = tpu.vector_load %arg12[%swap3A_245] {strides = array<i32>} : memref<640xf32, #tpu.memory_space<vmem>>, vector<16xf32>,
    tpu.vector_store %arg12[%swap3A_245], %broadcast_in_dim3A_7 {strides = array<i32>} : memref<640xf32, #tpu.memory_space<vmem>>, vector<16xf32>,
    %swap3A_247 = arith.constant 480 : index
    %swap3A_248 = tpu.vector_load %arg9[%swap3A_247] {strides = array<i32>} : memref<640xf32, #tpu.memory_space<vmem>>, vector<16xf32>,
    tpu.vector_store %arg9[%swap3A_247], %broadcast_in_dim3A_7 {strides = array<i32>} : memref<640xf32, #tpu.memory_space<vmem>>, vector<16xf32>,
    %swap3A_249 = arith.constant 480 : index
    %swap3A_250 = tpu.vector_load %arg10[%swap3A_249] {strides = array<i32>} : memref<640xf32, #tpu.memory_space<vmem>>, vector<16xf32>,
    tpu.vector_store %arg10[%swap3A_249], %broadcast_in_dim3A_7 {strides = array<i32>} : memref<640xf32, #tpu.memory_space<vmem>>, vector<16xf32>,
    %swap3A_251 = arith.constant 480 : index
    %swap3A_252 = tpu.vector_load %arg11[%swap3A_251] {strides = array<i32>} : memref<640xf32, #tpu.memory_space<vmem>>, vector<16xf32>,
    tpu.vector_store %arg11[%swap3A_251], %broadcast_in_dim3A_7 {strides = array<i32>} : memref<640xf32, #tpu.memory_space<vmem>>, vector<16xf32>,
    %swap3A_253 = arith.constant 480 : index
    %swap3A_254 = tpu.vector_load %arg12[%swap3A_253] {strides = array<i32>} : memref<640xf32, #tpu.memory_space<vmem>>, vector<16xf32>,
    tpu.vector_store %arg12[%swap3A_253], %broadcast_in_dim3A_7 {strides = array<i32>} : memref<640xf32, #tpu.memory_space<vmem>>, vector<16xf32>,
    %swap3A_255 = arith.constant 496 : index
    %swap3A_256 = tpu.vector_load %arg9[%swap3A_255] {strides = array<i32>} : memref<640xf32, #tpu.memory_space<vmem>>, vector<16xf32>,
    tpu.vector_store %arg9[%swap3A_255], %broadcast_in_dim3A_7 {strides = array<i32>} : memref<640xf32, #tpu.memory_space<vmem>>, vector<16xf32>,
    %swap3A_257 = arith.constant 496 : index
    %swap3A_258 = tpu.vector_load %arg10[%swap3A_257] {strides = array<i32>} : memref<640xf32, #tpu.memory_space<vmem>>, vector<16xf32>,
    tpu.vector_store %arg10[%swap3A_257], %broadcast_in_dim3A_7 {strides = array<i32>} : memref<640xf32, #tpu.memory_space<vmem>>, vector<16xf32>,
    %swap3A_259 = arith.constant 496 : index
    %swap3A_260 = tpu.vector_load %arg11[%swap3A_259] {strides = array<i32>} : memref<640xf32, #tpu.memory_space<vmem>>, vector<16xf32>,
    tpu.vector_store %arg11[%swap3A_259], %broadcast_in_dim3A_7 {strides = array<i32>} : memref<640xf32, #tpu.memory_space<vmem>>, vector<16xf32>,
    %swap3A_261 = arith.constant 496 : index
    %swap3A_262 = tpu.vector_load %arg12[%swap3A_261] {strides = array<i32>} : memref<640xf32, #tpu.memory_space<vmem>>, vector<16xf32>,
    tpu.vector_store %arg12[%swap3A_261], %broadcast_in_dim3A_7 {strides = array<i32>} : memref<640xf32, #tpu.memory_space<vmem>>, vector<16xf32>,
    %swap3A_263 = arith.constant 512 : index
    %swap3A_264 = tpu.vector_load %arg9[%swap3A_263] {strides = array<i32>} : memref<640xf32, #tpu.memory_space<vmem>>, vector<16xf32>,
    tpu.vector_store %arg9[%swap3A_263], %broadcast_in_dim3A_7 {strides = array<i32>} : memref<640xf32, #tpu.memory_space<vmem>>, vector<16xf32>,
    %swap3A_265 = arith.constant 512 : index
    %swap3A_266 = tpu.vector_load %arg10[%swap3A_265] {strides = array<i32>} : memref<640xf32, #tpu.memory_space<vmem>>, vector<16xf32>,
    tpu.vector_store %arg10[%swap3A_265], %broadcast_in_dim3A_7 {strides = array<i32>} : memref<640xf32, #tpu.memory_space<vmem>>, vector<16xf32>,
    %swap3A_267 = arith.constant 512 : index
    %swap3A_268 = tpu.vector_load %arg11[%swap3A_267] {strides = array<i32>} : memref<640xf32, #tpu.memory_space<vmem>>, vector<16xf32>,
    tpu.vector_store %arg11[%swap3A_267], %broadcast_in_dim3A_7 {strides = array<i32>} : memref<640xf32, #tpu.memory_space<vmem>>, vector<16xf32>,
    %swap3A_269 = arith.constant 512 : index
    %swap3A_270 = tpu.vector_load %arg12[%swap3A_269] {strides = array<i32>} : memref<640xf32, #tpu.memory_space<vmem>>, vector<16xf32>,
    tpu.vector_store %arg12[%swap3A_269], %broadcast_in_dim3A_7 {strides = array<i32>} : memref<640xf32, #tpu.memory_space<vmem>>, vector<16xf32>,
    %swap3A_271 = arith.constant 528 : index
    %swap3A_272 = tpu.vector_load %arg9[%swap3A_271] {strides = array<i32>} : memref<640xf32, #tpu.memory_space<vmem>>, vector<16xf32>,
    tpu.vector_store %arg9[%swap3A_271], %broadcast_in_dim3A_7 {strides = array<i32>} : memref<640xf32, #tpu.memory_space<vmem>>, vector<16xf32>,
    %swap3A_273 = arith.constant 528 : index
    %swap3A_274 = tpu.vector_load %arg10[%swap3A_273] {strides = array<i32>} : memref<640xf32, #tpu.memory_space<vmem>>, vector<16xf32>,
    tpu.vector_store %arg10[%swap3A_273], %broadcast_in_dim3A_7 {strides = array<i32>} : memref<640xf32, #tpu.memory_space<vmem>>, vector<16xf32>,
    %swap3A_275 = arith.constant 528 : index
    %swap3A_276 = tpu.vector_load %arg11[%swap3A_275] {strides = array<i32>} : memref<640xf32, #tpu.memory_space<vmem>>, vector<16xf32>,
    tpu.vector_store %arg11[%swap3A_275], %broadcast_in_dim3A_7 {strides = array<i32>} : memref<640xf32, #tpu.memory_space<vmem>>, vector<16xf32>,
    %swap3A_277 = arith.constant 528 : index
    %swap3A_278 = tpu.vector_load %arg12[%swap3A_277] {strides = array<i32>} : memref<640xf32, #tpu.memory_space<vmem>>, vector<16xf32>,
    tpu.vector_store %arg12[%swap3A_277], %broadcast_in_dim3A_7 {strides = array<i32>} : memref<640xf32, #tpu.memory_space<vmem>>, vector<16xf32>,
    %swap3A_279 = arith.constant 544 : index
    %swap3A_280 = tpu.vector_load %arg9[%swap3A_279] {strides = array<i32>} : memref<640xf32, #tpu.memory_space<vmem>>, vector<16xf32>,
    tpu.vector_store %arg9[%swap3A_279], %broadcast_in_dim3A_7 {strides = array<i32>} : memref<640xf32, #tpu.memory_space<vmem>>, vector<16xf32>,
    %swap3A_281 = arith.constant 544 : index
    %swap3A_282 = tpu.vector_load %arg10[%swap3A_281] {strides = array<i32>} : memref<640xf32, #tpu.memory_space<vmem>>, vector<16xf32>,
    tpu.vector_store %arg10[%swap3A_281], %broadcast_in_dim3A_7 {strides = array<i32>} : memref<640xf32, #tpu.memory_space<vmem>>, vector<16xf32>,
    %swap3A_283 = arith.constant 544 : index
    %swap3A_284 = tpu.vector_load %arg11[%swap3A_283] {strides = array<i32>} : memref<640xf32, #tpu.memory_space<vmem>>, vector<16xf32>,
    tpu.vector_store %arg11[%swap3A_283], %broadcast_in_dim3A_7 {strides = array<i32>} : memref<640xf32, #tpu.memory_space<vmem>>, vector<16xf32>,
    %swap3A_285 = arith.constant 544 : index
    %swap3A_286 = tpu.vector_load %arg12[%swap3A_285] {strides = array<i32>} : memref<640xf32, #tpu.memory_space<vmem>>, vector<16xf32>,
    tpu.vector_store %arg12[%swap3A_285], %broadcast_in_dim3A_7 {strides = array<i32>} : memref<640xf32, #tpu.memory_space<vmem>>, vector<16xf32>,
    %swap3A_287 = arith.constant 560 : index
    %swap3A_288 = tpu.vector_load %arg9[%swap3A_287] {strides = array<i32>} : memref<640xf32, #tpu.memory_space<vmem>>, vector<16xf32>,
    tpu.vector_store %arg9[%swap3A_287], %broadcast_in_dim3A_7 {strides = array<i32>} : memref<640xf32, #tpu.memory_space<vmem>>, vector<16xf32>,
    %swap3A_289 = arith.constant 560 : index
    %swap3A_290 = tpu.vector_load %arg10[%swap3A_289] {strides = array<i32>} : memref<640xf32, #tpu.memory_space<vmem>>, vector<16xf32>,
    tpu.vector_store %arg10[%swap3A_289], %broadcast_in_dim3A_7 {strides = array<i32>} : memref<640xf32, #tpu.memory_space<vmem>>, vector<16xf32>,
    %swap3A_291 = arith.constant 560 : index
    %swap3A_292 = tpu.vector_load %arg11[%swap3A_291] {strides = array<i32>} : memref<640xf32, #tpu.memory_space<vmem>>, vector<16xf32>,
    tpu.vector_store %arg11[%swap3A_291], %broadcast_in_dim3A_7 {strides = array<i32>} : memref<640xf32, #tpu.memory_space<vmem>>, vector<16xf32>,
    %swap3A_293 = arith.constant 560 : index
    %swap3A_294 = tpu.vector_load %arg12[%swap3A_293] {strides = array<i32>} : memref<640xf32, #tpu.memory_space<vmem>>, vector<16xf32>,
    tpu.vector_store %arg12[%swap3A_293], %broadcast_in_dim3A_7 {strides = array<i32>} : memref<640xf32, #tpu.memory_space<vmem>>, vector<16xf32>,
    %swap3A_295 = arith.constant 576 : index
    %swap3A_296 = tpu.vector_load %arg9[%swap3A_295] {strides = array<i32>} : memref<640xf32, #tpu.memory_space<vmem>>, vector<16xf32>,
    tpu.vector_store %arg9[%swap3A_295], %broadcast_in_dim3A_7 {strides = array<i32>} : memref<640xf32, #tpu.memory_space<vmem>>, vector<16xf32>,
    %swap3A_297 = arith.constant 576 : index
    %swap3A_298 = tpu.vector_load %arg10[%swap3A_297] {strides = array<i32>} : memref<640xf32, #tpu.memory_space<vmem>>, vector<16xf32>,
    tpu.vector_store %arg10[%swap3A_297], %broadcast_in_dim3A_7 {strides = array<i32>} : memref<640xf32, #tpu.memory_space<vmem>>, vector<16xf32>,
    %swap3A_299 = arith.constant 576 : index
    %swap3A_300 = tpu.vector_load %arg11[%swap3A_299] {strides = array<i32>} : memref<640xf32, #tpu.memory_space<vmem>>, vector<16xf32>,
    tpu.vector_store %arg11[%swap3A_299], %broadcast_in_dim3A_7 {strides = array<i32>} : memref<640xf32, #tpu.memory_space<vmem>>, vector<16xf32>,
    %swap3A_301 = arith.constant 576 : index
    %swap3A_302 = tpu.vector_load %arg12[%swap3A_301] {strides = array<i32>} : memref<640xf32, #tpu.memory_space<vmem>>, vector<16xf32>,
    tpu.vector_store %arg12[%swap3A_301], %broadcast_in_dim3A_7 {strides = array<i32>} : memref<640xf32, #tpu.memory_space<vmem>>, vector<16xf32>,
    %swap3A_303 = arith.constant 592 : index
    %swap3A_304 = tpu.vector_load %arg9[%swap3A_303] {strides = array<i32>} : memref<640xf32, #tpu.memory_space<vmem>>, vector<16xf32>,
    tpu.vector_store %arg9[%swap3A_303], %broadcast_in_dim3A_7 {strides = array<i32>} : memref<640xf32, #tpu.memory_space<vmem>>, vector<16xf32>,
    %swap3A_305 = arith.constant 592 : index
    %swap3A_306 = tpu.vector_load %arg10[%swap3A_305] {strides = array<i32>} : memref<640xf32, #tpu.memory_space<vmem>>, vector<16xf32>,
    tpu.vector_store %arg10[%swap3A_305], %broadcast_in_dim3A_7 {strides = array<i32>} : memref<640xf32, #tpu.memory_space<vmem>>, vector<16xf32>,
    %swap3A_307 = arith.constant 592 : index
    %swap3A_308 = tpu.vector_load %arg11[%swap3A_307] {strides = array<i32>} : memref<640xf32, #tpu.memory_space<vmem>>, vector<16xf32>,
    tpu.vector_store %arg11[%swap3A_307], %broadcast_in_dim3A_7 {strides = array<i32>} : memref<640xf32, #tpu.memory_space<vmem>>, vector<16xf32>,
    %swap3A_309 = arith.constant 592 : index
    %swap3A_310 = tpu.vector_load %arg12[%swap3A_309] {strides = array<i32>} : memref<640xf32, #tpu.memory_space<vmem>>, vector<16xf32>,
    tpu.vector_store %arg12[%swap3A_309], %broadcast_in_dim3A_7 {strides = array<i32>} : memref<640xf32, #tpu.memory_space<vmem>>, vector<16xf32>,
    %swap3A_311 = arith.constant 608 : index
    %swap3A_312 = tpu.vector_load %arg9[%swap3A_311] {strides = array<i32>} : memref<640xf32, #tpu.memory_space<vmem>>, vector<16xf32>,
    tpu.vector_store %arg9[%swap3A_311], %broadcast_in_dim3A_7 {strides = array<i32>} : memref<640xf32, #tpu.memory_space<vmem>>, vector<16xf32>,
    %swap3A_313 = arith.constant 608 : index
    %swap3A_314 = tpu.vector_load %arg10[%swap3A_313] {strides = array<i32>} : memref<640xf32, #tpu.memory_space<vmem>>, vector<16xf32>,
    tpu.vector_store %arg10[%swap3A_313], %broadcast_in_dim3A_7 {strides = array<i32>} : memref<640xf32, #tpu.memory_space<vmem>>, vector<16xf32>,
    %swap3A_315 = arith.constant 608 : index
    %swap3A_316 = tpu.vector_load %arg11[%swap3A_315] {strides = array<i32>} : memref<640xf32, #tpu.memory_space<vmem>>, vector<16xf32>,
    tpu.vector_store %arg11[%swap3A_315], %broadcast_in_dim3A_7 {strides = array<i32>} : memref<640xf32, #tpu.memory_space<vmem>>, vector<16xf32>,
    %swap3A_317 = arith.constant 608 : index
    %swap3A_318 = tpu.vector_load %arg12[%swap3A_317] {strides = array<i32>} : memref<640xf32, #tpu.memory_space<vmem>>, vector<16xf32>,
    tpu.vector_store %arg12[%swap3A_317], %broadcast_in_dim3A_7 {strides = array<i32>} : memref<640xf32, #tpu.memory_space<vmem>>, vector<16xf32>,
    %swap3A_319 = arith.constant 624 : index
    %swap3A_320 = tpu.vector_load %arg9[%swap3A_319] {strides = array<i32>} : memref<640xf32, #tpu.memory_space<vmem>>, vector<16xf32>,
    tpu.vector_store %arg9[%swap3A_319], %broadcast_in_dim3A_7 {strides = array<i32>} : memref<640xf32, #tpu.memory_space<vmem>>, vector<16xf32>,
    %swap3A_321 = arith.constant 624 : index
    %swap3A_322 = tpu.vector_load %arg10[%swap3A_321] {strides = array<i32>} : memref<640xf32, #tpu.memory_space<vmem>>, vector<16xf32>,
    tpu.vector_store %arg10[%swap3A_321], %broadcast_in_dim3A_7 {strides = array<i32>} : memref<640xf32, #tpu.memory_space<vmem>>, vector<16xf32>,
    %swap3A_323 = arith.constant 624 : index
    %swap3A_324 = tpu.vector_load %arg11[%swap3A_323] {strides = array<i32>} : memref<640xf32, #tpu.memory_space<vmem>>, vector<16xf32>,
    tpu.vector_store %arg11[%swap3A_323], %broadcast_in_dim3A_7 {strides = array<i32>} : memref<640xf32, #tpu.memory_space<vmem>>, vector<16xf32>,
    %swap3A_325 = arith.constant 624 : index
    %swap3A_326 = tpu.vector_load %arg12[%swap3A_325] {strides = array<i32>} : memref<640xf32, #tpu.memory_space<vmem>>, vector<16xf32>,
    tpu.vector_store %arg12[%swap3A_325], %broadcast_in_dim3A_7 {strides = array<i32>} : memref<640xf32, #tpu.memory_space<vmem>>, vector<16xf32>,
    %iota3A = tpu.iota {dimensions = array<i32: 0>} : vector<16xi32>
    %add3A_327 = arith.constant 0 : i32
    %add3A_328 = vector.broadcast %add3A_327 : i32 to vector<16xi32>
    %add3A_329 = arith.addi %iota3A, %add3A_328 : vector<16xi32>
    %add3A_330 = arith.constant 160 : i32
    %add3A_331 = vector.broadcast %add3A_330 : i32 to vector<16xi32>
    %add3A_332 = arith.addi %iota3A, %add3A_331 : vector<16xi32>
    %add3A_333 = arith.constant 320 : i32
    %add3A_334 = vector.broadcast %add3A_333 : i32 to vector<16xi32>
    %add3A_335 = arith.addi %iota3A, %add3A_334 : vector<16xi32>
    %add3A_336 = arith.constant 480 : i32
    %add3A_337 = vector.broadcast %add3A_336 : i32 to vector<16xi32>
    %add3A_338 = arith.addi %iota3A, %add3A_337 : vector<16xi32>
    %broadcast_in_dim3A_339 = arith.constant 1.000000e+00 : f32
    %broadcast_in_dim3A_340 = vector.broadcast %broadcast_in_dim3A_339 : f32 to vector<16xf32>
    %add3A_341 = arith.constant 0 : i32
    %add3A_342 = arith.addi %add3A_4, %add3A_341 : i32
    %dma_start3A = arith.constant 0 : i32
    %dma_start3A_343 = arith.constant 0 : i32
    %dma_start3A_344 = tpu.memref_slice %arg2[%add3A_342, %dma_start3A, %dma_start3A_343] : memref<32768x2x128xf32, #tpu.memory_space<hbm>> -> memref<64x2x128xf32, #tpu.memory_space<hbm>>
    %dma_start3A_345 = arith.constant 0 : i32
    %dma_start3A_346 = arith.constant 0 : i32
    %dma_start3A_347 = tpu.memref_slice %arg2[%add3A_342, %dma_start3A_345, %dma_start3A_346] : memref<32768x2x128xf32, #tpu.memory_space<hbm>> -> memref<64x2x128xf32, #tpu.memory_space<hbm>>
    tpu.enqueue_dma source(%dma_start3A_347 : memref<64x2x128xf32, #tpu.memory_space<hbm>>) target(%arg5 : memref<64x2x128xf32, #tpu.memory_space<vmem>>) target_semaphore(%arg14 : memref<!tpu.dma_semaphore, #tpu.memory_space<semaphore_mem>>)
    %add3A_348 = arith.constant 0 : i32
    %add3A_349 = arith.addi %mul3A_6, %add3A_348 : i32
    %dma_start3A_350 = tpu.memref_slice %arg3[%add3A_349] : memref<4194304xf32, #tpu.memory_space<hbm>> -> memref<8192xf32, #tpu.memory_space<hbm>>
    %dma_start3A_351 = tpu.memref_slice %arg3[%add3A_349] : memref<4194304xf32, #tpu.memory_space<hbm>> -> memref<8192xf32, #tpu.memory_space<hbm>>
    tpu.enqueue_dma source(%dma_start3A_351 : memref<8192xf32, #tpu.memory_space<hbm>>) target(%arg7 : memref<8192xf32, #tpu.memory_space<vmem>>) target_semaphore(%arg14 : memref<!tpu.dma_semaphore, #tpu.memory_space<semaphore_mem>>)
    %scan3A = arith.constant 0 : i32
    %scan3A_352 = arith.constant 7 : i32
    %scan3A_353 = arith.addi %scan3A, %scan3A_352 : i32
    %scan3A_354 = arith.constant 1 : i32
    scf.for %scan3A_891 = %scan3A to %scan3A_353 step %scan3A_354  : i32 {
      %mul3A_892 = arith.constant 2 : i32
      %mul3A_893 = arith.muli %scan3A_891, %mul3A_892 : i32
      %add3A_894 = arith.constant 0 : i32
      %add3A_895 = arith.addi %add3A_894, %mul3A_893 : i32
      %add3A_896 = arith.constant 1 : i32
      %add3A_897 = arith.addi %add3A_895, %add3A_896 : i32
      %lt3A = arith.constant 15 : i32
      %lt3A_898 = arith.cmpi slt, %add3A_897, %lt3A : i32
      %convert_element_type3A = arith.extui %lt3A_898 : i1 to i32
      %cond3A = arith.constant 0 : i32
      %cond3A_899 = arith.cmpi ne, %convert_element_type3A, %cond3A : i32
      scf.if %cond3A_899 {
        %add3A_937 = arith.constant 1 : i32
        %add3A_938 = arith.addi %add3A_895, %add3A_937 : i32
        %mul3A_939 = arith.constant 64 : i32
        %mul3A_940 = arith.muli %add3A_938, %mul3A_939 : i32
        %add3A_941 = arith.addi %add3A_4, %mul3A_940 : i32
        %dma_start3A_942 = arith.constant 0 : i32
        %dma_start3A_943 = arith.constant 0 : i32
        %dma_start3A_944 = tpu.memref_slice %arg2[%add3A_941, %dma_start3A_942, %dma_start3A_943] : memref<32768x2x128xf32, #tpu.memory_space<hbm>> -> memref<64x2x128xf32, #tpu.memory_space<hbm>>
        %dma_start3A_945 = arith.constant 0 : i32
        %dma_start3A_946 = arith.constant 0 : i32
        %dma_start3A_947 = tpu.memref_slice %arg2[%add3A_941, %dma_start3A_945, %dma_start3A_946] : memref<32768x2x128xf32, #tpu.memory_space<hbm>> -> memref<64x2x128xf32, #tpu.memory_space<hbm>>
        tpu.enqueue_dma source(%dma_start3A_947 : memref<64x2x128xf32, #tpu.memory_space<hbm>>) target(%arg6 : memref<64x2x128xf32, #tpu.memory_space<vmem>>) target_semaphore(%arg15 : memref<!tpu.dma_semaphore, #tpu.memory_space<semaphore_mem>>)
        %mul3A_948 = arith.constant 8192 : i32
        %mul3A_949 = arith.muli %add3A_938, %mul3A_948 : i32
        %add3A_950 = arith.addi %mul3A_6, %mul3A_949 : i32
        %dma_start3A_951 = tpu.memref_slice %arg3[%add3A_950] : memref<4194304xf32, #tpu.memory_space<hbm>> -> memref<8192xf32, #tpu.memory_space<hbm>>
        %dma_start3A_952 = tpu.memref_slice %arg3[%add3A_950] : memref<4194304xf32, #tpu.memory_space<hbm>> -> memref<8192xf32, #tpu.memory_space<hbm>>
        tpu.enqueue_dma source(%dma_start3A_952 : memref<8192xf32, #tpu.memory_space<hbm>>) target(%arg8 : memref<8192xf32, #tpu.memory_space<vmem>>) target_semaphore(%arg15 : memref<!tpu.dma_semaphore, #tpu.memory_space<semaphore_mem>>)
      } else {
      }
      %dma_wait3A_900 = arith.constant 0 : i32
      %dma_wait3A_901 = arith.constant 0 : i32
      %dma_wait3A_902 = arith.constant 0 : i32
      %dma_wait3A_903 = tpu.memref_slice %arg2[%dma_wait3A_900, %dma_wait3A_901, %dma_wait3A_902] : memref<32768x2x128xf32, #tpu.memory_space<hbm>> -> memref<64x2x128xf32, #tpu.memory_space<hbm>>
      %dma_wait3A_904 = arith.constant 0 : i32
      %dma_wait3A_905 = arith.constant 0 : i32
      %dma_wait3A_906 = arith.constant 0 : i32
      %dma_wait3A_907 = tpu.memref_slice %arg2[%dma_wait3A_904, %dma_wait3A_905, %dma_wait3A_906] : memref<32768x2x128xf32, #tpu.memory_space<hbm>> -> memref<64x2x128xf32, #tpu.memory_space<hbm>>
      tpu.wait_dma2 semaphore(%arg14 : memref<!tpu.dma_semaphore, #tpu.memory_space<semaphore_mem>>) src(%dma_wait3A_907 : memref<64x2x128xf32, #tpu.memory_space<hbm>>) dst(%arg5 : memref<64x2x128xf32, #tpu.memory_space<vmem>>)
      %dma_wait3A_908 = arith.constant 0 : i32
      %dma_wait3A_909 = tpu.memref_slice %arg3[%dma_wait3A_908] : memref<4194304xf32, #tpu.memory_space<hbm>> -> memref<8192xf32, #tpu.memory_space<hbm>>
      %dma_wait3A_910 = arith.constant 0 : i32
      %dma_wait3A_911 = tpu.memref_slice %arg3[%dma_wait3A_910] : memref<4194304xf32, #tpu.memory_space<hbm>> -> memref<8192xf32, #tpu.memory_space<hbm>>
      tpu.wait_dma2 semaphore(%arg14 : memref<!tpu.dma_semaphore, #tpu.memory_space<semaphore_mem>>) src(%dma_wait3A_911 : memref<8192xf32, #tpu.memory_space<hbm>>) dst(%arg7 : memref<8192xf32, #tpu.memory_space<vmem>>)
      %parallel_loop3A_912 = arith.constant 0 : i32
      %parallel_loop3A_913 = arith.constant 64 : i32
      %parallel_loop3A_914 = arith.constant 1 : i32
      scf.for %parallel_loop3A_937 = %parallel_loop3A_912 to %parallel_loop3A_913 step %parallel_loop3A_914  : i32 {
        %parallel_loop3A_938 = arith.constant 128 : i32
        %parallel_loop3A_939 = arith.muli %parallel_loop3A_937, %parallel_loop3A_938 : i32
        %parallel_loop3A_940 = arith.constant 0 : i32
        %parallel_loop3A_941 = arith.addi %parallel_loop3A_939, %parallel_loop3A_940 : i32
        %parallel_loop3A_942 = arith.index_cast %parallel_loop3A_941 : i32 to index
        %parallel_loop3A_943 = tpu.vector_load %arg7[%parallel_loop3A_942] {strides = array<i32>} : memref<8192xf32, #tpu.memory_space<vmem>>, vector<16xf32>,
        %parallel_loop3A_944 = arith.fptosi %parallel_loop3A_943 : vector<16xf32> to vector<16xi32>
        %parallel_loop3A_945 = arith.constant 0 : i32
        %parallel_loop3A_946 = arith.index_cast %parallel_loop3A_937 : i32 to index
        %parallel_loop3A_947 = arith.index_cast %parallel_loop3A_945 : i32 to index
        %parallel_loop3A_948 = arith.constant 0 : index
        %parallel_loop3A_949 = tpu.vector_load %arg5[%parallel_loop3A_946, %parallel_loop3A_947, %parallel_loop3A_948] {strides = array<i32>} : memref<64x2x128xf32, #tpu.memory_space<vmem>>, vector<16xf32>,
        %parallel_loop3A_950 = arith.constant 1 : i32
        %parallel_loop3A_951 = arith.index_cast %parallel_loop3A_937 : i32 to index
        %parallel_loop3A_952 = arith.index_cast %parallel_loop3A_950 : i32 to index
        %parallel_loop3A_953 = arith.constant 0 : index
        %parallel_loop3A_954 = tpu.vector_load %arg5[%parallel_loop3A_951, %parallel_loop3A_952, %parallel_loop3A_953] {strides = array<i32>} : memref<64x2x128xf32, #tpu.memory_space<vmem>>, vector<16xf32>,
        %parallel_loop3A_955 = arith.mulf %parallel_loop3A_949, %parallel_loop3A_949 : vector<16xf32>
        %parallel_loop3A_956 = arith.mulf %parallel_loop3A_954, %parallel_loop3A_954 : vector<16xf32>
        %parallel_loop3A_957 = arith.addf %parallel_loop3A_955, %parallel_loop3A_956 : vector<16xf32>
        %parallel_loop3A_958 = arith.constant 16 : i32
        %parallel_loop3A_959 = vector.broadcast %parallel_loop3A_958 : i32 to vector<16xi32>
        %parallel_loop3A_960 = arith.muli %parallel_loop3A_944, %parallel_loop3A_959 : vector<16xi32>
        %parallel_loop3A_961 = arith.addi %parallel_loop3A_960, %add3A_329 : vector<16xi32>
        tpu.vector_store_idx %arg9[%parallel_loop3A_961], %broadcast_in_dim3A_340 {add = true} : memref<640xf32, #tpu.memory_space<vmem>>[vector<16xi32>], vector<16xf32>,
        tpu.vector_store_idx %arg10[%parallel_loop3A_961], %parallel_loop3A_949 {add = true} : memref<640xf32, #tpu.memory_space<vmem>>[vector<16xi32>], vector<16xf32>,
        tpu.vector_store_idx %arg11[%parallel_loop3A_961], %parallel_loop3A_954 {add = true} : memref<640xf32, #tpu.memory_space<vmem>>[vector<16xi32>], vector<16xf32>,
        tpu.vector_store_idx %arg12[%parallel_loop3A_961], %parallel_loop3A_957 {add = true} : memref<640xf32, #tpu.memory_space<vmem>>[vector<16xi32>], vector<16xf32>,
        %parallel_loop3A_962 = arith.constant 128 : i32
        %parallel_loop3A_963 = arith.muli %parallel_loop3A_937, %parallel_loop3A_962 : i32
        %parallel_loop3A_964 = arith.constant 16 : i32
        %parallel_loop3A_965 = arith.addi %parallel_loop3A_963, %parallel_loop3A_964 : i32
        %parallel_loop3A_966 = arith.index_cast %parallel_loop3A_965 : i32 to index
        %parallel_loop3A_967 = tpu.vector_load %arg7[%parallel_loop3A_966] {strides = array<i32>} : memref<8192xf32, #tpu.memory_space<vmem>>, vector<16xf32>,
        %parallel_loop3A_968 = arith.fptosi %parallel_loop3A_967 : vector<16xf32> to vector<16xi32>
        %parallel_loop3A_969 = arith.constant 0 : i32
        %parallel_loop3A_970 = arith.index_cast %parallel_loop3A_937 : i32 to index
        %parallel_loop3A_971 = arith.index_cast %parallel_loop3A_969 : i32 to index
        %parallel_loop3A_972 = arith.constant 16 : index
        %parallel_loop3A_973 = tpu.vector_load %arg5[%parallel_loop3A_970, %parallel_loop3A_971, %parallel_loop3A_972] {strides = array<i32>} : memref<64x2x128xf32, #tpu.memory_space<vmem>>, vector<16xf32>,
        %parallel_loop3A_974 = arith.constant 1 : i32
        %parallel_loop3A_975 = arith.index_cast %parallel_loop3A_937 : i32 to index
        %parallel_loop3A_976 = arith.index_cast %parallel_loop3A_974 : i32 to index
        %parallel_loop3A_977 = arith.constant 16 : index
        %parallel_loop3A_978 = tpu.vector_load %arg5[%parallel_loop3A_975, %parallel_loop3A_976, %parallel_loop3A_977] {strides = array<i32>} : memref<64x2x128xf32, #tpu.memory_space<vmem>>, vector<16xf32>,
        %parallel_loop3A_979 = arith.mulf %parallel_loop3A_973, %parallel_loop3A_973 : vector<16xf32>
        %parallel_loop3A_980 = arith.mulf %parallel_loop3A_978, %parallel_loop3A_978 : vector<16xf32>
        %parallel_loop3A_981 = arith.addf %parallel_loop3A_979, %parallel_loop3A_980 : vector<16xf32>
        %parallel_loop3A_982 = arith.constant 16 : i32
        %parallel_loop3A_983 = vector.broadcast %parallel_loop3A_982 : i32 to vector<16xi32>
        %parallel_loop3A_984 = arith.muli %parallel_loop3A_968, %parallel_loop3A_983 : vector<16xi32>
        %parallel_loop3A_985 = arith.addi %parallel_loop3A_984, %add3A_332 : vector<16xi32>
        tpu.vector_store_idx %arg9[%parallel_loop3A_985], %broadcast_in_dim3A_340 {add = true} : memref<640xf32, #tpu.memory_space<vmem>>[vector<16xi32>], vector<16xf32>,
        tpu.vector_store_idx %arg10[%parallel_loop3A_985], %parallel_loop3A_973 {add = true} : memref<640xf32, #tpu.memory_space<vmem>>[vector<16xi32>], vector<16xf32>,
        tpu.vector_store_idx %arg11[%parallel_loop3A_985], %parallel_loop3A_978 {add = true} : memref<640xf32, #tpu.memory_space<vmem>>[vector<16xi32>], vector<16xf32>,
        tpu.vector_store_idx %arg12[%parallel_loop3A_985], %parallel_loop3A_981 {add = true} : memref<640xf32, #tpu.memory_space<vmem>>[vector<16xi32>], vector<16xf32>,
        %parallel_loop3A_986 = arith.constant 128 : i32
        %parallel_loop3A_987 = arith.muli %parallel_loop3A_937, %parallel_loop3A_986 : i32
        %parallel_loop3A_988 = arith.constant 32 : i32
        %parallel_loop3A_989 = arith.addi %parallel_loop3A_987, %parallel_loop3A_988 : i32
        %parallel_loop3A_990 = arith.index_cast %parallel_loop3A_989 : i32 to index
        %parallel_loop3A_991 = tpu.vector_load %arg7[%parallel_loop3A_990] {strides = array<i32>} : memref<8192xf32, #tpu.memory_space<vmem>>, vector<16xf32>,
        %parallel_loop3A_992 = arith.fptosi %parallel_loop3A_991 : vector<16xf32> to vector<16xi32>
        %parallel_loop3A_993 = arith.constant 0 : i32
        %parallel_loop3A_994 = arith.index_cast %parallel_loop3A_937 : i32 to index
        %parallel_loop3A_995 = arith.index_cast %parallel_loop3A_993 : i32 to index
        %parallel_loop3A_996 = arith.constant 32 : index
        %parallel_loop3A_997 = tpu.vector_load %arg5[%parallel_loop3A_994, %parallel_loop3A_995, %parallel_loop3A_996] {strides = array<i32>} : memref<64x2x128xf32, #tpu.memory_space<vmem>>, vector<16xf32>,
        %parallel_loop3A_998 = arith.constant 1 : i32
        %parallel_loop3A_999 = arith.index_cast %parallel_loop3A_937 : i32 to index
        %parallel_loop3A_1000 = arith.index_cast %parallel_loop3A_998 : i32 to index
        %parallel_loop3A_1001 = arith.constant 32 : index
        %parallel_loop3A_1002 = tpu.vector_load %arg5[%parallel_loop3A_999, %parallel_loop3A_1000, %parallel_loop3A_1001] {strides = array<i32>} : memref<64x2x128xf32, #tpu.memory_space<vmem>>, vector<16xf32>,
        %parallel_loop3A_1003 = arith.mulf %parallel_loop3A_997, %parallel_loop3A_997 : vector<16xf32>
        %parallel_loop3A_1004 = arith.mulf %parallel_loop3A_1002, %parallel_loop3A_1002 : vector<16xf32>
        %parallel_loop3A_1005 = arith.addf %parallel_loop3A_1003, %parallel_loop3A_1004 : vector<16xf32>
        %parallel_loop3A_1006 = arith.constant 16 : i32
        %parallel_loop3A_1007 = vector.broadcast %parallel_loop3A_1006 : i32 to vector<16xi32>
        %parallel_loop3A_1008 = arith.muli %parallel_loop3A_992, %parallel_loop3A_1007 : vector<16xi32>
        %parallel_loop3A_1009 = arith.addi %parallel_loop3A_1008, %add3A_335 : vector<16xi32>
        tpu.vector_store_idx %arg9[%parallel_loop3A_1009], %broadcast_in_dim3A_340 {add = true} : memref<640xf32, #tpu.memory_space<vmem>>[vector<16xi32>], vector<16xf32>,
        tpu.vector_store_idx %arg10[%parallel_loop3A_1009], %parallel_loop3A_997 {add = true} : memref<640xf32, #tpu.memory_space<vmem>>[vector<16xi32>], vector<16xf32>,
        tpu.vector_store_idx %arg11[%parallel_loop3A_1009], %parallel_loop3A_1002 {add = true} : memref<640xf32, #tpu.memory_space<vmem>>[vector<16xi32>], vector<16xf32>,
        tpu.vector_store_idx %arg12[%parallel_loop3A_1009], %parallel_loop3A_1005 {add = true} : memref<640xf32, #tpu.memory_space<vmem>>[vector<16xi32>], vector<16xf32>,
        %parallel_loop3A_1010 = arith.constant 128 : i32
        %parallel_loop3A_1011 = arith.muli %parallel_loop3A_937, %parallel_loop3A_1010 : i32
        %parallel_loop3A_1012 = arith.constant 48 : i32
        %parallel_loop3A_1013 = arith.addi %parallel_loop3A_1011, %parallel_loop3A_1012 : i32
        %parallel_loop3A_1014 = arith.index_cast %parallel_loop3A_1013 : i32 to index
        %parallel_loop3A_1015 = tpu.vector_load %arg7[%parallel_loop3A_1014] {strides = array<i32>} : memref<8192xf32, #tpu.memory_space<vmem>>, vector<16xf32>,
        %parallel_loop3A_1016 = arith.fptosi %parallel_loop3A_1015 : vector<16xf32> to vector<16xi32>
        %parallel_loop3A_1017 = arith.constant 0 : i32
        %parallel_loop3A_1018 = arith.index_cast %parallel_loop3A_937 : i32 to index
        %parallel_loop3A_1019 = arith.index_cast %parallel_loop3A_1017 : i32 to index
        %parallel_loop3A_1020 = arith.constant 48 : index
        %parallel_loop3A_1021 = tpu.vector_load %arg5[%parallel_loop3A_1018, %parallel_loop3A_1019, %parallel_loop3A_1020] {strides = array<i32>} : memref<64x2x128xf32, #tpu.memory_space<vmem>>, vector<16xf32>,
        %parallel_loop3A_1022 = arith.constant 1 : i32
        %parallel_loop3A_1023 = arith.index_cast %parallel_loop3A_937 : i32 to index
        %parallel_loop3A_1024 = arith.index_cast %parallel_loop3A_1022 : i32 to index
        %parallel_loop3A_1025 = arith.constant 48 : index
        %parallel_loop3A_1026 = tpu.vector_load %arg5[%parallel_loop3A_1023, %parallel_loop3A_1024, %parallel_loop3A_1025] {strides = array<i32>} : memref<64x2x128xf32, #tpu.memory_space<vmem>>, vector<16xf32>,
        %parallel_loop3A_1027 = arith.mulf %parallel_loop3A_1021, %parallel_loop3A_1021 : vector<16xf32>
        %parallel_loop3A_1028 = arith.mulf %parallel_loop3A_1026, %parallel_loop3A_1026 : vector<16xf32>
        %parallel_loop3A_1029 = arith.addf %parallel_loop3A_1027, %parallel_loop3A_1028 : vector<16xf32>
        %parallel_loop3A_1030 = arith.constant 16 : i32
        %parallel_loop3A_1031 = vector.broadcast %parallel_loop3A_1030 : i32 to vector<16xi32>
        %parallel_loop3A_1032 = arith.muli %parallel_loop3A_1016, %parallel_loop3A_1031 : vector<16xi32>
        %parallel_loop3A_1033 = arith.addi %parallel_loop3A_1032, %add3A_338 : vector<16xi32>
        tpu.vector_store_idx %arg9[%parallel_loop3A_1033], %broadcast_in_dim3A_340 {add = true} : memref<640xf32, #tpu.memory_space<vmem>>[vector<16xi32>], vector<16xf32>,
        tpu.vector_store_idx %arg10[%parallel_loop3A_1033], %parallel_loop3A_1021 {add = true} : memref<640xf32, #tpu.memory_space<vmem>>[vector<16xi32>], vector<16xf32>,
        tpu.vector_store_idx %arg11[%parallel_loop3A_1033], %parallel_loop3A_1026 {add = true} : memref<640xf32, #tpu.memory_space<vmem>>[vector<16xi32>], vector<16xf32>,
        tpu.vector_store_idx %arg12[%parallel_loop3A_1033], %parallel_loop3A_1029 {add = true} : memref<640xf32, #tpu.memory_space<vmem>>[vector<16xi32>], vector<16xf32>,
        %parallel_loop3A_1034 = arith.constant 128 : i32
        %parallel_loop3A_1035 = arith.muli %parallel_loop3A_937, %parallel_loop3A_1034 : i32
        %parallel_loop3A_1036 = arith.constant 64 : i32
        %parallel_loop3A_1037 = arith.addi %parallel_loop3A_1035, %parallel_loop3A_1036 : i32
        %parallel_loop3A_1038 = arith.index_cast %parallel_loop3A_1037 : i32 to index
        %parallel_loop3A_1039 = tpu.vector_load %arg7[%parallel_loop3A_1038] {strides = array<i32>} : memref<8192xf32, #tpu.memory_space<vmem>>, vector<16xf32>,
        %parallel_loop3A_1040 = arith.fptosi %parallel_loop3A_1039 : vector<16xf32> to vector<16xi32>
        %parallel_loop3A_1041 = arith.constant 0 : i32
        %parallel_loop3A_1042 = arith.index_cast %parallel_loop3A_937 : i32 to index
        %parallel_loop3A_1043 = arith.index_cast %parallel_loop3A_1041 : i32 to index
        %parallel_loop3A_1044 = arith.constant 64 : index
        %parallel_loop3A_1045 = tpu.vector_load %arg5[%parallel_loop3A_1042, %parallel_loop3A_1043, %parallel_loop3A_1044] {strides = array<i32>} : memref<64x2x128xf32, #tpu.memory_space<vmem>>, vector<16xf32>,
        %parallel_loop3A_1046 = arith.constant 1 : i32
        %parallel_loop3A_1047 = arith.index_cast %parallel_loop3A_937 : i32 to index
        %parallel_loop3A_1048 = arith.index_cast %parallel_loop3A_1046 : i32 to index
        %parallel_loop3A_1049 = arith.constant 64 : index
        %parallel_loop3A_1050 = tpu.vector_load %arg5[%parallel_loop3A_1047, %parallel_loop3A_1048, %parallel_loop3A_1049] {strides = array<i32>} : memref<64x2x128xf32, #tpu.memory_space<vmem>>, vector<16xf32>,
        %parallel_loop3A_1051 = arith.mulf %parallel_loop3A_1045, %parallel_loop3A_1045 : vector<16xf32>
        %parallel_loop3A_1052 = arith.mulf %parallel_loop3A_1050, %parallel_loop3A_1050 : vector<16xf32>
        %parallel_loop3A_1053 = arith.addf %parallel_loop3A_1051, %parallel_loop3A_1052 : vector<16xf32>
        %parallel_loop3A_1054 = arith.constant 16 : i32
        %parallel_loop3A_1055 = vector.broadcast %parallel_loop3A_1054 : i32 to vector<16xi32>
        %parallel_loop3A_1056 = arith.muli %parallel_loop3A_1040, %parallel_loop3A_1055 : vector<16xi32>
        %parallel_loop3A_1057 = arith.addi %parallel_loop3A_1056, %add3A_329 : vector<16xi32>
        tpu.vector_store_idx %arg9[%parallel_loop3A_1057], %broadcast_in_dim3A_340 {add = true} : memref<640xf32, #tpu.memory_space<vmem>>[vector<16xi32>], vector<16xf32>,
        tpu.vector_store_idx %arg10[%parallel_loop3A_1057], %parallel_loop3A_1045 {add = true} : memref<640xf32, #tpu.memory_space<vmem>>[vector<16xi32>], vector<16xf32>,
        tpu.vector_store_idx %arg11[%parallel_loop3A_1057], %parallel_loop3A_1050 {add = true} : memref<640xf32, #tpu.memory_space<vmem>>[vector<16xi32>], vector<16xf32>,
        tpu.vector_store_idx %arg12[%parallel_loop3A_1057], %parallel_loop3A_1053 {add = true} : memref<640xf32, #tpu.memory_space<vmem>>[vector<16xi32>], vector<16xf32>,
        %parallel_loop3A_1058 = arith.constant 128 : i32
        %parallel_loop3A_1059 = arith.muli %parallel_loop3A_937, %parallel_loop3A_1058 : i32
        %parallel_loop3A_1060 = arith.constant 80 : i32
        %parallel_loop3A_1061 = arith.addi %parallel_loop3A_1059, %parallel_loop3A_1060 : i32
        %parallel_loop3A_1062 = arith.index_cast %parallel_loop3A_1061 : i32 to index
        %parallel_loop3A_1063 = tpu.vector_load %arg7[%parallel_loop3A_1062] {strides = array<i32>} : memref<8192xf32, #tpu.memory_space<vmem>>, vector<16xf32>,
        %parallel_loop3A_1064 = arith.fptosi %parallel_loop3A_1063 : vector<16xf32> to vector<16xi32>
        %parallel_loop3A_1065 = arith.constant 0 : i32
        %parallel_loop3A_1066 = arith.index_cast %parallel_loop3A_937 : i32 to index
        %parallel_loop3A_1067 = arith.index_cast %parallel_loop3A_1065 : i32 to index
        %parallel_loop3A_1068 = arith.constant 80 : index
        %parallel_loop3A_1069 = tpu.vector_load %arg5[%parallel_loop3A_1066, %parallel_loop3A_1067, %parallel_loop3A_1068] {strides = array<i32>} : memref<64x2x128xf32, #tpu.memory_space<vmem>>, vector<16xf32>,
        %parallel_loop3A_1070 = arith.constant 1 : i32
        %parallel_loop3A_1071 = arith.index_cast %parallel_loop3A_937 : i32 to index
        %parallel_loop3A_1072 = arith.index_cast %parallel_loop3A_1070 : i32 to index
        %parallel_loop3A_1073 = arith.constant 80 : index
        %parallel_loop3A_1074 = tpu.vector_load %arg5[%parallel_loop3A_1071, %parallel_loop3A_1072, %parallel_loop3A_1073] {strides = array<i32>} : memref<64x2x128xf32, #tpu.memory_space<vmem>>, vector<16xf32>,
        %parallel_loop3A_1075 = arith.mulf %parallel_loop3A_1069, %parallel_loop3A_1069 : vector<16xf32>
        %parallel_loop3A_1076 = arith.mulf %parallel_loop3A_1074, %parallel_loop3A_1074 : vector<16xf32>
        %parallel_loop3A_1077 = arith.addf %parallel_loop3A_1075, %parallel_loop3A_1076 : vector<16xf32>
        %parallel_loop3A_1078 = arith.constant 16 : i32
        %parallel_loop3A_1079 = vector.broadcast %parallel_loop3A_1078 : i32 to vector<16xi32>
        %parallel_loop3A_1080 = arith.muli %parallel_loop3A_1064, %parallel_loop3A_1079 : vector<16xi32>
        %parallel_loop3A_1081 = arith.addi %parallel_loop3A_1080, %add3A_332 : vector<16xi32>
        tpu.vector_store_idx %arg9[%parallel_loop3A_1081], %broadcast_in_dim3A_340 {add = true} : memref<640xf32, #tpu.memory_space<vmem>>[vector<16xi32>], vector<16xf32>,
        tpu.vector_store_idx %arg10[%parallel_loop3A_1081], %parallel_loop3A_1069 {add = true} : memref<640xf32, #tpu.memory_space<vmem>>[vector<16xi32>], vector<16xf32>,
        tpu.vector_store_idx %arg11[%parallel_loop3A_1081], %parallel_loop3A_1074 {add = true} : memref<640xf32, #tpu.memory_space<vmem>>[vector<16xi32>], vector<16xf32>,
        tpu.vector_store_idx %arg12[%parallel_loop3A_1081], %parallel_loop3A_1077 {add = true} : memref<640xf32, #tpu.memory_space<vmem>>[vector<16xi32>], vector<16xf32>,
        %parallel_loop3A_1082 = arith.constant 128 : i32
        %parallel_loop3A_1083 = arith.muli %parallel_loop3A_937, %parallel_loop3A_1082 : i32
        %parallel_loop3A_1084 = arith.constant 96 : i32
        %parallel_loop3A_1085 = arith.addi %parallel_loop3A_1083, %parallel_loop3A_1084 : i32
        %parallel_loop3A_1086 = arith.index_cast %parallel_loop3A_1085 : i32 to index
        %parallel_loop3A_1087 = tpu.vector_load %arg7[%parallel_loop3A_1086] {strides = array<i32>} : memref<8192xf32, #tpu.memory_space<vmem>>, vector<16xf32>,
        %parallel_loop3A_1088 = arith.fptosi %parallel_loop3A_1087 : vector<16xf32> to vector<16xi32>
        %parallel_loop3A_1089 = arith.constant 0 : i32
        %parallel_loop3A_1090 = arith.index_cast %parallel_loop3A_937 : i32 to index
        %parallel_loop3A_1091 = arith.index_cast %parallel_loop3A_1089 : i32 to index
        %parallel_loop3A_1092 = arith.constant 96 : index
        %parallel_loop3A_1093 = tpu.vector_load %arg5[%parallel_loop3A_1090, %parallel_loop3A_1091, %parallel_loop3A_1092] {strides = array<i32>} : memref<64x2x128xf32, #tpu.memory_space<vmem>>, vector<16xf32>,
        %parallel_loop3A_1094 = arith.constant 1 : i32
        %parallel_loop3A_1095 = arith.index_cast %parallel_loop3A_937 : i32 to index
        %parallel_loop3A_1096 = arith.index_cast %parallel_loop3A_1094 : i32 to index
        %parallel_loop3A_1097 = arith.constant 96 : index
        %parallel_loop3A_1098 = tpu.vector_load %arg5[%parallel_loop3A_1095, %parallel_loop3A_1096, %parallel_loop3A_1097] {strides = array<i32>} : memref<64x2x128xf32, #tpu.memory_space<vmem>>, vector<16xf32>,
        %parallel_loop3A_1099 = arith.mulf %parallel_loop3A_1093, %parallel_loop3A_1093 : vector<16xf32>
        %parallel_loop3A_1100 = arith.mulf %parallel_loop3A_1098, %parallel_loop3A_1098 : vector<16xf32>
        %parallel_loop3A_1101 = arith.addf %parallel_loop3A_1099, %parallel_loop3A_1100 : vector<16xf32>
        %parallel_loop3A_1102 = arith.constant 16 : i32
        %parallel_loop3A_1103 = vector.broadcast %parallel_loop3A_1102 : i32 to vector<16xi32>
        %parallel_loop3A_1104 = arith.muli %parallel_loop3A_1088, %parallel_loop3A_1103 : vector<16xi32>
        %parallel_loop3A_1105 = arith.addi %parallel_loop3A_1104, %add3A_335 : vector<16xi32>
        tpu.vector_store_idx %arg9[%parallel_loop3A_1105], %broadcast_in_dim3A_340 {add = true} : memref<640xf32, #tpu.memory_space<vmem>>[vector<16xi32>], vector<16xf32>,
        tpu.vector_store_idx %arg10[%parallel_loop3A_1105], %parallel_loop3A_1093 {add = true} : memref<640xf32, #tpu.memory_space<vmem>>[vector<16xi32>], vector<16xf32>,
        tpu.vector_store_idx %arg11[%parallel_loop3A_1105], %parallel_loop3A_1098 {add = true} : memref<640xf32, #tpu.memory_space<vmem>>[vector<16xi32>], vector<16xf32>,
        tpu.vector_store_idx %arg12[%parallel_loop3A_1105], %parallel_loop3A_1101 {add = true} : memref<640xf32, #tpu.memory_space<vmem>>[vector<16xi32>], vector<16xf32>,
        %parallel_loop3A_1106 = arith.constant 128 : i32
        %parallel_loop3A_1107 = arith.muli %parallel_loop3A_937, %parallel_loop3A_1106 : i32
        %parallel_loop3A_1108 = arith.constant 112 : i32
        %parallel_loop3A_1109 = arith.addi %parallel_loop3A_1107, %parallel_loop3A_1108 : i32
        %parallel_loop3A_1110 = arith.index_cast %parallel_loop3A_1109 : i32 to index
        %parallel_loop3A_1111 = tpu.vector_load %arg7[%parallel_loop3A_1110] {strides = array<i32>} : memref<8192xf32, #tpu.memory_space<vmem>>, vector<16xf32>,
        %parallel_loop3A_1112 = arith.fptosi %parallel_loop3A_1111 : vector<16xf32> to vector<16xi32>
        %parallel_loop3A_1113 = arith.constant 0 : i32
        %parallel_loop3A_1114 = arith.index_cast %parallel_loop3A_937 : i32 to index
        %parallel_loop3A_1115 = arith.index_cast %parallel_loop3A_1113 : i32 to index
        %parallel_loop3A_1116 = arith.constant 112 : index
        %parallel_loop3A_1117 = tpu.vector_load %arg5[%parallel_loop3A_1114, %parallel_loop3A_1115, %parallel_loop3A_1116] {strides = array<i32>} : memref<64x2x128xf32, #tpu.memory_space<vmem>>, vector<16xf32>,
        %parallel_loop3A_1118 = arith.constant 1 : i32
        %parallel_loop3A_1119 = arith.index_cast %parallel_loop3A_937 : i32 to index
        %parallel_loop3A_1120 = arith.index_cast %parallel_loop3A_1118 : i32 to index
        %parallel_loop3A_1121 = arith.constant 112 : index
        %parallel_loop3A_1122 = tpu.vector_load %arg5[%parallel_loop3A_1119, %parallel_loop3A_1120, %parallel_loop3A_1121] {strides = array<i32>} : memref<64x2x128xf32, #tpu.memory_space<vmem>>, vector<16xf32>,
        %parallel_loop3A_1123 = arith.mulf %parallel_loop3A_1117, %parallel_loop3A_1117 : vector<16xf32>
        %parallel_loop3A_1124 = arith.mulf %parallel_loop3A_1122, %parallel_loop3A_1122 : vector<16xf32>
        %parallel_loop3A_1125 = arith.addf %parallel_loop3A_1123, %parallel_loop3A_1124 : vector<16xf32>
        %parallel_loop3A_1126 = arith.constant 16 : i32
        %parallel_loop3A_1127 = vector.broadcast %parallel_loop3A_1126 : i32 to vector<16xi32>
        %parallel_loop3A_1128 = arith.muli %parallel_loop3A_1112, %parallel_loop3A_1127 : vector<16xi32>
        %parallel_loop3A_1129 = arith.addi %parallel_loop3A_1128, %add3A_338 : vector<16xi32>
        tpu.vector_store_idx %arg9[%parallel_loop3A_1129], %broadcast_in_dim3A_340 {add = true} : memref<640xf32, #tpu.memory_space<vmem>>[vector<16xi32>], vector<16xf32>,
        tpu.vector_store_idx %arg10[%parallel_loop3A_1129], %parallel_loop3A_1117 {add = true} : memref<640xf32, #tpu.memory_space<vmem>>[vector<16xi32>], vector<16xf32>,
        tpu.vector_store_idx %arg11[%parallel_loop3A_1129], %parallel_loop3A_1122 {add = true} : memref<640xf32, #tpu.memory_space<vmem>>[vector<16xi32>], vector<16xf32>,
        tpu.vector_store_idx %arg12[%parallel_loop3A_1129], %parallel_loop3A_1125 {add = true} : memref<640xf32, #tpu.memory_space<vmem>>[vector<16xi32>], vector<16xf32>,
      } {sc.loop_unroll_factor = 2 : i64, sc.parallel_access}
      %add3A_915 = arith.constant 2 : i32
      %add3A_916 = arith.addi %add3A_895, %add3A_915 : i32
      %lt3A_917 = arith.constant 15 : i32
      %lt3A_918 = arith.cmpi slt, %add3A_916, %lt3A_917 : i32
      %convert_element_type3A_919 = arith.extui %lt3A_918 : i1 to i32
      %cond3A_920 = arith.constant 0 : i32
      %cond3A_921 = arith.cmpi ne, %convert_element_type3A_919, %cond3A_920 : i32
      scf.if %cond3A_921 {
        %add3A_937 = arith.constant 2 : i32
        %add3A_938 = arith.addi %add3A_895, %add3A_937 : i32
        %mul3A_939 = arith.constant 64 : i32
        %mul3A_940 = arith.muli %add3A_938, %mul3A_939 : i32
        %add3A_941 = arith.addi %add3A_4, %mul3A_940 : i32
        %dma_start3A_942 = arith.constant 0 : i32
        %dma_start3A_943 = arith.constant 0 : i32
        %dma_start3A_944 = tpu.memref_slice %arg2[%add3A_941, %dma_start3A_942, %dma_start3A_943] : memref<32768x2x128xf32, #tpu.memory_space<hbm>> -> memref<64x2x128xf32, #tpu.memory_space<hbm>>
        %dma_start3A_945 = arith.constant 0 : i32
        %dma_start3A_946 = arith.constant 0 : i32
        %dma_start3A_947 = tpu.memref_slice %arg2[%add3A_941, %dma_start3A_945, %dma_start3A_946] : memref<32768x2x128xf32, #tpu.memory_space<hbm>> -> memref<64x2x128xf32, #tpu.memory_space<hbm>>
        tpu.enqueue_dma source(%dma_start3A_947 : memref<64x2x128xf32, #tpu.memory_space<hbm>>) target(%arg5 : memref<64x2x128xf32, #tpu.memory_space<vmem>>) target_semaphore(%arg14 : memref<!tpu.dma_semaphore, #tpu.memory_space<semaphore_mem>>)
        %mul3A_948 = arith.constant 8192 : i32
        %mul3A_949 = arith.muli %add3A_938, %mul3A_948 : i32
        %add3A_950 = arith.addi %mul3A_6, %mul3A_949 : i32
        %dma_start3A_951 = tpu.memref_slice %arg3[%add3A_950] : memref<4194304xf32, #tpu.memory_space<hbm>> -> memref<8192xf32, #tpu.memory_space<hbm>>
        %dma_start3A_952 = tpu.memref_slice %arg3[%add3A_950] : memref<4194304xf32, #tpu.memory_space<hbm>> -> memref<8192xf32, #tpu.memory_space<hbm>>
        tpu.enqueue_dma source(%dma_start3A_952 : memref<8192xf32, #tpu.memory_space<hbm>>) target(%arg7 : memref<8192xf32, #tpu.memory_space<vmem>>) target_semaphore(%arg14 : memref<!tpu.dma_semaphore, #tpu.memory_space<semaphore_mem>>)
      } else {
      }
      %dma_wait3A_922 = arith.constant 0 : i32
      %dma_wait3A_923 = arith.constant 0 : i32
      %dma_wait3A_924 = arith.constant 0 : i32
      %dma_wait3A_925 = tpu.memref_slice %arg2[%dma_wait3A_922, %dma_wait3A_923, %dma_wait3A_924] : memref<32768x2x128xf32, #tpu.memory_space<hbm>> -> memref<64x2x128xf32, #tpu.memory_space<hbm>>
      %dma_wait3A_926 = arith.constant 0 : i32
      %dma_wait3A_927 = arith.constant 0 : i32
      %dma_wait3A_928 = arith.constant 0 : i32
      %dma_wait3A_929 = tpu.memref_slice %arg2[%dma_wait3A_926, %dma_wait3A_927, %dma_wait3A_928] : memref<32768x2x128xf32, #tpu.memory_space<hbm>> -> memref<64x2x128xf32, #tpu.memory_space<hbm>>
      tpu.wait_dma2 semaphore(%arg15 : memref<!tpu.dma_semaphore, #tpu.memory_space<semaphore_mem>>) src(%dma_wait3A_929 : memref<64x2x128xf32, #tpu.memory_space<hbm>>) dst(%arg6 : memref<64x2x128xf32, #tpu.memory_space<vmem>>)
      %dma_wait3A_930 = arith.constant 0 : i32
      %dma_wait3A_931 = tpu.memref_slice %arg3[%dma_wait3A_930] : memref<4194304xf32, #tpu.memory_space<hbm>> -> memref<8192xf32, #tpu.memory_space<hbm>>
      %dma_wait3A_932 = arith.constant 0 : i32
      %dma_wait3A_933 = tpu.memref_slice %arg3[%dma_wait3A_932] : memref<4194304xf32, #tpu.memory_space<hbm>> -> memref<8192xf32, #tpu.memory_space<hbm>>
      tpu.wait_dma2 semaphore(%arg15 : memref<!tpu.dma_semaphore, #tpu.memory_space<semaphore_mem>>) src(%dma_wait3A_933 : memref<8192xf32, #tpu.memory_space<hbm>>) dst(%arg8 : memref<8192xf32, #tpu.memory_space<vmem>>)
      %parallel_loop3A_934 = arith.constant 0 : i32
      %parallel_loop3A_935 = arith.constant 64 : i32
      %parallel_loop3A_936 = arith.constant 1 : i32
      scf.for %parallel_loop3A_937 = %parallel_loop3A_934 to %parallel_loop3A_935 step %parallel_loop3A_936  : i32 {
        %parallel_loop3A_938 = arith.constant 128 : i32
        %parallel_loop3A_939 = arith.muli %parallel_loop3A_937, %parallel_loop3A_938 : i32
        %parallel_loop3A_940 = arith.constant 0 : i32
        %parallel_loop3A_941 = arith.addi %parallel_loop3A_939, %parallel_loop3A_940 : i32
        %parallel_loop3A_942 = arith.index_cast %parallel_loop3A_941 : i32 to index
        %parallel_loop3A_943 = tpu.vector_load %arg8[%parallel_loop3A_942] {strides = array<i32>} : memref<8192xf32, #tpu.memory_space<vmem>>, vector<16xf32>,
        %parallel_loop3A_944 = arith.fptosi %parallel_loop3A_943 : vector<16xf32> to vector<16xi32>
        %parallel_loop3A_945 = arith.constant 0 : i32
        %parallel_loop3A_946 = arith.index_cast %parallel_loop3A_937 : i32 to index
        %parallel_loop3A_947 = arith.index_cast %parallel_loop3A_945 : i32 to index
        %parallel_loop3A_948 = arith.constant 0 : index
        %parallel_loop3A_949 = tpu.vector_load %arg6[%parallel_loop3A_946, %parallel_loop3A_947, %parallel_loop3A_948] {strides = array<i32>} : memref<64x2x128xf32, #tpu.memory_space<vmem>>, vector<16xf32>,
        %parallel_loop3A_950 = arith.constant 1 : i32
        %parallel_loop3A_951 = arith.index_cast %parallel_loop3A_937 : i32 to index
        %parallel_loop3A_952 = arith.index_cast %parallel_loop3A_950 : i32 to index
        %parallel_loop3A_953 = arith.constant 0 : index
        %parallel_loop3A_954 = tpu.vector_load %arg6[%parallel_loop3A_951, %parallel_loop3A_952, %parallel_loop3A_953] {strides = array<i32>} : memref<64x2x128xf32, #tpu.memory_space<vmem>>, vector<16xf32>,
        %parallel_loop3A_955 = arith.mulf %parallel_loop3A_949, %parallel_loop3A_949 : vector<16xf32>
        %parallel_loop3A_956 = arith.mulf %parallel_loop3A_954, %parallel_loop3A_954 : vector<16xf32>
        %parallel_loop3A_957 = arith.addf %parallel_loop3A_955, %parallel_loop3A_956 : vector<16xf32>
        %parallel_loop3A_958 = arith.constant 16 : i32
        %parallel_loop3A_959 = vector.broadcast %parallel_loop3A_958 : i32 to vector<16xi32>
        %parallel_loop3A_960 = arith.muli %parallel_loop3A_944, %parallel_loop3A_959 : vector<16xi32>
        %parallel_loop3A_961 = arith.addi %parallel_loop3A_960, %add3A_329 : vector<16xi32>
        tpu.vector_store_idx %arg9[%parallel_loop3A_961], %broadcast_in_dim3A_340 {add = true} : memref<640xf32, #tpu.memory_space<vmem>>[vector<16xi32>], vector<16xf32>,
        tpu.vector_store_idx %arg10[%parallel_loop3A_961], %parallel_loop3A_949 {add = true} : memref<640xf32, #tpu.memory_space<vmem>>[vector<16xi32>], vector<16xf32>,
        tpu.vector_store_idx %arg11[%parallel_loop3A_961], %parallel_loop3A_954 {add = true} : memref<640xf32, #tpu.memory_space<vmem>>[vector<16xi32>], vector<16xf32>,
        tpu.vector_store_idx %arg12[%parallel_loop3A_961], %parallel_loop3A_957 {add = true} : memref<640xf32, #tpu.memory_space<vmem>>[vector<16xi32>], vector<16xf32>,
        %parallel_loop3A_962 = arith.constant 128 : i32
        %parallel_loop3A_963 = arith.muli %parallel_loop3A_937, %parallel_loop3A_962 : i32
        %parallel_loop3A_964 = arith.constant 16 : i32
        %parallel_loop3A_965 = arith.addi %parallel_loop3A_963, %parallel_loop3A_964 : i32
        %parallel_loop3A_966 = arith.index_cast %parallel_loop3A_965 : i32 to index
        %parallel_loop3A_967 = tpu.vector_load %arg8[%parallel_loop3A_966] {strides = array<i32>} : memref<8192xf32, #tpu.memory_space<vmem>>, vector<16xf32>,
        %parallel_loop3A_968 = arith.fptosi %parallel_loop3A_967 : vector<16xf32> to vector<16xi32>
        %parallel_loop3A_969 = arith.constant 0 : i32
        %parallel_loop3A_970 = arith.index_cast %parallel_loop3A_937 : i32 to index
        %parallel_loop3A_971 = arith.index_cast %parallel_loop3A_969 : i32 to index
        %parallel_loop3A_972 = arith.constant 16 : index
        %parallel_loop3A_973 = tpu.vector_load %arg6[%parallel_loop3A_970, %parallel_loop3A_971, %parallel_loop3A_972] {strides = array<i32>} : memref<64x2x128xf32, #tpu.memory_space<vmem>>, vector<16xf32>,
        %parallel_loop3A_974 = arith.constant 1 : i32
        %parallel_loop3A_975 = arith.index_cast %parallel_loop3A_937 : i32 to index
        %parallel_loop3A_976 = arith.index_cast %parallel_loop3A_974 : i32 to index
        %parallel_loop3A_977 = arith.constant 16 : index
        %parallel_loop3A_978 = tpu.vector_load %arg6[%parallel_loop3A_975, %parallel_loop3A_976, %parallel_loop3A_977] {strides = array<i32>} : memref<64x2x128xf32, #tpu.memory_space<vmem>>, vector<16xf32>,
        %parallel_loop3A_979 = arith.mulf %parallel_loop3A_973, %parallel_loop3A_973 : vector<16xf32>
        %parallel_loop3A_980 = arith.mulf %parallel_loop3A_978, %parallel_loop3A_978 : vector<16xf32>
        %parallel_loop3A_981 = arith.addf %parallel_loop3A_979, %parallel_loop3A_980 : vector<16xf32>
        %parallel_loop3A_982 = arith.constant 16 : i32
        %parallel_loop3A_983 = vector.broadcast %parallel_loop3A_982 : i32 to vector<16xi32>
        %parallel_loop3A_984 = arith.muli %parallel_loop3A_968, %parallel_loop3A_983 : vector<16xi32>
        %parallel_loop3A_985 = arith.addi %parallel_loop3A_984, %add3A_332 : vector<16xi32>
        tpu.vector_store_idx %arg9[%parallel_loop3A_985], %broadcast_in_dim3A_340 {add = true} : memref<640xf32, #tpu.memory_space<vmem>>[vector<16xi32>], vector<16xf32>,
        tpu.vector_store_idx %arg10[%parallel_loop3A_985], %parallel_loop3A_973 {add = true} : memref<640xf32, #tpu.memory_space<vmem>>[vector<16xi32>], vector<16xf32>,
        tpu.vector_store_idx %arg11[%parallel_loop3A_985], %parallel_loop3A_978 {add = true} : memref<640xf32, #tpu.memory_space<vmem>>[vector<16xi32>], vector<16xf32>,
        tpu.vector_store_idx %arg12[%parallel_loop3A_985], %parallel_loop3A_981 {add = true} : memref<640xf32, #tpu.memory_space<vmem>>[vector<16xi32>], vector<16xf32>,
        %parallel_loop3A_986 = arith.constant 128 : i32
        %parallel_loop3A_987 = arith.muli %parallel_loop3A_937, %parallel_loop3A_986 : i32
        %parallel_loop3A_988 = arith.constant 32 : i32
        %parallel_loop3A_989 = arith.addi %parallel_loop3A_987, %parallel_loop3A_988 : i32
        %parallel_loop3A_990 = arith.index_cast %parallel_loop3A_989 : i32 to index
        %parallel_loop3A_991 = tpu.vector_load %arg8[%parallel_loop3A_990] {strides = array<i32>} : memref<8192xf32, #tpu.memory_space<vmem>>, vector<16xf32>,
        %parallel_loop3A_992 = arith.fptosi %parallel_loop3A_991 : vector<16xf32> to vector<16xi32>
        %parallel_loop3A_993 = arith.constant 0 : i32
        %parallel_loop3A_994 = arith.index_cast %parallel_loop3A_937 : i32 to index
        %parallel_loop3A_995 = arith.index_cast %parallel_loop3A_993 : i32 to index
        %parallel_loop3A_996 = arith.constant 32 : index
        %parallel_loop3A_997 = tpu.vector_load %arg6[%parallel_loop3A_994, %parallel_loop3A_995, %parallel_loop3A_996] {strides = array<i32>} : memref<64x2x128xf32, #tpu.memory_space<vmem>>, vector<16xf32>,
        %parallel_loop3A_998 = arith.constant 1 : i32
        %parallel_loop3A_999 = arith.index_cast %parallel_loop3A_937 : i32 to index
        %parallel_loop3A_1000 = arith.index_cast %parallel_loop3A_998 : i32 to index
        %parallel_loop3A_1001 = arith.constant 32 : index
        %parallel_loop3A_1002 = tpu.vector_load %arg6[%parallel_loop3A_999, %parallel_loop3A_1000, %parallel_loop3A_1001] {strides = array<i32>} : memref<64x2x128xf32, #tpu.memory_space<vmem>>, vector<16xf32>,
        %parallel_loop3A_1003 = arith.mulf %parallel_loop3A_997, %parallel_loop3A_997 : vector<16xf32>
        %parallel_loop3A_1004 = arith.mulf %parallel_loop3A_1002, %parallel_loop3A_1002 : vector<16xf32>
        %parallel_loop3A_1005 = arith.addf %parallel_loop3A_1003, %parallel_loop3A_1004 : vector<16xf32>
        %parallel_loop3A_1006 = arith.constant 16 : i32
        %parallel_loop3A_1007 = vector.broadcast %parallel_loop3A_1006 : i32 to vector<16xi32>
        %parallel_loop3A_1008 = arith.muli %parallel_loop3A_992, %parallel_loop3A_1007 : vector<16xi32>
        %parallel_loop3A_1009 = arith.addi %parallel_loop3A_1008, %add3A_335 : vector<16xi32>
        tpu.vector_store_idx %arg9[%parallel_loop3A_1009], %broadcast_in_dim3A_340 {add = true} : memref<640xf32, #tpu.memory_space<vmem>>[vector<16xi32>], vector<16xf32>,
        tpu.vector_store_idx %arg10[%parallel_loop3A_1009], %parallel_loop3A_997 {add = true} : memref<640xf32, #tpu.memory_space<vmem>>[vector<16xi32>], vector<16xf32>,
        tpu.vector_store_idx %arg11[%parallel_loop3A_1009], %parallel_loop3A_1002 {add = true} : memref<640xf32, #tpu.memory_space<vmem>>[vector<16xi32>], vector<16xf32>,
        tpu.vector_store_idx %arg12[%parallel_loop3A_1009], %parallel_loop3A_1005 {add = true} : memref<640xf32, #tpu.memory_space<vmem>>[vector<16xi32>], vector<16xf32>,
        %parallel_loop3A_1010 = arith.constant 128 : i32
        %parallel_loop3A_1011 = arith.muli %parallel_loop3A_937, %parallel_loop3A_1010 : i32
        %parallel_loop3A_1012 = arith.constant 48 : i32
        %parallel_loop3A_1013 = arith.addi %parallel_loop3A_1011, %parallel_loop3A_1012 : i32
        %parallel_loop3A_1014 = arith.index_cast %parallel_loop3A_1013 : i32 to index
        %parallel_loop3A_1015 = tpu.vector_load %arg8[%parallel_loop3A_1014] {strides = array<i32>} : memref<8192xf32, #tpu.memory_space<vmem>>, vector<16xf32>,
        %parallel_loop3A_1016 = arith.fptosi %parallel_loop3A_1015 : vector<16xf32> to vector<16xi32>
        %parallel_loop3A_1017 = arith.constant 0 : i32
        %parallel_loop3A_1018 = arith.index_cast %parallel_loop3A_937 : i32 to index
        %parallel_loop3A_1019 = arith.index_cast %parallel_loop3A_1017 : i32 to index
        %parallel_loop3A_1020 = arith.constant 48 : index
        %parallel_loop3A_1021 = tpu.vector_load %arg6[%parallel_loop3A_1018, %parallel_loop3A_1019, %parallel_loop3A_1020] {strides = array<i32>} : memref<64x2x128xf32, #tpu.memory_space<vmem>>, vector<16xf32>,
        %parallel_loop3A_1022 = arith.constant 1 : i32
        %parallel_loop3A_1023 = arith.index_cast %parallel_loop3A_937 : i32 to index
        %parallel_loop3A_1024 = arith.index_cast %parallel_loop3A_1022 : i32 to index
        %parallel_loop3A_1025 = arith.constant 48 : index
        %parallel_loop3A_1026 = tpu.vector_load %arg6[%parallel_loop3A_1023, %parallel_loop3A_1024, %parallel_loop3A_1025] {strides = array<i32>} : memref<64x2x128xf32, #tpu.memory_space<vmem>>, vector<16xf32>,
        %parallel_loop3A_1027 = arith.mulf %parallel_loop3A_1021, %parallel_loop3A_1021 : vector<16xf32>
        %parallel_loop3A_1028 = arith.mulf %parallel_loop3A_1026, %parallel_loop3A_1026 : vector<16xf32>
        %parallel_loop3A_1029 = arith.addf %parallel_loop3A_1027, %parallel_loop3A_1028 : vector<16xf32>
        %parallel_loop3A_1030 = arith.constant 16 : i32
        %parallel_loop3A_1031 = vector.broadcast %parallel_loop3A_1030 : i32 to vector<16xi32>
        %parallel_loop3A_1032 = arith.muli %parallel_loop3A_1016, %parallel_loop3A_1031 : vector<16xi32>
        %parallel_loop3A_1033 = arith.addi %parallel_loop3A_1032, %add3A_338 : vector<16xi32>
        tpu.vector_store_idx %arg9[%parallel_loop3A_1033], %broadcast_in_dim3A_340 {add = true} : memref<640xf32, #tpu.memory_space<vmem>>[vector<16xi32>], vector<16xf32>,
        tpu.vector_store_idx %arg10[%parallel_loop3A_1033], %parallel_loop3A_1021 {add = true} : memref<640xf32, #tpu.memory_space<vmem>>[vector<16xi32>], vector<16xf32>,
        tpu.vector_store_idx %arg11[%parallel_loop3A_1033], %parallel_loop3A_1026 {add = true} : memref<640xf32, #tpu.memory_space<vmem>>[vector<16xi32>], vector<16xf32>,
        tpu.vector_store_idx %arg12[%parallel_loop3A_1033], %parallel_loop3A_1029 {add = true} : memref<640xf32, #tpu.memory_space<vmem>>[vector<16xi32>], vector<16xf32>,
        %parallel_loop3A_1034 = arith.constant 128 : i32
        %parallel_loop3A_1035 = arith.muli %parallel_loop3A_937, %parallel_loop3A_1034 : i32
        %parallel_loop3A_1036 = arith.constant 64 : i32
        %parallel_loop3A_1037 = arith.addi %parallel_loop3A_1035, %parallel_loop3A_1036 : i32
        %parallel_loop3A_1038 = arith.index_cast %parallel_loop3A_1037 : i32 to index
        %parallel_loop3A_1039 = tpu.vector_load %arg8[%parallel_loop3A_1038] {strides = array<i32>} : memref<8192xf32, #tpu.memory_space<vmem>>, vector<16xf32>,
        %parallel_loop3A_1040 = arith.fptosi %parallel_loop3A_1039 : vector<16xf32> to vector<16xi32>
        %parallel_loop3A_1041 = arith.constant 0 : i32
        %parallel_loop3A_1042 = arith.index_cast %parallel_loop3A_937 : i32 to index
        %parallel_loop3A_1043 = arith.index_cast %parallel_loop3A_1041 : i32 to index
        %parallel_loop3A_1044 = arith.constant 64 : index
        %parallel_loop3A_1045 = tpu.vector_load %arg6[%parallel_loop3A_1042, %parallel_loop3A_1043, %parallel_loop3A_1044] {strides = array<i32>} : memref<64x2x128xf32, #tpu.memory_space<vmem>>, vector<16xf32>,
        %parallel_loop3A_1046 = arith.constant 1 : i32
        %parallel_loop3A_1047 = arith.index_cast %parallel_loop3A_937 : i32 to index
        %parallel_loop3A_1048 = arith.index_cast %parallel_loop3A_1046 : i32 to index
        %parallel_loop3A_1049 = arith.constant 64 : index
        %parallel_loop3A_1050 = tpu.vector_load %arg6[%parallel_loop3A_1047, %parallel_loop3A_1048, %parallel_loop3A_1049] {strides = array<i32>} : memref<64x2x128xf32, #tpu.memory_space<vmem>>, vector<16xf32>,
        %parallel_loop3A_1051 = arith.mulf %parallel_loop3A_1045, %parallel_loop3A_1045 : vector<16xf32>
        %parallel_loop3A_1052 = arith.mulf %parallel_loop3A_1050, %parallel_loop3A_1050 : vector<16xf32>
        %parallel_loop3A_1053 = arith.addf %parallel_loop3A_1051, %parallel_loop3A_1052 : vector<16xf32>
        %parallel_loop3A_1054 = arith.constant 16 : i32
        %parallel_loop3A_1055 = vector.broadcast %parallel_loop3A_1054 : i32 to vector<16xi32>
        %parallel_loop3A_1056 = arith.muli %parallel_loop3A_1040, %parallel_loop3A_1055 : vector<16xi32>
        %parallel_loop3A_1057 = arith.addi %parallel_loop3A_1056, %add3A_329 : vector<16xi32>
        tpu.vector_store_idx %arg9[%parallel_loop3A_1057], %broadcast_in_dim3A_340 {add = true} : memref<640xf32, #tpu.memory_space<vmem>>[vector<16xi32>], vector<16xf32>,
        tpu.vector_store_idx %arg10[%parallel_loop3A_1057], %parallel_loop3A_1045 {add = true} : memref<640xf32, #tpu.memory_space<vmem>>[vector<16xi32>], vector<16xf32>,
        tpu.vector_store_idx %arg11[%parallel_loop3A_1057], %parallel_loop3A_1050 {add = true} : memref<640xf32, #tpu.memory_space<vmem>>[vector<16xi32>], vector<16xf32>,
        tpu.vector_store_idx %arg12[%parallel_loop3A_1057], %parallel_loop3A_1053 {add = true} : memref<640xf32, #tpu.memory_space<vmem>>[vector<16xi32>], vector<16xf32>,
        %parallel_loop3A_1058 = arith.constant 128 : i32
        %parallel_loop3A_1059 = arith.muli %parallel_loop3A_937, %parallel_loop3A_1058 : i32
        %parallel_loop3A_1060 = arith.constant 80 : i32
        %parallel_loop3A_1061 = arith.addi %parallel_loop3A_1059, %parallel_loop3A_1060 : i32
        %parallel_loop3A_1062 = arith.index_cast %parallel_loop3A_1061 : i32 to index
        %parallel_loop3A_1063 = tpu.vector_load %arg8[%parallel_loop3A_1062] {strides = array<i32>} : memref<8192xf32, #tpu.memory_space<vmem>>, vector<16xf32>,
        %parallel_loop3A_1064 = arith.fptosi %parallel_loop3A_1063 : vector<16xf32> to vector<16xi32>
        %parallel_loop3A_1065 = arith.constant 0 : i32
        %parallel_loop3A_1066 = arith.index_cast %parallel_loop3A_937 : i32 to index
        %parallel_loop3A_1067 = arith.index_cast %parallel_loop3A_1065 : i32 to index
        %parallel_loop3A_1068 = arith.constant 80 : index
        %parallel_loop3A_1069 = tpu.vector_load %arg6[%parallel_loop3A_1066, %parallel_loop3A_1067, %parallel_loop3A_1068] {strides = array<i32>} : memref<64x2x128xf32, #tpu.memory_space<vmem>>, vector<16xf32>,
        %parallel_loop3A_1070 = arith.constant 1 : i32
        %parallel_loop3A_1071 = arith.index_cast %parallel_loop3A_937 : i32 to index
        %parallel_loop3A_1072 = arith.index_cast %parallel_loop3A_1070 : i32 to index
        %parallel_loop3A_1073 = arith.constant 80 : index
        %parallel_loop3A_1074 = tpu.vector_load %arg6[%parallel_loop3A_1071, %parallel_loop3A_1072, %parallel_loop3A_1073] {strides = array<i32>} : memref<64x2x128xf32, #tpu.memory_space<vmem>>, vector<16xf32>,
        %parallel_loop3A_1075 = arith.mulf %parallel_loop3A_1069, %parallel_loop3A_1069 : vector<16xf32>
        %parallel_loop3A_1076 = arith.mulf %parallel_loop3A_1074, %parallel_loop3A_1074 : vector<16xf32>
        %parallel_loop3A_1077 = arith.addf %parallel_loop3A_1075, %parallel_loop3A_1076 : vector<16xf32>
        %parallel_loop3A_1078 = arith.constant 16 : i32
        %parallel_loop3A_1079 = vector.broadcast %parallel_loop3A_1078 : i32 to vector<16xi32>
        %parallel_loop3A_1080 = arith.muli %parallel_loop3A_1064, %parallel_loop3A_1079 : vector<16xi32>
        %parallel_loop3A_1081 = arith.addi %parallel_loop3A_1080, %add3A_332 : vector<16xi32>
        tpu.vector_store_idx %arg9[%parallel_loop3A_1081], %broadcast_in_dim3A_340 {add = true} : memref<640xf32, #tpu.memory_space<vmem>>[vector<16xi32>], vector<16xf32>,
        tpu.vector_store_idx %arg10[%parallel_loop3A_1081], %parallel_loop3A_1069 {add = true} : memref<640xf32, #tpu.memory_space<vmem>>[vector<16xi32>], vector<16xf32>,
        tpu.vector_store_idx %arg11[%parallel_loop3A_1081], %parallel_loop3A_1074 {add = true} : memref<640xf32, #tpu.memory_space<vmem>>[vector<16xi32>], vector<16xf32>,
        tpu.vector_store_idx %arg12[%parallel_loop3A_1081], %parallel_loop3A_1077 {add = true} : memref<640xf32, #tpu.memory_space<vmem>>[vector<16xi32>], vector<16xf32>,
        %parallel_loop3A_1082 = arith.constant 128 : i32
        %parallel_loop3A_1083 = arith.muli %parallel_loop3A_937, %parallel_loop3A_1082 : i32
        %parallel_loop3A_1084 = arith.constant 96 : i32
        %parallel_loop3A_1085 = arith.addi %parallel_loop3A_1083, %parallel_loop3A_1084 : i32
        %parallel_loop3A_1086 = arith.index_cast %parallel_loop3A_1085 : i32 to index
        %parallel_loop3A_1087 = tpu.vector_load %arg8[%parallel_loop3A_1086] {strides = array<i32>} : memref<8192xf32, #tpu.memory_space<vmem>>, vector<16xf32>,
        %parallel_loop3A_1088 = arith.fptosi %parallel_loop3A_1087 : vector<16xf32> to vector<16xi32>
        %parallel_loop3A_1089 = arith.constant 0 : i32
        %parallel_loop3A_1090 = arith.index_cast %parallel_loop3A_937 : i32 to index
        %parallel_loop3A_1091 = arith.index_cast %parallel_loop3A_1089 : i32 to index
        %parallel_loop3A_1092 = arith.constant 96 : index
        %parallel_loop3A_1093 = tpu.vector_load %arg6[%parallel_loop3A_1090, %parallel_loop3A_1091, %parallel_loop3A_1092] {strides = array<i32>} : memref<64x2x128xf32, #tpu.memory_space<vmem>>, vector<16xf32>,
        %parallel_loop3A_1094 = arith.constant 1 : i32
        %parallel_loop3A_1095 = arith.index_cast %parallel_loop3A_937 : i32 to index
        %parallel_loop3A_1096 = arith.index_cast %parallel_loop3A_1094 : i32 to index
        %parallel_loop3A_1097 = arith.constant 96 : index
        %parallel_loop3A_1098 = tpu.vector_load %arg6[%parallel_loop3A_1095, %parallel_loop3A_1096, %parallel_loop3A_1097] {strides = array<i32>} : memref<64x2x128xf32, #tpu.memory_space<vmem>>, vector<16xf32>,
        %parallel_loop3A_1099 = arith.mulf %parallel_loop3A_1093, %parallel_loop3A_1093 : vector<16xf32>
        %parallel_loop3A_1100 = arith.mulf %parallel_loop3A_1098, %parallel_loop3A_1098 : vector<16xf32>
        %parallel_loop3A_1101 = arith.addf %parallel_loop3A_1099, %parallel_loop3A_1100 : vector<16xf32>
        %parallel_loop3A_1102 = arith.constant 16 : i32
        %parallel_loop3A_1103 = vector.broadcast %parallel_loop3A_1102 : i32 to vector<16xi32>
        %parallel_loop3A_1104 = arith.muli %parallel_loop3A_1088, %parallel_loop3A_1103 : vector<16xi32>
        %parallel_loop3A_1105 = arith.addi %parallel_loop3A_1104, %add3A_335 : vector<16xi32>
        tpu.vector_store_idx %arg9[%parallel_loop3A_1105], %broadcast_in_dim3A_340 {add = true} : memref<640xf32, #tpu.memory_space<vmem>>[vector<16xi32>], vector<16xf32>,
        tpu.vector_store_idx %arg10[%parallel_loop3A_1105], %parallel_loop3A_1093 {add = true} : memref<640xf32, #tpu.memory_space<vmem>>[vector<16xi32>], vector<16xf32>,
        tpu.vector_store_idx %arg11[%parallel_loop3A_1105], %parallel_loop3A_1098 {add = true} : memref<640xf32, #tpu.memory_space<vmem>>[vector<16xi32>], vector<16xf32>,
        tpu.vector_store_idx %arg12[%parallel_loop3A_1105], %parallel_loop3A_1101 {add = true} : memref<640xf32, #tpu.memory_space<vmem>>[vector<16xi32>], vector<16xf32>,
        %parallel_loop3A_1106 = arith.constant 128 : i32
        %parallel_loop3A_1107 = arith.muli %parallel_loop3A_937, %parallel_loop3A_1106 : i32
        %parallel_loop3A_1108 = arith.constant 112 : i32
        %parallel_loop3A_1109 = arith.addi %parallel_loop3A_1107, %parallel_loop3A_1108 : i32
        %parallel_loop3A_1110 = arith.index_cast %parallel_loop3A_1109 : i32 to index
        %parallel_loop3A_1111 = tpu.vector_load %arg8[%parallel_loop3A_1110] {strides = array<i32>} : memref<8192xf32, #tpu.memory_space<vmem>>, vector<16xf32>,
        %parallel_loop3A_1112 = arith.fptosi %parallel_loop3A_1111 : vector<16xf32> to vector<16xi32>
        %parallel_loop3A_1113 = arith.constant 0 : i32
        %parallel_loop3A_1114 = arith.index_cast %parallel_loop3A_937 : i32 to index
        %parallel_loop3A_1115 = arith.index_cast %parallel_loop3A_1113 : i32 to index
        %parallel_loop3A_1116 = arith.constant 112 : index
        %parallel_loop3A_1117 = tpu.vector_load %arg6[%parallel_loop3A_1114, %parallel_loop3A_1115, %parallel_loop3A_1116] {strides = array<i32>} : memref<64x2x128xf32, #tpu.memory_space<vmem>>, vector<16xf32>,
        %parallel_loop3A_1118 = arith.constant 1 : i32
        %parallel_loop3A_1119 = arith.index_cast %parallel_loop3A_937 : i32 to index
        %parallel_loop3A_1120 = arith.index_cast %parallel_loop3A_1118 : i32 to index
        %parallel_loop3A_1121 = arith.constant 112 : index
        %parallel_loop3A_1122 = tpu.vector_load %arg6[%parallel_loop3A_1119, %parallel_loop3A_1120, %parallel_loop3A_1121] {strides = array<i32>} : memref<64x2x128xf32, #tpu.memory_space<vmem>>, vector<16xf32>,
        %parallel_loop3A_1123 = arith.mulf %parallel_loop3A_1117, %parallel_loop3A_1117 : vector<16xf32>
        %parallel_loop3A_1124 = arith.mulf %parallel_loop3A_1122, %parallel_loop3A_1122 : vector<16xf32>
        %parallel_loop3A_1125 = arith.addf %parallel_loop3A_1123, %parallel_loop3A_1124 : vector<16xf32>
        %parallel_loop3A_1126 = arith.constant 16 : i32
        %parallel_loop3A_1127 = vector.broadcast %parallel_loop3A_1126 : i32 to vector<16xi32>
        %parallel_loop3A_1128 = arith.muli %parallel_loop3A_1112, %parallel_loop3A_1127 : vector<16xi32>
        %parallel_loop3A_1129 = arith.addi %parallel_loop3A_1128, %add3A_338 : vector<16xi32>
        tpu.vector_store_idx %arg9[%parallel_loop3A_1129], %broadcast_in_dim3A_340 {add = true} : memref<640xf32, #tpu.memory_space<vmem>>[vector<16xi32>], vector<16xf32>,
        tpu.vector_store_idx %arg10[%parallel_loop3A_1129], %parallel_loop3A_1117 {add = true} : memref<640xf32, #tpu.memory_space<vmem>>[vector<16xi32>], vector<16xf32>,
        tpu.vector_store_idx %arg11[%parallel_loop3A_1129], %parallel_loop3A_1122 {add = true} : memref<640xf32, #tpu.memory_space<vmem>>[vector<16xi32>], vector<16xf32>,
        tpu.vector_store_idx %arg12[%parallel_loop3A_1129], %parallel_loop3A_1125 {add = true} : memref<640xf32, #tpu.memory_space<vmem>>[vector<16xi32>], vector<16xf32>,
      } {sc.loop_unroll_factor = 2 : i64, sc.parallel_access}
    }
    %scan3A_355 = arith.constant 7 : i32
    %dma_wait3A = arith.constant 0 : i32
    %dma_wait3A_356 = arith.constant 0 : i32
    %dma_wait3A_357 = arith.constant 0 : i32
    %dma_wait3A_358 = tpu.memref_slice %arg2[%dma_wait3A, %dma_wait3A_356, %dma_wait3A_357] : memref<32768x2x128xf32, #tpu.memory_space<hbm>> -> memref<64x2x128xf32, #tpu.memory_space<hbm>>
    %dma_wait3A_359 = arith.constant 0 : i32
    %dma_wait3A_360 = arith.constant 0 : i32
    %dma_wait3A_361 = arith.constant 0 : i32
    %dma_wait3A_362 = tpu.memref_slice %arg2[%dma_wait3A_359, %dma_wait3A_360, %dma_wait3A_361] : memref<32768x2x128xf32, #tpu.memory_space<hbm>> -> memref<64x2x128xf32, #tpu.memory_space<hbm>>
    tpu.wait_dma2 semaphore(%arg14 : memref<!tpu.dma_semaphore, #tpu.memory_space<semaphore_mem>>) src(%dma_wait3A_362 : memref<64x2x128xf32, #tpu.memory_space<hbm>>) dst(%arg5 : memref<64x2x128xf32, #tpu.memory_space<vmem>>)
    %dma_wait3A_363 = arith.constant 0 : i32
    %dma_wait3A_364 = tpu.memref_slice %arg3[%dma_wait3A_363] : memref<4194304xf32, #tpu.memory_space<hbm>> -> memref<8192xf32, #tpu.memory_space<hbm>>
    %dma_wait3A_365 = arith.constant 0 : i32
    %dma_wait3A_366 = tpu.memref_slice %arg3[%dma_wait3A_365] : memref<4194304xf32, #tpu.memory_space<hbm>> -> memref<8192xf32, #tpu.memory_space<hbm>>
    tpu.wait_dma2 semaphore(%arg14 : memref<!tpu.dma_semaphore, #tpu.memory_space<semaphore_mem>>) src(%dma_wait3A_366 : memref<8192xf32, #tpu.memory_space<hbm>>) dst(%arg7 : memref<8192xf32, #tpu.memory_space<vmem>>)
    %parallel_loop3A = arith.constant 0 : i32
    %parallel_loop3A_367 = arith.constant 64 : i32
    %parallel_loop3A_368 = arith.constant 1 : i32
    scf.for %parallel_loop3A_891 = %parallel_loop3A to %parallel_loop3A_367 step %parallel_loop3A_368  : i32 {
      %parallel_loop3A_892 = arith.constant 128 : i32
      %parallel_loop3A_893 = arith.muli %parallel_loop3A_891, %parallel_loop3A_892 : i32
      %parallel_loop3A_894 = arith.constant 0 : i32
      %parallel_loop3A_895 = arith.addi %parallel_loop3A_893, %parallel_loop3A_894 : i32
      %parallel_loop3A_896 = arith.index_cast %parallel_loop3A_895 : i32 to index
      %parallel_loop3A_897 = tpu.vector_load %arg7[%parallel_loop3A_896] {strides = array<i32>} : memref<8192xf32, #tpu.memory_space<vmem>>, vector<16xf32>,
      %parallel_loop3A_898 = arith.fptosi %parallel_loop3A_897 : vector<16xf32> to vector<16xi32>
      %parallel_loop3A_899 = arith.constant 0 : i32
      %parallel_loop3A_900 = arith.index_cast %parallel_loop3A_891 : i32 to index
      %parallel_loop3A_901 = arith.index_cast %parallel_loop3A_899 : i32 to index
      %parallel_loop3A_902 = arith.constant 0 : index
      %parallel_loop3A_903 = tpu.vector_load %arg5[%parallel_loop3A_900, %parallel_loop3A_901, %parallel_loop3A_902] {strides = array<i32>} : memref<64x2x128xf32, #tpu.memory_space<vmem>>, vector<16xf32>,
      %parallel_loop3A_904 = arith.constant 1 : i32
      %parallel_loop3A_905 = arith.index_cast %parallel_loop3A_891 : i32 to index
      %parallel_loop3A_906 = arith.index_cast %parallel_loop3A_904 : i32 to index
      %parallel_loop3A_907 = arith.constant 0 : index
      %parallel_loop3A_908 = tpu.vector_load %arg5[%parallel_loop3A_905, %parallel_loop3A_906, %parallel_loop3A_907] {strides = array<i32>} : memref<64x2x128xf32, #tpu.memory_space<vmem>>, vector<16xf32>,
      %parallel_loop3A_909 = arith.mulf %parallel_loop3A_903, %parallel_loop3A_903 : vector<16xf32>
      %parallel_loop3A_910 = arith.mulf %parallel_loop3A_908, %parallel_loop3A_908 : vector<16xf32>
      %parallel_loop3A_911 = arith.addf %parallel_loop3A_909, %parallel_loop3A_910 : vector<16xf32>
      %parallel_loop3A_912 = arith.constant 16 : i32
      %parallel_loop3A_913 = vector.broadcast %parallel_loop3A_912 : i32 to vector<16xi32>
      %parallel_loop3A_914 = arith.muli %parallel_loop3A_898, %parallel_loop3A_913 : vector<16xi32>
      %parallel_loop3A_915 = arith.addi %parallel_loop3A_914, %add3A_329 : vector<16xi32>
      tpu.vector_store_idx %arg9[%parallel_loop3A_915], %broadcast_in_dim3A_340 {add = true} : memref<640xf32, #tpu.memory_space<vmem>>[vector<16xi32>], vector<16xf32>,
      tpu.vector_store_idx %arg10[%parallel_loop3A_915], %parallel_loop3A_903 {add = true} : memref<640xf32, #tpu.memory_space<vmem>>[vector<16xi32>], vector<16xf32>,
      tpu.vector_store_idx %arg11[%parallel_loop3A_915], %parallel_loop3A_908 {add = true} : memref<640xf32, #tpu.memory_space<vmem>>[vector<16xi32>], vector<16xf32>,
      tpu.vector_store_idx %arg12[%parallel_loop3A_915], %parallel_loop3A_911 {add = true} : memref<640xf32, #tpu.memory_space<vmem>>[vector<16xi32>], vector<16xf32>,
      %parallel_loop3A_916 = arith.constant 128 : i32
      %parallel_loop3A_917 = arith.muli %parallel_loop3A_891, %parallel_loop3A_916 : i32
      %parallel_loop3A_918 = arith.constant 16 : i32
      %parallel_loop3A_919 = arith.addi %parallel_loop3A_917, %parallel_loop3A_918 : i32
      %parallel_loop3A_920 = arith.index_cast %parallel_loop3A_919 : i32 to index
      %parallel_loop3A_921 = tpu.vector_load %arg7[%parallel_loop3A_920] {strides = array<i32>} : memref<8192xf32, #tpu.memory_space<vmem>>, vector<16xf32>,
      %parallel_loop3A_922 = arith.fptosi %parallel_loop3A_921 : vector<16xf32> to vector<16xi32>
      %parallel_loop3A_923 = arith.constant 0 : i32
      %parallel_loop3A_924 = arith.index_cast %parallel_loop3A_891 : i32 to index
      %parallel_loop3A_925 = arith.index_cast %parallel_loop3A_923 : i32 to index
      %parallel_loop3A_926 = arith.constant 16 : index
      %parallel_loop3A_927 = tpu.vector_load %arg5[%parallel_loop3A_924, %parallel_loop3A_925, %parallel_loop3A_926] {strides = array<i32>} : memref<64x2x128xf32, #tpu.memory_space<vmem>>, vector<16xf32>,
      %parallel_loop3A_928 = arith.constant 1 : i32
      %parallel_loop3A_929 = arith.index_cast %parallel_loop3A_891 : i32 to index
      %parallel_loop3A_930 = arith.index_cast %parallel_loop3A_928 : i32 to index
      %parallel_loop3A_931 = arith.constant 16 : index
      %parallel_loop3A_932 = tpu.vector_load %arg5[%parallel_loop3A_929, %parallel_loop3A_930, %parallel_loop3A_931] {strides = array<i32>} : memref<64x2x128xf32, #tpu.memory_space<vmem>>, vector<16xf32>,
      %parallel_loop3A_933 = arith.mulf %parallel_loop3A_927, %parallel_loop3A_927 : vector<16xf32>
      %parallel_loop3A_934 = arith.mulf %parallel_loop3A_932, %parallel_loop3A_932 : vector<16xf32>
      %parallel_loop3A_935 = arith.addf %parallel_loop3A_933, %parallel_loop3A_934 : vector<16xf32>
      %parallel_loop3A_936 = arith.constant 16 : i32
      %parallel_loop3A_937 = vector.broadcast %parallel_loop3A_936 : i32 to vector<16xi32>
      %parallel_loop3A_938 = arith.muli %parallel_loop3A_922, %parallel_loop3A_937 : vector<16xi32>
      %parallel_loop3A_939 = arith.addi %parallel_loop3A_938, %add3A_332 : vector<16xi32>
      tpu.vector_store_idx %arg9[%parallel_loop3A_939], %broadcast_in_dim3A_340 {add = true} : memref<640xf32, #tpu.memory_space<vmem>>[vector<16xi32>], vector<16xf32>,
      tpu.vector_store_idx %arg10[%parallel_loop3A_939], %parallel_loop3A_927 {add = true} : memref<640xf32, #tpu.memory_space<vmem>>[vector<16xi32>], vector<16xf32>,
      tpu.vector_store_idx %arg11[%parallel_loop3A_939], %parallel_loop3A_932 {add = true} : memref<640xf32, #tpu.memory_space<vmem>>[vector<16xi32>], vector<16xf32>,
      tpu.vector_store_idx %arg12[%parallel_loop3A_939], %parallel_loop3A_935 {add = true} : memref<640xf32, #tpu.memory_space<vmem>>[vector<16xi32>], vector<16xf32>,
      %parallel_loop3A_940 = arith.constant 128 : i32
      %parallel_loop3A_941 = arith.muli %parallel_loop3A_891, %parallel_loop3A_940 : i32
      %parallel_loop3A_942 = arith.constant 32 : i32
      %parallel_loop3A_943 = arith.addi %parallel_loop3A_941, %parallel_loop3A_942 : i32
      %parallel_loop3A_944 = arith.index_cast %parallel_loop3A_943 : i32 to index
      %parallel_loop3A_945 = tpu.vector_load %arg7[%parallel_loop3A_944] {strides = array<i32>} : memref<8192xf32, #tpu.memory_space<vmem>>, vector<16xf32>,
      %parallel_loop3A_946 = arith.fptosi %parallel_loop3A_945 : vector<16xf32> to vector<16xi32>
      %parallel_loop3A_947 = arith.constant 0 : i32
      %parallel_loop3A_948 = arith.index_cast %parallel_loop3A_891 : i32 to index
      %parallel_loop3A_949 = arith.index_cast %parallel_loop3A_947 : i32 to index
      %parallel_loop3A_950 = arith.constant 32 : index
      %parallel_loop3A_951 = tpu.vector_load %arg5[%parallel_loop3A_948, %parallel_loop3A_949, %parallel_loop3A_950] {strides = array<i32>} : memref<64x2x128xf32, #tpu.memory_space<vmem>>, vector<16xf32>,
      %parallel_loop3A_952 = arith.constant 1 : i32
      %parallel_loop3A_953 = arith.index_cast %parallel_loop3A_891 : i32 to index
      %parallel_loop3A_954 = arith.index_cast %parallel_loop3A_952 : i32 to index
      %parallel_loop3A_955 = arith.constant 32 : index
      %parallel_loop3A_956 = tpu.vector_load %arg5[%parallel_loop3A_953, %parallel_loop3A_954, %parallel_loop3A_955] {strides = array<i32>} : memref<64x2x128xf32, #tpu.memory_space<vmem>>, vector<16xf32>,
      %parallel_loop3A_957 = arith.mulf %parallel_loop3A_951, %parallel_loop3A_951 : vector<16xf32>
      %parallel_loop3A_958 = arith.mulf %parallel_loop3A_956, %parallel_loop3A_956 : vector<16xf32>
      %parallel_loop3A_959 = arith.addf %parallel_loop3A_957, %parallel_loop3A_958 : vector<16xf32>
      %parallel_loop3A_960 = arith.constant 16 : i32
      %parallel_loop3A_961 = vector.broadcast %parallel_loop3A_960 : i32 to vector<16xi32>
      %parallel_loop3A_962 = arith.muli %parallel_loop3A_946, %parallel_loop3A_961 : vector<16xi32>
      %parallel_loop3A_963 = arith.addi %parallel_loop3A_962, %add3A_335 : vector<16xi32>
      tpu.vector_store_idx %arg9[%parallel_loop3A_963], %broadcast_in_dim3A_340 {add = true} : memref<640xf32, #tpu.memory_space<vmem>>[vector<16xi32>], vector<16xf32>,
      tpu.vector_store_idx %arg10[%parallel_loop3A_963], %parallel_loop3A_951 {add = true} : memref<640xf32, #tpu.memory_space<vmem>>[vector<16xi32>], vector<16xf32>,
      tpu.vector_store_idx %arg11[%parallel_loop3A_963], %parallel_loop3A_956 {add = true} : memref<640xf32, #tpu.memory_space<vmem>>[vector<16xi32>], vector<16xf32>,
      tpu.vector_store_idx %arg12[%parallel_loop3A_963], %parallel_loop3A_959 {add = true} : memref<640xf32, #tpu.memory_space<vmem>>[vector<16xi32>], vector<16xf32>,
      %parallel_loop3A_964 = arith.constant 128 : i32
      %parallel_loop3A_965 = arith.muli %parallel_loop3A_891, %parallel_loop3A_964 : i32
      %parallel_loop3A_966 = arith.constant 48 : i32
      %parallel_loop3A_967 = arith.addi %parallel_loop3A_965, %parallel_loop3A_966 : i32
      %parallel_loop3A_968 = arith.index_cast %parallel_loop3A_967 : i32 to index
      %parallel_loop3A_969 = tpu.vector_load %arg7[%parallel_loop3A_968] {strides = array<i32>} : memref<8192xf32, #tpu.memory_space<vmem>>, vector<16xf32>,
      %parallel_loop3A_970 = arith.fptosi %parallel_loop3A_969 : vector<16xf32> to vector<16xi32>
      %parallel_loop3A_971 = arith.constant 0 : i32
      %parallel_loop3A_972 = arith.index_cast %parallel_loop3A_891 : i32 to index
      %parallel_loop3A_973 = arith.index_cast %parallel_loop3A_971 : i32 to index
      %parallel_loop3A_974 = arith.constant 48 : index
      %parallel_loop3A_975 = tpu.vector_load %arg5[%parallel_loop3A_972, %parallel_loop3A_973, %parallel_loop3A_974] {strides = array<i32>} : memref<64x2x128xf32, #tpu.memory_space<vmem>>, vector<16xf32>,
      %parallel_loop3A_976 = arith.constant 1 : i32
      %parallel_loop3A_977 = arith.index_cast %parallel_loop3A_891 : i32 to index
      %parallel_loop3A_978 = arith.index_cast %parallel_loop3A_976 : i32 to index
      %parallel_loop3A_979 = arith.constant 48 : index
      %parallel_loop3A_980 = tpu.vector_load %arg5[%parallel_loop3A_977, %parallel_loop3A_978, %parallel_loop3A_979] {strides = array<i32>} : memref<64x2x128xf32, #tpu.memory_space<vmem>>, vector<16xf32>,
      %parallel_loop3A_981 = arith.mulf %parallel_loop3A_975, %parallel_loop3A_975 : vector<16xf32>
      %parallel_loop3A_982 = arith.mulf %parallel_loop3A_980, %parallel_loop3A_980 : vector<16xf32>
      %parallel_loop3A_983 = arith.addf %parallel_loop3A_981, %parallel_loop3A_982 : vector<16xf32>
      %parallel_loop3A_984 = arith.constant 16 : i32
      %parallel_loop3A_985 = vector.broadcast %parallel_loop3A_984 : i32 to vector<16xi32>
      %parallel_loop3A_986 = arith.muli %parallel_loop3A_970, %parallel_loop3A_985 : vector<16xi32>
      %parallel_loop3A_987 = arith.addi %parallel_loop3A_986, %add3A_338 : vector<16xi32>
      tpu.vector_store_idx %arg9[%parallel_loop3A_987], %broadcast_in_dim3A_340 {add = true} : memref<640xf32, #tpu.memory_space<vmem>>[vector<16xi32>], vector<16xf32>,
      tpu.vector_store_idx %arg10[%parallel_loop3A_987], %parallel_loop3A_975 {add = true} : memref<640xf32, #tpu.memory_space<vmem>>[vector<16xi32>], vector<16xf32>,
      tpu.vector_store_idx %arg11[%parallel_loop3A_987], %parallel_loop3A_980 {add = true} : memref<640xf32, #tpu.memory_space<vmem>>[vector<16xi32>], vector<16xf32>,
      tpu.vector_store_idx %arg12[%parallel_loop3A_987], %parallel_loop3A_983 {add = true} : memref<640xf32, #tpu.memory_space<vmem>>[vector<16xi32>], vector<16xf32>,
      %parallel_loop3A_988 = arith.constant 128 : i32
      %parallel_loop3A_989 = arith.muli %parallel_loop3A_891, %parallel_loop3A_988 : i32
      %parallel_loop3A_990 = arith.constant 64 : i32
      %parallel_loop3A_991 = arith.addi %parallel_loop3A_989, %parallel_loop3A_990 : i32
      %parallel_loop3A_992 = arith.index_cast %parallel_loop3A_991 : i32 to index
      %parallel_loop3A_993 = tpu.vector_load %arg7[%parallel_loop3A_992] {strides = array<i32>} : memref<8192xf32, #tpu.memory_space<vmem>>, vector<16xf32>,
      %parallel_loop3A_994 = arith.fptosi %parallel_loop3A_993 : vector<16xf32> to vector<16xi32>
      %parallel_loop3A_995 = arith.constant 0 : i32
      %parallel_loop3A_996 = arith.index_cast %parallel_loop3A_891 : i32 to index
      %parallel_loop3A_997 = arith.index_cast %parallel_loop3A_995 : i32 to index
      %parallel_loop3A_998 = arith.constant 64 : index
      %parallel_loop3A_999 = tpu.vector_load %arg5[%parallel_loop3A_996, %parallel_loop3A_997, %parallel_loop3A_998] {strides = array<i32>} : memref<64x2x128xf32, #tpu.memory_space<vmem>>, vector<16xf32>,
      %parallel_loop3A_1000 = arith.constant 1 : i32
      %parallel_loop3A_1001 = arith.index_cast %parallel_loop3A_891 : i32 to index
      %parallel_loop3A_1002 = arith.index_cast %parallel_loop3A_1000 : i32 to index
      %parallel_loop3A_1003 = arith.constant 64 : index
      %parallel_loop3A_1004 = tpu.vector_load %arg5[%parallel_loop3A_1001, %parallel_loop3A_1002, %parallel_loop3A_1003] {strides = array<i32>} : memref<64x2x128xf32, #tpu.memory_space<vmem>>, vector<16xf32>,
      %parallel_loop3A_1005 = arith.mulf %parallel_loop3A_999, %parallel_loop3A_999 : vector<16xf32>
      %parallel_loop3A_1006 = arith.mulf %parallel_loop3A_1004, %parallel_loop3A_1004 : vector<16xf32>
      %parallel_loop3A_1007 = arith.addf %parallel_loop3A_1005, %parallel_loop3A_1006 : vector<16xf32>
      %parallel_loop3A_1008 = arith.constant 16 : i32
      %parallel_loop3A_1009 = vector.broadcast %parallel_loop3A_1008 : i32 to vector<16xi32>
      %parallel_loop3A_1010 = arith.muli %parallel_loop3A_994, %parallel_loop3A_1009 : vector<16xi32>
      %parallel_loop3A_1011 = arith.addi %parallel_loop3A_1010, %add3A_329 : vector<16xi32>
      tpu.vector_store_idx %arg9[%parallel_loop3A_1011], %broadcast_in_dim3A_340 {add = true} : memref<640xf32, #tpu.memory_space<vmem>>[vector<16xi32>], vector<16xf32>,
      tpu.vector_store_idx %arg10[%parallel_loop3A_1011], %parallel_loop3A_999 {add = true} : memref<640xf32, #tpu.memory_space<vmem>>[vector<16xi32>], vector<16xf32>,
      tpu.vector_store_idx %arg11[%parallel_loop3A_1011], %parallel_loop3A_1004 {add = true} : memref<640xf32, #tpu.memory_space<vmem>>[vector<16xi32>], vector<16xf32>,
      tpu.vector_store_idx %arg12[%parallel_loop3A_1011], %parallel_loop3A_1007 {add = true} : memref<640xf32, #tpu.memory_space<vmem>>[vector<16xi32>], vector<16xf32>,
      %parallel_loop3A_1012 = arith.constant 128 : i32
      %parallel_loop3A_1013 = arith.muli %parallel_loop3A_891, %parallel_loop3A_1012 : i32
      %parallel_loop3A_1014 = arith.constant 80 : i32
      %parallel_loop3A_1015 = arith.addi %parallel_loop3A_1013, %parallel_loop3A_1014 : i32
      %parallel_loop3A_1016 = arith.index_cast %parallel_loop3A_1015 : i32 to index
      %parallel_loop3A_1017 = tpu.vector_load %arg7[%parallel_loop3A_1016] {strides = array<i32>} : memref<8192xf32, #tpu.memory_space<vmem>>, vector<16xf32>,
      %parallel_loop3A_1018 = arith.fptosi %parallel_loop3A_1017 : vector<16xf32> to vector<16xi32>
      %parallel_loop3A_1019 = arith.constant 0 : i32
      %parallel_loop3A_1020 = arith.index_cast %parallel_loop3A_891 : i32 to index
      %parallel_loop3A_1021 = arith.index_cast %parallel_loop3A_1019 : i32 to index
      %parallel_loop3A_1022 = arith.constant 80 : index
      %parallel_loop3A_1023 = tpu.vector_load %arg5[%parallel_loop3A_1020, %parallel_loop3A_1021, %parallel_loop3A_1022] {strides = array<i32>} : memref<64x2x128xf32, #tpu.memory_space<vmem>>, vector<16xf32>,
      %parallel_loop3A_1024 = arith.constant 1 : i32
      %parallel_loop3A_1025 = arith.index_cast %parallel_loop3A_891 : i32 to index
      %parallel_loop3A_1026 = arith.index_cast %parallel_loop3A_1024 : i32 to index
      %parallel_loop3A_1027 = arith.constant 80 : index
      %parallel_loop3A_1028 = tpu.vector_load %arg5[%parallel_loop3A_1025, %parallel_loop3A_1026, %parallel_loop3A_1027] {strides = array<i32>} : memref<64x2x128xf32, #tpu.memory_space<vmem>>, vector<16xf32>,
      %parallel_loop3A_1029 = arith.mulf %parallel_loop3A_1023, %parallel_loop3A_1023 : vector<16xf32>
      %parallel_loop3A_1030 = arith.mulf %parallel_loop3A_1028, %parallel_loop3A_1028 : vector<16xf32>
      %parallel_loop3A_1031 = arith.addf %parallel_loop3A_1029, %parallel_loop3A_1030 : vector<16xf32>
      %parallel_loop3A_1032 = arith.constant 16 : i32
      %parallel_loop3A_1033 = vector.broadcast %parallel_loop3A_1032 : i32 to vector<16xi32>
      %parallel_loop3A_1034 = arith.muli %parallel_loop3A_1018, %parallel_loop3A_1033 : vector<16xi32>
      %parallel_loop3A_1035 = arith.addi %parallel_loop3A_1034, %add3A_332 : vector<16xi32>
      tpu.vector_store_idx %arg9[%parallel_loop3A_1035], %broadcast_in_dim3A_340 {add = true} : memref<640xf32, #tpu.memory_space<vmem>>[vector<16xi32>], vector<16xf32>,
      tpu.vector_store_idx %arg10[%parallel_loop3A_1035], %parallel_loop3A_1023 {add = true} : memref<640xf32, #tpu.memory_space<vmem>>[vector<16xi32>], vector<16xf32>,
      tpu.vector_store_idx %arg11[%parallel_loop3A_1035], %parallel_loop3A_1028 {add = true} : memref<640xf32, #tpu.memory_space<vmem>>[vector<16xi32>], vector<16xf32>,
      tpu.vector_store_idx %arg12[%parallel_loop3A_1035], %parallel_loop3A_1031 {add = true} : memref<640xf32, #tpu.memory_space<vmem>>[vector<16xi32>], vector<16xf32>,
      %parallel_loop3A_1036 = arith.constant 128 : i32
      %parallel_loop3A_1037 = arith.muli %parallel_loop3A_891, %parallel_loop3A_1036 : i32
      %parallel_loop3A_1038 = arith.constant 96 : i32
      %parallel_loop3A_1039 = arith.addi %parallel_loop3A_1037, %parallel_loop3A_1038 : i32
      %parallel_loop3A_1040 = arith.index_cast %parallel_loop3A_1039 : i32 to index
      %parallel_loop3A_1041 = tpu.vector_load %arg7[%parallel_loop3A_1040] {strides = array<i32>} : memref<8192xf32, #tpu.memory_space<vmem>>, vector<16xf32>,
      %parallel_loop3A_1042 = arith.fptosi %parallel_loop3A_1041 : vector<16xf32> to vector<16xi32>
      %parallel_loop3A_1043 = arith.constant 0 : i32
      %parallel_loop3A_1044 = arith.index_cast %parallel_loop3A_891 : i32 to index
      %parallel_loop3A_1045 = arith.index_cast %parallel_loop3A_1043 : i32 to index
      %parallel_loop3A_1046 = arith.constant 96 : index
      %parallel_loop3A_1047 = tpu.vector_load %arg5[%parallel_loop3A_1044, %parallel_loop3A_1045, %parallel_loop3A_1046] {strides = array<i32>} : memref<64x2x128xf32, #tpu.memory_space<vmem>>, vector<16xf32>,
      %parallel_loop3A_1048 = arith.constant 1 : i32
      %parallel_loop3A_1049 = arith.index_cast %parallel_loop3A_891 : i32 to index
      %parallel_loop3A_1050 = arith.index_cast %parallel_loop3A_1048 : i32 to index
      %parallel_loop3A_1051 = arith.constant 96 : index
      %parallel_loop3A_1052 = tpu.vector_load %arg5[%parallel_loop3A_1049, %parallel_loop3A_1050, %parallel_loop3A_1051] {strides = array<i32>} : memref<64x2x128xf32, #tpu.memory_space<vmem>>, vector<16xf32>,
      %parallel_loop3A_1053 = arith.mulf %parallel_loop3A_1047, %parallel_loop3A_1047 : vector<16xf32>
      %parallel_loop3A_1054 = arith.mulf %parallel_loop3A_1052, %parallel_loop3A_1052 : vector<16xf32>
      %parallel_loop3A_1055 = arith.addf %parallel_loop3A_1053, %parallel_loop3A_1054 : vector<16xf32>
      %parallel_loop3A_1056 = arith.constant 16 : i32
      %parallel_loop3A_1057 = vector.broadcast %parallel_loop3A_1056 : i32 to vector<16xi32>
      %parallel_loop3A_1058 = arith.muli %parallel_loop3A_1042, %parallel_loop3A_1057 : vector<16xi32>
      %parallel_loop3A_1059 = arith.addi %parallel_loop3A_1058, %add3A_335 : vector<16xi32>
      tpu.vector_store_idx %arg9[%parallel_loop3A_1059], %broadcast_in_dim3A_340 {add = true} : memref<640xf32, #tpu.memory_space<vmem>>[vector<16xi32>], vector<16xf32>,
      tpu.vector_store_idx %arg10[%parallel_loop3A_1059], %parallel_loop3A_1047 {add = true} : memref<640xf32, #tpu.memory_space<vmem>>[vector<16xi32>], vector<16xf32>,
      tpu.vector_store_idx %arg11[%parallel_loop3A_1059], %parallel_loop3A_1052 {add = true} : memref<640xf32, #tpu.memory_space<vmem>>[vector<16xi32>], vector<16xf32>,
      tpu.vector_store_idx %arg12[%parallel_loop3A_1059], %parallel_loop3A_1055 {add = true} : memref<640xf32, #tpu.memory_space<vmem>>[vector<16xi32>], vector<16xf32>,
      %parallel_loop3A_1060 = arith.constant 128 : i32
      %parallel_loop3A_1061 = arith.muli %parallel_loop3A_891, %parallel_loop3A_1060 : i32
      %parallel_loop3A_1062 = arith.constant 112 : i32
      %parallel_loop3A_1063 = arith.addi %parallel_loop3A_1061, %parallel_loop3A_1062 : i32
      %parallel_loop3A_1064 = arith.index_cast %parallel_loop3A_1063 : i32 to index
      %parallel_loop3A_1065 = tpu.vector_load %arg7[%parallel_loop3A_1064] {strides = array<i32>} : memref<8192xf32, #tpu.memory_space<vmem>>, vector<16xf32>,
      %parallel_loop3A_1066 = arith.fptosi %parallel_loop3A_1065 : vector<16xf32> to vector<16xi32>
      %parallel_loop3A_1067 = arith.constant 0 : i32
      %parallel_loop3A_1068 = arith.index_cast %parallel_loop3A_891 : i32 to index
      %parallel_loop3A_1069 = arith.index_cast %parallel_loop3A_1067 : i32 to index
      %parallel_loop3A_1070 = arith.constant 112 : index
      %parallel_loop3A_1071 = tpu.vector_load %arg5[%parallel_loop3A_1068, %parallel_loop3A_1069, %parallel_loop3A_1070] {strides = array<i32>} : memref<64x2x128xf32, #tpu.memory_space<vmem>>, vector<16xf32>,
      %parallel_loop3A_1072 = arith.constant 1 : i32
      %parallel_loop3A_1073 = arith.index_cast %parallel_loop3A_891 : i32 to index
      %parallel_loop3A_1074 = arith.index_cast %parallel_loop3A_1072 : i32 to index
      %parallel_loop3A_1075 = arith.constant 112 : index
      %parallel_loop3A_1076 = tpu.vector_load %arg5[%parallel_loop3A_1073, %parallel_loop3A_1074, %parallel_loop3A_1075] {strides = array<i32>} : memref<64x2x128xf32, #tpu.memory_space<vmem>>, vector<16xf32>,
      %parallel_loop3A_1077 = arith.mulf %parallel_loop3A_1071, %parallel_loop3A_1071 : vector<16xf32>
      %parallel_loop3A_1078 = arith.mulf %parallel_loop3A_1076, %parallel_loop3A_1076 : vector<16xf32>
      %parallel_loop3A_1079 = arith.addf %parallel_loop3A_1077, %parallel_loop3A_1078 : vector<16xf32>
      %parallel_loop3A_1080 = arith.constant 16 : i32
      %parallel_loop3A_1081 = vector.broadcast %parallel_loop3A_1080 : i32 to vector<16xi32>
      %parallel_loop3A_1082 = arith.muli %parallel_loop3A_1066, %parallel_loop3A_1081 : vector<16xi32>
      %parallel_loop3A_1083 = arith.addi %parallel_loop3A_1082, %add3A_338 : vector<16xi32>
      tpu.vector_store_idx %arg9[%parallel_loop3A_1083], %broadcast_in_dim3A_340 {add = true} : memref<640xf32, #tpu.memory_space<vmem>>[vector<16xi32>], vector<16xf32>,
      tpu.vector_store_idx %arg10[%parallel_loop3A_1083], %parallel_loop3A_1071 {add = true} : memref<640xf32, #tpu.memory_space<vmem>>[vector<16xi32>], vector<16xf32>,
      tpu.vector_store_idx %arg11[%parallel_loop3A_1083], %parallel_loop3A_1076 {add = true} : memref<640xf32, #tpu.memory_space<vmem>>[vector<16xi32>], vector<16xf32>,
      tpu.vector_store_idx %arg12[%parallel_loop3A_1083], %parallel_loop3A_1079 {add = true} : memref<640xf32, #tpu.memory_space<vmem>>[vector<16xi32>], vector<16xf32>,
    } {sc.loop_unroll_factor = 2 : i64, sc.parallel_access}
    %get3A = arith.constant 0 : index
    %get3A_369 = tpu.vector_load %arg9[%get3A] {strides = array<i32>} : memref<640xf32, #tpu.memory_space<vmem>>, vector<16xf32>,
    %get3A_370 = arith.constant 160 : index
    %get3A_371 = tpu.vector_load %arg9[%get3A_370] {strides = array<i32>} : memref<640xf32, #tpu.memory_space<vmem>>, vector<16xf32>,
    %add3A_372 = arith.addf %get3A_369, %get3A_371 : vector<16xf32>
    %get3A_373 = arith.constant 320 : index
    %get3A_374 = tpu.vector_load %arg9[%get3A_373] {strides = array<i32>} : memref<640xf32, #tpu.memory_space<vmem>>, vector<16xf32>,
    %add3A_375 = arith.addf %add3A_372, %get3A_374 : vector<16xf32>
    %get3A_376 = arith.constant 480 : index
    %get3A_377 = tpu.vector_load %arg9[%get3A_376] {strides = array<i32>} : memref<640xf32, #tpu.memory_space<vmem>>, vector<16xf32>,
    %add3A_378 = arith.addf %add3A_375, %get3A_377 : vector<16xf32>
    %swap3A_379 = arith.constant 0 : index
    %swap3A_380 = tpu.vector_load %arg13[%swap3A_379] {strides = array<i32>} : memref<160xf32, #tpu.memory_space<vmem>>, vector<16xf32>,
    tpu.vector_store %arg13[%swap3A_379], %add3A_378 {strides = array<i32>} : memref<160xf32, #tpu.memory_space<vmem>>, vector<16xf32>,
    %get3A_381 = arith.constant 16 : index
    %get3A_382 = tpu.vector_load %arg9[%get3A_381] {strides = array<i32>} : memref<640xf32, #tpu.memory_space<vmem>>, vector<16xf32>,
    %get3A_383 = arith.constant 176 : index
    %get3A_384 = tpu.vector_load %arg9[%get3A_383] {strides = array<i32>} : memref<640xf32, #tpu.memory_space<vmem>>, vector<16xf32>,
    %add3A_385 = arith.addf %get3A_382, %get3A_384 : vector<16xf32>
    %get3A_386 = arith.constant 336 : index
    %get3A_387 = tpu.vector_load %arg9[%get3A_386] {strides = array<i32>} : memref<640xf32, #tpu.memory_space<vmem>>, vector<16xf32>,
    %add3A_388 = arith.addf %add3A_385, %get3A_387 : vector<16xf32>
    %get3A_389 = arith.constant 496 : index
    %get3A_390 = tpu.vector_load %arg9[%get3A_389] {strides = array<i32>} : memref<640xf32, #tpu.memory_space<vmem>>, vector<16xf32>,
    %add3A_391 = arith.addf %add3A_388, %get3A_390 : vector<16xf32>
    %swap3A_392 = arith.constant 16 : index
    %swap3A_393 = tpu.vector_load %arg13[%swap3A_392] {strides = array<i32>} : memref<160xf32, #tpu.memory_space<vmem>>, vector<16xf32>,
    tpu.vector_store %arg13[%swap3A_392], %add3A_391 {strides = array<i32>} : memref<160xf32, #tpu.memory_space<vmem>>, vector<16xf32>,
    %get3A_394 = arith.constant 32 : index
    %get3A_395 = tpu.vector_load %arg9[%get3A_394] {strides = array<i32>} : memref<640xf32, #tpu.memory_space<vmem>>, vector<16xf32>,
    %get3A_396 = arith.constant 192 : index
    %get3A_397 = tpu.vector_load %arg9[%get3A_396] {strides = array<i32>} : memref<640xf32, #tpu.memory_space<vmem>>, vector<16xf32>,
    %add3A_398 = arith.addf %get3A_395, %get3A_397 : vector<16xf32>
    %get3A_399 = arith.constant 352 : index
    %get3A_400 = tpu.vector_load %arg9[%get3A_399] {strides = array<i32>} : memref<640xf32, #tpu.memory_space<vmem>>, vector<16xf32>,
    %add3A_401 = arith.addf %add3A_398, %get3A_400 : vector<16xf32>
    %get3A_402 = arith.constant 512 : index
    %get3A_403 = tpu.vector_load %arg9[%get3A_402] {strides = array<i32>} : memref<640xf32, #tpu.memory_space<vmem>>, vector<16xf32>,
    %add3A_404 = arith.addf %add3A_401, %get3A_403 : vector<16xf32>
    %swap3A_405 = arith.constant 32 : index
    %swap3A_406 = tpu.vector_load %arg13[%swap3A_405] {strides = array<i32>} : memref<160xf32, #tpu.memory_space<vmem>>, vector<16xf32>,
    tpu.vector_store %arg13[%swap3A_405], %add3A_404 {strides = array<i32>} : memref<160xf32, #tpu.memory_space<vmem>>, vector<16xf32>,
    %get3A_407 = arith.constant 48 : index
    %get3A_408 = tpu.vector_load %arg9[%get3A_407] {strides = array<i32>} : memref<640xf32, #tpu.memory_space<vmem>>, vector<16xf32>,
    %get3A_409 = arith.constant 208 : index
    %get3A_410 = tpu.vector_load %arg9[%get3A_409] {strides = array<i32>} : memref<640xf32, #tpu.memory_space<vmem>>, vector<16xf32>,
    %add3A_411 = arith.addf %get3A_408, %get3A_410 : vector<16xf32>
    %get3A_412 = arith.constant 368 : index
    %get3A_413 = tpu.vector_load %arg9[%get3A_412] {strides = array<i32>} : memref<640xf32, #tpu.memory_space<vmem>>, vector<16xf32>,
    %add3A_414 = arith.addf %add3A_411, %get3A_413 : vector<16xf32>
    %get3A_415 = arith.constant 528 : index
    %get3A_416 = tpu.vector_load %arg9[%get3A_415] {strides = array<i32>} : memref<640xf32, #tpu.memory_space<vmem>>, vector<16xf32>,
    %add3A_417 = arith.addf %add3A_414, %get3A_416 : vector<16xf32>
    %swap3A_418 = arith.constant 48 : index
    %swap3A_419 = tpu.vector_load %arg13[%swap3A_418] {strides = array<i32>} : memref<160xf32, #tpu.memory_space<vmem>>, vector<16xf32>,
    tpu.vector_store %arg13[%swap3A_418], %add3A_417 {strides = array<i32>} : memref<160xf32, #tpu.memory_space<vmem>>, vector<16xf32>,
    %get3A_420 = arith.constant 64 : index
    %get3A_421 = tpu.vector_load %arg9[%get3A_420] {strides = array<i32>} : memref<640xf32, #tpu.memory_space<vmem>>, vector<16xf32>,
    %get3A_422 = arith.constant 224 : index
    %get3A_423 = tpu.vector_load %arg9[%get3A_422] {strides = array<i32>} : memref<640xf32, #tpu.memory_space<vmem>>, vector<16xf32>,
    %add3A_424 = arith.addf %get3A_421, %get3A_423 : vector<16xf32>
    %get3A_425 = arith.constant 384 : index
    %get3A_426 = tpu.vector_load %arg9[%get3A_425] {strides = array<i32>} : memref<640xf32, #tpu.memory_space<vmem>>, vector<16xf32>,
    %add3A_427 = arith.addf %add3A_424, %get3A_426 : vector<16xf32>
    %get3A_428 = arith.constant 544 : index
    %get3A_429 = tpu.vector_load %arg9[%get3A_428] {strides = array<i32>} : memref<640xf32, #tpu.memory_space<vmem>>, vector<16xf32>,
    %add3A_430 = arith.addf %add3A_427, %get3A_429 : vector<16xf32>
    %swap3A_431 = arith.constant 64 : index
    %swap3A_432 = tpu.vector_load %arg13[%swap3A_431] {strides = array<i32>} : memref<160xf32, #tpu.memory_space<vmem>>, vector<16xf32>,
    tpu.vector_store %arg13[%swap3A_431], %add3A_430 {strides = array<i32>} : memref<160xf32, #tpu.memory_space<vmem>>, vector<16xf32>,
    %get3A_433 = arith.constant 80 : index
    %get3A_434 = tpu.vector_load %arg9[%get3A_433] {strides = array<i32>} : memref<640xf32, #tpu.memory_space<vmem>>, vector<16xf32>,
    %get3A_435 = arith.constant 240 : index
    %get3A_436 = tpu.vector_load %arg9[%get3A_435] {strides = array<i32>} : memref<640xf32, #tpu.memory_space<vmem>>, vector<16xf32>,
    %add3A_437 = arith.addf %get3A_434, %get3A_436 : vector<16xf32>
    %get3A_438 = arith.constant 400 : index
    %get3A_439 = tpu.vector_load %arg9[%get3A_438] {strides = array<i32>} : memref<640xf32, #tpu.memory_space<vmem>>, vector<16xf32>,
    %add3A_440 = arith.addf %add3A_437, %get3A_439 : vector<16xf32>
    %get3A_441 = arith.constant 560 : index
    %get3A_442 = tpu.vector_load %arg9[%get3A_441] {strides = array<i32>} : memref<640xf32, #tpu.memory_space<vmem>>, vector<16xf32>,
    %add3A_443 = arith.addf %add3A_440, %get3A_442 : vector<16xf32>
    %swap3A_444 = arith.constant 80 : index
    %swap3A_445 = tpu.vector_load %arg13[%swap3A_444] {strides = array<i32>} : memref<160xf32, #tpu.memory_space<vmem>>, vector<16xf32>,
    tpu.vector_store %arg13[%swap3A_444], %add3A_443 {strides = array<i32>} : memref<160xf32, #tpu.memory_space<vmem>>, vector<16xf32>,
    %get3A_446 = arith.constant 96 : index
    %get3A_447 = tpu.vector_load %arg9[%get3A_446] {strides = array<i32>} : memref<640xf32, #tpu.memory_space<vmem>>, vector<16xf32>,
    %get3A_448 = arith.constant 256 : index
    %get3A_449 = tpu.vector_load %arg9[%get3A_448] {strides = array<i32>} : memref<640xf32, #tpu.memory_space<vmem>>, vector<16xf32>,
    %add3A_450 = arith.addf %get3A_447, %get3A_449 : vector<16xf32>
    %get3A_451 = arith.constant 416 : index
    %get3A_452 = tpu.vector_load %arg9[%get3A_451] {strides = array<i32>} : memref<640xf32, #tpu.memory_space<vmem>>, vector<16xf32>,
    %add3A_453 = arith.addf %add3A_450, %get3A_452 : vector<16xf32>
    %get3A_454 = arith.constant 576 : index
    %get3A_455 = tpu.vector_load %arg9[%get3A_454] {strides = array<i32>} : memref<640xf32, #tpu.memory_space<vmem>>, vector<16xf32>,
    %add3A_456 = arith.addf %add3A_453, %get3A_455 : vector<16xf32>
    %swap3A_457 = arith.constant 96 : index
    %swap3A_458 = tpu.vector_load %arg13[%swap3A_457] {strides = array<i32>} : memref<160xf32, #tpu.memory_space<vmem>>, vector<16xf32>,
    tpu.vector_store %arg13[%swap3A_457], %add3A_456 {strides = array<i32>} : memref<160xf32, #tpu.memory_space<vmem>>, vector<16xf32>,
    %get3A_459 = arith.constant 112 : index
    %get3A_460 = tpu.vector_load %arg9[%get3A_459] {strides = array<i32>} : memref<640xf32, #tpu.memory_space<vmem>>, vector<16xf32>,
    %get3A_461 = arith.constant 272 : index
    %get3A_462 = tpu.vector_load %arg9[%get3A_461] {strides = array<i32>} : memref<640xf32, #tpu.memory_space<vmem>>, vector<16xf32>,
    %add3A_463 = arith.addf %get3A_460, %get3A_462 : vector<16xf32>
    %get3A_464 = arith.constant 432 : index
    %get3A_465 = tpu.vector_load %arg9[%get3A_464] {strides = array<i32>} : memref<640xf32, #tpu.memory_space<vmem>>, vector<16xf32>,
    %add3A_466 = arith.addf %add3A_463, %get3A_465 : vector<16xf32>
    %get3A_467 = arith.constant 592 : index
    %get3A_468 = tpu.vector_load %arg9[%get3A_467] {strides = array<i32>} : memref<640xf32, #tpu.memory_space<vmem>>, vector<16xf32>,
    %add3A_469 = arith.addf %add3A_466, %get3A_468 : vector<16xf32>
    %swap3A_470 = arith.constant 112 : index
    %swap3A_471 = tpu.vector_load %arg13[%swap3A_470] {strides = array<i32>} : memref<160xf32, #tpu.memory_space<vmem>>, vector<16xf32>,
    tpu.vector_store %arg13[%swap3A_470], %add3A_469 {strides = array<i32>} : memref<160xf32, #tpu.memory_space<vmem>>, vector<16xf32>,
    %get3A_472 = arith.constant 128 : index
    %get3A_473 = tpu.vector_load %arg9[%get3A_472] {strides = array<i32>} : memref<640xf32, #tpu.memory_space<vmem>>, vector<16xf32>,
    %get3A_474 = arith.constant 288 : index
    %get3A_475 = tpu.vector_load %arg9[%get3A_474] {strides = array<i32>} : memref<640xf32, #tpu.memory_space<vmem>>, vector<16xf32>,
    %add3A_476 = arith.addf %get3A_473, %get3A_475 : vector<16xf32>
    %get3A_477 = arith.constant 448 : index
    %get3A_478 = tpu.vector_load %arg9[%get3A_477] {strides = array<i32>} : memref<640xf32, #tpu.memory_space<vmem>>, vector<16xf32>,
    %add3A_479 = arith.addf %add3A_476, %get3A_478 : vector<16xf32>
    %get3A_480 = arith.constant 608 : index
    %get3A_481 = tpu.vector_load %arg9[%get3A_480] {strides = array<i32>} : memref<640xf32, #tpu.memory_space<vmem>>, vector<16xf32>,
    %add3A_482 = arith.addf %add3A_479, %get3A_481 : vector<16xf32>
    %swap3A_483 = arith.constant 128 : index
    %swap3A_484 = tpu.vector_load %arg13[%swap3A_483] {strides = array<i32>} : memref<160xf32, #tpu.memory_space<vmem>>, vector<16xf32>,
    tpu.vector_store %arg13[%swap3A_483], %add3A_482 {strides = array<i32>} : memref<160xf32, #tpu.memory_space<vmem>>, vector<16xf32>,
    %get3A_485 = arith.constant 144 : index
    %get3A_486 = tpu.vector_load %arg9[%get3A_485] {strides = array<i32>} : memref<640xf32, #tpu.memory_space<vmem>>, vector<16xf32>,
    %get3A_487 = arith.constant 304 : index
    %get3A_488 = tpu.vector_load %arg9[%get3A_487] {strides = array<i32>} : memref<640xf32, #tpu.memory_space<vmem>>, vector<16xf32>,
    %add3A_489 = arith.addf %get3A_486, %get3A_488 : vector<16xf32>
    %get3A_490 = arith.constant 464 : index
    %get3A_491 = tpu.vector_load %arg9[%get3A_490] {strides = array<i32>} : memref<640xf32, #tpu.memory_space<vmem>>, vector<16xf32>,
    %add3A_492 = arith.addf %add3A_489, %get3A_491 : vector<16xf32>
    %get3A_493 = arith.constant 624 : index
    %get3A_494 = tpu.vector_load %arg9[%get3A_493] {strides = array<i32>} : memref<640xf32, #tpu.memory_space<vmem>>, vector<16xf32>,
    %add3A_495 = arith.addf %add3A_492, %get3A_494 : vector<16xf32>
    %swap3A_496 = arith.constant 144 : index
    %swap3A_497 = tpu.vector_load %arg13[%swap3A_496] {strides = array<i32>} : memref<160xf32, #tpu.memory_space<vmem>>, vector<16xf32>,
    tpu.vector_store %arg13[%swap3A_496], %add3A_495 {strides = array<i32>} : memref<160xf32, #tpu.memory_space<vmem>>, vector<16xf32>,
    %run_scoped3A = arith.constant 0 : i32
    "tpu.region"() ({
      %run_scoped3A_891 = tpu.sem_alloc : memref<!tpu.dma_semaphore, #tpu.memory_space<semaphore_mem>>
      %dma_start3A_892 = arith.constant 0 : i32
      %dma_start3A_893 = tpu.memref_slice %arg4[%add3A, %run_scoped3A, %dma_start3A_892] : memref<32x4x160xf32, #tpu.memory_space<hbm>> -> memref<1x1x160xf32, #tpu.memory_space<hbm>>
      %dma_start3A_894 = tpu.memref_squeeze %dma_start3A_893 : memref<1x1x160xf32, #tpu.memory_space<hbm>> -> memref<160xf32, #tpu.memory_space<hbm>>
      %dma_start3A_895 = arith.constant 0 : i32
      %dma_start3A_896 = tpu.memref_slice %arg4[%add3A, %run_scoped3A, %dma_start3A_895] : memref<32x4x160xf32, #tpu.memory_space<hbm>> -> memref<1x1x160xf32, #tpu.memory_space<hbm>>
      %dma_start3A_897 = tpu.memref_squeeze %dma_start3A_896 : memref<1x1x160xf32, #tpu.memory_space<hbm>> -> memref<160xf32, #tpu.memory_space<hbm>>
      tpu.enqueue_dma source(%arg13 : memref<160xf32, #tpu.memory_space<vmem>>) target(%dma_start3A_897 : memref<160xf32, #tpu.memory_space<hbm>>) target_semaphore(%run_scoped3A_891 : memref<!tpu.dma_semaphore, #tpu.memory_space<semaphore_mem>>)
      %dma_wait3A_898 = arith.constant 0 : i32
      %dma_wait3A_899 = tpu.memref_slice %arg4[%add3A, %run_scoped3A, %dma_wait3A_898] : memref<32x4x160xf32, #tpu.memory_space<hbm>> -> memref<1x1x160xf32, #tpu.memory_space<hbm>>
      %dma_wait3A_900 = tpu.memref_squeeze %dma_wait3A_899 : memref<1x1x160xf32, #tpu.memory_space<hbm>> -> memref<160xf32, #tpu.memory_space<hbm>>
      %dma_wait3A_901 = arith.constant 0 : i32
      %dma_wait3A_902 = tpu.memref_slice %arg4[%add3A, %run_scoped3A, %dma_wait3A_901] : memref<32x4x160xf32, #tpu.memory_space<hbm>> -> memref<1x1x160xf32, #tpu.memory_space<hbm>>
      %dma_wait3A_903 = tpu.memref_squeeze %dma_wait3A_902 : memref<1x1x160xf32, #tpu.memory_space<hbm>> -> memref<160xf32, #tpu.memory_space<hbm>>
      tpu.wait_dma2 semaphore(%run_scoped3A_891 : memref<!tpu.dma_semaphore, #tpu.memory_space<semaphore_mem>>) src(%arg13 : memref<160xf32, #tpu.memory_space<vmem>>) dst(%dma_wait3A_903 : memref<160xf32, #tpu.memory_space<hbm>>)
      tpu.yield
    }) : () -> ()
    %get3A_498 = arith.constant 0 : index
    %get3A_499 = tpu.vector_load %arg10[%get3A_498] {strides = array<i32>} : memref<640xf32, #tpu.memory_space<vmem>>, vector<16xf32>,
    %get3A_500 = arith.constant 160 : index
    %get3A_501 = tpu.vector_load %arg10[%get3A_500] {strides = array<i32>} : memref<640xf32, #tpu.memory_space<vmem>>, vector<16xf32>,
    %add3A_502 = arith.addf %get3A_499, %get3A_501 : vector<16xf32>
    %get3A_503 = arith.constant 320 : index
    %get3A_504 = tpu.vector_load %arg10[%get3A_503] {strides = array<i32>} : memref<640xf32, #tpu.memory_space<vmem>>, vector<16xf32>,
    %add3A_505 = arith.addf %add3A_502, %get3A_504 : vector<16xf32>
    %get3A_506 = arith.constant 480 : index
    %get3A_507 = tpu.vector_load %arg10[%get3A_506] {strides = array<i32>} : memref<640xf32, #tpu.memory_space<vmem>>, vector<16xf32>,
    %add3A_508 = arith.addf %add3A_505, %get3A_507 : vector<16xf32>
    %swap3A_509 = arith.constant 0 : index
    %swap3A_510 = tpu.vector_load %arg13[%swap3A_509] {strides = array<i32>} : memref<160xf32, #tpu.memory_space<vmem>>, vector<16xf32>,
    tpu.vector_store %arg13[%swap3A_509], %add3A_508 {strides = array<i32>} : memref<160xf32, #tpu.memory_space<vmem>>, vector<16xf32>,
    %get3A_511 = arith.constant 16 : index
    %get3A_512 = tpu.vector_load %arg10[%get3A_511] {strides = array<i32>} : memref<640xf32, #tpu.memory_space<vmem>>, vector<16xf32>,
    %get3A_513 = arith.constant 176 : index
    %get3A_514 = tpu.vector_load %arg10[%get3A_513] {strides = array<i32>} : memref<640xf32, #tpu.memory_space<vmem>>, vector<16xf32>,
    %add3A_515 = arith.addf %get3A_512, %get3A_514 : vector<16xf32>
    %get3A_516 = arith.constant 336 : index
    %get3A_517 = tpu.vector_load %arg10[%get3A_516] {strides = array<i32>} : memref<640xf32, #tpu.memory_space<vmem>>, vector<16xf32>,
    %add3A_518 = arith.addf %add3A_515, %get3A_517 : vector<16xf32>
    %get3A_519 = arith.constant 496 : index
    %get3A_520 = tpu.vector_load %arg10[%get3A_519] {strides = array<i32>} : memref<640xf32, #tpu.memory_space<vmem>>, vector<16xf32>,
    %add3A_521 = arith.addf %add3A_518, %get3A_520 : vector<16xf32>
    %swap3A_522 = arith.constant 16 : index
    %swap3A_523 = tpu.vector_load %arg13[%swap3A_522] {strides = array<i32>} : memref<160xf32, #tpu.memory_space<vmem>>, vector<16xf32>,
    tpu.vector_store %arg13[%swap3A_522], %add3A_521 {strides = array<i32>} : memref<160xf32, #tpu.memory_space<vmem>>, vector<16xf32>,
    %get3A_524 = arith.constant 32 : index
    %get3A_525 = tpu.vector_load %arg10[%get3A_524] {strides = array<i32>} : memref<640xf32, #tpu.memory_space<vmem>>, vector<16xf32>,
    %get3A_526 = arith.constant 192 : index
    %get3A_527 = tpu.vector_load %arg10[%get3A_526] {strides = array<i32>} : memref<640xf32, #tpu.memory_space<vmem>>, vector<16xf32>,
    %add3A_528 = arith.addf %get3A_525, %get3A_527 : vector<16xf32>
    %get3A_529 = arith.constant 352 : index
    %get3A_530 = tpu.vector_load %arg10[%get3A_529] {strides = array<i32>} : memref<640xf32, #tpu.memory_space<vmem>>, vector<16xf32>,
    %add3A_531 = arith.addf %add3A_528, %get3A_530 : vector<16xf32>
    %get3A_532 = arith.constant 512 : index
    %get3A_533 = tpu.vector_load %arg10[%get3A_532] {strides = array<i32>} : memref<640xf32, #tpu.memory_space<vmem>>, vector<16xf32>,
    %add3A_534 = arith.addf %add3A_531, %get3A_533 : vector<16xf32>
    %swap3A_535 = arith.constant 32 : index
    %swap3A_536 = tpu.vector_load %arg13[%swap3A_535] {strides = array<i32>} : memref<160xf32, #tpu.memory_space<vmem>>, vector<16xf32>,
    tpu.vector_store %arg13[%swap3A_535], %add3A_534 {strides = array<i32>} : memref<160xf32, #tpu.memory_space<vmem>>, vector<16xf32>,
    %get3A_537 = arith.constant 48 : index
    %get3A_538 = tpu.vector_load %arg10[%get3A_537] {strides = array<i32>} : memref<640xf32, #tpu.memory_space<vmem>>, vector<16xf32>,
    %get3A_539 = arith.constant 208 : index
    %get3A_540 = tpu.vector_load %arg10[%get3A_539] {strides = array<i32>} : memref<640xf32, #tpu.memory_space<vmem>>, vector<16xf32>,
    %add3A_541 = arith.addf %get3A_538, %get3A_540 : vector<16xf32>
    %get3A_542 = arith.constant 368 : index
    %get3A_543 = tpu.vector_load %arg10[%get3A_542] {strides = array<i32>} : memref<640xf32, #tpu.memory_space<vmem>>, vector<16xf32>,
    %add3A_544 = arith.addf %add3A_541, %get3A_543 : vector<16xf32>
    %get3A_545 = arith.constant 528 : index
    %get3A_546 = tpu.vector_load %arg10[%get3A_545] {strides = array<i32>} : memref<640xf32, #tpu.memory_space<vmem>>, vector<16xf32>,
    %add3A_547 = arith.addf %add3A_544, %get3A_546 : vector<16xf32>
    %swap3A_548 = arith.constant 48 : index
    %swap3A_549 = tpu.vector_load %arg13[%swap3A_548] {strides = array<i32>} : memref<160xf32, #tpu.memory_space<vmem>>, vector<16xf32>,
    tpu.vector_store %arg13[%swap3A_548], %add3A_547 {strides = array<i32>} : memref<160xf32, #tpu.memory_space<vmem>>, vector<16xf32>,
    %get3A_550 = arith.constant 64 : index
    %get3A_551 = tpu.vector_load %arg10[%get3A_550] {strides = array<i32>} : memref<640xf32, #tpu.memory_space<vmem>>, vector<16xf32>,
    %get3A_552 = arith.constant 224 : index
    %get3A_553 = tpu.vector_load %arg10[%get3A_552] {strides = array<i32>} : memref<640xf32, #tpu.memory_space<vmem>>, vector<16xf32>,
    %add3A_554 = arith.addf %get3A_551, %get3A_553 : vector<16xf32>
    %get3A_555 = arith.constant 384 : index
    %get3A_556 = tpu.vector_load %arg10[%get3A_555] {strides = array<i32>} : memref<640xf32, #tpu.memory_space<vmem>>, vector<16xf32>,
    %add3A_557 = arith.addf %add3A_554, %get3A_556 : vector<16xf32>
    %get3A_558 = arith.constant 544 : index
    %get3A_559 = tpu.vector_load %arg10[%get3A_558] {strides = array<i32>} : memref<640xf32, #tpu.memory_space<vmem>>, vector<16xf32>,
    %add3A_560 = arith.addf %add3A_557, %get3A_559 : vector<16xf32>
    %swap3A_561 = arith.constant 64 : index
    %swap3A_562 = tpu.vector_load %arg13[%swap3A_561] {strides = array<i32>} : memref<160xf32, #tpu.memory_space<vmem>>, vector<16xf32>,
    tpu.vector_store %arg13[%swap3A_561], %add3A_560 {strides = array<i32>} : memref<160xf32, #tpu.memory_space<vmem>>, vector<16xf32>,
    %get3A_563 = arith.constant 80 : index
    %get3A_564 = tpu.vector_load %arg10[%get3A_563] {strides = array<i32>} : memref<640xf32, #tpu.memory_space<vmem>>, vector<16xf32>,
    %get3A_565 = arith.constant 240 : index
    %get3A_566 = tpu.vector_load %arg10[%get3A_565] {strides = array<i32>} : memref<640xf32, #tpu.memory_space<vmem>>, vector<16xf32>,
    %add3A_567 = arith.addf %get3A_564, %get3A_566 : vector<16xf32>
    %get3A_568 = arith.constant 400 : index
    %get3A_569 = tpu.vector_load %arg10[%get3A_568] {strides = array<i32>} : memref<640xf32, #tpu.memory_space<vmem>>, vector<16xf32>,
    %add3A_570 = arith.addf %add3A_567, %get3A_569 : vector<16xf32>
    %get3A_571 = arith.constant 560 : index
    %get3A_572 = tpu.vector_load %arg10[%get3A_571] {strides = array<i32>} : memref<640xf32, #tpu.memory_space<vmem>>, vector<16xf32>,
    %add3A_573 = arith.addf %add3A_570, %get3A_572 : vector<16xf32>
    %swap3A_574 = arith.constant 80 : index
    %swap3A_575 = tpu.vector_load %arg13[%swap3A_574] {strides = array<i32>} : memref<160xf32, #tpu.memory_space<vmem>>, vector<16xf32>,
    tpu.vector_store %arg13[%swap3A_574], %add3A_573 {strides = array<i32>} : memref<160xf32, #tpu.memory_space<vmem>>, vector<16xf32>,
    %get3A_576 = arith.constant 96 : index
    %get3A_577 = tpu.vector_load %arg10[%get3A_576] {strides = array<i32>} : memref<640xf32, #tpu.memory_space<vmem>>, vector<16xf32>,
    %get3A_578 = arith.constant 256 : index
    %get3A_579 = tpu.vector_load %arg10[%get3A_578] {strides = array<i32>} : memref<640xf32, #tpu.memory_space<vmem>>, vector<16xf32>,
    %add3A_580 = arith.addf %get3A_577, %get3A_579 : vector<16xf32>
    %get3A_581 = arith.constant 416 : index
    %get3A_582 = tpu.vector_load %arg10[%get3A_581] {strides = array<i32>} : memref<640xf32, #tpu.memory_space<vmem>>, vector<16xf32>,
    %add3A_583 = arith.addf %add3A_580, %get3A_582 : vector<16xf32>
    %get3A_584 = arith.constant 576 : index
    %get3A_585 = tpu.vector_load %arg10[%get3A_584] {strides = array<i32>} : memref<640xf32, #tpu.memory_space<vmem>>, vector<16xf32>,
    %add3A_586 = arith.addf %add3A_583, %get3A_585 : vector<16xf32>
    %swap3A_587 = arith.constant 96 : index
    %swap3A_588 = tpu.vector_load %arg13[%swap3A_587] {strides = array<i32>} : memref<160xf32, #tpu.memory_space<vmem>>, vector<16xf32>,
    tpu.vector_store %arg13[%swap3A_587], %add3A_586 {strides = array<i32>} : memref<160xf32, #tpu.memory_space<vmem>>, vector<16xf32>,
    %get3A_589 = arith.constant 112 : index
    %get3A_590 = tpu.vector_load %arg10[%get3A_589] {strides = array<i32>} : memref<640xf32, #tpu.memory_space<vmem>>, vector<16xf32>,
    %get3A_591 = arith.constant 272 : index
    %get3A_592 = tpu.vector_load %arg10[%get3A_591] {strides = array<i32>} : memref<640xf32, #tpu.memory_space<vmem>>, vector<16xf32>,
    %add3A_593 = arith.addf %get3A_590, %get3A_592 : vector<16xf32>
    %get3A_594 = arith.constant 432 : index
    %get3A_595 = tpu.vector_load %arg10[%get3A_594] {strides = array<i32>} : memref<640xf32, #tpu.memory_space<vmem>>, vector<16xf32>,
    %add3A_596 = arith.addf %add3A_593, %get3A_595 : vector<16xf32>
    %get3A_597 = arith.constant 592 : index
    %get3A_598 = tpu.vector_load %arg10[%get3A_597] {strides = array<i32>} : memref<640xf32, #tpu.memory_space<vmem>>, vector<16xf32>,
    %add3A_599 = arith.addf %add3A_596, %get3A_598 : vector<16xf32>
    %swap3A_600 = arith.constant 112 : index
    %swap3A_601 = tpu.vector_load %arg13[%swap3A_600] {strides = array<i32>} : memref<160xf32, #tpu.memory_space<vmem>>, vector<16xf32>,
    tpu.vector_store %arg13[%swap3A_600], %add3A_599 {strides = array<i32>} : memref<160xf32, #tpu.memory_space<vmem>>, vector<16xf32>,
    %get3A_602 = arith.constant 128 : index
    %get3A_603 = tpu.vector_load %arg10[%get3A_602] {strides = array<i32>} : memref<640xf32, #tpu.memory_space<vmem>>, vector<16xf32>,
    %get3A_604 = arith.constant 288 : index
    %get3A_605 = tpu.vector_load %arg10[%get3A_604] {strides = array<i32>} : memref<640xf32, #tpu.memory_space<vmem>>, vector<16xf32>,
    %add3A_606 = arith.addf %get3A_603, %get3A_605 : vector<16xf32>
    %get3A_607 = arith.constant 448 : index
    %get3A_608 = tpu.vector_load %arg10[%get3A_607] {strides = array<i32>} : memref<640xf32, #tpu.memory_space<vmem>>, vector<16xf32>,
    %add3A_609 = arith.addf %add3A_606, %get3A_608 : vector<16xf32>
    %get3A_610 = arith.constant 608 : index
    %get3A_611 = tpu.vector_load %arg10[%get3A_610] {strides = array<i32>} : memref<640xf32, #tpu.memory_space<vmem>>, vector<16xf32>,
    %add3A_612 = arith.addf %add3A_609, %get3A_611 : vector<16xf32>
    %swap3A_613 = arith.constant 128 : index
    %swap3A_614 = tpu.vector_load %arg13[%swap3A_613] {strides = array<i32>} : memref<160xf32, #tpu.memory_space<vmem>>, vector<16xf32>,
    tpu.vector_store %arg13[%swap3A_613], %add3A_612 {strides = array<i32>} : memref<160xf32, #tpu.memory_space<vmem>>, vector<16xf32>,
    %get3A_615 = arith.constant 144 : index
    %get3A_616 = tpu.vector_load %arg10[%get3A_615] {strides = array<i32>} : memref<640xf32, #tpu.memory_space<vmem>>, vector<16xf32>,
    %get3A_617 = arith.constant 304 : index
    %get3A_618 = tpu.vector_load %arg10[%get3A_617] {strides = array<i32>} : memref<640xf32, #tpu.memory_space<vmem>>, vector<16xf32>,
    %add3A_619 = arith.addf %get3A_616, %get3A_618 : vector<16xf32>
    %get3A_620 = arith.constant 464 : index
    %get3A_621 = tpu.vector_load %arg10[%get3A_620] {strides = array<i32>} : memref<640xf32, #tpu.memory_space<vmem>>, vector<16xf32>,
    %add3A_622 = arith.addf %add3A_619, %get3A_621 : vector<16xf32>
    %get3A_623 = arith.constant 624 : index
    %get3A_624 = tpu.vector_load %arg10[%get3A_623] {strides = array<i32>} : memref<640xf32, #tpu.memory_space<vmem>>, vector<16xf32>,
    %add3A_625 = arith.addf %add3A_622, %get3A_624 : vector<16xf32>
    %swap3A_626 = arith.constant 144 : index
    %swap3A_627 = tpu.vector_load %arg13[%swap3A_626] {strides = array<i32>} : memref<160xf32, #tpu.memory_space<vmem>>, vector<16xf32>,
    tpu.vector_store %arg13[%swap3A_626], %add3A_625 {strides = array<i32>} : memref<160xf32, #tpu.memory_space<vmem>>, vector<16xf32>,
    %run_scoped3A_628 = arith.constant 1 : i32
    "tpu.region"() ({
      %run_scoped3A_891 = tpu.sem_alloc : memref<!tpu.dma_semaphore, #tpu.memory_space<semaphore_mem>>
      %dma_start3A_892 = arith.constant 0 : i32
      %dma_start3A_893 = tpu.memref_slice %arg4[%add3A, %run_scoped3A_628, %dma_start3A_892] : memref<32x4x160xf32, #tpu.memory_space<hbm>> -> memref<1x1x160xf32, #tpu.memory_space<hbm>>
      %dma_start3A_894 = tpu.memref_squeeze %dma_start3A_893 : memref<1x1x160xf32, #tpu.memory_space<hbm>> -> memref<160xf32, #tpu.memory_space<hbm>>
      %dma_start3A_895 = arith.constant 0 : i32
      %dma_start3A_896 = tpu.memref_slice %arg4[%add3A, %run_scoped3A_628, %dma_start3A_895] : memref<32x4x160xf32, #tpu.memory_space<hbm>> -> memref<1x1x160xf32, #tpu.memory_space<hbm>>
      %dma_start3A_897 = tpu.memref_squeeze %dma_start3A_896 : memref<1x1x160xf32, #tpu.memory_space<hbm>> -> memref<160xf32, #tpu.memory_space<hbm>>
      tpu.enqueue_dma source(%arg13 : memref<160xf32, #tpu.memory_space<vmem>>) target(%dma_start3A_897 : memref<160xf32, #tpu.memory_space<hbm>>) target_semaphore(%run_scoped3A_891 : memref<!tpu.dma_semaphore, #tpu.memory_space<semaphore_mem>>)
      %dma_wait3A_898 = arith.constant 0 : i32
      %dma_wait3A_899 = tpu.memref_slice %arg4[%add3A, %run_scoped3A_628, %dma_wait3A_898] : memref<32x4x160xf32, #tpu.memory_space<hbm>> -> memref<1x1x160xf32, #tpu.memory_space<hbm>>
      %dma_wait3A_900 = tpu.memref_squeeze %dma_wait3A_899 : memref<1x1x160xf32, #tpu.memory_space<hbm>> -> memref<160xf32, #tpu.memory_space<hbm>>
      %dma_wait3A_901 = arith.constant 0 : i32
      %dma_wait3A_902 = tpu.memref_slice %arg4[%add3A, %run_scoped3A_628, %dma_wait3A_901] : memref<32x4x160xf32, #tpu.memory_space<hbm>> -> memref<1x1x160xf32, #tpu.memory_space<hbm>>
      %dma_wait3A_903 = tpu.memref_squeeze %dma_wait3A_902 : memref<1x1x160xf32, #tpu.memory_space<hbm>> -> memref<160xf32, #tpu.memory_space<hbm>>
      tpu.wait_dma2 semaphore(%run_scoped3A_891 : memref<!tpu.dma_semaphore, #tpu.memory_space<semaphore_mem>>) src(%arg13 : memref<160xf32, #tpu.memory_space<vmem>>) dst(%dma_wait3A_903 : memref<160xf32, #tpu.memory_space<hbm>>)
      tpu.yield
    }) : () -> ()
    %get3A_629 = arith.constant 0 : index
    %get3A_630 = tpu.vector_load %arg11[%get3A_629] {strides = array<i32>} : memref<640xf32, #tpu.memory_space<vmem>>, vector<16xf32>,
    %get3A_631 = arith.constant 160 : index
    %get3A_632 = tpu.vector_load %arg11[%get3A_631] {strides = array<i32>} : memref<640xf32, #tpu.memory_space<vmem>>, vector<16xf32>,
    %add3A_633 = arith.addf %get3A_630, %get3A_632 : vector<16xf32>
    %get3A_634 = arith.constant 320 : index
    %get3A_635 = tpu.vector_load %arg11[%get3A_634] {strides = array<i32>} : memref<640xf32, #tpu.memory_space<vmem>>, vector<16xf32>,
    %add3A_636 = arith.addf %add3A_633, %get3A_635 : vector<16xf32>
    %get3A_637 = arith.constant 480 : index
    %get3A_638 = tpu.vector_load %arg11[%get3A_637] {strides = array<i32>} : memref<640xf32, #tpu.memory_space<vmem>>, vector<16xf32>,
    %add3A_639 = arith.addf %add3A_636, %get3A_638 : vector<16xf32>
    %swap3A_640 = arith.constant 0 : index
    %swap3A_641 = tpu.vector_load %arg13[%swap3A_640] {strides = array<i32>} : memref<160xf32, #tpu.memory_space<vmem>>, vector<16xf32>,
    tpu.vector_store %arg13[%swap3A_640], %add3A_639 {strides = array<i32>} : memref<160xf32, #tpu.memory_space<vmem>>, vector<16xf32>,
    %get3A_642 = arith.constant 16 : index
    %get3A_643 = tpu.vector_load %arg11[%get3A_642] {strides = array<i32>} : memref<640xf32, #tpu.memory_space<vmem>>, vector<16xf32>,
    %get3A_644 = arith.constant 176 : index
    %get3A_645 = tpu.vector_load %arg11[%get3A_644] {strides = array<i32>} : memref<640xf32, #tpu.memory_space<vmem>>, vector<16xf32>,
    %add3A_646 = arith.addf %get3A_643, %get3A_645 : vector<16xf32>
    %get3A_647 = arith.constant 336 : index
    %get3A_648 = tpu.vector_load %arg11[%get3A_647] {strides = array<i32>} : memref<640xf32, #tpu.memory_space<vmem>>, vector<16xf32>,
    %add3A_649 = arith.addf %add3A_646, %get3A_648 : vector<16xf32>
    %get3A_650 = arith.constant 496 : index
    %get3A_651 = tpu.vector_load %arg11[%get3A_650] {strides = array<i32>} : memref<640xf32, #tpu.memory_space<vmem>>, vector<16xf32>,
    %add3A_652 = arith.addf %add3A_649, %get3A_651 : vector<16xf32>
    %swap3A_653 = arith.constant 16 : index
    %swap3A_654 = tpu.vector_load %arg13[%swap3A_653] {strides = array<i32>} : memref<160xf32, #tpu.memory_space<vmem>>, vector<16xf32>,
    tpu.vector_store %arg13[%swap3A_653], %add3A_652 {strides = array<i32>} : memref<160xf32, #tpu.memory_space<vmem>>, vector<16xf32>,
    %get3A_655 = arith.constant 32 : index
    %get3A_656 = tpu.vector_load %arg11[%get3A_655] {strides = array<i32>} : memref<640xf32, #tpu.memory_space<vmem>>, vector<16xf32>,
    %get3A_657 = arith.constant 192 : index
    %get3A_658 = tpu.vector_load %arg11[%get3A_657] {strides = array<i32>} : memref<640xf32, #tpu.memory_space<vmem>>, vector<16xf32>,
    %add3A_659 = arith.addf %get3A_656, %get3A_658 : vector<16xf32>
    %get3A_660 = arith.constant 352 : index
    %get3A_661 = tpu.vector_load %arg11[%get3A_660] {strides = array<i32>} : memref<640xf32, #tpu.memory_space<vmem>>, vector<16xf32>,
    %add3A_662 = arith.addf %add3A_659, %get3A_661 : vector<16xf32>
    %get3A_663 = arith.constant 512 : index
    %get3A_664 = tpu.vector_load %arg11[%get3A_663] {strides = array<i32>} : memref<640xf32, #tpu.memory_space<vmem>>, vector<16xf32>,
    %add3A_665 = arith.addf %add3A_662, %get3A_664 : vector<16xf32>
    %swap3A_666 = arith.constant 32 : index
    %swap3A_667 = tpu.vector_load %arg13[%swap3A_666] {strides = array<i32>} : memref<160xf32, #tpu.memory_space<vmem>>, vector<16xf32>,
    tpu.vector_store %arg13[%swap3A_666], %add3A_665 {strides = array<i32>} : memref<160xf32, #tpu.memory_space<vmem>>, vector<16xf32>,
    %get3A_668 = arith.constant 48 : index
    %get3A_669 = tpu.vector_load %arg11[%get3A_668] {strides = array<i32>} : memref<640xf32, #tpu.memory_space<vmem>>, vector<16xf32>,
    %get3A_670 = arith.constant 208 : index
    %get3A_671 = tpu.vector_load %arg11[%get3A_670] {strides = array<i32>} : memref<640xf32, #tpu.memory_space<vmem>>, vector<16xf32>,
    %add3A_672 = arith.addf %get3A_669, %get3A_671 : vector<16xf32>
    %get3A_673 = arith.constant 368 : index
    %get3A_674 = tpu.vector_load %arg11[%get3A_673] {strides = array<i32>} : memref<640xf32, #tpu.memory_space<vmem>>, vector<16xf32>,
    %add3A_675 = arith.addf %add3A_672, %get3A_674 : vector<16xf32>
    %get3A_676 = arith.constant 528 : index
    %get3A_677 = tpu.vector_load %arg11[%get3A_676] {strides = array<i32>} : memref<640xf32, #tpu.memory_space<vmem>>, vector<16xf32>,
    %add3A_678 = arith.addf %add3A_675, %get3A_677 : vector<16xf32>
    %swap3A_679 = arith.constant 48 : index
    %swap3A_680 = tpu.vector_load %arg13[%swap3A_679] {strides = array<i32>} : memref<160xf32, #tpu.memory_space<vmem>>, vector<16xf32>,
    tpu.vector_store %arg13[%swap3A_679], %add3A_678 {strides = array<i32>} : memref<160xf32, #tpu.memory_space<vmem>>, vector<16xf32>,
    %get3A_681 = arith.constant 64 : index
    %get3A_682 = tpu.vector_load %arg11[%get3A_681] {strides = array<i32>} : memref<640xf32, #tpu.memory_space<vmem>>, vector<16xf32>,
    %get3A_683 = arith.constant 224 : index
    %get3A_684 = tpu.vector_load %arg11[%get3A_683] {strides = array<i32>} : memref<640xf32, #tpu.memory_space<vmem>>, vector<16xf32>,
    %add3A_685 = arith.addf %get3A_682, %get3A_684 : vector<16xf32>
    %get3A_686 = arith.constant 384 : index
    %get3A_687 = tpu.vector_load %arg11[%get3A_686] {strides = array<i32>} : memref<640xf32, #tpu.memory_space<vmem>>, vector<16xf32>,
    %add3A_688 = arith.addf %add3A_685, %get3A_687 : vector<16xf32>
    %get3A_689 = arith.constant 544 : index
    %get3A_690 = tpu.vector_load %arg11[%get3A_689] {strides = array<i32>} : memref<640xf32, #tpu.memory_space<vmem>>, vector<16xf32>,
    %add3A_691 = arith.addf %add3A_688, %get3A_690 : vector<16xf32>
    %swap3A_692 = arith.constant 64 : index
    %swap3A_693 = tpu.vector_load %arg13[%swap3A_692] {strides = array<i32>} : memref<160xf32, #tpu.memory_space<vmem>>, vector<16xf32>,
    tpu.vector_store %arg13[%swap3A_692], %add3A_691 {strides = array<i32>} : memref<160xf32, #tpu.memory_space<vmem>>, vector<16xf32>,
    %get3A_694 = arith.constant 80 : index
    %get3A_695 = tpu.vector_load %arg11[%get3A_694] {strides = array<i32>} : memref<640xf32, #tpu.memory_space<vmem>>, vector<16xf32>,
    %get3A_696 = arith.constant 240 : index
    %get3A_697 = tpu.vector_load %arg11[%get3A_696] {strides = array<i32>} : memref<640xf32, #tpu.memory_space<vmem>>, vector<16xf32>,
    %add3A_698 = arith.addf %get3A_695, %get3A_697 : vector<16xf32>
    %get3A_699 = arith.constant 400 : index
    %get3A_700 = tpu.vector_load %arg11[%get3A_699] {strides = array<i32>} : memref<640xf32, #tpu.memory_space<vmem>>, vector<16xf32>,
    %add3A_701 = arith.addf %add3A_698, %get3A_700 : vector<16xf32>
    %get3A_702 = arith.constant 560 : index
    %get3A_703 = tpu.vector_load %arg11[%get3A_702] {strides = array<i32>} : memref<640xf32, #tpu.memory_space<vmem>>, vector<16xf32>,
    %add3A_704 = arith.addf %add3A_701, %get3A_703 : vector<16xf32>
    %swap3A_705 = arith.constant 80 : index
    %swap3A_706 = tpu.vector_load %arg13[%swap3A_705] {strides = array<i32>} : memref<160xf32, #tpu.memory_space<vmem>>, vector<16xf32>,
    tpu.vector_store %arg13[%swap3A_705], %add3A_704 {strides = array<i32>} : memref<160xf32, #tpu.memory_space<vmem>>, vector<16xf32>,
    %get3A_707 = arith.constant 96 : index
    %get3A_708 = tpu.vector_load %arg11[%get3A_707] {strides = array<i32>} : memref<640xf32, #tpu.memory_space<vmem>>, vector<16xf32>,
    %get3A_709 = arith.constant 256 : index
    %get3A_710 = tpu.vector_load %arg11[%get3A_709] {strides = array<i32>} : memref<640xf32, #tpu.memory_space<vmem>>, vector<16xf32>,
    %add3A_711 = arith.addf %get3A_708, %get3A_710 : vector<16xf32>
    %get3A_712 = arith.constant 416 : index
    %get3A_713 = tpu.vector_load %arg11[%get3A_712] {strides = array<i32>} : memref<640xf32, #tpu.memory_space<vmem>>, vector<16xf32>,
    %add3A_714 = arith.addf %add3A_711, %get3A_713 : vector<16xf32>
    %get3A_715 = arith.constant 576 : index
    %get3A_716 = tpu.vector_load %arg11[%get3A_715] {strides = array<i32>} : memref<640xf32, #tpu.memory_space<vmem>>, vector<16xf32>,
    %add3A_717 = arith.addf %add3A_714, %get3A_716 : vector<16xf32>
    %swap3A_718 = arith.constant 96 : index
    %swap3A_719 = tpu.vector_load %arg13[%swap3A_718] {strides = array<i32>} : memref<160xf32, #tpu.memory_space<vmem>>, vector<16xf32>,
    tpu.vector_store %arg13[%swap3A_718], %add3A_717 {strides = array<i32>} : memref<160xf32, #tpu.memory_space<vmem>>, vector<16xf32>,
    %get3A_720 = arith.constant 112 : index
    %get3A_721 = tpu.vector_load %arg11[%get3A_720] {strides = array<i32>} : memref<640xf32, #tpu.memory_space<vmem>>, vector<16xf32>,
    %get3A_722 = arith.constant 272 : index
    %get3A_723 = tpu.vector_load %arg11[%get3A_722] {strides = array<i32>} : memref<640xf32, #tpu.memory_space<vmem>>, vector<16xf32>,
    %add3A_724 = arith.addf %get3A_721, %get3A_723 : vector<16xf32>
    %get3A_725 = arith.constant 432 : index
    %get3A_726 = tpu.vector_load %arg11[%get3A_725] {strides = array<i32>} : memref<640xf32, #tpu.memory_space<vmem>>, vector<16xf32>,
    %add3A_727 = arith.addf %add3A_724, %get3A_726 : vector<16xf32>
    %get3A_728 = arith.constant 592 : index
    %get3A_729 = tpu.vector_load %arg11[%get3A_728] {strides = array<i32>} : memref<640xf32, #tpu.memory_space<vmem>>, vector<16xf32>,
    %add3A_730 = arith.addf %add3A_727, %get3A_729 : vector<16xf32>
    %swap3A_731 = arith.constant 112 : index
    %swap3A_732 = tpu.vector_load %arg13[%swap3A_731] {strides = array<i32>} : memref<160xf32, #tpu.memory_space<vmem>>, vector<16xf32>,
    tpu.vector_store %arg13[%swap3A_731], %add3A_730 {strides = array<i32>} : memref<160xf32, #tpu.memory_space<vmem>>, vector<16xf32>,
    %get3A_733 = arith.constant 128 : index
    %get3A_734 = tpu.vector_load %arg11[%get3A_733] {strides = array<i32>} : memref<640xf32, #tpu.memory_space<vmem>>, vector<16xf32>,
    %get3A_735 = arith.constant 288 : index
    %get3A_736 = tpu.vector_load %arg11[%get3A_735] {strides = array<i32>} : memref<640xf32, #tpu.memory_space<vmem>>, vector<16xf32>,
    %add3A_737 = arith.addf %get3A_734, %get3A_736 : vector<16xf32>
    %get3A_738 = arith.constant 448 : index
    %get3A_739 = tpu.vector_load %arg11[%get3A_738] {strides = array<i32>} : memref<640xf32, #tpu.memory_space<vmem>>, vector<16xf32>,
    %add3A_740 = arith.addf %add3A_737, %get3A_739 : vector<16xf32>
    %get3A_741 = arith.constant 608 : index
    %get3A_742 = tpu.vector_load %arg11[%get3A_741] {strides = array<i32>} : memref<640xf32, #tpu.memory_space<vmem>>, vector<16xf32>,
    %add3A_743 = arith.addf %add3A_740, %get3A_742 : vector<16xf32>
    %swap3A_744 = arith.constant 128 : index
    %swap3A_745 = tpu.vector_load %arg13[%swap3A_744] {strides = array<i32>} : memref<160xf32, #tpu.memory_space<vmem>>, vector<16xf32>,
    tpu.vector_store %arg13[%swap3A_744], %add3A_743 {strides = array<i32>} : memref<160xf32, #tpu.memory_space<vmem>>, vector<16xf32>,
    %get3A_746 = arith.constant 144 : index
    %get3A_747 = tpu.vector_load %arg11[%get3A_746] {strides = array<i32>} : memref<640xf32, #tpu.memory_space<vmem>>, vector<16xf32>,
    %get3A_748 = arith.constant 304 : index
    %get3A_749 = tpu.vector_load %arg11[%get3A_748] {strides = array<i32>} : memref<640xf32, #tpu.memory_space<vmem>>, vector<16xf32>,
    %add3A_750 = arith.addf %get3A_747, %get3A_749 : vector<16xf32>
    %get3A_751 = arith.constant 464 : index
    %get3A_752 = tpu.vector_load %arg11[%get3A_751] {strides = array<i32>} : memref<640xf32, #tpu.memory_space<vmem>>, vector<16xf32>,
    %add3A_753 = arith.addf %add3A_750, %get3A_752 : vector<16xf32>
    %get3A_754 = arith.constant 624 : index
    %get3A_755 = tpu.vector_load %arg11[%get3A_754] {strides = array<i32>} : memref<640xf32, #tpu.memory_space<vmem>>, vector<16xf32>,
    %add3A_756 = arith.addf %add3A_753, %get3A_755 : vector<16xf32>
    %swap3A_757 = arith.constant 144 : index
    %swap3A_758 = tpu.vector_load %arg13[%swap3A_757] {strides = array<i32>} : memref<160xf32, #tpu.memory_space<vmem>>, vector<16xf32>,
    tpu.vector_store %arg13[%swap3A_757], %add3A_756 {strides = array<i32>} : memref<160xf32, #tpu.memory_space<vmem>>, vector<16xf32>,
    %run_scoped3A_759 = arith.constant 2 : i32
    "tpu.region"() ({
      %run_scoped3A_891 = tpu.sem_alloc : memref<!tpu.dma_semaphore, #tpu.memory_space<semaphore_mem>>
      %dma_start3A_892 = arith.constant 0 : i32
      %dma_start3A_893 = tpu.memref_slice %arg4[%add3A, %run_scoped3A_759, %dma_start3A_892] : memref<32x4x160xf32, #tpu.memory_space<hbm>> -> memref<1x1x160xf32, #tpu.memory_space<hbm>>
      %dma_start3A_894 = tpu.memref_squeeze %dma_start3A_893 : memref<1x1x160xf32, #tpu.memory_space<hbm>> -> memref<160xf32, #tpu.memory_space<hbm>>
      %dma_start3A_895 = arith.constant 0 : i32
      %dma_start3A_896 = tpu.memref_slice %arg4[%add3A, %run_scoped3A_759, %dma_start3A_895] : memref<32x4x160xf32, #tpu.memory_space<hbm>> -> memref<1x1x160xf32, #tpu.memory_space<hbm>>
      %dma_start3A_897 = tpu.memref_squeeze %dma_start3A_896 : memref<1x1x160xf32, #tpu.memory_space<hbm>> -> memref<160xf32, #tpu.memory_space<hbm>>
      tpu.enqueue_dma source(%arg13 : memref<160xf32, #tpu.memory_space<vmem>>) target(%dma_start3A_897 : memref<160xf32, #tpu.memory_space<hbm>>) target_semaphore(%run_scoped3A_891 : memref<!tpu.dma_semaphore, #tpu.memory_space<semaphore_mem>>)
      %dma_wait3A_898 = arith.constant 0 : i32
      %dma_wait3A_899 = tpu.memref_slice %arg4[%add3A, %run_scoped3A_759, %dma_wait3A_898] : memref<32x4x160xf32, #tpu.memory_space<hbm>> -> memref<1x1x160xf32, #tpu.memory_space<hbm>>
      %dma_wait3A_900 = tpu.memref_squeeze %dma_wait3A_899 : memref<1x1x160xf32, #tpu.memory_space<hbm>> -> memref<160xf32, #tpu.memory_space<hbm>>
      %dma_wait3A_901 = arith.constant 0 : i32
      %dma_wait3A_902 = tpu.memref_slice %arg4[%add3A, %run_scoped3A_759, %dma_wait3A_901] : memref<32x4x160xf32, #tpu.memory_space<hbm>> -> memref<1x1x160xf32, #tpu.memory_space<hbm>>
      %dma_wait3A_903 = tpu.memref_squeeze %dma_wait3A_902 : memref<1x1x160xf32, #tpu.memory_space<hbm>> -> memref<160xf32, #tpu.memory_space<hbm>>
      tpu.wait_dma2 semaphore(%run_scoped3A_891 : memref<!tpu.dma_semaphore, #tpu.memory_space<semaphore_mem>>) src(%arg13 : memref<160xf32, #tpu.memory_space<vmem>>) dst(%dma_wait3A_903 : memref<160xf32, #tpu.memory_space<hbm>>)
      tpu.yield
    }) : () -> ()
    %get3A_760 = arith.constant 0 : index
    %get3A_761 = tpu.vector_load %arg12[%get3A_760] {strides = array<i32>} : memref<640xf32, #tpu.memory_space<vmem>>, vector<16xf32>,
    %get3A_762 = arith.constant 160 : index
    %get3A_763 = tpu.vector_load %arg12[%get3A_762] {strides = array<i32>} : memref<640xf32, #tpu.memory_space<vmem>>, vector<16xf32>,
    %add3A_764 = arith.addf %get3A_761, %get3A_763 : vector<16xf32>
    %get3A_765 = arith.constant 320 : index
    %get3A_766 = tpu.vector_load %arg12[%get3A_765] {strides = array<i32>} : memref<640xf32, #tpu.memory_space<vmem>>, vector<16xf32>,
    %add3A_767 = arith.addf %add3A_764, %get3A_766 : vector<16xf32>
    %get3A_768 = arith.constant 480 : index
    %get3A_769 = tpu.vector_load %arg12[%get3A_768] {strides = array<i32>} : memref<640xf32, #tpu.memory_space<vmem>>, vector<16xf32>,
    %add3A_770 = arith.addf %add3A_767, %get3A_769 : vector<16xf32>
    %swap3A_771 = arith.constant 0 : index
    %swap3A_772 = tpu.vector_load %arg13[%swap3A_771] {strides = array<i32>} : memref<160xf32, #tpu.memory_space<vmem>>, vector<16xf32>,
    tpu.vector_store %arg13[%swap3A_771], %add3A_770 {strides = array<i32>} : memref<160xf32, #tpu.memory_space<vmem>>, vector<16xf32>,
    %get3A_773 = arith.constant 16 : index
    %get3A_774 = tpu.vector_load %arg12[%get3A_773] {strides = array<i32>} : memref<640xf32, #tpu.memory_space<vmem>>, vector<16xf32>,
    %get3A_775 = arith.constant 176 : index
    %get3A_776 = tpu.vector_load %arg12[%get3A_775] {strides = array<i32>} : memref<640xf32, #tpu.memory_space<vmem>>, vector<16xf32>,
    %add3A_777 = arith.addf %get3A_774, %get3A_776 : vector<16xf32>
    %get3A_778 = arith.constant 336 : index
    %get3A_779 = tpu.vector_load %arg12[%get3A_778] {strides = array<i32>} : memref<640xf32, #tpu.memory_space<vmem>>, vector<16xf32>,
    %add3A_780 = arith.addf %add3A_777, %get3A_779 : vector<16xf32>
    %get3A_781 = arith.constant 496 : index
    %get3A_782 = tpu.vector_load %arg12[%get3A_781] {strides = array<i32>} : memref<640xf32, #tpu.memory_space<vmem>>, vector<16xf32>,
    %add3A_783 = arith.addf %add3A_780, %get3A_782 : vector<16xf32>
    %swap3A_784 = arith.constant 16 : index
    %swap3A_785 = tpu.vector_load %arg13[%swap3A_784] {strides = array<i32>} : memref<160xf32, #tpu.memory_space<vmem>>, vector<16xf32>,
    tpu.vector_store %arg13[%swap3A_784], %add3A_783 {strides = array<i32>} : memref<160xf32, #tpu.memory_space<vmem>>, vector<16xf32>,
    %get3A_786 = arith.constant 32 : index
    %get3A_787 = tpu.vector_load %arg12[%get3A_786] {strides = array<i32>} : memref<640xf32, #tpu.memory_space<vmem>>, vector<16xf32>,
    %get3A_788 = arith.constant 192 : index
    %get3A_789 = tpu.vector_load %arg12[%get3A_788] {strides = array<i32>} : memref<640xf32, #tpu.memory_space<vmem>>, vector<16xf32>,
    %add3A_790 = arith.addf %get3A_787, %get3A_789 : vector<16xf32>
    %get3A_791 = arith.constant 352 : index
    %get3A_792 = tpu.vector_load %arg12[%get3A_791] {strides = array<i32>} : memref<640xf32, #tpu.memory_space<vmem>>, vector<16xf32>,
    %add3A_793 = arith.addf %add3A_790, %get3A_792 : vector<16xf32>
    %get3A_794 = arith.constant 512 : index
    %get3A_795 = tpu.vector_load %arg12[%get3A_794] {strides = array<i32>} : memref<640xf32, #tpu.memory_space<vmem>>, vector<16xf32>,
    %add3A_796 = arith.addf %add3A_793, %get3A_795 : vector<16xf32>
    %swap3A_797 = arith.constant 32 : index
    %swap3A_798 = tpu.vector_load %arg13[%swap3A_797] {strides = array<i32>} : memref<160xf32, #tpu.memory_space<vmem>>, vector<16xf32>,
    tpu.vector_store %arg13[%swap3A_797], %add3A_796 {strides = array<i32>} : memref<160xf32, #tpu.memory_space<vmem>>, vector<16xf32>,
    %get3A_799 = arith.constant 48 : index
    %get3A_800 = tpu.vector_load %arg12[%get3A_799] {strides = array<i32>} : memref<640xf32, #tpu.memory_space<vmem>>, vector<16xf32>,
    %get3A_801 = arith.constant 208 : index
    %get3A_802 = tpu.vector_load %arg12[%get3A_801] {strides = array<i32>} : memref<640xf32, #tpu.memory_space<vmem>>, vector<16xf32>,
    %add3A_803 = arith.addf %get3A_800, %get3A_802 : vector<16xf32>
    %get3A_804 = arith.constant 368 : index
    %get3A_805 = tpu.vector_load %arg12[%get3A_804] {strides = array<i32>} : memref<640xf32, #tpu.memory_space<vmem>>, vector<16xf32>,
    %add3A_806 = arith.addf %add3A_803, %get3A_805 : vector<16xf32>
    %get3A_807 = arith.constant 528 : index
    %get3A_808 = tpu.vector_load %arg12[%get3A_807] {strides = array<i32>} : memref<640xf32, #tpu.memory_space<vmem>>, vector<16xf32>,
    %add3A_809 = arith.addf %add3A_806, %get3A_808 : vector<16xf32>
    %swap3A_810 = arith.constant 48 : index
    %swap3A_811 = tpu.vector_load %arg13[%swap3A_810] {strides = array<i32>} : memref<160xf32, #tpu.memory_space<vmem>>, vector<16xf32>,
    tpu.vector_store %arg13[%swap3A_810], %add3A_809 {strides = array<i32>} : memref<160xf32, #tpu.memory_space<vmem>>, vector<16xf32>,
    %get3A_812 = arith.constant 64 : index
    %get3A_813 = tpu.vector_load %arg12[%get3A_812] {strides = array<i32>} : memref<640xf32, #tpu.memory_space<vmem>>, vector<16xf32>,
    %get3A_814 = arith.constant 224 : index
    %get3A_815 = tpu.vector_load %arg12[%get3A_814] {strides = array<i32>} : memref<640xf32, #tpu.memory_space<vmem>>, vector<16xf32>,
    %add3A_816 = arith.addf %get3A_813, %get3A_815 : vector<16xf32>
    %get3A_817 = arith.constant 384 : index
    %get3A_818 = tpu.vector_load %arg12[%get3A_817] {strides = array<i32>} : memref<640xf32, #tpu.memory_space<vmem>>, vector<16xf32>,
    %add3A_819 = arith.addf %add3A_816, %get3A_818 : vector<16xf32>
    %get3A_820 = arith.constant 544 : index
    %get3A_821 = tpu.vector_load %arg12[%get3A_820] {strides = array<i32>} : memref<640xf32, #tpu.memory_space<vmem>>, vector<16xf32>,
    %add3A_822 = arith.addf %add3A_819, %get3A_821 : vector<16xf32>
    %swap3A_823 = arith.constant 64 : index
    %swap3A_824 = tpu.vector_load %arg13[%swap3A_823] {strides = array<i32>} : memref<160xf32, #tpu.memory_space<vmem>>, vector<16xf32>,
    tpu.vector_store %arg13[%swap3A_823], %add3A_822 {strides = array<i32>} : memref<160xf32, #tpu.memory_space<vmem>>, vector<16xf32>,
    %get3A_825 = arith.constant 80 : index
    %get3A_826 = tpu.vector_load %arg12[%get3A_825] {strides = array<i32>} : memref<640xf32, #tpu.memory_space<vmem>>, vector<16xf32>,
    %get3A_827 = arith.constant 240 : index
    %get3A_828 = tpu.vector_load %arg12[%get3A_827] {strides = array<i32>} : memref<640xf32, #tpu.memory_space<vmem>>, vector<16xf32>,
    %add3A_829 = arith.addf %get3A_826, %get3A_828 : vector<16xf32>
    %get3A_830 = arith.constant 400 : index
    %get3A_831 = tpu.vector_load %arg12[%get3A_830] {strides = array<i32>} : memref<640xf32, #tpu.memory_space<vmem>>, vector<16xf32>,
    %add3A_832 = arith.addf %add3A_829, %get3A_831 : vector<16xf32>
    %get3A_833 = arith.constant 560 : index
    %get3A_834 = tpu.vector_load %arg12[%get3A_833] {strides = array<i32>} : memref<640xf32, #tpu.memory_space<vmem>>, vector<16xf32>,
    %add3A_835 = arith.addf %add3A_832, %get3A_834 : vector<16xf32>
    %swap3A_836 = arith.constant 80 : index
    %swap3A_837 = tpu.vector_load %arg13[%swap3A_836] {strides = array<i32>} : memref<160xf32, #tpu.memory_space<vmem>>, vector<16xf32>,
    tpu.vector_store %arg13[%swap3A_836], %add3A_835 {strides = array<i32>} : memref<160xf32, #tpu.memory_space<vmem>>, vector<16xf32>,
    %get3A_838 = arith.constant 96 : index
    %get3A_839 = tpu.vector_load %arg12[%get3A_838] {strides = array<i32>} : memref<640xf32, #tpu.memory_space<vmem>>, vector<16xf32>,
    %get3A_840 = arith.constant 256 : index
    %get3A_841 = tpu.vector_load %arg12[%get3A_840] {strides = array<i32>} : memref<640xf32, #tpu.memory_space<vmem>>, vector<16xf32>,
    %add3A_842 = arith.addf %get3A_839, %get3A_841 : vector<16xf32>
    %get3A_843 = arith.constant 416 : index
    %get3A_844 = tpu.vector_load %arg12[%get3A_843] {strides = array<i32>} : memref<640xf32, #tpu.memory_space<vmem>>, vector<16xf32>,
    %add3A_845 = arith.addf %add3A_842, %get3A_844 : vector<16xf32>
    %get3A_846 = arith.constant 576 : index
    %get3A_847 = tpu.vector_load %arg12[%get3A_846] {strides = array<i32>} : memref<640xf32, #tpu.memory_space<vmem>>, vector<16xf32>,
    %add3A_848 = arith.addf %add3A_845, %get3A_847 : vector<16xf32>
    %swap3A_849 = arith.constant 96 : index
    %swap3A_850 = tpu.vector_load %arg13[%swap3A_849] {strides = array<i32>} : memref<160xf32, #tpu.memory_space<vmem>>, vector<16xf32>,
    tpu.vector_store %arg13[%swap3A_849], %add3A_848 {strides = array<i32>} : memref<160xf32, #tpu.memory_space<vmem>>, vector<16xf32>,
    %get3A_851 = arith.constant 112 : index
    %get3A_852 = tpu.vector_load %arg12[%get3A_851] {strides = array<i32>} : memref<640xf32, #tpu.memory_space<vmem>>, vector<16xf32>,
    %get3A_853 = arith.constant 272 : index
    %get3A_854 = tpu.vector_load %arg12[%get3A_853] {strides = array<i32>} : memref<640xf32, #tpu.memory_space<vmem>>, vector<16xf32>,
    %add3A_855 = arith.addf %get3A_852, %get3A_854 : vector<16xf32>
    %get3A_856 = arith.constant 432 : index
    %get3A_857 = tpu.vector_load %arg12[%get3A_856] {strides = array<i32>} : memref<640xf32, #tpu.memory_space<vmem>>, vector<16xf32>,
    %add3A_858 = arith.addf %add3A_855, %get3A_857 : vector<16xf32>
    %get3A_859 = arith.constant 592 : index
    %get3A_860 = tpu.vector_load %arg12[%get3A_859] {strides = array<i32>} : memref<640xf32, #tpu.memory_space<vmem>>, vector<16xf32>,
    %add3A_861 = arith.addf %add3A_858, %get3A_860 : vector<16xf32>
    %swap3A_862 = arith.constant 112 : index
    %swap3A_863 = tpu.vector_load %arg13[%swap3A_862] {strides = array<i32>} : memref<160xf32, #tpu.memory_space<vmem>>, vector<16xf32>,
    tpu.vector_store %arg13[%swap3A_862], %add3A_861 {strides = array<i32>} : memref<160xf32, #tpu.memory_space<vmem>>, vector<16xf32>,
    %get3A_864 = arith.constant 128 : index
    %get3A_865 = tpu.vector_load %arg12[%get3A_864] {strides = array<i32>} : memref<640xf32, #tpu.memory_space<vmem>>, vector<16xf32>,
    %get3A_866 = arith.constant 288 : index
    %get3A_867 = tpu.vector_load %arg12[%get3A_866] {strides = array<i32>} : memref<640xf32, #tpu.memory_space<vmem>>, vector<16xf32>,
    %add3A_868 = arith.addf %get3A_865, %get3A_867 : vector<16xf32>
    %get3A_869 = arith.constant 448 : index
    %get3A_870 = tpu.vector_load %arg12[%get3A_869] {strides = array<i32>} : memref<640xf32, #tpu.memory_space<vmem>>, vector<16xf32>,
    %add3A_871 = arith.addf %add3A_868, %get3A_870 : vector<16xf32>
    %get3A_872 = arith.constant 608 : index
    %get3A_873 = tpu.vector_load %arg12[%get3A_872] {strides = array<i32>} : memref<640xf32, #tpu.memory_space<vmem>>, vector<16xf32>,
    %add3A_874 = arith.addf %add3A_871, %get3A_873 : vector<16xf32>
    %swap3A_875 = arith.constant 128 : index
    %swap3A_876 = tpu.vector_load %arg13[%swap3A_875] {strides = array<i32>} : memref<160xf32, #tpu.memory_space<vmem>>, vector<16xf32>,
    tpu.vector_store %arg13[%swap3A_875], %add3A_874 {strides = array<i32>} : memref<160xf32, #tpu.memory_space<vmem>>, vector<16xf32>,
    %get3A_877 = arith.constant 144 : index
    %get3A_878 = tpu.vector_load %arg12[%get3A_877] {strides = array<i32>} : memref<640xf32, #tpu.memory_space<vmem>>, vector<16xf32>,
    %get3A_879 = arith.constant 304 : index
    %get3A_880 = tpu.vector_load %arg12[%get3A_879] {strides = array<i32>} : memref<640xf32, #tpu.memory_space<vmem>>, vector<16xf32>,
    %add3A_881 = arith.addf %get3A_878, %get3A_880 : vector<16xf32>
    %get3A_882 = arith.constant 464 : index
    %get3A_883 = tpu.vector_load %arg12[%get3A_882] {strides = array<i32>} : memref<640xf32, #tpu.memory_space<vmem>>, vector<16xf32>,
    %add3A_884 = arith.addf %add3A_881, %get3A_883 : vector<16xf32>
    %get3A_885 = arith.constant 624 : index
    %get3A_886 = tpu.vector_load %arg12[%get3A_885] {strides = array<i32>} : memref<640xf32, #tpu.memory_space<vmem>>, vector<16xf32>,
    %add3A_887 = arith.addf %add3A_884, %get3A_886 : vector<16xf32>
    %swap3A_888 = arith.constant 144 : index
    %swap3A_889 = tpu.vector_load %arg13[%swap3A_888] {strides = array<i32>} : memref<160xf32, #tpu.memory_space<vmem>>, vector<16xf32>,
    tpu.vector_store %arg13[%swap3A_888], %add3A_887 {strides = array<i32>} : memref<160xf32, #tpu.memory_space<vmem>>, vector<16xf32>,
    %run_scoped3A_890 = arith.constant 3 : i32
    "tpu.region"() ({
      %run_scoped3A_891 = tpu.sem_alloc : memref<!tpu.dma_semaphore, #tpu.memory_space<semaphore_mem>>
      %dma_start3A_892 = arith.constant 0 : i32
      %dma_start3A_893 = tpu.memref_slice %arg4[%add3A, %run_scoped3A_890, %dma_start3A_892] : memref<32x4x160xf32, #tpu.memory_space<hbm>> -> memref<1x1x160xf32, #tpu.memory_space<hbm>>
      %dma_start3A_894 = tpu.memref_squeeze %dma_start3A_893 : memref<1x1x160xf32, #tpu.memory_space<hbm>> -> memref<160xf32, #tpu.memory_space<hbm>>
      %dma_start3A_895 = arith.constant 0 : i32
      %dma_start3A_896 = tpu.memref_slice %arg4[%add3A, %run_scoped3A_890, %dma_start3A_895] : memref<32x4x160xf32, #tpu.memory_space<hbm>> -> memref<1x1x160xf32, #tpu.memory_space<hbm>>
      %dma_start3A_897 = tpu.memref_squeeze %dma_start3A_896 : memref<1x1x160xf32, #tpu.memory_space<hbm>> -> memref<160xf32, #tpu.memory_space<hbm>>
      tpu.enqueue_dma source(%arg13 : memref<160xf32, #tpu.memory_space<vmem>>) target(%dma_start3A_897 : memref<160xf32, #tpu.memory_space<hbm>>) target_semaphore(%run_scoped3A_891 : memref<!tpu.dma_semaphore, #tpu.memory_space<semaphore_mem>>)
      %dma_wait3A_898 = arith.constant 0 : i32
      %dma_wait3A_899 = tpu.memref_slice %arg4[%add3A, %run_scoped3A_890, %dma_wait3A_898] : memref<32x4x160xf32, #tpu.memory_space<hbm>> -> memref<1x1x160xf32, #tpu.memory_space<hbm>>
      %dma_wait3A_900 = tpu.memref_squeeze %dma_wait3A_899 : memref<1x1x160xf32, #tpu.memory_space<hbm>> -> memref<160xf32, #tpu.memory_space<hbm>>
      %dma_wait3A_901 = arith.constant 0 : i32
      %dma_wait3A_902 = tpu.memref_slice %arg4[%add3A, %run_scoped3A_890, %dma_wait3A_901] : memref<32x4x160xf32, #tpu.memory_space<hbm>> -> memref<1x1x160xf32, #tpu.memory_space<hbm>>
      %dma_wait3A_903 = tpu.memref_squeeze %dma_wait3A_902 : memref<1x1x160xf32, #tpu.memory_space<hbm>> -> memref<160xf32, #tpu.memory_space<hbm>>
      tpu.wait_dma2 semaphore(%run_scoped3A_891 : memref<!tpu.dma_semaphore, #tpu.memory_space<semaphore_mem>>) src(%arg13 : memref<160xf32, #tpu.memory_space<vmem>>) dst(%dma_wait3A_903 : memref<160xf32, #tpu.memory_space<hbm>>)
      tpu.yield
    }) : () -> ()
    return
  }
}

module attributes {stable_mosaic.version = 14 : i64} {
  func.func @_fin_body(%arg0: memref<32x4x160xf32, #tpu.memory_space<vmem>>, %arg1: memref<4x1280xf32, #tpu.memory_space<vmem>>, %arg2: memref<160x10xf32, #tpu.memory_space<vmem>>, %arg3: memref<1280x10xf32, #tpu.memory_space<vmem>>, %arg4: memref<2x10xf32, #tpu.memory_space<vmem>>, %arg5: memref<1x1xf32, #tpu.memory_space<vmem>>, %arg6: memref<1x1xf32, #tpu.memory_space<vmem>>) attributes {dimension_semantics = [], scalar_prefetch = 0 : i64, scratch_operands = 0 : i64, tpu.core_type = #tpu.core_type<tc>} {
    %get3A = arith.constant 0 : index
    %get3A_0 = arith.constant 0 : index
    %get3A_1 = arith.constant 0 : index
    %get3A_2 = vector.load %arg0[%get3A, %get3A_0, %get3A_1] : memref<32x4x160xf32, #tpu.memory_space<vmem>>, vector<32x4x160xf32>
    %reduce_sum3A = arith.constant dense<0.000000e+00> : vector<4x160xf32>
    %reduce_sum3A_3 = vector.multi_reduction <add>, %get3A_2, %reduce_sum3A [0] : vector<32x4x160xf32> to vector<4x160xf32>
    %get3A_4 = arith.constant 0 : index
    %get3A_5 = arith.constant 0 : index
    %get3A_6 = vector.load %arg2[%get3A_4, %get3A_5] : memref<160x10xf32, #tpu.memory_space<vmem>>, vector<160x10xf32>
    %dot_general3A = arith.constant dense<0.000000e+00> : vector<4x10xf32>
    %dot_general3A_7 = tpu.matmul %reduce_sum3A_3, %get3A_6, %dot_general3A {dimension_numbers = #tpu.dot_dimension_numbers<[1], [0], [0], [1], [0, 0, 1, 1], [], []>, transpose_lhs_hint = false} : vector<4x160xf32>, vector<160x10xf32>, vector<4x10xf32> -> vector<4x10xf32>
    %get3A_8 = arith.constant 0 : index
    %get3A_9 = arith.constant 0 : index
    %get3A_10 = vector.load %arg1[%get3A_8, %get3A_9] : memref<4x1280xf32, #tpu.memory_space<vmem>>, vector<4x1280xf32>
    %get3A_11 = arith.constant 0 : index
    %get3A_12 = arith.constant 0 : index
    %get3A_13 = vector.load %arg3[%get3A_11, %get3A_12] : memref<1280x10xf32, #tpu.memory_space<vmem>>, vector<1280x10xf32>
    %dot_general3A_14 = arith.constant dense<0.000000e+00> : vector<4x10xf32>
    %dot_general3A_15 = tpu.matmul %get3A_10, %get3A_13, %dot_general3A_14 {dimension_numbers = #tpu.dot_dimension_numbers<[1], [0], [0], [1], [0, 0, 1, 1], [], []>, transpose_lhs_hint = false} : vector<4x1280xf32>, vector<1280x10xf32>, vector<4x10xf32> -> vector<4x10xf32>
    %add3A = arith.addf %dot_general3A_7, %dot_general3A_15 : vector<4x10xf32>
    %slice3A = vector.extract_strided_slice %add3A {offsets = [0, 0], sizes = [1, 10], strides = [1, 1]} : vector<4x10xf32> to vector<1x10xf32>
    %slice3A_16 = vector.extract_strided_slice %add3A {offsets = [1, 0], sizes = [1, 10], strides = [1, 1]} : vector<4x10xf32> to vector<1x10xf32>
    %slice3A_17 = vector.extract_strided_slice %add3A {offsets = [2, 0], sizes = [1, 10], strides = [1, 1]} : vector<4x10xf32> to vector<1x10xf32>
    %slice3A_18 = vector.extract_strided_slice %add3A {offsets = [3, 0], sizes = [1, 10], strides = [1, 1]} : vector<4x10xf32> to vector<1x10xf32>
    %get3A_19 = arith.constant 0 : index
    %get3A_20 = arith.constant 0 : index
    %get3A_21 = vector.load %arg4[%get3A_19, %get3A_20] : memref<2x10xf32, #tpu.memory_space<vmem>>, vector<1x10xf32>
    %get3A_22 = arith.constant 1 : index
    %get3A_23 = arith.constant 0 : index
    %get3A_24 = vector.load %arg4[%get3A_22, %get3A_23] : memref<2x10xf32, #tpu.memory_space<vmem>>, vector<1x10xf32>
    %mul3A = arith.mulf %get3A_21, %slice3A_16 : vector<1x10xf32>
    %mul3A_25 = arith.mulf %get3A_24, %slice3A_17 : vector<1x10xf32>
    %add3A_26 = arith.addf %mul3A, %mul3A_25 : vector<1x10xf32>
    %mul3A_27 = arith.constant 2.000000e+00 : f32
    %mul3A_28 = vector.broadcast %mul3A_27 : f32 to vector<1x10xf32>
    %mul3A_29 = arith.mulf %mul3A_28, %add3A_26 : vector<1x10xf32>
    %sub3A = arith.subf %slice3A_18, %mul3A_29 : vector<1x10xf32>
    %mul3A_30 = arith.mulf %get3A_21, %get3A_21 : vector<1x10xf32>
    %mul3A_31 = arith.mulf %get3A_24, %get3A_24 : vector<1x10xf32>
    %add3A_32 = arith.addf %mul3A_30, %mul3A_31 : vector<1x10xf32>
    %mul3A_33 = arith.mulf %slice3A, %add3A_32 : vector<1x10xf32>
    %add3A_34 = arith.addf %sub3A, %mul3A_33 : vector<1x10xf32>
    %gt3A = arith.constant 0.000000e+00 : f32
    %gt3A_35 = vector.broadcast %gt3A : f32 to vector<1x10xf32>
    %gt3A_36 = arith.cmpf ogt, %slice3A, %gt3A_35 : vector<1x10xf32>
    %jit3A = arith.constant 1.000000e+00 : f32
    %broadcast_in_dim3A = vector.broadcast %jit3A : f32 to vector<1x10xf32>
    %select_n3A = arith.select %gt3A_36, %slice3A, %broadcast_in_dim3A : vector<1x10xi1>, vector<1x10xf32>
    %gt3A_37 = arith.constant 0.000000e+00 : f32
    %gt3A_38 = vector.broadcast %gt3A_37 : f32 to vector<1x10xf32>
    %gt3A_39 = arith.cmpf ogt, %slice3A, %gt3A_38 : vector<1x10xf32>
    %div3A = arith.divf %add3A_34, %select_n3A : vector<1x10xf32>
    %jit3A_40 = arith.constant 0.000000e+00 : f32
    %broadcast_in_dim3A_41 = vector.broadcast %jit3A_40 : f32 to vector<1x10xf32>
    %select_n3A_42 = arith.select %gt3A_39, %div3A, %broadcast_in_dim3A_41 : vector<1x10xi1>, vector<1x10xf32>
    %reduce_sum3A_43 = arith.constant dense<0.000000e+00> : vector<1xf32>
    %reduce_sum3A_44 = vector.multi_reduction <add>, %select_n3A_42, %reduce_sum3A_43 [1] : vector<1x10xf32> to vector<1xf32>
    %broadcast_in_dim3A_45 = vector.shape_cast %reduce_sum3A_44 : vector<1xf32> to vector<1x1xf32>
    %get3A_46 = arith.constant 0 : index
    %get3A_47 = arith.constant 0 : index
    %get3A_48 = vector.load %arg5[%get3A_46, %get3A_47] : memref<1x1xf32, #tpu.memory_space<vmem>>, vector<1x1xf32>
    %mul3A_49 = arith.mulf %broadcast_in_dim3A_45, %get3A_48 : vector<1x1xf32>
    %swap3A = arith.constant 0 : index
    %swap3A_50 = arith.constant 0 : index
    %swap3A_51 = vector.load %arg6[%swap3A, %swap3A_50] : memref<1x1xf32, #tpu.memory_space<vmem>>, vector<1x1xf32>
    tpu.vector_store %arg6[%swap3A, %swap3A_50], %mul3A_49 {strides = array<i32>} : memref<1x1xf32, #tpu.memory_space<vmem>>, vector<1x1xf32>,
    return
  }
}

module attributes {stable_mosaic.version = 14 : i64} {
  func.func @_tc_stats_body(%arg0: i32, %arg1: memref<32x2x128xf32, #tpu.memory_space<vmem>>, %arg2: memref<32x128xf32, #tpu.memory_space<vmem>>, %arg3: memref<4x1280xf32, #tpu.memory_space<vmem>>) attributes {dimension_semantics = [#tpu.dimension_semantics<arbitrary>], iteration_bounds = array<i64: 64>, scalar_prefetch = 0 : i64, scratch_operands = 0 : i64, tpu.core_type = #tpu.core_type<tc>, window_params = [{transform_indices = @transform_0, window_bounds = array<i64: 32, 2, 128>}, {transform_indices = @transform_1, window_bounds = array<i64: 32, 128>}, {pipeline_mode = #tpu.pipeline_mode<synchronous>, transform_indices = @transform_2, window_bounds = array<i64: 4, 1280>}]} {
    %eq3A = arith.constant 0 : i32
    %eq3A_0 = arith.cmpi eq, %arg0, %eq3A : i32
    %convert_element_type3A = arith.extui %eq3A_0 : i1 to i32
    %cond3A = arith.constant 0 : i32
    %cond3A_1 = arith.cmpi ne, %convert_element_type3A, %cond3A : i32
    scf.if %cond3A_1 {
      %broadcast_in_dim3A_454 = arith.constant 0.000000e+00 : f32
      %broadcast_in_dim3A_455 = vector.broadcast %broadcast_in_dim3A_454 : f32 to vector<4x1280xf32>
      %swap3A_456 = arith.constant 0 : index
      %swap3A_457 = arith.constant 0 : index
      %swap3A_458 = vector.load %arg3[%swap3A_456, %swap3A_457] : memref<4x1280xf32, #tpu.memory_space<vmem>>, vector<4x1280xf32>
      tpu.vector_store %arg3[%swap3A_456, %swap3A_457], %broadcast_in_dim3A_455 {strides = array<i32>} : memref<4x1280xf32, #tpu.memory_space<vmem>>, vector<4x1280xf32>,
    } else {
    }
    %get3A = arith.constant 0 : index
    %get3A_2 = arith.constant 0 : index
    %get3A_3 = arith.constant 0 : index
    %get3A_4 = vector.load %arg1[%get3A, %get3A_2, %get3A_3] : memref<32x2x128xf32, #tpu.memory_space<vmem>>, vector<32x1x128xf32>
    %get3A_5 = vector.shape_cast %get3A_4 : vector<32x1x128xf32> to vector<32x128xf32>
    %get3A_6 = arith.constant 0 : index
    %get3A_7 = arith.constant 1 : index
    %get3A_8 = arith.constant 0 : index
    %get3A_9 = vector.load %arg1[%get3A_6, %get3A_7, %get3A_8] : memref<32x2x128xf32, #tpu.memory_space<vmem>>, vector<32x1x128xf32>
    %get3A_10 = vector.shape_cast %get3A_9 : vector<32x1x128xf32> to vector<32x128xf32>
    %get3A_11 = arith.constant 0 : index
    %get3A_12 = arith.constant 0 : index
    %get3A_13 = vector.load %arg2[%get3A_11, %get3A_12] : memref<32x128xf32, #tpu.memory_space<vmem>>, vector<32x128xf32>
    %mul3A = arith.mulf %get3A_5, %get3A_5 : vector<32x128xf32>
    %mul3A_14 = arith.mulf %get3A_10, %get3A_10 : vector<32x128xf32>
    %add3A = arith.addf %mul3A, %mul3A_14 : vector<32x128xf32>
    %broadcast_in_dim3A = arith.constant 1.000000e+00 : f32
    %broadcast_in_dim3A_15 = vector.broadcast %broadcast_in_dim3A : f32 to vector<1x32xf32>
    %eq3A_16 = arith.constant 0.000000e+00 : f32
    %eq3A_17 = vector.broadcast %eq3A_16 : f32 to vector<32x128xf32>
    %eq3A_18 = arith.cmpf oeq, %get3A_13, %eq3A_17 : vector<32x128xf32>
    %convert_element_type3A_19 = arith.extui %eq3A_18 : vector<32x128xi1> to vector<32x128xi32>
    %convert_element_type3A_20 = arith.sitofp %convert_element_type3A_19 : vector<32x128xi32> to vector<32x128xf32>
    %get3A_21 = arith.constant 0 : index
    %get3A_22 = arith.constant 0 : index
    %get3A_23 = vector.load %arg3[%get3A_21, %get3A_22] : memref<4x1280xf32, #tpu.memory_space<vmem>>, vector<1x128xf32>
    %dot_general3A = arith.constant dense<0.000000e+00> : vector<1x128xf32>
    %dot_general3A_24 = tpu.matmul %broadcast_in_dim3A_15, %convert_element_type3A_20, %dot_general3A {dimension_numbers = #tpu.dot_dimension_numbers<[1], [0], [0], [1], [0, 0, 1, 1], [], []>, transpose_lhs_hint = false} : vector<1x32xf32>, vector<32x128xf32>, vector<1x128xf32> -> vector<1x128xf32>
    %add3A_25 = arith.addf %get3A_23, %dot_general3A_24 : vector<1x128xf32>
    %swap3A = arith.constant 0 : index
    %swap3A_26 = arith.constant 0 : index
    %swap3A_27 = vector.load %arg3[%swap3A, %swap3A_26] : memref<4x1280xf32, #tpu.memory_space<vmem>>, vector<1x128xf32>
    tpu.vector_store %arg3[%swap3A, %swap3A_26], %add3A_25 {strides = array<i32>} : memref<4x1280xf32, #tpu.memory_space<vmem>>, vector<1x128xf32>,
    %get3A_28 = arith.constant 1 : index
    %get3A_29 = arith.constant 0 : index
    %get3A_30 = vector.load %arg3[%get3A_28, %get3A_29] : memref<4x1280xf32, #tpu.memory_space<vmem>>, vector<1x128xf32>
    %mul3A_31 = arith.mulf %convert_element_type3A_20, %get3A_5 : vector<32x128xf32>
    %dot_general3A_32 = arith.constant dense<0.000000e+00> : vector<1x128xf32>
    %dot_general3A_33 = tpu.matmul %broadcast_in_dim3A_15, %mul3A_31, %dot_general3A_32 {dimension_numbers = #tpu.dot_dimension_numbers<[1], [0], [0], [1], [0, 0, 1, 1], [], []>, transpose_lhs_hint = false} : vector<1x32xf32>, vector<32x128xf32>, vector<1x128xf32> -> vector<1x128xf32>
    %add3A_34 = arith.addf %get3A_30, %dot_general3A_33 : vector<1x128xf32>
    %swap3A_35 = arith.constant 1 : index
    %swap3A_36 = arith.constant 0 : index
    %swap3A_37 = vector.load %arg3[%swap3A_35, %swap3A_36] : memref<4x1280xf32, #tpu.memory_space<vmem>>, vector<1x128xf32>
    tpu.vector_store %arg3[%swap3A_35, %swap3A_36], %add3A_34 {strides = array<i32>} : memref<4x1280xf32, #tpu.memory_space<vmem>>, vector<1x128xf32>,
    %get3A_38 = arith.constant 2 : index
    %get3A_39 = arith.constant 0 : index
    %get3A_40 = vector.load %arg3[%get3A_38, %get3A_39] : memref<4x1280xf32, #tpu.memory_space<vmem>>, vector<1x128xf32>
    %mul3A_41 = arith.mulf %convert_element_type3A_20, %get3A_10 : vector<32x128xf32>
    %dot_general3A_42 = arith.constant dense<0.000000e+00> : vector<1x128xf32>
    %dot_general3A_43 = tpu.matmul %broadcast_in_dim3A_15, %mul3A_41, %dot_general3A_42 {dimension_numbers = #tpu.dot_dimension_numbers<[1], [0], [0], [1], [0, 0, 1, 1], [], []>, transpose_lhs_hint = false} : vector<1x32xf32>, vector<32x128xf32>, vector<1x128xf32> -> vector<1x128xf32>
    %add3A_44 = arith.addf %get3A_40, %dot_general3A_43 : vector<1x128xf32>
    %swap3A_45 = arith.constant 2 : index
    %swap3A_46 = arith.constant 0 : index
    %swap3A_47 = vector.load %arg3[%swap3A_45, %swap3A_46] : memref<4x1280xf32, #tpu.memory_space<vmem>>, vector<1x128xf32>
    tpu.vector_store %arg3[%swap3A_45, %swap3A_46], %add3A_44 {strides = array<i32>} : memref<4x1280xf32, #tpu.memory_space<vmem>>, vector<1x128xf32>,
    %get3A_48 = arith.constant 3 : index
    %get3A_49 = arith.constant 0 : index
    %get3A_50 = vector.load %arg3[%get3A_48, %get3A_49] : memref<4x1280xf32, #tpu.memory_space<vmem>>, vector<1x128xf32>
    %mul3A_51 = arith.mulf %convert_element_type3A_20, %add3A : vector<32x128xf32>
    %dot_general3A_52 = arith.constant dense<0.000000e+00> : vector<1x128xf32>
    %dot_general3A_53 = tpu.matmul %broadcast_in_dim3A_15, %mul3A_51, %dot_general3A_52 {dimension_numbers = #tpu.dot_dimension_numbers<[1], [0], [0], [1], [0, 0, 1, 1], [], []>, transpose_lhs_hint = false} : vector<1x32xf32>, vector<32x128xf32>, vector<1x128xf32> -> vector<1x128xf32>
    %add3A_54 = arith.addf %get3A_50, %dot_general3A_53 : vector<1x128xf32>
    %swap3A_55 = arith.constant 3 : index
    %swap3A_56 = arith.constant 0 : index
    %swap3A_57 = vector.load %arg3[%swap3A_55, %swap3A_56] : memref<4x1280xf32, #tpu.memory_space<vmem>>, vector<1x128xf32>
    tpu.vector_store %arg3[%swap3A_55, %swap3A_56], %add3A_54 {strides = array<i32>} : memref<4x1280xf32, #tpu.memory_space<vmem>>, vector<1x128xf32>,
    %eq3A_58 = arith.constant 1.000000e+00 : f32
    %eq3A_59 = vector.broadcast %eq3A_58 : f32 to vector<32x128xf32>
    %eq3A_60 = arith.cmpf oeq, %get3A_13, %eq3A_59 : vector<32x128xf32>
    %convert_element_type3A_61 = arith.extui %eq3A_60 : vector<32x128xi1> to vector<32x128xi32>
    %convert_element_type3A_62 = arith.sitofp %convert_element_type3A_61 : vector<32x128xi32> to vector<32x128xf32>
    %get3A_63 = arith.constant 0 : index
    %get3A_64 = arith.constant 128 : index
    %get3A_65 = vector.load %arg3[%get3A_63, %get3A_64] : memref<4x1280xf32, #tpu.memory_space<vmem>>, vector<1x128xf32>
    %dot_general3A_66 = arith.constant dense<0.000000e+00> : vector<1x128xf32>
    %dot_general3A_67 = tpu.matmul %broadcast_in_dim3A_15, %convert_element_type3A_62, %dot_general3A_66 {dimension_numbers = #tpu.dot_dimension_numbers<[1], [0], [0], [1], [0, 0, 1, 1], [], []>, transpose_lhs_hint = false} : vector<1x32xf32>, vector<32x128xf32>, vector<1x128xf32> -> vector<1x128xf32>
    %add3A_68 = arith.addf %get3A_65, %dot_general3A_67 : vector<1x128xf32>
    %swap3A_69 = arith.constant 0 : index
    %swap3A_70 = arith.constant 128 : index
    %swap3A_71 = vector.load %arg3[%swap3A_69, %swap3A_70] : memref<4x1280xf32, #tpu.memory_space<vmem>>, vector<1x128xf32>
    tpu.vector_store %arg3[%swap3A_69, %swap3A_70], %add3A_68 {strides = array<i32>} : memref<4x1280xf32, #tpu.memory_space<vmem>>, vector<1x128xf32>,
    %get3A_72 = arith.constant 1 : index
    %get3A_73 = arith.constant 128 : index
    %get3A_74 = vector.load %arg3[%get3A_72, %get3A_73] : memref<4x1280xf32, #tpu.memory_space<vmem>>, vector<1x128xf32>
    %mul3A_75 = arith.mulf %convert_element_type3A_62, %get3A_5 : vector<32x128xf32>
    %dot_general3A_76 = arith.constant dense<0.000000e+00> : vector<1x128xf32>
    %dot_general3A_77 = tpu.matmul %broadcast_in_dim3A_15, %mul3A_75, %dot_general3A_76 {dimension_numbers = #tpu.dot_dimension_numbers<[1], [0], [0], [1], [0, 0, 1, 1], [], []>, transpose_lhs_hint = false} : vector<1x32xf32>, vector<32x128xf32>, vector<1x128xf32> -> vector<1x128xf32>
    %add3A_78 = arith.addf %get3A_74, %dot_general3A_77 : vector<1x128xf32>
    %swap3A_79 = arith.constant 1 : index
    %swap3A_80 = arith.constant 128 : index
    %swap3A_81 = vector.load %arg3[%swap3A_79, %swap3A_80] : memref<4x1280xf32, #tpu.memory_space<vmem>>, vector<1x128xf32>
    tpu.vector_store %arg3[%swap3A_79, %swap3A_80], %add3A_78 {strides = array<i32>} : memref<4x1280xf32, #tpu.memory_space<vmem>>, vector<1x128xf32>,
    %get3A_82 = arith.constant 2 : index
    %get3A_83 = arith.constant 128 : index
    %get3A_84 = vector.load %arg3[%get3A_82, %get3A_83] : memref<4x1280xf32, #tpu.memory_space<vmem>>, vector<1x128xf32>
    %mul3A_85 = arith.mulf %convert_element_type3A_62, %get3A_10 : vector<32x128xf32>
    %dot_general3A_86 = arith.constant dense<0.000000e+00> : vector<1x128xf32>
    %dot_general3A_87 = tpu.matmul %broadcast_in_dim3A_15, %mul3A_85, %dot_general3A_86 {dimension_numbers = #tpu.dot_dimension_numbers<[1], [0], [0], [1], [0, 0, 1, 1], [], []>, transpose_lhs_hint = false} : vector<1x32xf32>, vector<32x128xf32>, vector<1x128xf32> -> vector<1x128xf32>
    %add3A_88 = arith.addf %get3A_84, %dot_general3A_87 : vector<1x128xf32>
    %swap3A_89 = arith.constant 2 : index
    %swap3A_90 = arith.constant 128 : index
    %swap3A_91 = vector.load %arg3[%swap3A_89, %swap3A_90] : memref<4x1280xf32, #tpu.memory_space<vmem>>, vector<1x128xf32>
    tpu.vector_store %arg3[%swap3A_89, %swap3A_90], %add3A_88 {strides = array<i32>} : memref<4x1280xf32, #tpu.memory_space<vmem>>, vector<1x128xf32>,
    %get3A_92 = arith.constant 3 : index
    %get3A_93 = arith.constant 128 : index
    %get3A_94 = vector.load %arg3[%get3A_92, %get3A_93] : memref<4x1280xf32, #tpu.memory_space<vmem>>, vector<1x128xf32>
    %mul3A_95 = arith.mulf %convert_element_type3A_62, %add3A : vector<32x128xf32>
    %dot_general3A_96 = arith.constant dense<0.000000e+00> : vector<1x128xf32>
    %dot_general3A_97 = tpu.matmul %broadcast_in_dim3A_15, %mul3A_95, %dot_general3A_96 {dimension_numbers = #tpu.dot_dimension_numbers<[1], [0], [0], [1], [0, 0, 1, 1], [], []>, transpose_lhs_hint = false} : vector<1x32xf32>, vector<32x128xf32>, vector<1x128xf32> -> vector<1x128xf32>
    %add3A_98 = arith.addf %get3A_94, %dot_general3A_97 : vector<1x128xf32>
    %swap3A_99 = arith.constant 3 : index
    %swap3A_100 = arith.constant 128 : index
    %swap3A_101 = vector.load %arg3[%swap3A_99, %swap3A_100] : memref<4x1280xf32, #tpu.memory_space<vmem>>, vector<1x128xf32>
    tpu.vector_store %arg3[%swap3A_99, %swap3A_100], %add3A_98 {strides = array<i32>} : memref<4x1280xf32, #tpu.memory_space<vmem>>, vector<1x128xf32>,
    %eq3A_102 = arith.constant 2.000000e+00 : f32
    %eq3A_103 = vector.broadcast %eq3A_102 : f32 to vector<32x128xf32>
    %eq3A_104 = arith.cmpf oeq, %get3A_13, %eq3A_103 : vector<32x128xf32>
    %convert_element_type3A_105 = arith.extui %eq3A_104 : vector<32x128xi1> to vector<32x128xi32>
    %convert_element_type3A_106 = arith.sitofp %convert_element_type3A_105 : vector<32x128xi32> to vector<32x128xf32>
    %get3A_107 = arith.constant 0 : index
    %get3A_108 = arith.constant 256 : index
    %get3A_109 = vector.load %arg3[%get3A_107, %get3A_108] : memref<4x1280xf32, #tpu.memory_space<vmem>>, vector<1x128xf32>
    %dot_general3A_110 = arith.constant dense<0.000000e+00> : vector<1x128xf32>
    %dot_general3A_111 = tpu.matmul %broadcast_in_dim3A_15, %convert_element_type3A_106, %dot_general3A_110 {dimension_numbers = #tpu.dot_dimension_numbers<[1], [0], [0], [1], [0, 0, 1, 1], [], []>, transpose_lhs_hint = false} : vector<1x32xf32>, vector<32x128xf32>, vector<1x128xf32> -> vector<1x128xf32>
    %add3A_112 = arith.addf %get3A_109, %dot_general3A_111 : vector<1x128xf32>
    %swap3A_113 = arith.constant 0 : index
    %swap3A_114 = arith.constant 256 : index
    %swap3A_115 = vector.load %arg3[%swap3A_113, %swap3A_114] : memref<4x1280xf32, #tpu.memory_space<vmem>>, vector<1x128xf32>
    tpu.vector_store %arg3[%swap3A_113, %swap3A_114], %add3A_112 {strides = array<i32>} : memref<4x1280xf32, #tpu.memory_space<vmem>>, vector<1x128xf32>,
    %get3A_116 = arith.constant 1 : index
    %get3A_117 = arith.constant 256 : index
    %get3A_118 = vector.load %arg3[%get3A_116, %get3A_117] : memref<4x1280xf32, #tpu.memory_space<vmem>>, vector<1x128xf32>
    %mul3A_119 = arith.mulf %convert_element_type3A_106, %get3A_5 : vector<32x128xf32>
    %dot_general3A_120 = arith.constant dense<0.000000e+00> : vector<1x128xf32>
    %dot_general3A_121 = tpu.matmul %broadcast_in_dim3A_15, %mul3A_119, %dot_general3A_120 {dimension_numbers = #tpu.dot_dimension_numbers<[1], [0], [0], [1], [0, 0, 1, 1], [], []>, transpose_lhs_hint = false} : vector<1x32xf32>, vector<32x128xf32>, vector<1x128xf32> -> vector<1x128xf32>
    %add3A_122 = arith.addf %get3A_118, %dot_general3A_121 : vector<1x128xf32>
    %swap3A_123 = arith.constant 1 : index
    %swap3A_124 = arith.constant 256 : index
    %swap3A_125 = vector.load %arg3[%swap3A_123, %swap3A_124] : memref<4x1280xf32, #tpu.memory_space<vmem>>, vector<1x128xf32>
    tpu.vector_store %arg3[%swap3A_123, %swap3A_124], %add3A_122 {strides = array<i32>} : memref<4x1280xf32, #tpu.memory_space<vmem>>, vector<1x128xf32>,
    %get3A_126 = arith.constant 2 : index
    %get3A_127 = arith.constant 256 : index
    %get3A_128 = vector.load %arg3[%get3A_126, %get3A_127] : memref<4x1280xf32, #tpu.memory_space<vmem>>, vector<1x128xf32>
    %mul3A_129 = arith.mulf %convert_element_type3A_106, %get3A_10 : vector<32x128xf32>
    %dot_general3A_130 = arith.constant dense<0.000000e+00> : vector<1x128xf32>
    %dot_general3A_131 = tpu.matmul %broadcast_in_dim3A_15, %mul3A_129, %dot_general3A_130 {dimension_numbers = #tpu.dot_dimension_numbers<[1], [0], [0], [1], [0, 0, 1, 1], [], []>, transpose_lhs_hint = false} : vector<1x32xf32>, vector<32x128xf32>, vector<1x128xf32> -> vector<1x128xf32>
    %add3A_132 = arith.addf %get3A_128, %dot_general3A_131 : vector<1x128xf32>
    %swap3A_133 = arith.constant 2 : index
    %swap3A_134 = arith.constant 256 : index
    %swap3A_135 = vector.load %arg3[%swap3A_133, %swap3A_134] : memref<4x1280xf32, #tpu.memory_space<vmem>>, vector<1x128xf32>
    tpu.vector_store %arg3[%swap3A_133, %swap3A_134], %add3A_132 {strides = array<i32>} : memref<4x1280xf32, #tpu.memory_space<vmem>>, vector<1x128xf32>,
    %get3A_136 = arith.constant 3 : index
    %get3A_137 = arith.constant 256 : index
    %get3A_138 = vector.load %arg3[%get3A_136, %get3A_137] : memref<4x1280xf32, #tpu.memory_space<vmem>>, vector<1x128xf32>
    %mul3A_139 = arith.mulf %convert_element_type3A_106, %add3A : vector<32x128xf32>
    %dot_general3A_140 = arith.constant dense<0.000000e+00> : vector<1x128xf32>
    %dot_general3A_141 = tpu.matmul %broadcast_in_dim3A_15, %mul3A_139, %dot_general3A_140 {dimension_numbers = #tpu.dot_dimension_numbers<[1], [0], [0], [1], [0, 0, 1, 1], [], []>, transpose_lhs_hint = false} : vector<1x32xf32>, vector<32x128xf32>, vector<1x128xf32> -> vector<1x128xf32>
    %add3A_142 = arith.addf %get3A_138, %dot_general3A_141 : vector<1x128xf32>
    %swap3A_143 = arith.constant 3 : index
    %swap3A_144 = arith.constant 256 : index
    %swap3A_145 = vector.load %arg3[%swap3A_143, %swap3A_144] : memref<4x1280xf32, #tpu.memory_space<vmem>>, vector<1x128xf32>
    tpu.vector_store %arg3[%swap3A_143, %swap3A_144], %add3A_142 {strides = array<i32>} : memref<4x1280xf32, #tpu.memory_space<vmem>>, vector<1x128xf32>,
    %eq3A_146 = arith.constant 3.000000e+00 : f32
    %eq3A_147 = vector.broadcast %eq3A_146 : f32 to vector<32x128xf32>
    %eq3A_148 = arith.cmpf oeq, %get3A_13, %eq3A_147 : vector<32x128xf32>
    %convert_element_type3A_149 = arith.extui %eq3A_148 : vector<32x128xi1> to vector<32x128xi32>
    %convert_element_type3A_150 = arith.sitofp %convert_element_type3A_149 : vector<32x128xi32> to vector<32x128xf32>
    %get3A_151 = arith.constant 0 : index
    %get3A_152 = arith.constant 384 : index
    %get3A_153 = vector.load %arg3[%get3A_151, %get3A_152] : memref<4x1280xf32, #tpu.memory_space<vmem>>, vector<1x128xf32>
    %dot_general3A_154 = arith.constant dense<0.000000e+00> : vector<1x128xf32>
    %dot_general3A_155 = tpu.matmul %broadcast_in_dim3A_15, %convert_element_type3A_150, %dot_general3A_154 {dimension_numbers = #tpu.dot_dimension_numbers<[1], [0], [0], [1], [0, 0, 1, 1], [], []>, transpose_lhs_hint = false} : vector<1x32xf32>, vector<32x128xf32>, vector<1x128xf32> -> vector<1x128xf32>
    %add3A_156 = arith.addf %get3A_153, %dot_general3A_155 : vector<1x128xf32>
    %swap3A_157 = arith.constant 0 : index
    %swap3A_158 = arith.constant 384 : index
    %swap3A_159 = vector.load %arg3[%swap3A_157, %swap3A_158] : memref<4x1280xf32, #tpu.memory_space<vmem>>, vector<1x128xf32>
    tpu.vector_store %arg3[%swap3A_157, %swap3A_158], %add3A_156 {strides = array<i32>} : memref<4x1280xf32, #tpu.memory_space<vmem>>, vector<1x128xf32>,
    %get3A_160 = arith.constant 1 : index
    %get3A_161 = arith.constant 384 : index
    %get3A_162 = vector.load %arg3[%get3A_160, %get3A_161] : memref<4x1280xf32, #tpu.memory_space<vmem>>, vector<1x128xf32>
    %mul3A_163 = arith.mulf %convert_element_type3A_150, %get3A_5 : vector<32x128xf32>
    %dot_general3A_164 = arith.constant dense<0.000000e+00> : vector<1x128xf32>
    %dot_general3A_165 = tpu.matmul %broadcast_in_dim3A_15, %mul3A_163, %dot_general3A_164 {dimension_numbers = #tpu.dot_dimension_numbers<[1], [0], [0], [1], [0, 0, 1, 1], [], []>, transpose_lhs_hint = false} : vector<1x32xf32>, vector<32x128xf32>, vector<1x128xf32> -> vector<1x128xf32>
    %add3A_166 = arith.addf %get3A_162, %dot_general3A_165 : vector<1x128xf32>
    %swap3A_167 = arith.constant 1 : index
    %swap3A_168 = arith.constant 384 : index
    %swap3A_169 = vector.load %arg3[%swap3A_167, %swap3A_168] : memref<4x1280xf32, #tpu.memory_space<vmem>>, vector<1x128xf32>
    tpu.vector_store %arg3[%swap3A_167, %swap3A_168], %add3A_166 {strides = array<i32>} : memref<4x1280xf32, #tpu.memory_space<vmem>>, vector<1x128xf32>,
    %get3A_170 = arith.constant 2 : index
    %get3A_171 = arith.constant 384 : index
    %get3A_172 = vector.load %arg3[%get3A_170, %get3A_171] : memref<4x1280xf32, #tpu.memory_space<vmem>>, vector<1x128xf32>
    %mul3A_173 = arith.mulf %convert_element_type3A_150, %get3A_10 : vector<32x128xf32>
    %dot_general3A_174 = arith.constant dense<0.000000e+00> : vector<1x128xf32>
    %dot_general3A_175 = tpu.matmul %broadcast_in_dim3A_15, %mul3A_173, %dot_general3A_174 {dimension_numbers = #tpu.dot_dimension_numbers<[1], [0], [0], [1], [0, 0, 1, 1], [], []>, transpose_lhs_hint = false} : vector<1x32xf32>, vector<32x128xf32>, vector<1x128xf32> -> vector<1x128xf32>
    %add3A_176 = arith.addf %get3A_172, %dot_general3A_175 : vector<1x128xf32>
    %swap3A_177 = arith.constant 2 : index
    %swap3A_178 = arith.constant 384 : index
    %swap3A_179 = vector.load %arg3[%swap3A_177, %swap3A_178] : memref<4x1280xf32, #tpu.memory_space<vmem>>, vector<1x128xf32>
    tpu.vector_store %arg3[%swap3A_177, %swap3A_178], %add3A_176 {strides = array<i32>} : memref<4x1280xf32, #tpu.memory_space<vmem>>, vector<1x128xf32>,
    %get3A_180 = arith.constant 3 : index
    %get3A_181 = arith.constant 384 : index
    %get3A_182 = vector.load %arg3[%get3A_180, %get3A_181] : memref<4x1280xf32, #tpu.memory_space<vmem>>, vector<1x128xf32>
    %mul3A_183 = arith.mulf %convert_element_type3A_150, %add3A : vector<32x128xf32>
    %dot_general3A_184 = arith.constant dense<0.000000e+00> : vector<1x128xf32>
    %dot_general3A_185 = tpu.matmul %broadcast_in_dim3A_15, %mul3A_183, %dot_general3A_184 {dimension_numbers = #tpu.dot_dimension_numbers<[1], [0], [0], [1], [0, 0, 1, 1], [], []>, transpose_lhs_hint = false} : vector<1x32xf32>, vector<32x128xf32>, vector<1x128xf32> -> vector<1x128xf32>
    %add3A_186 = arith.addf %get3A_182, %dot_general3A_185 : vector<1x128xf32>
    %swap3A_187 = arith.constant 3 : index
    %swap3A_188 = arith.constant 384 : index
    %swap3A_189 = vector.load %arg3[%swap3A_187, %swap3A_188] : memref<4x1280xf32, #tpu.memory_space<vmem>>, vector<1x128xf32>
    tpu.vector_store %arg3[%swap3A_187, %swap3A_188], %add3A_186 {strides = array<i32>} : memref<4x1280xf32, #tpu.memory_space<vmem>>, vector<1x128xf32>,
    %eq3A_190 = arith.constant 4.000000e+00 : f32
    %eq3A_191 = vector.broadcast %eq3A_190 : f32 to vector<32x128xf32>
    %eq3A_192 = arith.cmpf oeq, %get3A_13, %eq3A_191 : vector<32x128xf32>
    %convert_element_type3A_193 = arith.extui %eq3A_192 : vector<32x128xi1> to vector<32x128xi32>
    %convert_element_type3A_194 = arith.sitofp %convert_element_type3A_193 : vector<32x128xi32> to vector<32x128xf32>
    %get3A_195 = arith.constant 0 : index
    %get3A_196 = arith.constant 512 : index
    %get3A_197 = vector.load %arg3[%get3A_195, %get3A_196] : memref<4x1280xf32, #tpu.memory_space<vmem>>, vector<1x128xf32>
    %dot_general3A_198 = arith.constant dense<0.000000e+00> : vector<1x128xf32>
    %dot_general3A_199 = tpu.matmul %broadcast_in_dim3A_15, %convert_element_type3A_194, %dot_general3A_198 {dimension_numbers = #tpu.dot_dimension_numbers<[1], [0], [0], [1], [0, 0, 1, 1], [], []>, transpose_lhs_hint = false} : vector<1x32xf32>, vector<32x128xf32>, vector<1x128xf32> -> vector<1x128xf32>
    %add3A_200 = arith.addf %get3A_197, %dot_general3A_199 : vector<1x128xf32>
    %swap3A_201 = arith.constant 0 : index
    %swap3A_202 = arith.constant 512 : index
    %swap3A_203 = vector.load %arg3[%swap3A_201, %swap3A_202] : memref<4x1280xf32, #tpu.memory_space<vmem>>, vector<1x128xf32>
    tpu.vector_store %arg3[%swap3A_201, %swap3A_202], %add3A_200 {strides = array<i32>} : memref<4x1280xf32, #tpu.memory_space<vmem>>, vector<1x128xf32>,
    %get3A_204 = arith.constant 1 : index
    %get3A_205 = arith.constant 512 : index
    %get3A_206 = vector.load %arg3[%get3A_204, %get3A_205] : memref<4x1280xf32, #tpu.memory_space<vmem>>, vector<1x128xf32>
    %mul3A_207 = arith.mulf %convert_element_type3A_194, %get3A_5 : vector<32x128xf32>
    %dot_general3A_208 = arith.constant dense<0.000000e+00> : vector<1x128xf32>
    %dot_general3A_209 = tpu.matmul %broadcast_in_dim3A_15, %mul3A_207, %dot_general3A_208 {dimension_numbers = #tpu.dot_dimension_numbers<[1], [0], [0], [1], [0, 0, 1, 1], [], []>, transpose_lhs_hint = false} : vector<1x32xf32>, vector<32x128xf32>, vector<1x128xf32> -> vector<1x128xf32>
    %add3A_210 = arith.addf %get3A_206, %dot_general3A_209 : vector<1x128xf32>
    %swap3A_211 = arith.constant 1 : index
    %swap3A_212 = arith.constant 512 : index
    %swap3A_213 = vector.load %arg3[%swap3A_211, %swap3A_212] : memref<4x1280xf32, #tpu.memory_space<vmem>>, vector<1x128xf32>
    tpu.vector_store %arg3[%swap3A_211, %swap3A_212], %add3A_210 {strides = array<i32>} : memref<4x1280xf32, #tpu.memory_space<vmem>>, vector<1x128xf32>,
    %get3A_214 = arith.constant 2 : index
    %get3A_215 = arith.constant 512 : index
    %get3A_216 = vector.load %arg3[%get3A_214, %get3A_215] : memref<4x1280xf32, #tpu.memory_space<vmem>>, vector<1x128xf32>
    %mul3A_217 = arith.mulf %convert_element_type3A_194, %get3A_10 : vector<32x128xf32>
    %dot_general3A_218 = arith.constant dense<0.000000e+00> : vector<1x128xf32>
    %dot_general3A_219 = tpu.matmul %broadcast_in_dim3A_15, %mul3A_217, %dot_general3A_218 {dimension_numbers = #tpu.dot_dimension_numbers<[1], [0], [0], [1], [0, 0, 1, 1], [], []>, transpose_lhs_hint = false} : vector<1x32xf32>, vector<32x128xf32>, vector<1x128xf32> -> vector<1x128xf32>
    %add3A_220 = arith.addf %get3A_216, %dot_general3A_219 : vector<1x128xf32>
    %swap3A_221 = arith.constant 2 : index
    %swap3A_222 = arith.constant 512 : index
    %swap3A_223 = vector.load %arg3[%swap3A_221, %swap3A_222] : memref<4x1280xf32, #tpu.memory_space<vmem>>, vector<1x128xf32>
    tpu.vector_store %arg3[%swap3A_221, %swap3A_222], %add3A_220 {strides = array<i32>} : memref<4x1280xf32, #tpu.memory_space<vmem>>, vector<1x128xf32>,
    %get3A_224 = arith.constant 3 : index
    %get3A_225 = arith.constant 512 : index
    %get3A_226 = vector.load %arg3[%get3A_224, %get3A_225] : memref<4x1280xf32, #tpu.memory_space<vmem>>, vector<1x128xf32>
    %mul3A_227 = arith.mulf %convert_element_type3A_194, %add3A : vector<32x128xf32>
    %dot_general3A_228 = arith.constant dense<0.000000e+00> : vector<1x128xf32>
    %dot_general3A_229 = tpu.matmul %broadcast_in_dim3A_15, %mul3A_227, %dot_general3A_228 {dimension_numbers = #tpu.dot_dimension_numbers<[1], [0], [0], [1], [0, 0, 1, 1], [], []>, transpose_lhs_hint = false} : vector<1x32xf32>, vector<32x128xf32>, vector<1x128xf32> -> vector<1x128xf32>
    %add3A_230 = arith.addf %get3A_226, %dot_general3A_229 : vector<1x128xf32>
    %swap3A_231 = arith.constant 3 : index
    %swap3A_232 = arith.constant 512 : index
    %swap3A_233 = vector.load %arg3[%swap3A_231, %swap3A_232] : memref<4x1280xf32, #tpu.memory_space<vmem>>, vector<1x128xf32>
    tpu.vector_store %arg3[%swap3A_231, %swap3A_232], %add3A_230 {strides = array<i32>} : memref<4x1280xf32, #tpu.memory_space<vmem>>, vector<1x128xf32>,
    %eq3A_234 = arith.constant 5.000000e+00 : f32
    %eq3A_235 = vector.broadcast %eq3A_234 : f32 to vector<32x128xf32>
    %eq3A_236 = arith.cmpf oeq, %get3A_13, %eq3A_235 : vector<32x128xf32>
    %convert_element_type3A_237 = arith.extui %eq3A_236 : vector<32x128xi1> to vector<32x128xi32>
    %convert_element_type3A_238 = arith.sitofp %convert_element_type3A_237 : vector<32x128xi32> to vector<32x128xf32>
    %get3A_239 = arith.constant 0 : index
    %get3A_240 = arith.constant 640 : index
    %get3A_241 = vector.load %arg3[%get3A_239, %get3A_240] : memref<4x1280xf32, #tpu.memory_space<vmem>>, vector<1x128xf32>
    %dot_general3A_242 = arith.constant dense<0.000000e+00> : vector<1x128xf32>
    %dot_general3A_243 = tpu.matmul %broadcast_in_dim3A_15, %convert_element_type3A_238, %dot_general3A_242 {dimension_numbers = #tpu.dot_dimension_numbers<[1], [0], [0], [1], [0, 0, 1, 1], [], []>, transpose_lhs_hint = false} : vector<1x32xf32>, vector<32x128xf32>, vector<1x128xf32> -> vector<1x128xf32>
    %add3A_244 = arith.addf %get3A_241, %dot_general3A_243 : vector<1x128xf32>
    %swap3A_245 = arith.constant 0 : index
    %swap3A_246 = arith.constant 640 : index
    %swap3A_247 = vector.load %arg3[%swap3A_245, %swap3A_246] : memref<4x1280xf32, #tpu.memory_space<vmem>>, vector<1x128xf32>
    tpu.vector_store %arg3[%swap3A_245, %swap3A_246], %add3A_244 {strides = array<i32>} : memref<4x1280xf32, #tpu.memory_space<vmem>>, vector<1x128xf32>,
    %get3A_248 = arith.constant 1 : index
    %get3A_249 = arith.constant 640 : index
    %get3A_250 = vector.load %arg3[%get3A_248, %get3A_249] : memref<4x1280xf32, #tpu.memory_space<vmem>>, vector<1x128xf32>
    %mul3A_251 = arith.mulf %convert_element_type3A_238, %get3A_5 : vector<32x128xf32>
    %dot_general3A_252 = arith.constant dense<0.000000e+00> : vector<1x128xf32>
    %dot_general3A_253 = tpu.matmul %broadcast_in_dim3A_15, %mul3A_251, %dot_general3A_252 {dimension_numbers = #tpu.dot_dimension_numbers<[1], [0], [0], [1], [0, 0, 1, 1], [], []>, transpose_lhs_hint = false} : vector<1x32xf32>, vector<32x128xf32>, vector<1x128xf32> -> vector<1x128xf32>
    %add3A_254 = arith.addf %get3A_250, %dot_general3A_253 : vector<1x128xf32>
    %swap3A_255 = arith.constant 1 : index
    %swap3A_256 = arith.constant 640 : index
    %swap3A_257 = vector.load %arg3[%swap3A_255, %swap3A_256] : memref<4x1280xf32, #tpu.memory_space<vmem>>, vector<1x128xf32>
    tpu.vector_store %arg3[%swap3A_255, %swap3A_256], %add3A_254 {strides = array<i32>} : memref<4x1280xf32, #tpu.memory_space<vmem>>, vector<1x128xf32>,
    %get3A_258 = arith.constant 2 : index
    %get3A_259 = arith.constant 640 : index
    %get3A_260 = vector.load %arg3[%get3A_258, %get3A_259] : memref<4x1280xf32, #tpu.memory_space<vmem>>, vector<1x128xf32>
    %mul3A_261 = arith.mulf %convert_element_type3A_238, %get3A_10 : vector<32x128xf32>
    %dot_general3A_262 = arith.constant dense<0.000000e+00> : vector<1x128xf32>
    %dot_general3A_263 = tpu.matmul %broadcast_in_dim3A_15, %mul3A_261, %dot_general3A_262 {dimension_numbers = #tpu.dot_dimension_numbers<[1], [0], [0], [1], [0, 0, 1, 1], [], []>, transpose_lhs_hint = false} : vector<1x32xf32>, vector<32x128xf32>, vector<1x128xf32> -> vector<1x128xf32>
    %add3A_264 = arith.addf %get3A_260, %dot_general3A_263 : vector<1x128xf32>
    %swap3A_265 = arith.constant 2 : index
    %swap3A_266 = arith.constant 640 : index
    %swap3A_267 = vector.load %arg3[%swap3A_265, %swap3A_266] : memref<4x1280xf32, #tpu.memory_space<vmem>>, vector<1x128xf32>
    tpu.vector_store %arg3[%swap3A_265, %swap3A_266], %add3A_264 {strides = array<i32>} : memref<4x1280xf32, #tpu.memory_space<vmem>>, vector<1x128xf32>,
    %get3A_268 = arith.constant 3 : index
    %get3A_269 = arith.constant 640 : index
    %get3A_270 = vector.load %arg3[%get3A_268, %get3A_269] : memref<4x1280xf32, #tpu.memory_space<vmem>>, vector<1x128xf32>
    %mul3A_271 = arith.mulf %convert_element_type3A_238, %add3A : vector<32x128xf32>
    %dot_general3A_272 = arith.constant dense<0.000000e+00> : vector<1x128xf32>
    %dot_general3A_273 = tpu.matmul %broadcast_in_dim3A_15, %mul3A_271, %dot_general3A_272 {dimension_numbers = #tpu.dot_dimension_numbers<[1], [0], [0], [1], [0, 0, 1, 1], [], []>, transpose_lhs_hint = false} : vector<1x32xf32>, vector<32x128xf32>, vector<1x128xf32> -> vector<1x128xf32>
    %add3A_274 = arith.addf %get3A_270, %dot_general3A_273 : vector<1x128xf32>
    %swap3A_275 = arith.constant 3 : index
    %swap3A_276 = arith.constant 640 : index
    %swap3A_277 = vector.load %arg3[%swap3A_275, %swap3A_276] : memref<4x1280xf32, #tpu.memory_space<vmem>>, vector<1x128xf32>
    tpu.vector_store %arg3[%swap3A_275, %swap3A_276], %add3A_274 {strides = array<i32>} : memref<4x1280xf32, #tpu.memory_space<vmem>>, vector<1x128xf32>,
    %eq3A_278 = arith.constant 6.000000e+00 : f32
    %eq3A_279 = vector.broadcast %eq3A_278 : f32 to vector<32x128xf32>
    %eq3A_280 = arith.cmpf oeq, %get3A_13, %eq3A_279 : vector<32x128xf32>
    %convert_element_type3A_281 = arith.extui %eq3A_280 : vector<32x128xi1> to vector<32x128xi32>
    %convert_element_type3A_282 = arith.sitofp %convert_element_type3A_281 : vector<32x128xi32> to vector<32x128xf32>
    %get3A_283 = arith.constant 0 : index
    %get3A_284 = arith.constant 768 : index
    %get3A_285 = vector.load %arg3[%get3A_283, %get3A_284] : memref<4x1280xf32, #tpu.memory_space<vmem>>, vector<1x128xf32>
    %dot_general3A_286 = arith.constant dense<0.000000e+00> : vector<1x128xf32>
    %dot_general3A_287 = tpu.matmul %broadcast_in_dim3A_15, %convert_element_type3A_282, %dot_general3A_286 {dimension_numbers = #tpu.dot_dimension_numbers<[1], [0], [0], [1], [0, 0, 1, 1], [], []>, transpose_lhs_hint = false} : vector<1x32xf32>, vector<32x128xf32>, vector<1x128xf32> -> vector<1x128xf32>
    %add3A_288 = arith.addf %get3A_285, %dot_general3A_287 : vector<1x128xf32>
    %swap3A_289 = arith.constant 0 : index
    %swap3A_290 = arith.constant 768 : index
    %swap3A_291 = vector.load %arg3[%swap3A_289, %swap3A_290] : memref<4x1280xf32, #tpu.memory_space<vmem>>, vector<1x128xf32>
    tpu.vector_store %arg3[%swap3A_289, %swap3A_290], %add3A_288 {strides = array<i32>} : memref<4x1280xf32, #tpu.memory_space<vmem>>, vector<1x128xf32>,
    %get3A_292 = arith.constant 1 : index
    %get3A_293 = arith.constant 768 : index
    %get3A_294 = vector.load %arg3[%get3A_292, %get3A_293] : memref<4x1280xf32, #tpu.memory_space<vmem>>, vector<1x128xf32>
    %mul3A_295 = arith.mulf %convert_element_type3A_282, %get3A_5 : vector<32x128xf32>
    %dot_general3A_296 = arith.constant dense<0.000000e+00> : vector<1x128xf32>
    %dot_general3A_297 = tpu.matmul %broadcast_in_dim3A_15, %mul3A_295, %dot_general3A_296 {dimension_numbers = #tpu.dot_dimension_numbers<[1], [0], [0], [1], [0, 0, 1, 1], [], []>, transpose_lhs_hint = false} : vector<1x32xf32>, vector<32x128xf32>, vector<1x128xf32> -> vector<1x128xf32>
    %add3A_298 = arith.addf %get3A_294, %dot_general3A_297 : vector<1x128xf32>
    %swap3A_299 = arith.constant 1 : index
    %swap3A_300 = arith.constant 768 : index
    %swap3A_301 = vector.load %arg3[%swap3A_299, %swap3A_300] : memref<4x1280xf32, #tpu.memory_space<vmem>>, vector<1x128xf32>
    tpu.vector_store %arg3[%swap3A_299, %swap3A_300], %add3A_298 {strides = array<i32>} : memref<4x1280xf32, #tpu.memory_space<vmem>>, vector<1x128xf32>,
    %get3A_302 = arith.constant 2 : index
    %get3A_303 = arith.constant 768 : index
    %get3A_304 = vector.load %arg3[%get3A_302, %get3A_303] : memref<4x1280xf32, #tpu.memory_space<vmem>>, vector<1x128xf32>
    %mul3A_305 = arith.mulf %convert_element_type3A_282, %get3A_10 : vector<32x128xf32>
    %dot_general3A_306 = arith.constant dense<0.000000e+00> : vector<1x128xf32>
    %dot_general3A_307 = tpu.matmul %broadcast_in_dim3A_15, %mul3A_305, %dot_general3A_306 {dimension_numbers = #tpu.dot_dimension_numbers<[1], [0], [0], [1], [0, 0, 1, 1], [], []>, transpose_lhs_hint = false} : vector<1x32xf32>, vector<32x128xf32>, vector<1x128xf32> -> vector<1x128xf32>
    %add3A_308 = arith.addf %get3A_304, %dot_general3A_307 : vector<1x128xf32>
    %swap3A_309 = arith.constant 2 : index
    %swap3A_310 = arith.constant 768 : index
    %swap3A_311 = vector.load %arg3[%swap3A_309, %swap3A_310] : memref<4x1280xf32, #tpu.memory_space<vmem>>, vector<1x128xf32>
    tpu.vector_store %arg3[%swap3A_309, %swap3A_310], %add3A_308 {strides = array<i32>} : memref<4x1280xf32, #tpu.memory_space<vmem>>, vector<1x128xf32>,
    %get3A_312 = arith.constant 3 : index
    %get3A_313 = arith.constant 768 : index
    %get3A_314 = vector.load %arg3[%get3A_312, %get3A_313] : memref<4x1280xf32, #tpu.memory_space<vmem>>, vector<1x128xf32>
    %mul3A_315 = arith.mulf %convert_element_type3A_282, %add3A : vector<32x128xf32>
    %dot_general3A_316 = arith.constant dense<0.000000e+00> : vector<1x128xf32>
    %dot_general3A_317 = tpu.matmul %broadcast_in_dim3A_15, %mul3A_315, %dot_general3A_316 {dimension_numbers = #tpu.dot_dimension_numbers<[1], [0], [0], [1], [0, 0, 1, 1], [], []>, transpose_lhs_hint = false} : vector<1x32xf32>, vector<32x128xf32>, vector<1x128xf32> -> vector<1x128xf32>
    %add3A_318 = arith.addf %get3A_314, %dot_general3A_317 : vector<1x128xf32>
    %swap3A_319 = arith.constant 3 : index
    %swap3A_320 = arith.constant 768 : index
    %swap3A_321 = vector.load %arg3[%swap3A_319, %swap3A_320] : memref<4x1280xf32, #tpu.memory_space<vmem>>, vector<1x128xf32>
    tpu.vector_store %arg3[%swap3A_319, %swap3A_320], %add3A_318 {strides = array<i32>} : memref<4x1280xf32, #tpu.memory_space<vmem>>, vector<1x128xf32>,
    %eq3A_322 = arith.constant 7.000000e+00 : f32
    %eq3A_323 = vector.broadcast %eq3A_322 : f32 to vector<32x128xf32>
    %eq3A_324 = arith.cmpf oeq, %get3A_13, %eq3A_323 : vector<32x128xf32>
    %convert_element_type3A_325 = arith.extui %eq3A_324 : vector<32x128xi1> to vector<32x128xi32>
    %convert_element_type3A_326 = arith.sitofp %convert_element_type3A_325 : vector<32x128xi32> to vector<32x128xf32>
    %get3A_327 = arith.constant 0 : index
    %get3A_328 = arith.constant 896 : index
    %get3A_329 = vector.load %arg3[%get3A_327, %get3A_328] : memref<4x1280xf32, #tpu.memory_space<vmem>>, vector<1x128xf32>
    %dot_general3A_330 = arith.constant dense<0.000000e+00> : vector<1x128xf32>
    %dot_general3A_331 = tpu.matmul %broadcast_in_dim3A_15, %convert_element_type3A_326, %dot_general3A_330 {dimension_numbers = #tpu.dot_dimension_numbers<[1], [0], [0], [1], [0, 0, 1, 1], [], []>, transpose_lhs_hint = false} : vector<1x32xf32>, vector<32x128xf32>, vector<1x128xf32> -> vector<1x128xf32>
    %add3A_332 = arith.addf %get3A_329, %dot_general3A_331 : vector<1x128xf32>
    %swap3A_333 = arith.constant 0 : index
    %swap3A_334 = arith.constant 896 : index
    %swap3A_335 = vector.load %arg3[%swap3A_333, %swap3A_334] : memref<4x1280xf32, #tpu.memory_space<vmem>>, vector<1x128xf32>
    tpu.vector_store %arg3[%swap3A_333, %swap3A_334], %add3A_332 {strides = array<i32>} : memref<4x1280xf32, #tpu.memory_space<vmem>>, vector<1x128xf32>,
    %get3A_336 = arith.constant 1 : index
    %get3A_337 = arith.constant 896 : index
    %get3A_338 = vector.load %arg3[%get3A_336, %get3A_337] : memref<4x1280xf32, #tpu.memory_space<vmem>>, vector<1x128xf32>
    %mul3A_339 = arith.mulf %convert_element_type3A_326, %get3A_5 : vector<32x128xf32>
    %dot_general3A_340 = arith.constant dense<0.000000e+00> : vector<1x128xf32>
    %dot_general3A_341 = tpu.matmul %broadcast_in_dim3A_15, %mul3A_339, %dot_general3A_340 {dimension_numbers = #tpu.dot_dimension_numbers<[1], [0], [0], [1], [0, 0, 1, 1], [], []>, transpose_lhs_hint = false} : vector<1x32xf32>, vector<32x128xf32>, vector<1x128xf32> -> vector<1x128xf32>
    %add3A_342 = arith.addf %get3A_338, %dot_general3A_341 : vector<1x128xf32>
    %swap3A_343 = arith.constant 1 : index
    %swap3A_344 = arith.constant 896 : index
    %swap3A_345 = vector.load %arg3[%swap3A_343, %swap3A_344] : memref<4x1280xf32, #tpu.memory_space<vmem>>, vector<1x128xf32>
    tpu.vector_store %arg3[%swap3A_343, %swap3A_344], %add3A_342 {strides = array<i32>} : memref<4x1280xf32, #tpu.memory_space<vmem>>, vector<1x128xf32>,
    %get3A_346 = arith.constant 2 : index
    %get3A_347 = arith.constant 896 : index
    %get3A_348 = vector.load %arg3[%get3A_346, %get3A_347] : memref<4x1280xf32, #tpu.memory_space<vmem>>, vector<1x128xf32>
    %mul3A_349 = arith.mulf %convert_element_type3A_326, %get3A_10 : vector<32x128xf32>
    %dot_general3A_350 = arith.constant dense<0.000000e+00> : vector<1x128xf32>
    %dot_general3A_351 = tpu.matmul %broadcast_in_dim3A_15, %mul3A_349, %dot_general3A_350 {dimension_numbers = #tpu.dot_dimension_numbers<[1], [0], [0], [1], [0, 0, 1, 1], [], []>, transpose_lhs_hint = false} : vector<1x32xf32>, vector<32x128xf32>, vector<1x128xf32> -> vector<1x128xf32>
    %add3A_352 = arith.addf %get3A_348, %dot_general3A_351 : vector<1x128xf32>
    %swap3A_353 = arith.constant 2 : index
    %swap3A_354 = arith.constant 896 : index
    %swap3A_355 = vector.load %arg3[%swap3A_353, %swap3A_354] : memref<4x1280xf32, #tpu.memory_space<vmem>>, vector<1x128xf32>
    tpu.vector_store %arg3[%swap3A_353, %swap3A_354], %add3A_352 {strides = array<i32>} : memref<4x1280xf32, #tpu.memory_space<vmem>>, vector<1x128xf32>,
    %get3A_356 = arith.constant 3 : index
    %get3A_357 = arith.constant 896 : index
    %get3A_358 = vector.load %arg3[%get3A_356, %get3A_357] : memref<4x1280xf32, #tpu.memory_space<vmem>>, vector<1x128xf32>
    %mul3A_359 = arith.mulf %convert_element_type3A_326, %add3A : vector<32x128xf32>
    %dot_general3A_360 = arith.constant dense<0.000000e+00> : vector<1x128xf32>
    %dot_general3A_361 = tpu.matmul %broadcast_in_dim3A_15, %mul3A_359, %dot_general3A_360 {dimension_numbers = #tpu.dot_dimension_numbers<[1], [0], [0], [1], [0, 0, 1, 1], [], []>, transpose_lhs_hint = false} : vector<1x32xf32>, vector<32x128xf32>, vector<1x128xf32> -> vector<1x128xf32>
    %add3A_362 = arith.addf %get3A_358, %dot_general3A_361 : vector<1x128xf32>
    %swap3A_363 = arith.constant 3 : index
    %swap3A_364 = arith.constant 896 : index
    %swap3A_365 = vector.load %arg3[%swap3A_363, %swap3A_364] : memref<4x1280xf32, #tpu.memory_space<vmem>>, vector<1x128xf32>
    tpu.vector_store %arg3[%swap3A_363, %swap3A_364], %add3A_362 {strides = array<i32>} : memref<4x1280xf32, #tpu.memory_space<vmem>>, vector<1x128xf32>,
    %eq3A_366 = arith.constant 8.000000e+00 : f32
    %eq3A_367 = vector.broadcast %eq3A_366 : f32 to vector<32x128xf32>
    %eq3A_368 = arith.cmpf oeq, %get3A_13, %eq3A_367 : vector<32x128xf32>
    %convert_element_type3A_369 = arith.extui %eq3A_368 : vector<32x128xi1> to vector<32x128xi32>
    %convert_element_type3A_370 = arith.sitofp %convert_element_type3A_369 : vector<32x128xi32> to vector<32x128xf32>
    %get3A_371 = arith.constant 0 : index
    %get3A_372 = arith.constant 1024 : index
    %get3A_373 = vector.load %arg3[%get3A_371, %get3A_372] : memref<4x1280xf32, #tpu.memory_space<vmem>>, vector<1x128xf32>
    %dot_general3A_374 = arith.constant dense<0.000000e+00> : vector<1x128xf32>
    %dot_general3A_375 = tpu.matmul %broadcast_in_dim3A_15, %convert_element_type3A_370, %dot_general3A_374 {dimension_numbers = #tpu.dot_dimension_numbers<[1], [0], [0], [1], [0, 0, 1, 1], [], []>, transpose_lhs_hint = false} : vector<1x32xf32>, vector<32x128xf32>, vector<1x128xf32> -> vector<1x128xf32>
    %add3A_376 = arith.addf %get3A_373, %dot_general3A_375 : vector<1x128xf32>
    %swap3A_377 = arith.constant 0 : index
    %swap3A_378 = arith.constant 1024 : index
    %swap3A_379 = vector.load %arg3[%swap3A_377, %swap3A_378] : memref<4x1280xf32, #tpu.memory_space<vmem>>, vector<1x128xf32>
    tpu.vector_store %arg3[%swap3A_377, %swap3A_378], %add3A_376 {strides = array<i32>} : memref<4x1280xf32, #tpu.memory_space<vmem>>, vector<1x128xf32>,
    %get3A_380 = arith.constant 1 : index
    %get3A_381 = arith.constant 1024 : index
    %get3A_382 = vector.load %arg3[%get3A_380, %get3A_381] : memref<4x1280xf32, #tpu.memory_space<vmem>>, vector<1x128xf32>
    %mul3A_383 = arith.mulf %convert_element_type3A_370, %get3A_5 : vector<32x128xf32>
    %dot_general3A_384 = arith.constant dense<0.000000e+00> : vector<1x128xf32>
    %dot_general3A_385 = tpu.matmul %broadcast_in_dim3A_15, %mul3A_383, %dot_general3A_384 {dimension_numbers = #tpu.dot_dimension_numbers<[1], [0], [0], [1], [0, 0, 1, 1], [], []>, transpose_lhs_hint = false} : vector<1x32xf32>, vector<32x128xf32>, vector<1x128xf32> -> vector<1x128xf32>
    %add3A_386 = arith.addf %get3A_382, %dot_general3A_385 : vector<1x128xf32>
    %swap3A_387 = arith.constant 1 : index
    %swap3A_388 = arith.constant 1024 : index
    %swap3A_389 = vector.load %arg3[%swap3A_387, %swap3A_388] : memref<4x1280xf32, #tpu.memory_space<vmem>>, vector<1x128xf32>
    tpu.vector_store %arg3[%swap3A_387, %swap3A_388], %add3A_386 {strides = array<i32>} : memref<4x1280xf32, #tpu.memory_space<vmem>>, vector<1x128xf32>,
    %get3A_390 = arith.constant 2 : index
    %get3A_391 = arith.constant 1024 : index
    %get3A_392 = vector.load %arg3[%get3A_390, %get3A_391] : memref<4x1280xf32, #tpu.memory_space<vmem>>, vector<1x128xf32>
    %mul3A_393 = arith.mulf %convert_element_type3A_370, %get3A_10 : vector<32x128xf32>
    %dot_general3A_394 = arith.constant dense<0.000000e+00> : vector<1x128xf32>
    %dot_general3A_395 = tpu.matmul %broadcast_in_dim3A_15, %mul3A_393, %dot_general3A_394 {dimension_numbers = #tpu.dot_dimension_numbers<[1], [0], [0], [1], [0, 0, 1, 1], [], []>, transpose_lhs_hint = false} : vector<1x32xf32>, vector<32x128xf32>, vector<1x128xf32> -> vector<1x128xf32>
    %add3A_396 = arith.addf %get3A_392, %dot_general3A_395 : vector<1x128xf32>
    %swap3A_397 = arith.constant 2 : index
    %swap3A_398 = arith.constant 1024 : index
    %swap3A_399 = vector.load %arg3[%swap3A_397, %swap3A_398] : memref<4x1280xf32, #tpu.memory_space<vmem>>, vector<1x128xf32>
    tpu.vector_store %arg3[%swap3A_397, %swap3A_398], %add3A_396 {strides = array<i32>} : memref<4x1280xf32, #tpu.memory_space<vmem>>, vector<1x128xf32>,
    %get3A_400 = arith.constant 3 : index
    %get3A_401 = arith.constant 1024 : index
    %get3A_402 = vector.load %arg3[%get3A_400, %get3A_401] : memref<4x1280xf32, #tpu.memory_space<vmem>>, vector<1x128xf32>
    %mul3A_403 = arith.mulf %convert_element_type3A_370, %add3A : vector<32x128xf32>
    %dot_general3A_404 = arith.constant dense<0.000000e+00> : vector<1x128xf32>
    %dot_general3A_405 = tpu.matmul %broadcast_in_dim3A_15, %mul3A_403, %dot_general3A_404 {dimension_numbers = #tpu.dot_dimension_numbers<[1], [0], [0], [1], [0, 0, 1, 1], [], []>, transpose_lhs_hint = false} : vector<1x32xf32>, vector<32x128xf32>, vector<1x128xf32> -> vector<1x128xf32>
    %add3A_406 = arith.addf %get3A_402, %dot_general3A_405 : vector<1x128xf32>
    %swap3A_407 = arith.constant 3 : index
    %swap3A_408 = arith.constant 1024 : index
    %swap3A_409 = vector.load %arg3[%swap3A_407, %swap3A_408] : memref<4x1280xf32, #tpu.memory_space<vmem>>, vector<1x128xf32>
    tpu.vector_store %arg3[%swap3A_407, %swap3A_408], %add3A_406 {strides = array<i32>} : memref<4x1280xf32, #tpu.memory_space<vmem>>, vector<1x128xf32>,
    %eq3A_410 = arith.constant 9.000000e+00 : f32
    %eq3A_411 = vector.broadcast %eq3A_410 : f32 to vector<32x128xf32>
    %eq3A_412 = arith.cmpf oeq, %get3A_13, %eq3A_411 : vector<32x128xf32>
    %convert_element_type3A_413 = arith.extui %eq3A_412 : vector<32x128xi1> to vector<32x128xi32>
    %convert_element_type3A_414 = arith.sitofp %convert_element_type3A_413 : vector<32x128xi32> to vector<32x128xf32>
    %get3A_415 = arith.constant 0 : index
    %get3A_416 = arith.constant 1152 : index
    %get3A_417 = vector.load %arg3[%get3A_415, %get3A_416] : memref<4x1280xf32, #tpu.memory_space<vmem>>, vector<1x128xf32>
    %dot_general3A_418 = arith.constant dense<0.000000e+00> : vector<1x128xf32>
    %dot_general3A_419 = tpu.matmul %broadcast_in_dim3A_15, %convert_element_type3A_414, %dot_general3A_418 {dimension_numbers = #tpu.dot_dimension_numbers<[1], [0], [0], [1], [0, 0, 1, 1], [], []>, transpose_lhs_hint = false} : vector<1x32xf32>, vector<32x128xf32>, vector<1x128xf32> -> vector<1x128xf32>
    %add3A_420 = arith.addf %get3A_417, %dot_general3A_419 : vector<1x128xf32>
    %swap3A_421 = arith.constant 0 : index
    %swap3A_422 = arith.constant 1152 : index
    %swap3A_423 = vector.load %arg3[%swap3A_421, %swap3A_422] : memref<4x1280xf32, #tpu.memory_space<vmem>>, vector<1x128xf32>
    tpu.vector_store %arg3[%swap3A_421, %swap3A_422], %add3A_420 {strides = array<i32>} : memref<4x1280xf32, #tpu.memory_space<vmem>>, vector<1x128xf32>,
    %get3A_424 = arith.constant 1 : index
    %get3A_425 = arith.constant 1152 : index
    %get3A_426 = vector.load %arg3[%get3A_424, %get3A_425] : memref<4x1280xf32, #tpu.memory_space<vmem>>, vector<1x128xf32>
    %mul3A_427 = arith.mulf %convert_element_type3A_414, %get3A_5 : vector<32x128xf32>
    %dot_general3A_428 = arith.constant dense<0.000000e+00> : vector<1x128xf32>
    %dot_general3A_429 = tpu.matmul %broadcast_in_dim3A_15, %mul3A_427, %dot_general3A_428 {dimension_numbers = #tpu.dot_dimension_numbers<[1], [0], [0], [1], [0, 0, 1, 1], [], []>, transpose_lhs_hint = false} : vector<1x32xf32>, vector<32x128xf32>, vector<1x128xf32> -> vector<1x128xf32>
    %add3A_430 = arith.addf %get3A_426, %dot_general3A_429 : vector<1x128xf32>
    %swap3A_431 = arith.constant 1 : index
    %swap3A_432 = arith.constant 1152 : index
    %swap3A_433 = vector.load %arg3[%swap3A_431, %swap3A_432] : memref<4x1280xf32, #tpu.memory_space<vmem>>, vector<1x128xf32>
    tpu.vector_store %arg3[%swap3A_431, %swap3A_432], %add3A_430 {strides = array<i32>} : memref<4x1280xf32, #tpu.memory_space<vmem>>, vector<1x128xf32>,
    %get3A_434 = arith.constant 2 : index
    %get3A_435 = arith.constant 1152 : index
    %get3A_436 = vector.load %arg3[%get3A_434, %get3A_435] : memref<4x1280xf32, #tpu.memory_space<vmem>>, vector<1x128xf32>
    %mul3A_437 = arith.mulf %convert_element_type3A_414, %get3A_10 : vector<32x128xf32>
    %dot_general3A_438 = arith.constant dense<0.000000e+00> : vector<1x128xf32>
    %dot_general3A_439 = tpu.matmul %broadcast_in_dim3A_15, %mul3A_437, %dot_general3A_438 {dimension_numbers = #tpu.dot_dimension_numbers<[1], [0], [0], [1], [0, 0, 1, 1], [], []>, transpose_lhs_hint = false} : vector<1x32xf32>, vector<32x128xf32>, vector<1x128xf32> -> vector<1x128xf32>
    %add3A_440 = arith.addf %get3A_436, %dot_general3A_439 : vector<1x128xf32>
    %swap3A_441 = arith.constant 2 : index
    %swap3A_442 = arith.constant 1152 : index
    %swap3A_443 = vector.load %arg3[%swap3A_441, %swap3A_442] : memref<4x1280xf32, #tpu.memory_space<vmem>>, vector<1x128xf32>
    tpu.vector_store %arg3[%swap3A_441, %swap3A_442], %add3A_440 {strides = array<i32>} : memref<4x1280xf32, #tpu.memory_space<vmem>>, vector<1x128xf32>,
    %get3A_444 = arith.constant 3 : index
    %get3A_445 = arith.constant 1152 : index
    %get3A_446 = vector.load %arg3[%get3A_444, %get3A_445] : memref<4x1280xf32, #tpu.memory_space<vmem>>, vector<1x128xf32>
    %mul3A_447 = arith.mulf %convert_element_type3A_414, %add3A : vector<32x128xf32>
    %dot_general3A_448 = arith.constant dense<0.000000e+00> : vector<1x128xf32>
    %dot_general3A_449 = tpu.matmul %broadcast_in_dim3A_15, %mul3A_447, %dot_general3A_448 {dimension_numbers = #tpu.dot_dimension_numbers<[1], [0], [0], [1], [0, 0, 1, 1], [], []>, transpose_lhs_hint = false} : vector<1x32xf32>, vector<32x128xf32>, vector<1x128xf32> -> vector<1x128xf32>
    %add3A_450 = arith.addf %get3A_446, %dot_general3A_449 : vector<1x128xf32>
    %swap3A_451 = arith.constant 3 : index
    %swap3A_452 = arith.constant 1152 : index
    %swap3A_453 = vector.load %arg3[%swap3A_451, %swap3A_452] : memref<4x1280xf32, #tpu.memory_space<vmem>>, vector<1x128xf32>
    tpu.vector_store %arg3[%swap3A_451, %swap3A_452], %add3A_450 {strides = array<i32>} : memref<4x1280xf32, #tpu.memory_space<vmem>>, vector<1x128xf32>,
    return
  }
  func.func @transform_0(%arg0: i32) -> (i32, i32, i32) {
    %c0_i32 = arith.constant 0 : i32
    %c0_i32_0 = arith.constant 0 : i32
    %c0_i32_1 = arith.constant 0 : i32
    return %arg0, %c0_i32, %c0_i32_0 : i32, i32, i32
  }
  func.func @transform_1(%arg0: i32) -> (i32, i32) {
    %c0_i32 = arith.constant 0 : i32
    %c0_i32_0 = arith.constant 0 : i32
    return %arg0, %c0_i32 : i32, i32
  }
  func.func @transform_2(%arg0: i32) -> (i32, i32) {
    %c0_i32 = arith.constant 0 : i32
    %c0_i32_0 = arith.constant 0 : i32
    %c0_i32_1 = arith.constant 0 : i32
    return %c0_i32, %c0_i32_0 : i32, i32
  }
}

</mosaic_0001>

<sc_bundles>
// kernel: kernel.5.cloned.1.call-start
scs
__scs_entry_jumppad:
0x0: {  	(pc) =	sbr.rel $0x88, $3  }
0x1: {  	(tag) =	ssettag $0x0;
	lr =	simm.s32 $0x1  }
0x2: {  	[smem:$0x3F9D] =	sst lr;
	_ =	strace $0xD0000000  }
0x3: {  	_ = 	snop  }
0x4: {  	_ = 	snop  }
0x5: {  	_ = 	snop  }
0x6: {  	_ = 	snop  }
0x7: {  	_ = 	snop  }
__scs_overlays_trampoline_lowered:
0x8: {  	[smem:$0x3FAC] =	sst s0  }
0x9: {  	[smem:$0x3FAD] =	sst s1  }
0xa: {  	[smem:$0x3FAE] =	sst s2  }
0xb: {  	[smem:$0x3FAF] =	sst s3  }
0xc: {  	[smem:$0x3FB0] =	sst s4  }
0xd: {  	[smem:$0x3FB1] =	sst s5  }
0xe: {  	[smem:$0x3FB2] =	sst s6  }
0xf: {  	[smem:$0x3FB3] =	sst s7  }
0x10: {  	[smem:$0x3FB4] =	sst s8  }
0x11: {  	[smem:$0x3FB5] =	sst s9;
	s0 =	simm.s32 @!p0 $0x0  }
0x12: {  	s1 =	sld [smem:$0x3F9B];
	s0 =	simm.s32 @p0 $0x1  }
0x13: {  	[smem:$0x3FB6] =	sst s0;
	s0 =	simm.s32 @!p1 $0x0  }
0x14: {  	s2 =	sld [smem:$0x3F9A];
	s0 =	simm.s32 @p1 $0x1  }
0x15: {  	[smem:$0x3FB7] =	sst s0;
	s0 =	simm.s32 @!p2 $0x0  }
0x16: {  	s3 =	sld [smem:$0x3FDB];
	s0 =	simm.s32 @p2 $0x1  }
0x17: {  	s4 =	simm.s32 $0x1BF5;
	[smem:$0x3FB9] =	sst s0  }
0x18: {  	s0 =	sld [smem:$0x3F9C];
	_ =	swait.ge [sflag:s4], $0x0  }
0x19: {  	s7 =	sld [smem:$0x3F9D]  }
0x1a: {  	s8 =	sadd.s32 $0xFFFFE003, lr  }
0x1b: {  	s9 =	sadd.s32 $0xFFFFFEF7, lr;
	s5 =	simm.s32 $0xFFFFFFFF;
	p2 =	slt.u32 s8, $0xFFFFF086  }
0x1c: {  	p1 =	slt.u32 s9, $0xF7A;
	s5 =	simm.s32 @!p2 $0x0  }
0x1d: {  	s5 =	simm.s32 @p1 $0x1;
	p0 =	seq.s32 s7, s2  }
0x1e: {  	s7 =	smul.u32 @!p0 $0xF7A, s2;
	p2 =	seq.s32 @!p0 s5, $0x0  }
0x1f: {  	s9 =	smul.u32 $0xF7A, s1;
	s8 =	simm.s32 @!p0 $0x1BF5;
	p2 =	por !p2, p0  }
0x20: {  	[sflag:s8] =	ssyncset.s32 @!p0 $0xFFFFF086;
	s6 =	sadd.s32 @!p0 s3, s7;
	s7 =	simm.s32 @!p0 $0x108  }
0x21: {  	s3 =	sadd.s32 s3, s9;
	s6 =	sadd.s32 @!p0 $0x88, s6;
	s7 =	simm.s32 @p2 $0x1082  }
0x22: {  	[simem:s7], [sflag:s8] =	dma.local @!p0 [hbm:s6], $0xF7A  }
0x23: {  	s9 =	sor.u32 $0xD0000000, s2;
	s6 =	simm.s32 $0x108;
	_ =	swait.ge @!p0 [sflag:s8], $0x0  }
0x24: {  	s3 =	sadd.s32 $0x88, s3;
	s6 =	simm.s32 @!p1 $0x1082;
	[sflag:s4] =	ssyncset.s32 $0xFFFFF086  }
0x25: {  	[simem:s6], [sflag:s4] =	dma.local [hbm:s3], $0xF7A  }
0x26: {  	[smem:$0x3F9D] =	sst s1;
	(tag) =	ssettag s2;
	_ =	strace s9  }
0x27: {  	s1 =	sld [smem:$0x3FAD]  }
0x28: {  	s2 =	sld [smem:$0x3FAE]  }
0x29: {  	s4 =	sld [smem:$0x3FB0]  }
0x2a: {  	p0 =	seq.s32 s5, $0x0;
	s5 =	sld [smem:$0x3FB1]  }
0x2b: {  	s6 =	sld [smem:$0x3FB2]  }
0x2c: {  	s7 =	sld [smem:$0x3FB3]  }
0x2d: {  	s3 =	simm.s32 $0x108;
	s8 =	sld [smem:$0x3FB4]  }
0x2e: {  	s3 =	simm.s32 @!p0 $0x1082;
	s9 =	sld [smem:$0x3FB5]  }
0x2f: {  	lr =	sadd.s32 s0, s3;
	s0 =	sld [smem:$0x3FAC]  }
0x30: {  	s3 =	sld [smem:$0x3FAF]  }
0x31: {  	[smem:$0x3FB8] =	sst s10  }
0x32: {  	s10 =	sld [smem:$0x3FB6];
	_ =	sdelay $0x3  }
0x33: {  	p0 =	seq.s32 s10, $0x1;
	s10 =	sld [smem:$0x3FB8];
	_ =	sdelay $0x3  }
0x34: {  	[smem:$0x3FB8] =	sst s10  }
0x35: {  	s10 =	sld [smem:$0x3FB7];
	_ =	sdelay $0x3  }
0x36: {  	p1 =	seq.s32 s10, $0x1;
	s10 =	sld [smem:$0x3FB8];
	_ =	sdelay $0x3  }
0x37: {  	[smem:$0x3FB8] =	sst s10  }
0x38: {  	s10 =	sld [smem:$0x3FB9]  }
0x39: {  	_ = 	snop;
	(pc) =	sbr.ind lr, $3  }
0x3a: {  	_ = 	snop  }
0x3b: {  	_ = 	snop  }
0x3c: {  	p2 =	seq.s32 s10, $0x1;
	s10 =	sld [smem:$0x3FB8]  }
0x3d: {  	_ =	shalt  }
0x3e: {  	_ =	shalt  }
0x3f: {  	_ =	shalt  }
0x40: {  	_ =	shalt  }
0x41: {  	_ =	shalt  }
0x42: {  	_ =	shalt  }
0x43: {  	_ =	shalt  }
0x44: {  	_ =	shalt  }
0x45: {  	_ =	shalt  }
0x46: {  	_ =	shalt  }
0x47: {  	_ =	shalt  }
0x48: {  	_ =	shalt  }
0x49: {  	_ =	shalt  }
0x4a: {  	_ =	shalt  }
0x4b: {  	_ =	shalt  }
0x4c: {  	_ =	shalt  }
0x4d: {  	_ =	shalt  }
0x4e: {  	_ =	shalt  }
0x4f: {  	_ =	shalt  }
0x50: {  	_ =	shalt  }
0x51: {  	_ =	shalt  }
0x52: {  	_ =	shalt  }
0x53: {  	_ =	shalt  }
0x54: {  	_ =	shalt  }
0x55: {  	_ =	shalt  }
0x56: {  	_ =	shalt  }
0x57: {  	_ =	shalt  }
0x58: {  	_ =	shalt  }
0x59: {  	_ =	shalt  }
0x5a: {  	_ =	shalt  }
0x5b: {  	_ =	shalt  }
0x5c: {  	_ =	shalt  }
0x5d: {  	_ =	shalt  }
0x5e: {  	_ =	shalt  }
0x5f: {  	_ =	shalt  }
0x60: {  	_ =	shalt  }
0x61: {  	_ =	shalt  }
0x62: {  	_ =	shalt  }
0x63: {  	_ =	shalt  }
0x64: {  	_ =	shalt  }
0x65: {  	_ =	shalt  }
0x66: {  	_ =	shalt  }
0x67: {  	_ =	shalt  }
0x68: {  	_ =	shalt  }
0x69: {  	_ =	shalt  }
0x6a: {  	_ =	shalt  }
0x6b: {  	_ =	shalt  }
0x6c: {  	_ =	shalt  }
0x6d: {  	_ =	shalt  }
0x6e: {  	_ =	shalt  }
0x6f: {  	_ =	shalt  }
0x70: {  	_ =	shalt  }
0x71: {  	_ =	shalt  }
0x72: {  	_ =	shalt  }
0x73: {  	_ =	shalt  }
0x74: {  	_ =	shalt  }
0x75: {  	_ =	shalt  }
0x76: {  	_ =	shalt  }
0x77: {  	_ =	shalt  }
0x78: {  	_ =	shalt  }
0x79: {  	_ =	shalt  }
0x7a: {  	_ =	shalt  }
0x7b: {  	_ =	shalt  }
0x7c: {  	_ =	shalt  }
0x7d: {  	_ =	shalt  }
0x7e: {  	_ =	shalt  }
0x7f: {  	_ =	shalt  }
0x80: {  	_ =	shalt  }
0x81: {  	_ =	shalt  }
0x82: {  	_ =	shalt  }
0x83: {  	_ =	shalt  }
0x84: {  	_ =	shalt  }
0x85: {  	_ =	shalt  }
0x86: {  	_ =	shalt  }
0x87: {  	_ =	shalt  }
.Lfunc_end0:
.L_simem_size_0:
called_computation_lowered:
.L_overlay_start_0:
0x88: {  	s2 =	sld [smem:$0x3FD9]  }
0x89: {  	s3 =	sld [smem:$0x3FFE];
	_ =	sdelay $0x1  }
0x8a: {  	s1 =	srdreg.scid  }
0x8b: {  	s0 =	sand.u32 $0x1, s1  }
0x8c: {  	s17 =	sshll.u32 s0, $0xA;
	s2 =	sadd.s32 s3, s2  }
0x8d: {  	s2 =	sadd.s32 s2, s17  }
0x8e: {  	[smem:$0x3FC4] =	sst s2  }
0x8f: {  	_ = 	snop  }
0x90: {  	s2 =	sld [smem:$0x3FC9]  }
0x91: {  	s18 =	sld [smem:$0x3FC8];
	(tm) =	ssettm $0x1  }
0x92: {  	s4 =	sld [smem:$0x3FFB];
	_ =	sdelay $0x3  }
0x93: {  	_ =	strace s4  }
0x94: {  	s4 =	sld [smem:$0x3FFC];
	_ =	sdelay $0x3  }
0x95: {  	_ =	strace s4  }
0x96: {  	s4 =	sld [smem:$0x3FFD];
	_ =	sdelay $0x3  }
0x97: {  	_ =	strace s4  }
0x98: {  	_ =	strace $0x8FFFFFFF  }
0x99: {  	s19 =	sld [smem:$0x3FDB];
	_ =	sdelay $0x1  }
0x9a: {  	s5 =	simm.s32 $_scs_section_size  }
0x9b: {  	s6 =	simm.s32 $_size__tile_overlayer_lowered;
	s7 =	simm.s32 $_tile_overlayer_lowered  }
0x9c: {  	s22 =	simm.s32 $0x1BFF;
	s21 =	sshll.u32 s7, $0x1;
	s4 =	sadd.s32 s5, s19  }
0x9d: {  	s8 =	simm.s32 $0x0;
	s20 =	sshll.u32 s6, $0x1;
	s6 =	sadd.s32 s21, s4  }
0x9e: {  	[timem:s8], [sflag:s22] =	dma.local [hbm:s6], s20  }
0x9f: {  	_ =	swait.ge [sflag:s22], s20  }
0xa0: {  	s5 =	ssub.s32 $0x0, s20;
	[sflag:s22] =	ssyncset.done $0x0  }
0xa1: {  	[sflag:s22] =	ssyncadd.s32 s5;
	_ =	sdelay $0x1  }
0xa2: {  	s23 =	simm.s32 $0x1B8B  }
0xa3: {  	_ =	swait.ge [sflag:s23], $0x1  }
0xa4: {  	[sflag:s23] =	ssyncset.done $0x0  }
0xa5: {  	s25 =	simm.s32 $0x1B8E;
	s24 =	sld [smem:$0x3FFE];
	[sflag:s23] =	ssyncadd.s32 $0xFFFFFFFF  }
0xa6: {  	s26 =	simm.s32 $execute0_lowered;
	[smem:$0x3FD2] =	sst s25  }
0xa7: {  	s6 =	sshll.u32 s26, $0x1;
	_ =	strace $0x80000046;
	[dreg:$0x1] =	wrdreg $0xFFFFFFFF  }
0xa8: {  	s28 =	simm.s32 $_size_execute0_lowered;
	s4 =	sadd.s32 s4, s6;
	[dreg:$0x0] =	wrdreg $0x0  }
0xa9: {  	s6 =	sshll.u32 s28, $0x1;
	[dreg:$0x2] =	wrdreg s4  }
0xaa: {  	[dreg:$0x3] =	wrdreg s6  }
0xab: {  	[dreg:$0x4] =	wrdreg $0xC0  }
0xac: {  	_ =	task [dreg:s8], $0x5FFFF  }
0xad: {  	[dreg:$0x1] =	wrdreg $0xFFFFFFFF  }
0xae: {  	[dreg:$0x0] =	wrdreg $0x60  }
0xaf: {  	[dreg:$0x2] =	wrdreg s2  }
0xb0: {  	[dreg:$0x3] =	wrdreg s18  }
0xb1: {  	[dreg:$0x4] =	wrdreg s24  }
0xb2: {  	[dreg:$0x5] =	wrdreg $0x9  }
0xb3: {  	_ =	task.clear_ibuf [dreg:s8], $0x6FFFF;
	_ =	strace $0x90000046  }
0xb4: {  	s29 =	simm.s32 $0x9;
	_ =	strace $0x80000048  }
0xb5: {  	_ =	swait.ge [sflag:s29], $0x1  }
0xb6: {  	[sflag:s29] =	ssyncadd.s32 $0xFFFFFFFF  }
0xb7: {  	_ =	strace $0x90000048  }
0xb8: {  	_ =	sfence  }
0xb9: {  	s30 =	sld [smem:$0x0];
	_ =	sdelay $0x2  }
0xba: {  	s31 =	sshll.u32 s1, $0xD;
	s1 =	sshrl.u32 s1, $0x2  }
0xbb: {  	s3 =	sand.u32 $0x4000, s31;
	s1 =	sadd.s32 s1, s30  }
0xbc: {  	s0 =	sor.u32 s3, s0;
	s1 =	sshll.u32 s1, $0x11  }
0xbd: {  	s0 =	sor.u32 s1, s0  }
0xbe: {  	s0 =	sadd.s32 $0x8F2B, s0  }
0xbf: {  	[sflag:s0] =	ssyncadd.remote.s32 $0x1  }
0xc0: {  	_ =	sfence.sel $0xFFFF  }
0xc1: {  	[dreg:$0x0] =	wrdreg $0xFFFFFFFF;
	(pc) =	sbr.abs _section_cstart, $3  }
0xc2: {  	[dreg:$0x1] =	wrdreg $0xFFFFFFFF  }
0xc3: {  	_ =	task.clear_ibuf [dreg:s8], $0x2FFFF;
	_ =	strace $0x9FFFFFFF  }
0xc4: {  	(tm) =	ssettm $0x7FFFFFFF  }
0xc5: {  	_ =	shalt  }
tec
execute0_lowered:
.L_overlay_start_1:
0x0: {  	(tag) =	ssettag $0x1  }
0x1: {  	s0 =	rddreg [dreg:$0x0]  }
0x2: {  	s2 =	rddreg [dreg:$0x1]  }
0x3: {  	s1 =	srdreg.scid;
	s3 =	stileid.u32  }
0x4: {  	s4 =	rddreg [dreg:$0x2];
	s12 =	simm.s32 $0x8000;
	s13 =	simm.s32 $0x4000  }
0x5: {  	s14 =	simm.s32 $0xA000;
	s15 =	simm.s32 $0x1;
	s16 =	simm.s32 $0xC000  }
0x6: {  	s17 =	simm.s32 $0xC280;
	s18 =	simm.s32 $0xC500;
	s19 =	simm.s32 $0xC780  }
0x7: {  	s20 =	simm.s32 $0x2;
	s21 =	simm.s32 $0x80;
	s22 =	simm.s32 $0x200  }
0x8: {  	s23 =	simm.s32 $0xCA00;
	s24 =	simm.s32 $0x3;
	s25 =	simm.s32 $0x0  }
0x9: {  	s1 =	sand.u32 $0x1, s1;
	s5 =	sshll.u32 s3, $0x1;
	s3 =	simm.s32 $0x0  }
0xa: {  	s5 =	sor.u32 s1, s5;
	[smem:$0x7FF] =	sst s3;
	s1 =	ssub.s32 $0x2, s1  }
0xb: {  	s6 =	smul.u32 $0x3C0, s5;
	s5 =	sshll.u32 s5, $0x7;
	s7 =	sshrl.u32 s1, $0x1  }
0xc: {  	_ =	strace $0x80000047;
	s10 =	sadd.s32 s5, s4;
	s1 =	ssub.s32 s1, s7  }
0xd: {  	s29 =	sadd.s32 $0x800, s6;
	s7 =	sadd.s32 $0xA00, s10;
	s8 =	sadd.s32 $0xA10, s10  }
0xe: {  	s9 =	sadd.s32 $0xA20, s10;
	s10 =	sadd.s32 $0xA30, s10;
	s30 =	sshll.u32 s29, $0x4  }
0xf: {  	v0 =	vimm.f32 $0.0e+00;
	v1 =	vlaneseq.u32;
	v2 =	vimm.f32 $1.000000000e+00;
	s11 =	smax.u32 s1, $0x1;
	s6 =	sshll.u32 s29, $0x5;
	s31 =	sadd.s32 s2, s30  }
0x10: {  	v3 =	vor.u32 $0xA0, v1;
	v4 =	vor.u32 $0x140, v1;
	v5 =	vor.u32 $0x1E0, v1;
	s4 =	sshll.u32 s29, $0x7;
	s5 =	sadd.s32 s0, s6;
	[dreg:$0x4] =	wrdreg s31  }
.LBB2_1:
0x11: {  	[tilespmem:$0xC000] =	vst v0  }
0x12: {  	[tilespmem:$0xC280] =	vst v0  }
0x13: {  	[tilespmem:$0xC500] =	vst v0  }
0x14: {  	[tilespmem:$0xC780] =	vst v0  }
0x15: {  	[tilespmem:$0xC010] =	vst v0  }
0x16: {  	[tilespmem:$0xC290] =	vst v0  }
0x17: {  	[tilespmem:$0xC510] =	vst v0  }
0x18: {  	[tilespmem:$0xC790] =	vst v0  }
0x19: {  	[tilespmem:$0xC020] =	vst v0  }
0x1a: {  	[tilespmem:$0xC2A0] =	vst v0  }
0x1b: {  	[tilespmem:$0xC520] =	vst v0  }
0x1c: {  	[tilespmem:$0xC7A0] =	vst v0  }
0x1d: {  	[tilespmem:$0xC030] =	vst v0  }
0x1e: {  	[tilespmem:$0xC2B0] =	vst v0  }
0x1f: {  	[tilespmem:$0xC530] =	vst v0  }
0x20: {  	[tilespmem:$0xC7B0] =	vst v0  }
0x21: {  	[tilespmem:$0xC040] =	vst v0  }
0x22: {  	[tilespmem:$0xC2C0] =	vst v0  }
0x23: {  	[tilespmem:$0xC540] =	vst v0  }
0x24: {  	[tilespmem:$0xC7C0] =	vst v0  }
0x25: {  	[tilespmem:$0xC050] =	vst v0  }
0x26: {  	[tilespmem:$0xC2D0] =	vst v0  }
0x27: {  	[tilespmem:$0xC550] =	vst v0  }
0x28: {  	[tilespmem:$0xC7D0] =	vst v0  }
0x29: {  	[tilespmem:$0xC060] =	vst v0  }
0x2a: {  	[tilespmem:$0xC2E0] =	vst v0  }
0x2b: {  	[tilespmem:$0xC560] =	vst v0  }
0x2c: {  	[tilespmem:$0xC7E0] =	vst v0  }
0x2d: {  	[tilespmem:$0xC070] =	vst v0  }
0x2e: {  	[tilespmem:$0xC2F0] =	vst v0  }
0x2f: {  	[tilespmem:$0xC570] =	vst v0  }
0x30: {  	[tilespmem:$0xC7F0] =	vst v0  }
0x31: {  	[tilespmem:$0xC080] =	vst v0  }
0x32: {  	[tilespmem:$0xC300] =	vst v0  }
0x33: {  	[tilespmem:$0xC580] =	vst v0  }
0x34: {  	[tilespmem:$0xC800] =	vst v0  }
0x35: {  	[tilespmem:$0xC090] =	vst v0  }
0x36: {  	[tilespmem:$0xC310] =	vst v0  }
0x37: {  	[tilespmem:$0xC590] =	vst v0  }
0x38: {  	[tilespmem:$0xC810] =	vst v0  }
0x39: {  	[tilespmem:$0xC0A0] =	vst v0  }
0x3a: {  	[tilespmem:$0xC320] =	vst v0  }
0x3b: {  	[tilespmem:$0xC5A0] =	vst v0  }
0x3c: {  	[tilespmem:$0xC820] =	vst v0  }
0x3d: {  	[tilespmem:$0xC0B0] =	vst v0  }
0x3e: {  	[tilespmem:$0xC330] =	vst v0  }
0x3f: {  	[tilespmem:$0xC5B0] =	vst v0  }
0x40: {  	[tilespmem:$0xC830] =	vst v0  }
0x41: {  	[tilespmem:$0xC0C0] =	vst v0  }
0x42: {  	[tilespmem:$0xC340] =	vst v0  }
0x43: {  	[tilespmem:$0xC5C0] =	vst v0  }
0x44: {  	[tilespmem:$0xC840] =	vst v0  }
0x45: {  	[tilespmem:$0xC0D0] =	vst v0  }
0x46: {  	[tilespmem:$0xC350] =	vst v0  }
0x47: {  	[tilespmem:$0xC5D0] =	vst v0  }
0x48: {  	[tilespmem:$0xC850] =	vst v0  }
0x49: {  	[tilespmem:$0xC0E0] =	vst v0  }
0x4a: {  	[tilespmem:$0xC360] =	vst v0  }
0x4b: {  	[tilespmem:$0xC5E0] =	vst v0  }
0x4c: {  	[tilespmem:$0xC860] =	vst v0  }
0x4d: {  	[tilespmem:$0xC0F0] =	vst v0  }
0x4e: {  	[tilespmem:$0xC370] =	vst v0  }
0x4f: {  	[tilespmem:$0xC5F0] =	vst v0  }
0x50: {  	[tilespmem:$0xC870] =	vst v0  }
0x51: {  	[tilespmem:$0xC100] =	vst v0  }
0x52: {  	[tilespmem:$0xC380] =	vst v0  }
0x53: {  	[tilespmem:$0xC600] =	vst v0  }
0x54: {  	[tilespmem:$0xC880] =	vst v0  }
0x55: {  	[tilespmem:$0xC110] =	vst v0  }
0x56: {  	[tilespmem:$0xC390] =	vst v0  }
0x57: {  	[tilespmem:$0xC610] =	vst v0  }
0x58: {  	[tilespmem:$0xC890] =	vst v0  }
0x59: {  	[tilespmem:$0xC120] =	vst v0  }
0x5a: {  	[tilespmem:$0xC3A0] =	vst v0  }
0x5b: {  	[tilespmem:$0xC620] =	vst v0  }
0x5c: {  	[tilespmem:$0xC8A0] =	vst v0  }
0x5d: {  	[tilespmem:$0xC130] =	vst v0  }
0x5e: {  	[tilespmem:$0xC3B0] =	vst v0  }
0x5f: {  	[tilespmem:$0xC630] =	vst v0  }
0x60: {  	[tilespmem:$0xC8B0] =	vst v0  }
0x61: {  	[tilespmem:$0xC140] =	vst v0  }
0x62: {  	[tilespmem:$0xC3C0] =	vst v0  }
0x63: {  	[tilespmem:$0xC640] =	vst v0  }
0x64: {  	[tilespmem:$0xC8C0] =	vst v0  }
0x65: {  	[tilespmem:$0xC150] =	vst v0  }
0x66: {  	[tilespmem:$0xC3D0] =	vst v0  }
0x67: {  	[tilespmem:$0xC650] =	vst v0  }
0x68: {  	[tilespmem:$0xC8D0] =	vst v0  }
0x69: {  	[tilespmem:$0xC160] =	vst v0  }
0x6a: {  	[tilespmem:$0xC3E0] =	vst v0  }
0x6b: {  	[tilespmem:$0xC660] =	vst v0  }
0x6c: {  	[tilespmem:$0xC8E0] =	vst v0  }
0x6d: {  	[tilespmem:$0xC170] =	vst v0  }
0x6e: {  	[tilespmem:$0xC3F0] =	vst v0  }
0x6f: {  	[tilespmem:$0xC670] =	vst v0  }
0x70: {  	[tilespmem:$0xC8F0] =	vst v0  }
0x71: {  	[tilespmem:$0xC180] =	vst v0  }
0x72: {  	[tilespmem:$0xC400] =	vst v0  }
0x73: {  	[tilespmem:$0xC680] =	vst v0  }
0x74: {  	[tilespmem:$0xC900] =	vst v0  }
0x75: {  	[tilespmem:$0xC190] =	vst v0  }
0x76: {  	[tilespmem:$0xC410] =	vst v0  }
0x77: {  	[tilespmem:$0xC690] =	vst v0  }
0x78: {  	[tilespmem:$0xC910] =	vst v0  }
0x79: {  	[tilespmem:$0xC1A0] =	vst v0  }
0x7a: {  	[tilespmem:$0xC420] =	vst v0  }
0x7b: {  	[tilespmem:$0xC6A0] =	vst v0  }
0x7c: {  	[tilespmem:$0xC920] =	vst v0  }
0x7d: {  	[tilespmem:$0xC1B0] =	vst v0  }
0x7e: {  	[tilespmem:$0xC430] =	vst v0  }
0x7f: {  	[tilespmem:$0xC6B0] =	vst v0  }
0x80: {  	[tilespmem:$0xC930] =	vst v0  }
0x81: {  	[tilespmem:$0xC1C0] =	vst v0  }
0x82: {  	[tilespmem:$0xC440] =	vst v0  }
0x83: {  	[tilespmem:$0xC6C0] =	vst v0  }
0x84: {  	[tilespmem:$0xC940] =	vst v0  }
0x85: {  	[tilespmem:$0xC1D0] =	vst v0  }
0x86: {  	[tilespmem:$0xC450] =	vst v0  }
0x87: {  	[tilespmem:$0xC6D0] =	vst v0  }
0x88: {  	[tilespmem:$0xC950] =	vst v0  }
0x89: {  	[tilespmem:$0xC1E0] =	vst v0  }
0x8a: {  	[tilespmem:$0xC460] =	vst v0  }
0x8b: {  	[tilespmem:$0xC6E0] =	vst v0  }
0x8c: {  	[tilespmem:$0xC960] =	vst v0  }
0x8d: {  	[tilespmem:$0xC1F0] =	vst v0  }
0x8e: {  	[tilespmem:$0xC470] =	vst v0  }
0x8f: {  	[tilespmem:$0xC6F0] =	vst v0  }
0x90: {  	[tilespmem:$0xC970] =	vst v0  }
0x91: {  	[tilespmem:$0xC200] =	vst v0  }
0x92: {  	[tilespmem:$0xC480] =	vst v0  }
0x93: {  	[tilespmem:$0xC700] =	vst v0  }
0x94: {  	[tilespmem:$0xC980] =	vst v0  }
0x95: {  	[tilespmem:$0xC210] =	vst v0  }
0x96: {  	[tilespmem:$0xC490] =	vst v0  }
0x97: {  	[tilespmem:$0xC710] =	vst v0  }
0x98: {  	[tilespmem:$0xC990] =	vst v0  }
0x99: {  	[tilespmem:$0xC220] =	vst v0  }
0x9a: {  	[tilespmem:$0xC4A0] =	vst v0  }
0x9b: {  	[tilespmem:$0xC720] =	vst v0  }
0x9c: {  	[tilespmem:$0xC9A0] =	vst v0  }
0x9d: {  	[tilespmem:$0xC230] =	vst v0  }
0x9e: {  	[tilespmem:$0xC4B0] =	vst v0  }
0x9f: {  	[tilespmem:$0xC730] =	vst v0  }
0xa0: {  	[tilespmem:$0xC9B0] =	vst v0  }
0xa1: {  	[tilespmem:$0xC240] =	vst v0  }
0xa2: {  	[tilespmem:$0xC4C0] =	vst v0  }
0xa3: {  	[tilespmem:$0xC740] =	vst v0  }
0xa4: {  	[tilespmem:$0xC9C0] =	vst v0  }
0xa5: {  	[tilespmem:$0xC250] =	vst v0  }
0xa6: {  	[tilespmem:$0xC4D0] =	vst v0  }
0xa7: {  	[tilespmem:$0xC750] =	vst v0  }
0xa8: {  	[tilespmem:$0xC9D0] =	vst v0  }
0xa9: {  	[tilespmem:$0xC260] =	vst v0  }
0xaa: {  	[tilespmem:$0xC4E0] =	vst v0  }
0xab: {  	[tilespmem:$0xC760] =	vst v0  }
0xac: {  	[tilespmem:$0xC9E0] =	vst v0  }
0xad: {  	[tilespmem:$0xC270] =	vst v0  }
0xae: {  	[tilespmem:$0xC4F0] =	vst v0  }
0xaf: {  	[tilespmem:$0xC770] =	vst v0  }
0xb0: {  	[tilespmem:$0xC9F0] =	vst v0  }
0xb1: {  	[tilespmem:s3], [sflag:$0x1] =	stream.linear.gather [hbm4b:s5+s3], $0x4000, $0x38;
	[tilespmem:$0xCB00] =	vst v63  }
0xb2: {  	s0 =	rddreg [dreg:$0x4];
	s26 =	simm.s32 $0x0  }
0xb3: {  	[tilespmem:s12], [sflag:$0x1] =	stream.linear.gather [hbm4b:s0+s3], $0x2000, $0x38;
	[tilespmem:$0xCB00] =	vst v63  }
.LBB2_2:
0xb4: {  	s0 =	sshllo.u32 s26, $0x1  }
0xb5: {  	s1 =	sshll.u32 s0, $0xB;
	s0 =	sshll.u32 s0, $0xD  }
0xb6: {  	s1 =	sadd.s32 s1, s5;
	s0 =	sadd.s32 s4, s0  }
0xb7: {  	[tilespmem:s13], [sflag:$0x2] =	stream.linear.gather [hbm4b:s1+s3], $0x4000, $0x38;
	[tilespmem:$0xCB00] =	vst v63  }
0xb8: {  	s0 =	sshrl.u32 s0, $0x3  }
0xb9: {  	s0 =	sadd.s32 s2, s0  }
0xba: {  	[tilespmem:s14], [sflag:$0x2] =	stream.linear.gather [hbm4b:s0+s3], $0x2000, $0x38;
	[tilespmem:$0xCB00] =	vst v63  }
0xbb: {  	_ =	swait.ge [sflag:s15], $0x4000  }
0xbc: {  	[sflag:s15] =	ssyncset.done $0x0  }
0xbd: {  	[sflag:s15] =	ssyncadd.s32 $0xFFFFC000  }
0xbe: {  	_ =	swait.ge [sflag:s15], $0x2000  }
0xbf: {  	[sflag:s15] =	ssyncset.done $0x0  }
0xc0: {  	s29 =	simm.s32 $0x8080;
	[sflag:s15] =	ssyncadd.s32 $0xFFFFE000  }
0xc1: {  	v6 =	vld [tilespmem:s29+$0xFFFFFF80];
	_ =	sdelay $0x4  }
0xc2: {  	v6 =	vtrunc.f32 v6  }
0xc3: {  	s28 =	simm.s32 $0x100;
	v6 =	vcvt.f32.s32 v6  }
0xc4: {  	v7 =	vld [tilespmem:s28+$0xFFFFFF80]  }
0xc5: {  	v8 =	vld [tilespmem:s28+$0xFFFFFF00];
	v6 =	vshll.u32 v6, $0x4  }
0xc6: {  	v6 =	vor.u32 v1, v6;
	_ =	sdelay $0x2  }
0xc7: {  	v9 =	vld [tilespmem:s29+$0x0]  }
0xc8: {  	v10 =	vmul.f32 v8, v8;
	v11 =	vmul.f32 v7, v7  }
0xc9: {  	[tilespmem:v6+s16+$0x0] =	vst.idx.add.f32.msk $0xffff, v2  }
0xca: {  	[tilespmem:v6+s17+$0x0] =	vst.idx.add.f32.msk $0xffff, v8;
	v8 =	vadd.f32 v11, v10  }
0xcb: {  	[tilespmem:v6+s18+$0x0] =	vst.idx.add.f32.msk $0xffff, v7  }
0xcc: {  	[tilespmem:v6+s19+$0x0] =	vst.idx.add.f32.msk $0xffff, v8;
	v6 =	vtrunc.f32 v9  }
0xcd: {  	v7 =	vld [tilespmem:s29+$0xFFFFFF90];
	v6 =	vcvt.f32.s32 v6  }
0xce: {  	v8 =	vld [tilespmem:s28+$0x80]  }
0xcf: {  	v9 =	vld [tilespmem:s28+$0x0];
	v6 =	vshll.u32 v6, $0x4  }
0xd0: {  	v6 =	vor.u32 v1, v6;
	_ =	sdelay $0x1  }
0xd1: {  	v7 =	vtrunc.f32 v7  }
0xd2: {  	v10 =	vld [tilespmem:s28+$0xFFFFFF90];
	v7 =	vcvt.f32.s32 v7  }
0xd3: {  	v12 =	vld [tilespmem:s28+$0xFFFFFF10];
	v11 =	vmul.f32 v9, v9;
	v13 =	vmul.f32 v8, v8  }
0xd4: {  	v7 =	vshll.u32 v7, $0x4;
	[tilespmem:v6+s16+$0x0] =	vst.idx.add.f32.msk $0xffff, v2  }
0xd5: {  	v7 =	vadd.s32 v3, v7;
	[tilespmem:v6+s17+$0x0] =	vst.idx.add.f32.msk $0xffff, v9;
	v9 =	vadd.f32 v13, v11  }
0xd6: {  	[tilespmem:v6+s18+$0x0] =	vst.idx.add.f32.msk $0xffff, v8  }
0xd7: {  	[tilespmem:v6+s19+$0x0] =	vst.idx.add.f32.msk $0xffff, v9  }
0xd8: {  	v6 =	vld [tilespmem:s29+$0x10]  }
0xd9: {  	v8 =	vmul.f32 v10, v10;
	v9 =	vmul.f32 v12, v12  }
0xda: {  	[tilespmem:v7+s16+$0x0] =	vst.idx.add.f32.msk $0xffff, v2  }
0xdb: {  	v8 =	vadd.f32 v8, v9;
	[tilespmem:v7+s17+$0x0] =	vst.idx.add.f32.msk $0xffff, v12  }
0xdc: {  	[tilespmem:v7+s18+$0x0] =	vst.idx.add.f32.msk $0xffff, v10  }
0xdd: {  	[tilespmem:v7+s19+$0x0] =	vst.idx.add.f32.msk $0xffff, v8;
	v6 =	vtrunc.f32 v6  }
0xde: {  	v7 =	vld [tilespmem:s29+$0xFFFFFFA0];
	v6 =	vcvt.f32.s32 v6  }
0xdf: {  	v9 =	vld [tilespmem:s28+$0x90]  }
0xe0: {  	v8 =	vld [tilespmem:s28+$0x10];
	v6 =	vshll.u32 v6, $0x4  }
0xe1: {  	v6 =	vadd.s32 v3, v6;
	_ =	sdelay $0x1  }
0xe2: {  	v7 =	vtrunc.f32 v7  }
0xe3: {  	v10 =	vld [tilespmem:s28+$0xFFFFFFA0];
	v7 =	vcvt.f32.s32 v7  }
0xe4: {  	v12 =	vmul.f32 v9, v9;
	v13 =	vld [tilespmem:s28+$0xFFFFFF20];
	v11 =	vmul.f32 v8, v8  }
0xe5: {  	v7 =	vshll.u32 v7, $0x4;
	[tilespmem:v6+s16+$0x0] =	vst.idx.add.f32.msk $0xffff, v2  }
0xe6: {  	v11 =	vadd.f32 v12, v11;
	v7 =	vadd.s32 v4, v7;
	[tilespmem:v6+s17+$0x0] =	vst.idx.add.f32.msk $0xffff, v8  }
0xe7: {  	[tilespmem:v6+s18+$0x0] =	vst.idx.add.f32.msk $0xffff, v9  }
0xe8: {  	[tilespmem:v6+s19+$0x0] =	vst.idx.add.f32.msk $0xffff, v11  }
0xe9: {  	v9 =	vld [tilespmem:s29+$0x20]  }
0xea: {  	v8 =	vmul.f32 v13, v13;
	v6 =	vmul.f32 v10, v10  }
0xeb: {  	[tilespmem:v7+s16+$0x0] =	vst.idx.add.f32.msk $0xffff, v2  }
0xec: {  	v6 =	vadd.f32 v6, v8;
	[tilespmem:v7+s17+$0x0] =	vst.idx.add.f32.msk $0xffff, v13  }
0xed: {  	[tilespmem:v7+s18+$0x0] =	vst.idx.add.f32.msk $0xffff, v10  }
0xee: {  	[tilespmem:v7+s19+$0x0] =	vst.idx.add.f32.msk $0xffff, v6;
	v6 =	vtrunc.f32 v9  }
0xef: {  	v7 =	vld [tilespmem:s29+$0xFFFFFFB0];
	v6 =	vcvt.f32.s32 v6  }
0xf0: {  	v8 =	vld [tilespmem:s28+$0x20]  }
0xf1: {  	v9 =	vld [tilespmem:s28+$0xA0];
	v6 =	vshll.u32 v6, $0x4  }
0xf2: {  	v6 =	vadd.s32 v4, v6  }
0xf3: {  	s0 =	simm.s32 $0x8180  }
0xf4: {  	v11 =	vld [tilespmem:s0+$0xFFFFFF80];
	v7 =	vtrunc.f32 v7  }
0xf5: {  	v12 =	vld [tilespmem:s28+$0xFFFFFFB0];
	v7 =	vcvt.f32.s32 v7  }
0xf6: {  	v13 =	vmul.f32 v8, v8;
	v14 =	vld [tilespmem:s28+$0xFFFFFF30];
	v15 =	vmul.f32 v9, v9  }
0xf7: {  	v7 =	vshll.u32 v7, $0x4;
	[tilespmem:v6+s16+$0x0] =	vst.idx.add.f32.msk $0xffff, v2  }
0xf8: {  	v13 =	vadd.f32 v15, v13;
	v7 =	vadd.s32 v5, v7;
	[tilespmem:v6+s17+$0x0] =	vst.idx.add.f32.msk $0xffff, v8  }
0xf9: {  	[tilespmem:v6+s18+$0x0] =	vst.idx.add.f32.msk $0xffff, v9  }
0xfa: {  	[tilespmem:v6+s19+$0x0] =	vst.idx.add.f32.msk $0xffff, v13  }
0xfb: {  	v9 =	vld [tilespmem:s29+$0x30]  }
0xfc: {  	v10 =	vld [tilespmem:s0+$0x0];
	v8 =	vmul.f32 v12, v12;
	v6 =	vmul.f32 v14, v14  }
0xfd: {  	[tilespmem:v7+s16+$0x0] =	vst.idx.add.f32.msk $0xffff, v2  }
0xfe: {  	v6 =	vadd.f32 v8, v6;
	[tilespmem:v7+s17+$0x0] =	vst.idx.add.f32.msk $0xffff, v14  }
0xff: {  	[tilespmem:v7+s18+$0x0] =	vst.idx.add.f32.msk $0xffff, v12  }
0x100: {  	[tilespmem:v7+s19+$0x0] =	vst.idx.add.f32.msk $0xffff, v6;
	v6 =	vtrunc.f32 v9  }
0x101: {  	v7 =	vld [tilespmem:s29+$0xFFFFFFC0];
	v6 =	vcvt.f32.s32 v6  }
0x102: {  	v13 =	vld [tilespmem:s28+$0xB0]  }
0x103: {  	s30 =	simm.s32 $0x300;
	v14 =	vld [tilespmem:s28+$0x30];
	v6 =	vshll.u32 v6, $0x4  }
0x104: {  	v16 =	vld [tilespmem:s30+$0x0];
	v15 =	vadd.s32 v5, v6  }
0x105: {  	v8 =	vtrunc.f32 v11;
	v9 =	vtrunc.f32 v10;
	v10 =	vld [tilespmem:s30+$0xFFFFFF80]  }
0x106: {  	v12 =	vld [tilespmem:s28+$0xFFFFFF40];
	v6 =	vcvt.f32.s32 v8;
	v7 =	vtrunc.f32 v7  }
0x107: {  	v11 =	vld [tilespmem:s28+$0xFFFFFFC0];
	v17 =	vcvt.f32.s32 v9;
	v18 =	vcvt.f32.s32 v7  }
0x108: {  	v19 =	vmul.f32 v13, v13;
	v20 =	vmul.f32 v14, v14;
	v8 =	vld [tilespmem:s30+$0x80];
	v7 =	vshll.u32 v6, $0x4  }
0x109: {  	v9 =	vor.u32 v1, v7;
	v7 =	vshll.u32 v17, $0x4;
	[tilespmem:v15+s16+$0x0] =	vst.idx.add.f32.msk $0xffff, v2;
	v17 =	vshll.u32 v18, $0x4  }
0x10a: {  	[tilespmem:v15+s17+$0x0] =	vst.idx.add.f32.msk $0xffff, v14;
	v14 =	vor.u32 v1, v17  }
0x10b: {  	v6 =	vld [tilespmem:s30+$0xFFFFFF00];
	v18 =	vadd.f32 v19, v20  }
0x10c: {  	[tilespmem:v15+s18+$0x0] =	vst.idx.add.f32.msk $0xffff, v13  }
0x10d: {  	[tilespmem:v15+s19+$0x0] =	vst.idx.add.f32.msk $0xffff, v18  }
0x10e: {  	v17 =	vmul.f32 v11, v11;
	v13 =	vmul.f32 v12, v12;
	v15 =	vld [tilespmem:s29+$0x40]  }
0x10f: {  	[tilespmem:v14+s16+$0x0] =	vst.idx.add.f32.msk $0xffff, v2  }
0x110: {  	v13 =	vadd.f32 v17, v13;
	[tilespmem:v14+s17+$0x0] =	vst.idx.add.f32.msk $0xffff, v12  }
0x111: {  	v7 =	vor.u32 v1, v7;
	[tilespmem:v14+s18+$0x0] =	vst.idx.add.f32.msk $0xffff, v11  }
0x112: {  	[tilespmem:v14+s19+$0x0] =	vst.idx.add.f32.msk $0xffff, v13  }
0x113: {  	v12 =	vld [tilespmem:s29+$0xFFFFFFD0]  }
0x114: {  	[tilespmem:v9+s16+$0x0] =	vst.idx.add.f32.msk $0xffff, v2;
	v11 =	vtrunc.f32 v15  }
0x115: {  	v17 =	vld [tilespmem:s28+$0x40];
	v18 =	vcvt.f32.s32 v11  }
0x116: {  	[tilespmem:v7+s16+$0x0] =	vst.idx.add.f32.msk $0xffff, v2  }
0x117: {  	v14 =	vld [tilespmem:s28+$0xFFFFFFD0];
	v18 =	vshll.u32 v18, $0x4  }
0x118: {  	[tilespmem:v9+s17+$0x0] =	vst.idx.add.f32.msk $0xffff, v6;
	v19 =	vtrunc.f32 v12;
	v12 =	vor.u32 v1, v18  }
0x119: {  	[tilespmem:v7+s17+$0x0] =	vst.idx.add.f32.msk $0xffff, v16  }
0x11a: {  	v15 =	vld [tilespmem:s28+$0xC0]  }
0x11b: {  	[tilespmem:v7+s18+$0x0] =	vst.idx.add.f32.msk $0xffff, v8;
	v11 =	vmul.f32 v16, v16  }
0x11c: {  	s31 =	sshll.u32 s26, $0x1;
	s6 =	simm.s32 $0x2;
	s1 =	simm.s32 $0x8180;
	v13 =	vld [tilespmem:s28+$0xFFFFFF50];
	v16 =	vmul.f32 v14, v14;
	v18 =	vcvt.f32.s32 v19  }
.LBB2_3:
0x11d: {  	s6 =	sadd.s32 $0x2, s6;
	v19 =	vmul.f32 v6, v6;
	s0 =	sadd.s32 $0x100, s0;
	[tilespmem:v12+s16+$0x0] =	vst.idx.add.f32.msk $0xffff, v2  }
0x11e: {  	v20 =	vmul.f32 v10, v10;
	p0 =	slt.u32 s6, $0x3E;
	v21 =	vmul.f32 v17, v17;
	[tilespmem:v12+s17+$0x0] =	vst.idx.add.f32.msk $0xffff, v17  }
0x11f: {  	v17 =	vshll.u32 v18, $0x4;
	v18 =	vmul.f32 v15, v15;
	[tilespmem:v12+s18+$0x0] =	vst.idx.add.f32.msk $0xffff, v15  }
0x120: {  	v15 =	vadd.f32 v20, v19;
	v17 =	vadd.s32 v3, v17;
	v6 =	vld [tilespmem:s0+$0x0]  }
0x121: {  	[tilespmem:v9+s18+$0x0] =	vst.idx.add.f32.msk $0xffff, v10;
	v10 =	vadd.f32 v18, v21  }
0x122: {  	[tilespmem:v9+s19+$0x0] =	vst.idx.add.f32.msk $0xffff, v15  }
0x123: {  	v9 =	vld [tilespmem:s1+$0xFFFFFF90]  }
0x124: {  	v15 =	vld [tilespmem:s30+$0xFFFFFF90]  }
0x125: {  	v18 =	vmul.f32 v13, v13;
	[tilespmem:v17+s16+$0x0] =	vst.idx.add.f32.msk $0xffff, v2  }
0x126: {  	v19 =	vld [tilespmem:s30+$0xFFFFFF10]  }
0x127: {  	v16 =	vadd.f32 v16, v18;
	[tilespmem:v17+s17+$0x0] =	vst.idx.add.f32.msk $0xffff, v13  }
0x128: {  	v9 =	vtrunc.f32 v9;
	[tilespmem:v17+s18+$0x0] =	vst.idx.add.f32.msk $0xffff, v14  }
0x129: {  	v9 =	vcvt.f32.s32 v9;
	[tilespmem:v17+s19+$0x0] =	vst.idx.add.f32.msk $0xffff, v16  }
0x12a: {  	v8 =	vmul.f32 v8, v8;
	v13 =	vld [tilespmem:s29+$0xFFFFFFE0]  }
0x12b: {  	v9 =	vshll.u32 v9, $0x4;
	v14 =	vld [tilespmem:s28+$0xFFFFFF60]  }
0x12c: {  	v8 =	vadd.f32 v8, v11;
	v11 =	vld [tilespmem:s28+$0xFFFFFFE0]  }
0x12d: {  	[tilespmem:v12+s19+$0x0] =	vst.idx.add.f32.msk $0xffff, v10  }
0x12e: {  	v9 =	vadd.s32 v3, v9;
	[tilespmem:v7+s19+$0x0] =	vst.idx.add.f32.msk $0xffff, v8  }
0x12f: {  	v7 =	vld [tilespmem:s1+$0x10];
	v8 =	vtrunc.f32 v13  }
0x130: {  	v8 =	vcvt.f32.s32 v8;
	v10 =	vld [tilespmem:s29+$0x50]  }
0x131: {  	v12 =	vmul.f32 v15, v15;
	v13 =	vmul.f32 v11, v11;
	v16 =	vld [tilespmem:s28+$0x50]  }
0x132: {  	v17 =	vmul.f32 v19, v19;
	v18 =	vld [tilespmem:s30+$0x10];
	v8 =	vshll.u32 v8, $0x4  }
0x133: {  	[tilespmem:v9+s16+$0x0] =	vst.idx.add.f32.msk $0xffff, v2  }
0x134: {  	v12 =	vadd.f32 v12, v17;
	v8 =	vadd.s32 v4, v8;
	v17 =	vtrunc.f32 v7;
	v20 =	vld [tilespmem:s28+$0xD0]  }
0x135: {  	v7 =	vld [tilespmem:s0+$0xFFFFFF80];
	v17 =	vcvt.f32.s32 v17;
	v10 =	vtrunc.f32 v10  }
0x136: {  	v21 =	vld [tilespmem:s30+$0x90];
	v10 =	vcvt.f32.s32 v10  }
0x137: {  	[tilespmem:v9+s17+$0x0] =	vst.idx.add.f32.msk $0xffff, v19;
	v19 =	vmul.f32 v18, v18;
	v17 =	vshll.u32 v17, $0x4  }
0x138: {  	[tilespmem:v9+s18+$0x0] =	vst.idx.add.f32.msk $0xffff, v15;
	v15 =	vadd.s32 v3, v17;
	v17 =	vmul.f32 v14, v14;
	v10 =	vshll.u32 v10, $0x4  }
0x139: {  	[tilespmem:v8+s16+$0x0] =	vst.idx.add.f32.msk $0xffff, v2;
	v22 =	vmul.f32 v20, v20;
	v10 =	vadd.s32 v3, v10  }
0x13a: {  	v13 =	vadd.f32 v13, v17;
	[tilespmem:v8+s17+$0x0] =	vst.idx.add.f32.msk $0xffff, v14  }
0x13b: {  	[tilespmem:v8+s18+$0x0] =	vst.idx.add.f32.msk $0xffff, v11  }
0x13c: {  	[tilespmem:v8+s19+$0x0] =	vst.idx.add.f32.msk $0xffff, v13  }
0x13d: {  	v8 =	vld [tilespmem:s28+$0xFFFFFFF0]  }
0x13e: {  	v11 =	vmul.f32 v16, v16;
	[tilespmem:v10+s16+$0x0] =	vst.idx.add.f32.msk $0xffff, v2  }
0x13f: {  	[tilespmem:v10+s17+$0x0] =	vst.idx.add.f32.msk $0xffff, v16  }
0x140: {  	[tilespmem:v9+s19+$0x0] =	vst.idx.add.f32.msk $0xffff, v12;
	v9 =	vadd.f32 v22, v11  }
0x141: {  	[tilespmem:v10+s18+$0x0] =	vst.idx.add.f32.msk $0xffff, v20  }
0x142: {  	v11 =	vmul.f32 v21, v21;
	[tilespmem:v10+s19+$0x0] =	vst.idx.add.f32.msk $0xffff, v9  }
0x143: {  	v9 =	vld [tilespmem:s29+$0x60]  }
0x144: {  	v10 =	vadd.f32 v11, v19;
	v11 =	vld [tilespmem:s28+$0x60]  }
0x145: {  	v12 =	vld [tilespmem:s28+$0xE0]  }
0x146: {  	v13 =	vld [tilespmem:s1+$0xFFFFFFA0]  }
0x147: {  	[tilespmem:v15+s16+$0x0] =	vst.idx.add.f32.msk $0xffff, v2  }
0x148: {  	[tilespmem:v15+s17+$0x0] =	vst.idx.add.f32.msk $0xffff, v18;
	v9 =	vtrunc.f32 v9  }
0x149: {  	v14 =	vld [tilespmem:s29+$0xFFFFFFF0];
	v9 =	vcvt.f32.s32 v9;
	v16 =	vmul.f32 v11, v11  }
0x14a: {  	v17 =	vld [tilespmem:s28+$0xFFFFFF70];
	v18 =	vmul.f32 v12, v12  }
0x14b: {  	v13 =	vtrunc.f32 v13;
	v19 =	vld [tilespmem:s30+$0xFFFFFFA0];
	v9 =	vshll.u32 v9, $0x4  }
0x14c: {  	v13 =	vcvt.f32.s32 v13;
	v20 =	vld [tilespmem:s30+$0xFFFFFF20];
	v16 =	vadd.f32 v18, v16;
	v9 =	vadd.s32 v4, v9  }
0x14d: {  	[tilespmem:v15+s18+$0x0] =	vst.idx.add.f32.msk $0xffff, v21  }
0x14e: {  	[tilespmem:v15+s19+$0x0] =	vst.idx.add.f32.msk $0xffff, v10;
	v10 =	vtrunc.f32 v14  }
0x14f: {  	v14 =	vld [tilespmem:s30+$0x20];
	v10 =	vcvt.f32.s32 v10;
	v15 =	vmul.f32 v17, v17  }
0x150: {  	v18 =	vmul.f32 v19, v19;
	v21 =	vld [tilespmem:s30+$0xA0]  }
0x151: {  	v22 =	vmul.f32 v20, v20;
	v10 =	vshll.u32 v10, $0x4;
	[tilespmem:v9+s16+$0x0] =	vst.idx.add.f32.msk $0xffff, v2  }
0x152: {  	[tilespmem:v9+s17+$0x0] =	vst.idx.add.f32.msk $0xffff, v11  }
0x153: {  	v13 =	vshll.u32 v13, $0x4;
	v11 =	vadd.f32 v18, v22;
	v18 =	vld [tilespmem:s1+$0x20]  }
0x154: {  	v13 =	vadd.s32 v4, v13;
	[tilespmem:v9+s18+$0x0] =	vst.idx.add.f32.msk $0xffff, v12  }
0x155: {  	[tilespmem:v9+s19+$0x0] =	vst.idx.add.f32.msk $0xffff, v16  }
0x156: {  	v9 =	vld [tilespmem:s29+$0x70];
	s29 =	smov.u32 s1;
	s1 =	smov.u32 s0  }
0x157: {  	v12 =	vld [tilespmem:s28+$0x70]  }
0x158: {  	v16 =	vtrunc.f32 v18;
	v18 =	vld [tilespmem:s28+$0xF0];
	s28 =	smov.u32 s30  }
0x159: {  	v22 =	vmul.f32 v14, v14;
	[tilespmem:v13+s16+$0x0] =	vst.idx.add.f32.msk $0xffff, v2;
	v16 =	vcvt.f32.s32 v16  }
0x15a: {  	[tilespmem:v13+s17+$0x0] =	vst.idx.add.f32.msk $0xffff, v20  }
0x15b: {  	v10 =	vadd.s32 v5, v10;
	[tilespmem:v13+s18+$0x0] =	vst.idx.add.f32.msk $0xffff, v19;
	v16 =	vshll.u32 v16, $0x4;
	v9 =	vtrunc.f32 v9  }
0x15c: {  	[tilespmem:v13+s19+$0x0] =	vst.idx.add.f32.msk $0xffff, v11;
	v9 =	vcvt.f32.s32 v9;
	v11 =	vmul.f32 v12, v12  }
0x15d: {  	v13 =	vld [tilespmem:s29+$0xFFFFFFB0];
	v19 =	vmul.f32 v18, v18  }
0x15e: {  	v16 =	vadd.s32 v4, v16;
	v20 =	vld [tilespmem:s30+$0xFFFFFFB0];
	v9 =	vshll.u32 v9, $0x4  }
0x15f: {  	v24 =	vmul.f32 v21, v21;
	v23 =	vld [tilespmem:s30+$0xFFFFFF30];
	v11 =	vadd.f32 v19, v11  }
0x160: {  	v9 =	vadd.s32 v5, v9;
	[tilespmem:v10+s16+$0x0] =	vst.idx.add.f32.msk $0xffff, v2  }
0x161: {  	v19 =	vadd.f32 v24, v22;
	[tilespmem:v10+s17+$0x0] =	vst.idx.add.f32.msk $0xffff, v17  }
0x162: {  	v13 =	vtrunc.f32 v13;
	[tilespmem:v10+s18+$0x0] =	vst.idx.add.f32.msk $0xffff, v8  }
0x163: {  	v13 =	vcvt.f32.s32 v13;
	[tilespmem:v16+s16+$0x0] =	vst.idx.add.f32.msk $0xffff, v2  }
0x164: {  	[tilespmem:v16+s17+$0x0] =	vst.idx.add.f32.msk $0xffff, v14  }
0x165: {  	v13 =	vshll.u32 v13, $0x4;
	[tilespmem:v9+s16+$0x0] =	vst.idx.add.f32.msk $0xffff, v2  }
0x166: {  	v8 =	vmul.f32 v8, v8;
	[tilespmem:v9+s17+$0x0] =	vst.idx.add.f32.msk $0xffff, v12  }
0x167: {  	[tilespmem:v9+s18+$0x0] =	vst.idx.add.f32.msk $0xffff, v18  }
0x168: {  	v8 =	vadd.f32 v8, v15;
	v12 =	vadd.s32 v5, v13;
	[tilespmem:v16+s18+$0x0] =	vst.idx.add.f32.msk $0xffff, v21  }
0x169: {  	[tilespmem:v9+s19+$0x0] =	vst.idx.add.f32.msk $0xffff, v11  }
0x16a: {  	[tilespmem:v10+s19+$0x0] =	vst.idx.add.f32.msk $0xffff, v8  }
0x16b: {  	[tilespmem:v16+s19+$0x0] =	vst.idx.add.f32.msk $0xffff, v19  }
0x16c: {  	v9 =	vmul.f32 v20, v20;
	v8 =	vmul.f32 v23, v23;
	v10 =	vld [tilespmem:s29+$0x30]  }
0x16d: {  	[tilespmem:v12+s16+$0x0] =	vst.idx.add.f32.msk $0xffff, v2  }
0x16e: {  	v8 =	vadd.f32 v9, v8;
	[tilespmem:v12+s17+$0x0] =	vst.idx.add.f32.msk $0xffff, v23  }
0x16f: {  	[tilespmem:v12+s18+$0x0] =	vst.idx.add.f32.msk $0xffff, v20  }
0x170: {  	[tilespmem:v12+s19+$0x0] =	vst.idx.add.f32.msk $0xffff, v8  }
0x171: {  	v12 =	vld [tilespmem:s30+$0xFFFFFF40];
	v8 =	vtrunc.f32 v10  }
0x172: {  	v7 =	vtrunc.f32 v7;
	v10 =	vld [tilespmem:s29+$0xFFFFFFC0];
	v8 =	vcvt.f32.s32 v8  }
0x173: {  	v6 =	vtrunc.f32 v6;
	v7 =	vcvt.f32.s32 v7;
	v11 =	vld [tilespmem:s30+$0xB0]  }
0x174: {  	v6 =	vcvt.f32.s32 v6;
	v13 =	vld [tilespmem:s30+$0x30];
	v8 =	vshll.u32 v8, $0x4  }
0x175: {  	v7 =	vshll.u32 v7, $0x4;
	s30 =	sadd.s32 $0x200, s30;
	v14 =	vld [tilespmem:s28+$0xFFFFFFC0];
	v15 =	vadd.s32 v5, v8  }
0x176: {  	v6 =	vshll.u32 v6, $0x4;
	v9 =	vor.u32 v1, v7;
	v8 =	vld [tilespmem:s30+$0x80];
	v16 =	vmul.f32 v12, v12  }
0x177: {  	v7 =	vor.u32 v1, v6;
	v18 =	vld [tilespmem:s30+$0x0];
	v6 =	vtrunc.f32 v10  }
0x178: {  	v10 =	vld [tilespmem:s30+$0xFFFFFF80];
	v17 =	vcvt.f32.s32 v6;
	v19 =	vmul.f32 v11, v11  }
0x179: {  	v6 =	vld [tilespmem:s30+$0xFFFFFF00];
	v20 =	vmul.f32 v13, v13  }
0x17a: {  	v21 =	vmul.f32 v14, v14;
	[tilespmem:v15+s16+$0x0] =	vst.idx.add.f32.msk $0xffff, v2  }
0x17b: {  	v17 =	vshll.u32 v17, $0x4;
	v19 =	vadd.f32 v19, v20;
	[tilespmem:v15+s17+$0x0] =	vst.idx.add.f32.msk $0xffff, v13  }
0x17c: {  	v13 =	vadd.f32 v21, v16;
	v16 =	vor.u32 v1, v17;
	[tilespmem:v15+s18+$0x0] =	vst.idx.add.f32.msk $0xffff, v11  }
0x17d: {  	v11 =	vmul.f32 v18, v18;
	[tilespmem:v15+s19+$0x0] =	vst.idx.add.f32.msk $0xffff, v19  }
0x17e: {  	v15 =	vld [tilespmem:s29+$0x40]  }
0x17f: {  	[tilespmem:v9+s16+$0x0] =	vst.idx.add.f32.msk $0xffff, v2  }
0x180: {  	[tilespmem:v7+s16+$0x0] =	vst.idx.add.f32.msk $0xffff, v2  }
0x181: {  	[tilespmem:v16+s16+$0x0] =	vst.idx.add.f32.msk $0xffff, v2  }
0x182: {  	[tilespmem:v16+s17+$0x0] =	vst.idx.add.f32.msk $0xffff, v12  }
0x183: {  	[tilespmem:v16+s18+$0x0] =	vst.idx.add.f32.msk $0xffff, v14;
	v12 =	vtrunc.f32 v15  }
0x184: {  	[tilespmem:v16+s19+$0x0] =	vst.idx.add.f32.msk $0xffff, v13;
	v12 =	vcvt.f32.s32 v12  }
0x185: {  	v15 =	vld [tilespmem:s29+$0xFFFFFFD0]  }
0x186: {  	v13 =	vld [tilespmem:s28+$0xFFFFFF50];
	v12 =	vshll.u32 v12, $0x4  }
0x187: {  	v14 =	vld [tilespmem:s28+$0xFFFFFFD0]  }
.Ltmp0:
0x188: {  	v12 =	vor.u32 v1, v12;
	[tilespmem:v9+s17+$0x0] =	vst.idx.add.f32.msk $0xffff, v6;
	(pc) =	sbr.rel @p0 .LBB2_3-.Ltmp0, $4  }
0x189: {  	v17 =	vld [tilespmem:s28+$0x40]  }
0x18a: {  	v16 =	vtrunc.f32 v15;
	v15 =	vld [tilespmem:s28+$0xC0]  }
0x18b: {  	[tilespmem:v7+s17+$0x0] =	vst.idx.add.f32.msk $0xffff, v18;
	v18 =	vcvt.f32.s32 v16  }
0x18c: {  	[tilespmem:v7+s18+$0x0] =	vst.idx.add.f32.msk $0xffff, v8;
	v16 =	vmul.f32 v14, v14  }
0x18d: {  	_ =	sdelay $0x3  }
0x18e: {  	v6 =	vmul.f32 v6, v6;
	[tilespmem:v12+s16+$0x0] =	vst.idx.add.f32.msk $0xffff, v2;
	v19 =	vmul.f32 v10, v10  }
0x18f: {  	[tilespmem:v9+s18+$0x0] =	vst.idx.add.f32.msk $0xffff, v10;
	v8 =	vmul.f32 v8, v8  }
0x190: {  	[tilespmem:v12+s17+$0x0] =	vst.idx.add.f32.msk $0xffff, v17;
	v6 =	vadd.f32 v19, v6  }
0x191: {  	[tilespmem:v12+s18+$0x0] =	vst.idx.add.f32.msk $0xffff, v15;
	v8 =	vadd.f32 v8, v11  }
0x192: {  	[tilespmem:v9+s19+$0x0] =	vst.idx.add.f32.msk $0xffff, v6  }
0x193: {  	v18 =	vshll.u32 v18, $0x4;
	[tilespmem:v7+s19+$0x0] =	vst.idx.add.f32.msk $0xffff, v8  }
0x194: {  	v18 =	vadd.s32 v3, v18;
	v6 =	vld [tilespmem:s1+$0xFFFFFF90]  }
0x195: {  	v9 =	vld [tilespmem:s30+$0xFFFFFF90]  }
0x196: {  	v10 =	vmul.f32 v13, v13;
	v19 =	vld [tilespmem:s30+$0xFFFFFF10]  }
0x197: {  	v7 =	vld [tilespmem:s1+$0x10]  }
0x198: {  	v10 =	vadd.f32 v16, v10;
	v16 =	vld [tilespmem:s30+$0x90]  }
0x199: {  	[tilespmem:v18+s16+$0x0] =	vst.idx.add.f32.msk $0xffff, v2  }
0x19a: {  	[tilespmem:v18+s17+$0x0] =	vst.idx.add.f32.msk $0xffff, v13  }
0x19b: {  	v13 =	vmul.f32 v17, v17;
	[tilespmem:v18+s18+$0x0] =	vst.idx.add.f32.msk $0xffff, v14  }
0x19c: {  	v14 =	vmul.f32 v15, v15;
	[tilespmem:v18+s19+$0x0] =	vst.idx.add.f32.msk $0xffff, v10;
	v6 =	vtrunc.f32 v6  }
0x19d: {  	v10 =	vld [tilespmem:s29+$0xFFFFFFE0];
	v7 =	vtrunc.f32 v7;
	v6 =	vcvt.f32.s32 v6  }
0x19e: {  	v13 =	vadd.f32 v14, v13;
	v14 =	vld [tilespmem:s28+$0xFFFFFF60];
	v7 =	vcvt.f32.s32 v7  }
0x19f: {  	v11 =	vld [tilespmem:s28+$0xFFFFFFE0];
	v6 =	vshll.u32 v6, $0x4  }
0x1a0: {  	[tilespmem:v12+s19+$0x0] =	vst.idx.add.f32.msk $0xffff, v13;
	v7 =	vshll.u32 v7, $0x4;
	v6 =	vadd.s32 v3, v6  }
0x1a1: {  	v13 =	vld [tilespmem:s30+$0x10];
	v7 =	vadd.s32 v3, v7  }
0x1a2: {  	v12 =	vld [tilespmem:s28+$0x50];
	v8 =	vtrunc.f32 v10  }
0x1a3: {  	v15 =	vld [tilespmem:s28+$0xD0];
	v8 =	vcvt.f32.s32 v8  }
0x1a4: {  	v10 =	vld [tilespmem:s29+$0x50]  }
0x1a5: {  	v17 =	vmul.f32 v9, v9;
	v8 =	vshll.u32 v8, $0x4;
	[tilespmem:v6+s16+$0x0] =	vst.idx.add.f32.msk $0xffff, v2  }
0x1a6: {  	v18 =	vmul.f32 v19, v19;
	v8 =	vadd.s32 v4, v8;
	[tilespmem:v7+s16+$0x0] =	vst.idx.add.f32.msk $0xffff, v2  }
0x1a7: {  	[tilespmem:v6+s17+$0x0] =	vst.idx.add.f32.msk $0xffff, v19  }
0x1a8: {  	[tilespmem:v6+s18+$0x0] =	vst.idx.add.f32.msk $0xffff, v9;
	v9 =	vadd.f32 v17, v18  }
0x1a9: {  	[tilespmem:v7+s17+$0x0] =	vst.idx.add.f32.msk $0xffff, v13  }
0x1aa: {  	[tilespmem:v6+s19+$0x0] =	vst.idx.add.f32.msk $0xffff, v9  }
0x1ab: {  	[tilespmem:v8+s16+$0x0] =	vst.idx.add.f32.msk $0xffff, v2  }
0x1ac: {  	v6 =	vmul.f32 v13, v13;
	v9 =	vmul.f32 v16, v16;
	v17 =	vld [tilespmem:s1+$0xFFFFFFA0]  }
0x1ad: {  	v10 =	vtrunc.f32 v10;
	[tilespmem:v8+s17+$0x0] =	vst.idx.add.f32.msk $0xffff, v14;
	v14 =	vmul.f32 v14, v14  }
0x1ae: {  	v10 =	vcvt.f32.s32 v10;
	v6 =	vadd.f32 v9, v6;
	[tilespmem:v8+s18+$0x0] =	vst.idx.add.f32.msk $0xffff, v11;
	v11 =	vmul.f32 v11, v11  }
0x1af: {  	[tilespmem:v7+s18+$0x0] =	vst.idx.add.f32.msk $0xffff, v16  }
0x1b0: {  	v9 =	vshll.u32 v10, $0x4;
	[tilespmem:v7+s19+$0x0] =	vst.idx.add.f32.msk $0xffff, v6;
	v10 =	vadd.f32 v11, v14  }
0x1b1: {  	v7 =	vadd.s32 v3, v9;
	v9 =	vld [tilespmem:s1+$0x20];
	v6 =	vtrunc.f32 v17  }
0x1b2: {  	[tilespmem:v8+s19+$0x0] =	vst.idx.add.f32.msk $0xffff, v10;
	v6 =	vcvt.f32.s32 v6  }
0x1b3: {  	v8 =	vld [tilespmem:s30+$0xFFFFFFA0]  }
0x1b4: {  	v10 =	vld [tilespmem:s30+$0xFFFFFF20];
	v11 =	vshll.u32 v6, $0x4  }
0x1b5: {  	v13 =	vld [tilespmem:s30+$0x20];
	v11 =	vadd.s32 v4, v11  }
0x1b6: {  	v16 =	vld [tilespmem:s30+$0xA0]  }
0x1b7: {  	v6 =	vld [tilespmem:s28+$0xFFFFFFF0];
	v9 =	vtrunc.f32 v9  }
0x1b8: {  	[tilespmem:v7+s16+$0x0] =	vst.idx.add.f32.msk $0xffff, v2;
	v9 =	vcvt.f32.s32 v9  }
0x1b9: {  	[tilespmem:v7+s17+$0x0] =	vst.idx.add.f32.msk $0xffff, v12;
	v14 =	vmul.f32 v8, v8;
	v17 =	vmul.f32 v10, v10  }
0x1ba: {  	v9 =	vshll.u32 v9, $0x4;
	[tilespmem:v11+s16+$0x0] =	vst.idx.add.f32.msk $0xffff, v2  }
0x1bb: {  	v9 =	vadd.s32 v4, v9;
	v14 =	vadd.f32 v14, v17;
	[tilespmem:v11+s17+$0x0] =	vst.idx.add.f32.msk $0xffff, v10  }
0x1bc: {  	[tilespmem:v11+s18+$0x0] =	vst.idx.add.f32.msk $0xffff, v8  }
0x1bd: {  	[tilespmem:v11+s19+$0x0] =	vst.idx.add.f32.msk $0xffff, v14  }
0x1be: {  	v10 =	vld [tilespmem:s1+$0xFFFFFFB0]  }
0x1bf: {  	[tilespmem:v7+s18+$0x0] =	vst.idx.add.f32.msk $0xffff, v15;
	v8 =	vmul.f32 v13, v13;
	v11 =	vmul.f32 v16, v16  }
0x1c0: {  	[tilespmem:v9+s16+$0x0] =	vst.idx.add.f32.msk $0xffff, v2  }
0x1c1: {  	v8 =	vadd.f32 v11, v8;
	[tilespmem:v9+s17+$0x0] =	vst.idx.add.f32.msk $0xffff, v13  }
0x1c2: {  	v11 =	vmul.f32 v15, v15;
	[tilespmem:v9+s18+$0x0] =	vst.idx.add.f32.msk $0xffff, v16  }
0x1c3: {  	[tilespmem:v9+s19+$0x0] =	vst.idx.add.f32.msk $0xffff, v8;
	v8 =	vmul.f32 v12, v12;
	v9 =	vtrunc.f32 v10  }
0x1c4: {  	v10 =	vld [tilespmem:s1+$0x30];
	v9 =	vcvt.f32.s32 v9  }
0x1c5: {  	v12 =	vld [tilespmem:s30+$0xFFFFFF30];
	v8 =	vadd.f32 v11, v8  }
0x1c6: {  	v11 =	vld [tilespmem:s30+$0xFFFFFFB0];
	v9 =	vshll.u32 v9, $0x4  }
0x1c7: {  	[tilespmem:v7+s19+$0x0] =	vst.idx.add.f32.msk $0xffff, v8;
	v7 =	vadd.s32 v5, v9  }
0x1c8: {  	v13 =	vld [tilespmem:s30+$0xB0]  }
0x1c9: {  	v16 =	vld [tilespmem:s30+$0x30];
	v9 =	vtrunc.f32 v10  }
0x1ca: {  	v8 =	vld [tilespmem:s29+$0x60];
	v9 =	vcvt.f32.s32 v9  }
0x1cb: {  	v14 =	vmul.f32 v12, v12;
	v10 =	vld [tilespmem:s28+$0x60];
	v15 =	vmul.f32 v11, v11  }
0x1cc: {  	v9 =	vshll.u32 v9, $0x4;
	[tilespmem:v7+s16+$0x0] =	vst.idx.add.f32.msk $0xffff, v2  }
0x1cd: {  	v14 =	vadd.f32 v15, v14;
	v9 =	vadd.s32 v5, v9;
	[tilespmem:v7+s17+$0x0] =	vst.idx.add.f32.msk $0xffff, v12  }
0x1ce: {  	[tilespmem:v7+s18+$0x0] =	vst.idx.add.f32.msk $0xffff, v11  }
0x1cf: {  	[tilespmem:v7+s19+$0x0] =	vst.idx.add.f32.msk $0xffff, v14  }
0x1d0: {  	v7 =	vld [tilespmem:s1+$0xFFFFFFC0]  }
0x1d1: {  	v15 =	vld [tilespmem:s28+$0xFFFFFF70];
	v12 =	vmul.f32 v16, v16;
	v11 =	vmul.f32 v13, v13  }
0x1d2: {  	v8 =	vtrunc.f32 v8;
	[tilespmem:v9+s16+$0x0] =	vst.idx.add.f32.msk $0xffff, v2  }
0x1d3: {  	v8 =	vcvt.f32.s32 v8;
	v11 =	vadd.f32 v11, v12;
	[tilespmem:v9+s17+$0x0] =	vst.idx.add.f32.msk $0xffff, v16  }
0x1d4: {  	[tilespmem:v9+s18+$0x0] =	vst.idx.add.f32.msk $0xffff, v13  }
0x1d5: {  	v8 =	vshll.u32 v8, $0x4;
	[tilespmem:v9+s19+$0x0] =	vst.idx.add.f32.msk $0xffff, v11;
	v7 =	vtrunc.f32 v7  }
0x1d6: {  	v8 =	vadd.s32 v4, v8;
	v9 =	vld [tilespmem:s1+$0x40];
	v7 =	vcvt.f32.s32 v7  }
0x1d7: {  	v12 =	vld [tilespmem:s30+$0xFFFFFF40]  }
0x1d8: {  	v13 =	vld [tilespmem:s30+$0xFFFFFFC0];
	v7 =	vshll.u32 v7, $0x4  }
0x1d9: {  	v14 =	vld [tilespmem:s29+$0xFFFFFFF0];
	v7 =	vor.u32 v1, v7  }
0x1da: {  	v11 =	vld [tilespmem:s28+$0xE0]  }
0x1db: {  	[tilespmem:v8+s16+$0x0] =	vst.idx.add.f32.msk $0xffff, v2;
	v9 =	vtrunc.f32 v9  }
0x1dc: {  	v16 =	vld [tilespmem:s30+$0x40];
	v9 =	vcvt.f32.s32 v9  }
0x1dd: {  	v17 =	vmul.f32 v12, v12;
	v19 =	vld [tilespmem:s30+$0xC0];
	v18 =	vmul.f32 v13, v13  }
0x1de: {  	v9 =	vshll.u32 v9, $0x4;
	[tilespmem:v7+s16+$0x0] =	vst.idx.add.f32.msk $0xffff, v2  }
0x1df: {  	v17 =	vadd.f32 v18, v17;
	v9 =	vor.u32 v1, v9;
	[tilespmem:v7+s17+$0x0] =	vst.idx.add.f32.msk $0xffff, v12  }
0x1e0: {  	[tilespmem:v7+s18+$0x0] =	vst.idx.add.f32.msk $0xffff, v13  }
0x1e1: {  	[tilespmem:v7+s19+$0x0] =	vst.idx.add.f32.msk $0xffff, v17  }
0x1e2: {  	v7 =	vld [tilespmem:s1+$0xFFFFFFD0]  }
0x1e3: {  	[tilespmem:v8+s17+$0x0] =	vst.idx.add.f32.msk $0xffff, v10;
	v12 =	vmul.f32 v16, v16;
	v13 =	vmul.f32 v19, v19  }
0x1e4: {  	[tilespmem:v9+s16+$0x0] =	vst.idx.add.f32.msk $0xffff, v2  }
0x1e5: {  	v12 =	vadd.f32 v13, v12;
	[tilespmem:v9+s17+$0x0] =	vst.idx.add.f32.msk $0xffff, v16  }
0x1e6: {  	[tilespmem:v9+s18+$0x0] =	vst.idx.add.f32.msk $0xffff, v19  }
0x1e7: {  	[tilespmem:v9+s19+$0x0] =	vst.idx.add.f32.msk $0xffff, v12;
	v7 =	vtrunc.f32 v7  }
0x1e8: {  	v12 =	vld [tilespmem:s1+$0x50];
	v7 =	vcvt.f32.s32 v7  }
0x1e9: {  	[tilespmem:v8+s18+$0x0] =	vst.idx.add.f32.msk $0xffff, v11;
	v13 =	vmul.f32 v11, v11;
	v9 =	vmul.f32 v10, v10  }
0x1ea: {  	v10 =	vld [tilespmem:s30+$0xFFFFFF50];
	v7 =	vshll.u32 v7, $0x4  }
0x1eb: {  	v9 =	vadd.f32 v13, v9;
	v13 =	vld [tilespmem:s30+$0xFFFFFFD0];
	v7 =	vadd.s32 v3, v7  }
0x1ec: {  	v11 =	vld [tilespmem:s30+$0x50]  }
0x1ed: {  	[tilespmem:v8+s19+$0x0] =	vst.idx.add.f32.msk $0xffff, v9;
	v8 =	vtrunc.f32 v12  }
0x1ee: {  	v17 =	vld [tilespmem:s30+$0xD0];
	v8 =	vcvt.f32.s32 v8  }
0x1ef: {  	v9 =	vld [tilespmem:s29+$0x70]  }
0x1f0: {  	v16 =	vmul.f32 v10, v10;
	v12 =	vmul.f32 v13, v13;
	v8 =	vshll.u32 v8, $0x4;
	[tilespmem:v7+s16+$0x0] =	vst.idx.add.f32.msk $0xffff, v2  }
0x1f1: {  	v8 =	vadd.s32 v3, v8;
	[tilespmem:v7+s17+$0x0] =	vst.idx.add.f32.msk $0xffff, v10  }
0x1f2: {  	v12 =	vadd.f32 v12, v16;
	[tilespmem:v7+s18+$0x0] =	vst.idx.add.f32.msk $0xffff, v13  }
0x1f3: {  	v13 =	vtrunc.f32 v14;
	v14 =	vld [tilespmem:s28+$0xF0]  }
0x1f4: {  	[tilespmem:v7+s19+$0x0] =	vst.idx.add.f32.msk $0xffff, v12  }
0x1f5: {  	v10 =	vmul.f32 v17, v17;
	v12 =	vmul.f32 v11, v11;
	v7 =	vld [tilespmem:s1+$0xFFFFFFE0]  }
0x1f6: {  	[tilespmem:v8+s16+$0x0] =	vst.idx.add.f32.msk $0xffff, v2  }
0x1f7: {  	v9 =	vtrunc.f32 v9;
	v13 =	vcvt.f32.s32 v13;
	v10 =	vadd.f32 v10, v12;
	v12 =	vld [tilespmem:s30+$0xFFFFFF60]  }
0x1f8: {  	v9 =	vcvt.f32.s32 v9;
	[tilespmem:v8+s17+$0x0] =	vst.idx.add.f32.msk $0xffff, v11  }
0x1f9: {  	v11 =	vshll.u32 v13, $0x4;
	v13 =	vld [tilespmem:s30+$0xFFFFFFE0]  }
0x1fa: {  	v9 =	vshll.u32 v9, $0x4;
	[tilespmem:v8+s18+$0x0] =	vst.idx.add.f32.msk $0xffff, v17  }
0x1fb: {  	v9 =	vadd.s32 v5, v9;
	[tilespmem:v8+s19+$0x0] =	vst.idx.add.f32.msk $0xffff, v10  }
0x1fc: {  	v8 =	vadd.s32 v5, v11;
	v11 =	vld [tilespmem:s28+$0x70]  }
0x1fd: {  	v7 =	vtrunc.f32 v7;
	v10 =	vld [tilespmem:s1+$0x60]  }
0x1fe: {  	v16 =	vld [tilespmem:s30+$0x60];
	v7 =	vcvt.f32.s32 v7  }
0x1ff: {  	v19 =	vld [tilespmem:s30+$0xE0]  }
0x200: {  	[tilespmem:v9+s16+$0x0] =	vst.idx.add.f32.msk $0xffff, v2;
	v7 =	vshll.u32 v7, $0x4  }
0x201: {  	v7 =	vadd.s32 v4, v7;
	[tilespmem:v8+s16+$0x0] =	vst.idx.add.f32.msk $0xffff, v2  }
0x202: {  	[tilespmem:v9+s17+$0x0] =	vst.idx.add.f32.msk $0xffff, v11;
	v10 =	vtrunc.f32 v10  }
0x203: {  	[tilespmem:v8+s17+$0x0] =	vst.idx.add.f32.msk $0xffff, v15;
	v10 =	vcvt.f32.s32 v10  }
0x204: {  	[tilespmem:v9+s18+$0x0] =	vst.idx.add.f32.msk $0xffff, v14  }
0x205: {  	v18 =	vmul.f32 v12, v12;
	v17 =	vmul.f32 v13, v13;
	[tilespmem:v8+s18+$0x0] =	vst.idx.add.f32.msk $0xffff, v6;
	v10 =	vshll.u32 v10, $0x4  }
0x206: {  	[tilespmem:v7+s16+$0x0] =	vst.idx.add.f32.msk $0xffff, v2;
	v10 =	vadd.s32 v4, v10  }
0x207: {  	v17 =	vadd.f32 v17, v18;
	[tilespmem:v7+s17+$0x0] =	vst.idx.add.f32.msk $0xffff, v12  }
0x208: {  	[tilespmem:v7+s18+$0x0] =	vst.idx.add.f32.msk $0xffff, v13  }
0x209: {  	[tilespmem:v7+s19+$0x0] =	vst.idx.add.f32.msk $0xffff, v17  }
0x20a: {  	v12 =	vmul.f32 v16, v16;
	v13 =	vmul.f32 v19, v19;
	v7 =	vld [tilespmem:s1+$0xFFFFFFF0]  }
0x20b: {  	[tilespmem:v10+s16+$0x0] =	vst.idx.add.f32.msk $0xffff, v2  }
0x20c: {  	v12 =	vadd.f32 v13, v12;
	[tilespmem:v10+s17+$0x0] =	vst.idx.add.f32.msk $0xffff, v16  }
0x20d: {  	[tilespmem:v10+s18+$0x0] =	vst.idx.add.f32.msk $0xffff, v19  }
0x20e: {  	[tilespmem:v10+s19+$0x0] =	vst.idx.add.f32.msk $0xffff, v12  }
0x20f: {  	v11 =	vmul.f32 v11, v11;
	v6 =	vmul.f32 v6, v6;
	v10 =	vld [tilespmem:s1+$0x70]  }
0x210: {  	v13 =	vmul.f32 v14, v14;
	v14 =	vld [tilespmem:s30+$0xFFFFFFF0];
	v7 =	vtrunc.f32 v7  }
0x211: {  	v12 =	vmul.f32 v15, v15;
	v15 =	vld [tilespmem:s30+$0xFFFFFF70];
	v7 =	vcvt.f32.s32 v7  }
0x212: {  	v11 =	vadd.f32 v13, v11;
	v13 =	vld [tilespmem:s30+$0x70]  }
0x213: {  	v6 =	vadd.f32 v6, v12;
	v12 =	vld [tilespmem:s30+$0xF0];
	v7 =	vshll.u32 v7, $0x4  }
0x214: {  	v7 =	vadd.s32 v5, v7;
	v10 =	vtrunc.f32 v10  }
0x215: {  	v10 =	vcvt.f32.s32 v10  }
0x216: {  	[tilespmem:v9+s19+$0x0] =	vst.idx.add.f32.msk $0xffff, v11  }
0x217: {  	v11 =	vmul.f32 v14, v14;
	[tilespmem:v8+s19+$0x0] =	vst.idx.add.f32.msk $0xffff, v6;
	v6 =	vmul.f32 v13, v13;
	v10 =	vshll.u32 v10, $0x4  }
0x218: {  	v8 =	vmul.f32 v12, v12;
	v9 =	vadd.s32 v5, v10;
	v10 =	vmul.f32 v15, v15  }
0x219: {  	[tilespmem:v7+s16+$0x0] =	vst.idx.add.f32.msk $0xffff, v2  }
0x21a: {  	v6 =	vadd.f32 v8, v6;
	[tilespmem:v7+s17+$0x0] =	vst.idx.add.f32.msk $0xffff, v15;
	v8 =	vadd.f32 v11, v10  }
0x21b: {  	[tilespmem:v7+s18+$0x0] =	vst.idx.add.f32.msk $0xffff, v14  }
0x21c: {  	[tilespmem:v7+s19+$0x0] =	vst.idx.add.f32.msk $0xffff, v8  }
0x21d: {  	s0 =	sadd.s32 $0x2, s31;
	[tilespmem:v9+s16+$0x0] =	vst.idx.add.f32.msk $0xffff, v2  }
0x21e: {  	s31 =	sshll.u32 s0, $0xB;
	s0 =	sshll.u32 s0, $0xD;
	[tilespmem:v9+s17+$0x0] =	vst.idx.add.f32.msk $0xffff, v13  }
0x21f: {  	s0 =	sadd.s32 s4, s0;
	[tilespmem:v9+s18+$0x0] =	vst.idx.add.f32.msk $0xffff, v12  }
0x220: {  	s0 =	sshrl.u32 s0, $0x3;
	s1 =	sadd.s32 s31, s5;
	[tilespmem:v9+s19+$0x0] =	vst.idx.add.f32.msk $0xffff, v6  }
0x221: {  	[tilespmem:s3], [sflag:$0x1] =	stream.linear.gather [hbm4b:s1+s3], $0x4000, $0x38;
	[tilespmem:$0xCB00] =	vst v63  }
0x222: {  	s0 =	sadd.s32 s2, s0  }
0x223: {  	[tilespmem:s12], [sflag:$0x1] =	stream.linear.gather [hbm4b:s0+s3], $0x2000, $0x38;
	[tilespmem:$0xCB00] =	vst v63  }
0x224: {  	_ =	swait.ge [sflag:s20], $0x4000  }
0x225: {  	[sflag:s20] =	ssyncset.done $0x0  }
0x226: {  	[sflag:s20] =	ssyncadd.s32 $0xFFFFC000  }
0x227: {  	_ =	swait.ge [sflag:s20], $0x2000  }
0x228: {  	[sflag:s20] =	ssyncset.done $0x0  }
0x229: {  	s29 =	simm.s32 $0xA080;
	[sflag:s20] =	ssyncadd.s32 $0xFFFFE000  }
0x22a: {  	v6 =	vld [tilespmem:s29+$0xFFFFFF80];
	_ =	sdelay $0x4  }
0x22b: {  	v6 =	vtrunc.f32 v6  }
0x22c: {  	s28 =	simm.s32 $0x4100;
	v6 =	vcvt.f32.s32 v6  }
0x22d: {  	v7 =	vld [tilespmem:s28+$0xFFFFFF80]  }
0x22e: {  	v8 =	vld [tilespmem:s28+$0xFFFFFF00];
	v6 =	vshll.u32 v6, $0x4  }
0x22f: {  	v6 =	vor.u32 v1, v6;
	_ =	sdelay $0x2  }
0x230: {  	v9 =	vld [tilespmem:s29+$0x0]  }
0x231: {  	v10 =	vmul.f32 v8, v8;
	v11 =	vmul.f32 v7, v7  }
0x232: {  	[tilespmem:v6+s16+$0x0] =	vst.idx.add.f32.msk $0xffff, v2  }
0x233: {  	[tilespmem:v6+s17+$0x0] =	vst.idx.add.f32.msk $0xffff, v8;
	v8 =	vadd.f32 v11, v10  }
0x234: {  	[tilespmem:v6+s18+$0x0] =	vst.idx.add.f32.msk $0xffff, v7  }
0x235: {  	[tilespmem:v6+s19+$0x0] =	vst.idx.add.f32.msk $0xffff, v8;
	v6 =	vtrunc.f32 v9  }
0x236: {  	v7 =	vld [tilespmem:s29+$0xFFFFFF90];
	v6 =	vcvt.f32.s32 v6  }
0x237: {  	v8 =	vld [tilespmem:s28+$0x80]  }
0x238: {  	v9 =	vld [tilespmem:s28+$0x0];
	v6 =	vshll.u32 v6, $0x4  }
0x239: {  	v6 =	vor.u32 v1, v6;
	_ =	sdelay $0x1  }
0x23a: {  	v7 =	vtrunc.f32 v7  }
0x23b: {  	v10 =	vld [tilespmem:s28+$0xFFFFFF90];
	v7 =	vcvt.f32.s32 v7  }
0x23c: {  	v12 =	vld [tilespmem:s28+$0xFFFFFF10];
	v11 =	vmul.f32 v9, v9;
	v13 =	vmul.f32 v8, v8  }
0x23d: {  	v7 =	vshll.u32 v7, $0x4;
	[tilespmem:v6+s16+$0x0] =	vst.idx.add.f32.msk $0xffff, v2  }
0x23e: {  	v7 =	vadd.s32 v3, v7;
	[tilespmem:v6+s17+$0x0] =	vst.idx.add.f32.msk $0xffff, v9;
	v9 =	vadd.f32 v13, v11  }
0x23f: {  	[tilespmem:v6+s18+$0x0] =	vst.idx.add.f32.msk $0xffff, v8  }
0x240: {  	[tilespmem:v6+s19+$0x0] =	vst.idx.add.f32.msk $0xffff, v9  }
0x241: {  	v6 =	vld [tilespmem:s29+$0x10]  }
0x242: {  	v8 =	vmul.f32 v10, v10;
	v9 =	vmul.f32 v12, v12  }
0x243: {  	[tilespmem:v7+s16+$0x0] =	vst.idx.add.f32.msk $0xffff, v2  }
0x244: {  	v8 =	vadd.f32 v8, v9;
	[tilespmem:v7+s17+$0x0] =	vst.idx.add.f32.msk $0xffff, v12  }
0x245: {  	[tilespmem:v7+s18+$0x0] =	vst.idx.add.f32.msk $0xffff, v10  }
0x246: {  	[tilespmem:v7+s19+$0x0] =	vst.idx.add.f32.msk $0xffff, v8;
	v6 =	vtrunc.f32 v6  }
0x247: {  	v7 =	vld [tilespmem:s29+$0xFFFFFFA0];
	v6 =	vcvt.f32.s32 v6  }
0x248: {  	v9 =	vld [tilespmem:s28+$0x90]  }
0x249: {  	v8 =	vld [tilespmem:s28+$0x10];
	v6 =	vshll.u32 v6, $0x4  }
0x24a: {  	v6 =	vadd.s32 v3, v6;
	_ =	sdelay $0x1  }
0x24b: {  	v7 =	vtrunc.f32 v7  }
0x24c: {  	v10 =	vld [tilespmem:s28+$0xFFFFFFA0];
	v7 =	vcvt.f32.s32 v7  }
0x24d: {  	v12 =	vmul.f32 v9, v9;
	v13 =	vld [tilespmem:s28+$0xFFFFFF20];
	v11 =	vmul.f32 v8, v8  }
0x24e: {  	v7 =	vshll.u32 v7, $0x4;
	[tilespmem:v6+s16+$0x0] =	vst.idx.add.f32.msk $0xffff, v2  }
0x24f: {  	v11 =	vadd.f32 v12, v11;
	v7 =	vadd.s32 v4, v7;
	[tilespmem:v6+s17+$0x0] =	vst.idx.add.f32.msk $0xffff, v8  }
0x250: {  	[tilespmem:v6+s18+$0x0] =	vst.idx.add.f32.msk $0xffff, v9  }
0x251: {  	[tilespmem:v6+s19+$0x0] =	vst.idx.add.f32.msk $0xffff, v11  }
0x252: {  	v9 =	vld [tilespmem:s29+$0x20]  }
0x253: {  	v8 =	vmul.f32 v13, v13;
	v6 =	vmul.f32 v10, v10  }
0x254: {  	[tilespmem:v7+s16+$0x0] =	vst.idx.add.f32.msk $0xffff, v2  }
0x255: {  	v6 =	vadd.f32 v6, v8;
	[tilespmem:v7+s17+$0x0] =	vst.idx.add.f32.msk $0xffff, v13  }
0x256: {  	[tilespmem:v7+s18+$0x0] =	vst.idx.add.f32.msk $0xffff, v10  }
0x257: {  	[tilespmem:v7+s19+$0x0] =	vst.idx.add.f32.msk $0xffff, v6;
	v6 =	vtrunc.f32 v9  }
0x258: {  	v7 =	vld [tilespmem:s29+$0xFFFFFFB0];
	v6 =	vcvt.f32.s32 v6  }
0x259: {  	v8 =	vld [tilespmem:s28+$0x20]  }
0x25a: {  	v9 =	vld [tilespmem:s28+$0xA0];
	v6 =	vshll.u32 v6, $0x4  }
0x25b: {  	v6 =	vadd.s32 v4, v6  }
0x25c: {  	s0 =	simm.s32 $0xA180  }
0x25d: {  	v11 =	vld [tilespmem:s0+$0xFFFFFF80];
	v7 =	vtrunc.f32 v7  }
0x25e: {  	v12 =	vld [tilespmem:s28+$0xFFFFFFB0];
	v7 =	vcvt.f32.s32 v7  }
0x25f: {  	v13 =	vmul.f32 v8, v8;
	v14 =	vld [tilespmem:s28+$0xFFFFFF30];
	v15 =	vmul.f32 v9, v9  }
0x260: {  	v7 =	vshll.u32 v7, $0x4;
	[tilespmem:v6+s16+$0x0] =	vst.idx.add.f32.msk $0xffff, v2  }
0x261: {  	v13 =	vadd.f32 v15, v13;
	v7 =	vadd.s32 v5, v7;
	[tilespmem:v6+s17+$0x0] =	vst.idx.add.f32.msk $0xffff, v8  }
0x262: {  	[tilespmem:v6+s18+$0x0] =	vst.idx.add.f32.msk $0xffff, v9  }
0x263: {  	[tilespmem:v6+s19+$0x0] =	vst.idx.add.f32.msk $0xffff, v13  }
0x264: {  	v9 =	vld [tilespmem:s29+$0x30]  }
0x265: {  	v10 =	vld [tilespmem:s0+$0x0];
	v8 =	vmul.f32 v12, v12;
	v6 =	vmul.f32 v14, v14  }
0x266: {  	[tilespmem:v7+s16+$0x0] =	vst.idx.add.f32.msk $0xffff, v2  }
0x267: {  	v6 =	vadd.f32 v8, v6;
	[tilespmem:v7+s17+$0x0] =	vst.idx.add.f32.msk $0xffff, v14  }
0x268: {  	[tilespmem:v7+s18+$0x0] =	vst.idx.add.f32.msk $0xffff, v12  }
0x269: {  	[tilespmem:v7+s19+$0x0] =	vst.idx.add.f32.msk $0xffff, v6;
	v6 =	vtrunc.f32 v9  }
0x26a: {  	v7 =	vld [tilespmem:s29+$0xFFFFFFC0];
	v6 =	vcvt.f32.s32 v6  }
0x26b: {  	v13 =	vld [tilespmem:s28+$0xB0]  }
0x26c: {  	s30 =	simm.s32 $0x4300;
	v14 =	vld [tilespmem:s28+$0x30];
	v6 =	vshll.u32 v6, $0x4  }
0x26d: {  	v18 =	vld [tilespmem:s30+$0x0];
	v15 =	vadd.s32 v5, v6  }
0x26e: {  	v8 =	vtrunc.f32 v11;
	v9 =	vtrunc.f32 v10;
	v10 =	vld [tilespmem:s30+$0xFFFFFF80]  }
0x26f: {  	v12 =	vld [tilespmem:s28+$0xFFFFFF40];
	v6 =	vcvt.f32.s32 v8;
	v7 =	vtrunc.f32 v7  }
0x270: {  	v11 =	vld [tilespmem:s28+$0xFFFFFFC0];
	v16 =	vcvt.f32.s32 v9;
	v17 =	vcvt.f32.s32 v7  }
0x271: {  	v19 =	vmul.f32 v13, v13;
	v20 =	vmul.f32 v14, v14;
	v8 =	vld [tilespmem:s30+$0x80];
	v7 =	vshll.u32 v6, $0x4  }
0x272: {  	v9 =	vor.u32 v1, v7;
	v7 =	vshll.u32 v16, $0x4;
	[tilespmem:v15+s16+$0x0] =	vst.idx.add.f32.msk $0xffff, v2;
	v16 =	vshll.u32 v17, $0x4  }
0x273: {  	[tilespmem:v15+s17+$0x0] =	vst.idx.add.f32.msk $0xffff, v14;
	v14 =	vor.u32 v1, v16  }
0x274: {  	v6 =	vld [tilespmem:s30+$0xFFFFFF00];
	v17 =	vadd.f32 v19, v20  }
0x275: {  	[tilespmem:v15+s18+$0x0] =	vst.idx.add.f32.msk $0xffff, v13  }
0x276: {  	[tilespmem:v15+s19+$0x0] =	vst.idx.add.f32.msk $0xffff, v17  }
0x277: {  	v16 =	vmul.f32 v11, v11;
	v13 =	vmul.f32 v12, v12;
	v15 =	vld [tilespmem:s29+$0x40]  }
0x278: {  	[tilespmem:v14+s16+$0x0] =	vst.idx.add.f32.msk $0xffff, v2  }
0x279: {  	v13 =	vadd.f32 v16, v13;
	[tilespmem:v14+s17+$0x0] =	vst.idx.add.f32.msk $0xffff, v12  }
0x27a: {  	[tilespmem:v14+s18+$0x0] =	vst.idx.add.f32.msk $0xffff, v11  }
0x27b: {  	[tilespmem:v14+s19+$0x0] =	vst.idx.add.f32.msk $0xffff, v13  }
0x27c: {  	v7 =	vor.u32 v1, v7;
	v12 =	vld [tilespmem:s29+$0xFFFFFFD0]  }
0x27d: {  	[tilespmem:v9+s16+$0x0] =	vst.idx.add.f32.msk $0xffff, v2;
	v11 =	vtrunc.f32 v15  }
0x27e: {  	v17 =	vld [tilespmem:s28+$0x40];
	v15 =	vcvt.f32.s32 v11  }
0x27f: {  	v16 =	vld [tilespmem:s28+$0xC0]  }
0x280: {  	v14 =	vld [tilespmem:s28+$0xFFFFFFD0];
	v15 =	vshll.u32 v15, $0x4  }
0x281: {  	[tilespmem:v7+s16+$0x0] =	vst.idx.add.f32.msk $0xffff, v2;
	v19 =	vtrunc.f32 v12;
	v12 =	vor.u32 v1, v15  }
0x282: {  	[tilespmem:v9+s17+$0x0] =	vst.idx.add.f32.msk $0xffff, v6  }
0x283: {  	[tilespmem:v7+s17+$0x0] =	vst.idx.add.f32.msk $0xffff, v18  }
0x284: {  	[tilespmem:v7+s18+$0x0] =	vst.idx.add.f32.msk $0xffff, v8;
	v11 =	vmul.f32 v18, v18  }
0x285: {  	s6 =	simm.s32 $0x2;
	s1 =	simm.s32 $0xA180;
	v13 =	vld [tilespmem:s28+$0xFFFFFF50];
	v15 =	vmul.f32 v14, v14;
	v18 =	vcvt.f32.s32 v19  }
.LBB2_5:
0x286: {  	s6 =	sadd.s32 $0x2, s6;
	v19 =	vmul.f32 v6, v6;
	s0 =	sadd.s32 $0x100, s0;
	[tilespmem:v12+s16+$0x0] =	vst.idx.add.f32.msk $0xffff, v2  }
0x287: {  	v20 =	vmul.f32 v10, v10;
	p0 =	slt.u32 s6, $0x3E;
	v21 =	vmul.f32 v17, v17;
	[tilespmem:v12+s17+$0x0] =	vst.idx.add.f32.msk $0xffff, v17  }
0x288: {  	v17 =	vshll.u32 v18, $0x4;
	v18 =	vmul.f32 v16, v16;
	[tilespmem:v12+s18+$0x0] =	vst.idx.add.f32.msk $0xffff, v16  }
0x289: {  	v16 =	vadd.f32 v20, v19;
	v17 =	vadd.s32 v3, v17;
	v6 =	vld [tilespmem:s0+$0x0]  }
0x28a: {  	[tilespmem:v9+s18+$0x0] =	vst.idx.add.f32.msk $0xffff, v10;
	v10 =	vadd.f32 v18, v21  }
0x28b: {  	[tilespmem:v9+s19+$0x0] =	vst.idx.add.f32.msk $0xffff, v16  }
0x28c: {  	v9 =	vld [tilespmem:s1+$0xFFFFFF90]  }
0x28d: {  	v16 =	vld [tilespmem:s30+$0xFFFFFF90]  }
0x28e: {  	v18 =	vmul.f32 v13, v13;
	[tilespmem:v17+s16+$0x0] =	vst.idx.add.f32.msk $0xffff, v2  }
0x28f: {  	v19 =	vld [tilespmem:s30+$0xFFFFFF10]  }
0x290: {  	v15 =	vadd.f32 v15, v18;
	[tilespmem:v17+s17+$0x0] =	vst.idx.add.f32.msk $0xffff, v13  }
0x291: {  	v9 =	vtrunc.f32 v9;
	[tilespmem:v17+s18+$0x0] =	vst.idx.add.f32.msk $0xffff, v14  }
0x292: {  	v9 =	vcvt.f32.s32 v9;
	[tilespmem:v17+s19+$0x0] =	vst.idx.add.f32.msk $0xffff, v15  }
0x293: {  	v8 =	vmul.f32 v8, v8;
	v13 =	vld [tilespmem:s29+$0xFFFFFFE0]  }
0x294: {  	v9 =	vshll.u32 v9, $0x4;
	v14 =	vld [tilespmem:s28+$0xFFFFFF60]  }
0x295: {  	v8 =	vadd.f32 v8, v11;
	v11 =	vld [tilespmem:s28+$0xFFFFFFE0]  }
0x296: {  	[tilespmem:v12+s19+$0x0] =	vst.idx.add.f32.msk $0xffff, v10  }
0x297: {  	v9 =	vadd.s32 v3, v9;
	[tilespmem:v7+s19+$0x0] =	vst.idx.add.f32.msk $0xffff, v8  }
0x298: {  	v7 =	vld [tilespmem:s1+$0x10];
	v8 =	vtrunc.f32 v13  }
0x299: {  	v8 =	vcvt.f32.s32 v8;
	v10 =	vld [tilespmem:s29+$0x50]  }
0x29a: {  	v12 =	vmul.f32 v16, v16;
	v13 =	vmul.f32 v11, v11;
	v15 =	vld [tilespmem:s28+$0x50]  }
0x29b: {  	v17 =	vmul.f32 v19, v19;
	v18 =	vld [tilespmem:s30+$0x10];
	v8 =	vshll.u32 v8, $0x4  }
0x29c: {  	[tilespmem:v9+s16+$0x0] =	vst.idx.add.f32.msk $0xffff, v2  }
0x29d: {  	v12 =	vadd.f32 v12, v17;
	v8 =	vadd.s32 v4, v8;
	v17 =	vtrunc.f32 v7;
	v20 =	vld [tilespmem:s28+$0xD0]  }
0x29e: {  	v7 =	vld [tilespmem:s0+$0xFFFFFF80];
	v17 =	vcvt.f32.s32 v17;
	v10 =	vtrunc.f32 v10  }
0x29f: {  	v21 =	vld [tilespmem:s30+$0x90];
	v10 =	vcvt.f32.s32 v10  }
0x2a0: {  	[tilespmem:v9+s17+$0x0] =	vst.idx.add.f32.msk $0xffff, v19;
	v19 =	vmul.f32 v18, v18;
	v17 =	vshll.u32 v17, $0x4  }
0x2a1: {  	[tilespmem:v9+s18+$0x0] =	vst.idx.add.f32.msk $0xffff, v16;
	v16 =	vadd.s32 v3, v17;
	v17 =	vmul.f32 v14, v14;
	v10 =	vshll.u32 v10, $0x4  }
0x2a2: {  	[tilespmem:v8+s16+$0x0] =	vst.idx.add.f32.msk $0xffff, v2;
	v22 =	vmul.f32 v20, v20;
	v10 =	vadd.s32 v3, v10  }
0x2a3: {  	v13 =	vadd.f32 v13, v17;
	[tilespmem:v8+s17+$0x0] =	vst.idx.add.f32.msk $0xffff, v14  }
0x2a4: {  	[tilespmem:v8+s18+$0x0] =	vst.idx.add.f32.msk $0xffff, v11  }
0x2a5: {  	[tilespmem:v8+s19+$0x0] =	vst.idx.add.f32.msk $0xffff, v13  }
0x2a6: {  	v8 =	vld [tilespmem:s28+$0xFFFFFFF0]  }
0x2a7: {  	v11 =	vmul.f32 v15, v15;
	[tilespmem:v10+s16+$0x0] =	vst.idx.add.f32.msk $0xffff, v2  }
0x2a8: {  	[tilespmem:v10+s17+$0x0] =	vst.idx.add.f32.msk $0xffff, v15  }
0x2a9: {  	[tilespmem:v9+s19+$0x0] =	vst.idx.add.f32.msk $0xffff, v12;
	v9 =	vadd.f32 v22, v11  }
0x2aa: {  	[tilespmem:v10+s18+$0x0] =	vst.idx.add.f32.msk $0xffff, v20  }
0x2ab: {  	v11 =	vmul.f32 v21, v21;
	[tilespmem:v10+s19+$0x0] =	vst.idx.add.f32.msk $0xffff, v9  }
0x2ac: {  	v9 =	vld [tilespmem:s29+$0x60]  }
0x2ad: {  	v10 =	vadd.f32 v11, v19;
	v11 =	vld [tilespmem:s28+$0x60]  }
0x2ae: {  	v12 =	vld [tilespmem:s28+$0xE0]  }
0x2af: {  	v13 =	vld [tilespmem:s1+$0xFFFFFFA0]  }
0x2b0: {  	[tilespmem:v16+s16+$0x0] =	vst.idx.add.f32.msk $0xffff, v2  }
0x2b1: {  	[tilespmem:v16+s17+$0x0] =	vst.idx.add.f32.msk $0xffff, v18;
	v9 =	vtrunc.f32 v9  }
0x2b2: {  	v14 =	vld [tilespmem:s29+$0xFFFFFFF0];
	v9 =	vcvt.f32.s32 v9;
	v15 =	vmul.f32 v11, v11  }
0x2b3: {  	v17 =	vld [tilespmem:s28+$0xFFFFFF70];
	v18 =	vmul.f32 v12, v12  }
0x2b4: {  	v13 =	vtrunc.f32 v13;
	v19 =	vld [tilespmem:s30+$0xFFFFFFA0];
	v9 =	vshll.u32 v9, $0x4  }
0x2b5: {  	v13 =	vcvt.f32.s32 v13;
	v20 =	vld [tilespmem:s30+$0xFFFFFF20];
	v15 =	vadd.f32 v18, v15;
	v9 =	vadd.s32 v4, v9  }
0x2b6: {  	[tilespmem:v16+s18+$0x0] =	vst.idx.add.f32.msk $0xffff, v21  }
0x2b7: {  	[tilespmem:v16+s19+$0x0] =	vst.idx.add.f32.msk $0xffff, v10;
	v10 =	vtrunc.f32 v14  }
0x2b8: {  	v14 =	vld [tilespmem:s30+$0x20];
	v10 =	vcvt.f32.s32 v10;
	v16 =	vmul.f32 v17, v17  }
0x2b9: {  	v18 =	vmul.f32 v19, v19;
	v21 =	vld [tilespmem:s30+$0xA0]  }
0x2ba: {  	v22 =	vmul.f32 v20, v20;
	v10 =	vshll.u32 v10, $0x4;
	[tilespmem:v9+s16+$0x0] =	vst.idx.add.f32.msk $0xffff, v2  }
0x2bb: {  	[tilespmem:v9+s17+$0x0] =	vst.idx.add.f32.msk $0xffff, v11  }
0x2bc: {  	v13 =	vshll.u32 v13, $0x4;
	v11 =	vadd.f32 v18, v22;
	v18 =	vld [tilespmem:s1+$0x20]  }
0x2bd: {  	v13 =	vadd.s32 v4, v13;
	[tilespmem:v9+s18+$0x0] =	vst.idx.add.f32.msk $0xffff, v12  }
0x2be: {  	[tilespmem:v9+s19+$0x0] =	vst.idx.add.f32.msk $0xffff, v15  }
0x2bf: {  	v9 =	vld [tilespmem:s29+$0x70];
	s29 =	smov.u32 s1;
	s1 =	smov.u32 s0  }
0x2c0: {  	v12 =	vld [tilespmem:s28+$0x70]  }
0x2c1: {  	v15 =	vtrunc.f32 v18;
	v18 =	vld [tilespmem:s28+$0xF0];
	s28 =	smov.u32 s30  }
0x2c2: {  	v22 =	vmul.f32 v14, v14;
	[tilespmem:v13+s16+$0x0] =	vst.idx.add.f32.msk $0xffff, v2;
	v15 =	vcvt.f32.s32 v15  }
0x2c3: {  	[tilespmem:v13+s17+$0x0] =	vst.idx.add.f32.msk $0xffff, v20  }
0x2c4: {  	v10 =	vadd.s32 v5, v10;
	[tilespmem:v13+s18+$0x0] =	vst.idx.add.f32.msk $0xffff, v19;
	v15 =	vshll.u32 v15, $0x4;
	v9 =	vtrunc.f32 v9  }
0x2c5: {  	[tilespmem:v13+s19+$0x0] =	vst.idx.add.f32.msk $0xffff, v11;
	v9 =	vcvt.f32.s32 v9;
	v11 =	vmul.f32 v12, v12  }
0x2c6: {  	v13 =	vld [tilespmem:s29+$0xFFFFFFB0];
	v19 =	vmul.f32 v18, v18  }
0x2c7: {  	v15 =	vadd.s32 v4, v15;
	v20 =	vld [tilespmem:s30+$0xFFFFFFB0];
	v9 =	vshll.u32 v9, $0x4  }
0x2c8: {  	v24 =	vmul.f32 v21, v21;
	v23 =	vld [tilespmem:s30+$0xFFFFFF30];
	v11 =	vadd.f32 v19, v11  }
0x2c9: {  	v9 =	vadd.s32 v5, v9;
	[tilespmem:v10+s16+$0x0] =	vst.idx.add.f32.msk $0xffff, v2  }
0x2ca: {  	v19 =	vadd.f32 v24, v22;
	[tilespmem:v10+s17+$0x0] =	vst.idx.add.f32.msk $0xffff, v17  }
0x2cb: {  	v13 =	vtrunc.f32 v13;
	[tilespmem:v10+s18+$0x0] =	vst.idx.add.f32.msk $0xffff, v8  }
0x2cc: {  	v13 =	vcvt.f32.s32 v13;
	[tilespmem:v15+s16+$0x0] =	vst.idx.add.f32.msk $0xffff, v2  }
0x2cd: {  	[tilespmem:v15+s17+$0x0] =	vst.idx.add.f32.msk $0xffff, v14  }
0x2ce: {  	v13 =	vshll.u32 v13, $0x4;
	[tilespmem:v9+s16+$0x0] =	vst.idx.add.f32.msk $0xffff, v2  }
0x2cf: {  	v8 =	vmul.f32 v8, v8;
	[tilespmem:v9+s17+$0x0] =	vst.idx.add.f32.msk $0xffff, v12  }
0x2d0: {  	[tilespmem:v9+s18+$0x0] =	vst.idx.add.f32.msk $0xffff, v18  }
0x2d1: {  	v8 =	vadd.f32 v8, v16;
	v12 =	vadd.s32 v5, v13;
	[tilespmem:v15+s18+$0x0] =	vst.idx.add.f32.msk $0xffff, v21  }
0x2d2: {  	[tilespmem:v9+s19+$0x0] =	vst.idx.add.f32.msk $0xffff, v11  }
0x2d3: {  	[tilespmem:v10+s19+$0x0] =	vst.idx.add.f32.msk $0xffff, v8  }
0x2d4: {  	[tilespmem:v15+s19+$0x0] =	vst.idx.add.f32.msk $0xffff, v19  }
0x2d5: {  	v9 =	vmul.f32 v20, v20;
	v8 =	vmul.f32 v23, v23;
	v10 =	vld [tilespmem:s29+$0x30]  }
0x2d6: {  	[tilespmem:v12+s16+$0x0] =	vst.idx.add.f32.msk $0xffff, v2  }
0x2d7: {  	v8 =	vadd.f32 v9, v8;
	[tilespmem:v12+s17+$0x0] =	vst.idx.add.f32.msk $0xffff, v23  }
0x2d8: {  	[tilespmem:v12+s18+$0x0] =	vst.idx.add.f32.msk $0xffff, v20  }
0x2d9: {  	[tilespmem:v12+s19+$0x0] =	vst.idx.add.f32.msk $0xffff, v8  }
0x2da: {  	v12 =	vld [tilespmem:s30+$0xFFFFFF40];
	v8 =	vtrunc.f32 v10  }
0x2db: {  	v7 =	vtrunc.f32 v7;
	v10 =	vld [tilespmem:s29+$0xFFFFFFC0];
	v8 =	vcvt.f32.s32 v8  }
0x2dc: {  	v6 =	vtrunc.f32 v6;
	v7 =	vcvt.f32.s32 v7;
	v11 =	vld [tilespmem:s30+$0xB0]  }
0x2dd: {  	v6 =	vcvt.f32.s32 v6;
	v13 =	vld [tilespmem:s30+$0x30];
	v8 =	vshll.u32 v8, $0x4  }
0x2de: {  	v7 =	vshll.u32 v7, $0x4;
	s30 =	sadd.s32 $0x200, s30;
	v14 =	vld [tilespmem:s28+$0xFFFFFFC0];
	v15 =	vadd.s32 v5, v8  }
0x2df: {  	v6 =	vshll.u32 v6, $0x4;
	v9 =	vor.u32 v1, v7;
	v8 =	vld [tilespmem:s30+$0x80];
	v16 =	vmul.f32 v12, v12  }
0x2e0: {  	v7 =	vor.u32 v1, v6;
	v18 =	vld [tilespmem:s30+$0x0];
	v6 =	vtrunc.f32 v10  }
0x2e1: {  	v10 =	vld [tilespmem:s30+$0xFFFFFF80];
	v17 =	vcvt.f32.s32 v6;
	v19 =	vmul.f32 v11, v11  }
0x2e2: {  	v6 =	vld [tilespmem:s30+$0xFFFFFF00];
	v20 =	vmul.f32 v13, v13  }
0x2e3: {  	v21 =	vmul.f32 v14, v14;
	[tilespmem:v15+s16+$0x0] =	vst.idx.add.f32.msk $0xffff, v2  }
0x2e4: {  	v17 =	vshll.u32 v17, $0x4;
	v19 =	vadd.f32 v19, v20;
	[tilespmem:v15+s17+$0x0] =	vst.idx.add.f32.msk $0xffff, v13  }
0x2e5: {  	v13 =	vadd.f32 v21, v16;
	v16 =	vor.u32 v1, v17;
	[tilespmem:v15+s18+$0x0] =	vst.idx.add.f32.msk $0xffff, v11  }
0x2e6: {  	v11 =	vmul.f32 v18, v18;
	[tilespmem:v15+s19+$0x0] =	vst.idx.add.f32.msk $0xffff, v19  }
0x2e7: {  	v15 =	vld [tilespmem:s29+$0x40]  }
0x2e8: {  	[tilespmem:v9+s16+$0x0] =	vst.idx.add.f32.msk $0xffff, v2  }
0x2e9: {  	[tilespmem:v7+s16+$0x0] =	vst.idx.add.f32.msk $0xffff, v2  }
0x2ea: {  	[tilespmem:v16+s16+$0x0] =	vst.idx.add.f32.msk $0xffff, v2  }
0x2eb: {  	[tilespmem:v16+s17+$0x0] =	vst.idx.add.f32.msk $0xffff, v12  }
0x2ec: {  	[tilespmem:v16+s18+$0x0] =	vst.idx.add.f32.msk $0xffff, v14;
	v12 =	vtrunc.f32 v15  }
0x2ed: {  	[tilespmem:v16+s19+$0x0] =	vst.idx.add.f32.msk $0xffff, v13;
	v12 =	vcvt.f32.s32 v12  }
0x2ee: {  	v15 =	vld [tilespmem:s29+$0xFFFFFFD0]  }
0x2ef: {  	v13 =	vld [tilespmem:s28+$0xFFFFFF50];
	v12 =	vshll.u32 v12, $0x4  }
0x2f0: {  	v14 =	vld [tilespmem:s28+$0xFFFFFFD0]  }
.Ltmp1:
0x2f1: {  	v12 =	vor.u32 v1, v12;
	[tilespmem:v9+s17+$0x0] =	vst.idx.add.f32.msk $0xffff, v6;
	(pc) =	sbr.rel @p0 .LBB2_5-.Ltmp1, $4  }
0x2f2: {  	v17 =	vld [tilespmem:s28+$0x40]  }
0x2f3: {  	v15 =	vtrunc.f32 v15;
	v16 =	vld [tilespmem:s28+$0xC0]  }
0x2f4: {  	[tilespmem:v7+s17+$0x0] =	vst.idx.add.f32.msk $0xffff, v18;
	v18 =	vcvt.f32.s32 v15  }
0x2f5: {  	[tilespmem:v7+s18+$0x0] =	vst.idx.add.f32.msk $0xffff, v8;
	v15 =	vmul.f32 v14, v14  }
0x2f6: {  	_ =	sdelay $0x3  }
0x2f7: {  	v6 =	vmul.f32 v6, v6;
	[tilespmem:v12+s16+$0x0] =	vst.idx.add.f32.msk $0xffff, v2;
	v19 =	vmul.f32 v10, v10  }
0x2f8: {  	[tilespmem:v9+s18+$0x0] =	vst.idx.add.f32.msk $0xffff, v10;
	v8 =	vmul.f32 v8, v8  }
0x2f9: {  	[tilespmem:v12+s17+$0x0] =	vst.idx.add.f32.msk $0xffff, v17;
	v6 =	vadd.f32 v19, v6  }
0x2fa: {  	[tilespmem:v12+s18+$0x0] =	vst.idx.add.f32.msk $0xffff, v16;
	v8 =	vadd.f32 v8, v11  }
0x2fb: {  	[tilespmem:v9+s19+$0x0] =	vst.idx.add.f32.msk $0xffff, v6  }
0x2fc: {  	[tilespmem:v7+s19+$0x0] =	vst.idx.add.f32.msk $0xffff, v8  }
0x2fd: {  	v18 =	vshll.u32 v18, $0x4;
	v6 =	vld [tilespmem:s1+$0xFFFFFF90]  }
0x2fe: {  	v18 =	vadd.s32 v3, v18;
	v9 =	vld [tilespmem:s30+$0xFFFFFF90]  }
0x2ff: {  	v26 =	vld [tilespmem:s30+$0xFFFFFF10]  }
0x300: {  	v7 =	vld [tilespmem:s1+$0x10]  }
0x301: {  	v33 =	vld [tilespmem:s30+$0x10]  }
0x302: {  	v25 =	vmul.f32 v13, v13;
	v35 =	vld [tilespmem:s30+$0x90]  }
0x303: {  	v27 =	vmul.f32 v17, v17;
	v28 =	vmul.f32 v16, v16;
	[tilespmem:v18+s16+$0x0] =	vst.idx.add.f32.msk $0xffff, v2  }
0x304: {  	v10 =	vadd.f32 v15, v25;
	[tilespmem:v18+s17+$0x0] =	vst.idx.add.f32.msk $0xffff, v13  }
0x305: {  	v13 =	vadd.f32 v28, v27;
	[tilespmem:v18+s18+$0x0] =	vst.idx.add.f32.msk $0xffff, v14;
	v6 =	vtrunc.f32 v6  }
0x306: {  	[tilespmem:v18+s19+$0x0] =	vst.idx.add.f32.msk $0xffff, v10;
	v7 =	vtrunc.f32 v7;
	v6 =	vcvt.f32.s32 v6  }
0x307: {  	[tilespmem:v12+s19+$0x0] =	vst.idx.add.f32.msk $0xffff, v13;
	v7 =	vcvt.f32.s32 v7  }
0x308: {  	v10 =	vld [tilespmem:s29+$0xFFFFFFE0];
	v6 =	vshll.u32 v6, $0x4  }
0x309: {  	v29 =	vld [tilespmem:s28+$0xFFFFFF60];
	v7 =	vshll.u32 v7, $0x4;
	v6 =	vadd.s32 v3, v6  }
0x30a: {  	v30 =	vld [tilespmem:s28+$0xFFFFFFE0];
	v7 =	vadd.s32 v3, v7  }
0x30b: {  	v32 =	vld [tilespmem:s29+$0x50]  }
0x30c: {  	v12 =	vld [tilespmem:s28+$0x50]  }
0x30d: {  	v34 =	vld [tilespmem:s28+$0xD0]  }
0x30e: {  	[tilespmem:v6+s16+$0x0] =	vst.idx.add.f32.msk $0xffff, v2  }
0x30f: {  	v36 =	vmul.f32 v9, v9;
	v31 =	vtrunc.f32 v10;
	[tilespmem:v7+s16+$0x0] =	vst.idx.add.f32.msk $0xffff, v2  }
0x310: {  	v37 =	vmul.f32 v26, v26;
	v8 =	vcvt.f32.s32 v31;
	[tilespmem:v6+s17+$0x0] =	vst.idx.add.f32.msk $0xffff, v26  }
0x311: {  	[tilespmem:v7+s17+$0x0] =	vst.idx.add.f32.msk $0xffff, v33  }
0x312: {  	v38 =	vadd.f32 v36, v37;
	v8 =	vshll.u32 v8, $0x4;
	[tilespmem:v6+s18+$0x0] =	vst.idx.add.f32.msk $0xffff, v9  }
0x313: {  	v8 =	vadd.s32 v4, v8;
	[tilespmem:v7+s18+$0x0] =	vst.idx.add.f32.msk $0xffff, v35  }
0x314: {  	[tilespmem:v6+s19+$0x0] =	vst.idx.add.f32.msk $0xffff, v38  }
0x315: {  	v40 =	vld [tilespmem:s1+$0xFFFFFFA0]  }
0x316: {  	v44 =	vld [tilespmem:s30+$0xFFFFFFA0]  }
0x317: {  	v39 =	vmul.f32 v35, v35;
	v6 =	vmul.f32 v33, v33;
	v45 =	vld [tilespmem:s30+$0xFFFFFF20]  }
0x318: {  	v11 =	vmul.f32 v30, v30;
	[tilespmem:v8+s16+$0x0] =	vst.idx.add.f32.msk $0xffff, v2  }
0x319: {  	v14 =	vmul.f32 v29, v29;
	v6 =	vadd.f32 v39, v6;
	[tilespmem:v8+s17+$0x0] =	vst.idx.add.f32.msk $0xffff, v29  }
0x31a: {  	v10 =	vtrunc.f32 v32;
	[tilespmem:v8+s18+$0x0] =	vst.idx.add.f32.msk $0xffff, v30  }
0x31b: {  	v10 =	vcvt.f32.s32 v10;
	v42 =	vadd.f32 v11, v14;
	[tilespmem:v7+s19+$0x0] =	vst.idx.add.f32.msk $0xffff, v6  }
0x31c: {  	v43 =	vld [tilespmem:s1+$0x20];
	v6 =	vtrunc.f32 v40  }
0x31d: {  	v41 =	vshll.u32 v10, $0x4;
	[tilespmem:v8+s19+$0x0] =	vst.idx.add.f32.msk $0xffff, v42;
	v6 =	vcvt.f32.s32 v6  }
0x31e: {  	v7 =	vadd.s32 v3, v41;
	v13 =	vld [tilespmem:s30+$0x20]  }
0x31f: {  	v16 =	vld [tilespmem:s30+$0xA0];
	v46 =	vshll.u32 v6, $0x4  }
0x320: {  	v23 =	vld [tilespmem:s29+$0xFFFFFFF0];
	v11 =	vadd.s32 v4, v46  }
0x321: {  	v24 =	vld [tilespmem:s28+$0xFFFFFF70];
	v9 =	vtrunc.f32 v43  }
0x322: {  	v6 =	vld [tilespmem:s28+$0xFFFFFFF0];
	v9 =	vcvt.f32.s32 v9  }
0x323: {  	[tilespmem:v7+s16+$0x0] =	vst.idx.add.f32.msk $0xffff, v2  }
0x324: {  	v47 =	vmul.f32 v44, v44;
	v48 =	vmul.f32 v45, v45;
	[tilespmem:v7+s17+$0x0] =	vst.idx.add.f32.msk $0xffff, v12;
	v9 =	vshll.u32 v9, $0x4  }
0x325: {  	v9 =	vadd.s32 v4, v9;
	[tilespmem:v11+s16+$0x0] =	vst.idx.add.f32.msk $0xffff, v2  }
0x326: {  	v14 =	vadd.f32 v47, v48;
	[tilespmem:v11+s17+$0x0] =	vst.idx.add.f32.msk $0xffff, v45  }
0x327: {  	[tilespmem:v11+s18+$0x0] =	vst.idx.add.f32.msk $0xffff, v44  }
0x328: {  	[tilespmem:v11+s19+$0x0] =	vst.idx.add.f32.msk $0xffff, v14  }
0x329: {  	v49 =	vmul.f32 v13, v13;
	v50 =	vmul.f32 v16, v16;
	v10 =	vld [tilespmem:s1+$0xFFFFFFB0]  }
0x32a: {  	[tilespmem:v9+s16+$0x0] =	vst.idx.add.f32.msk $0xffff, v2  }
0x32b: {  	v8 =	vadd.f32 v50, v49;
	[tilespmem:v9+s17+$0x0] =	vst.idx.add.f32.msk $0xffff, v13  }
0x32c: {  	[tilespmem:v9+s18+$0x0] =	vst.idx.add.f32.msk $0xffff, v16  }
0x32d: {  	v51 =	vmul.f32 v34, v34;
	[tilespmem:v9+s19+$0x0] =	vst.idx.add.f32.msk $0xffff, v8  }
0x32e: {  	v52 =	vmul.f32 v12, v12;
	v54 =	vld [tilespmem:s1+$0x30];
	v53 =	vtrunc.f32 v10  }
0x32f: {  	[tilespmem:v7+s18+$0x0] =	vst.idx.add.f32.msk $0xffff, v34;
	v9 =	vcvt.f32.s32 v53  }
0x330: {  	v55 =	vld [tilespmem:s30+$0xFFFFFFB0];
	v8 =	vadd.f32 v51, v52  }
0x331: {  	v56 =	vld [tilespmem:s30+$0xFFFFFF30];
	v9 =	vshll.u32 v9, $0x4  }
0x332: {  	[tilespmem:v7+s19+$0x0] =	vst.idx.add.f32.msk $0xffff, v8;
	v7 =	vadd.s32 v5, v9  }
0x333: {  	v13 =	vld [tilespmem:s30+$0xB0];
	v57 =	vtrunc.f32 v54  }
0x334: {  	v16 =	vld [tilespmem:s30+$0x30];
	v9 =	vcvt.f32.s32 v57  }
0x335: {  	v8 =	vld [tilespmem:s29+$0x60]  }
0x336: {  	v59 =	vmul.f32 v56, v56;
	v60 =	vmul.f32 v55, v55;
	v58 =	vld [tilespmem:s28+$0x60];
	v9 =	vshll.u32 v9, $0x4  }
0x337: {  	v9 =	vadd.s32 v5, v9;
	[tilespmem:v7+s16+$0x0] =	vst.idx.add.f32.msk $0xffff, v2  }
0x338: {  	v14 =	vadd.f32 v60, v59;
	[tilespmem:v7+s17+$0x0] =	vst.idx.add.f32.msk $0xffff, v56  }
0x339: {  	[tilespmem:v7+s18+$0x0] =	vst.idx.add.f32.msk $0xffff, v55  }
0x33a: {  	v61 =	vmul.f32 v13, v13;
	[tilespmem:v7+s19+$0x0] =	vst.idx.add.f32.msk $0xffff, v14  }
0x33b: {  	v62 =	vmul.f32 v16, v16;
	v8 =	vtrunc.f32 v8;
	v7 =	vld [tilespmem:s1+$0xFFFFFFC0]  }
0x33c: {  	v8 =	vcvt.f32.s32 v8;
	[tilespmem:v9+s16+$0x0] =	vst.idx.add.f32.msk $0xffff, v2  }
0x33d: {  	v11 =	vadd.f32 v61, v62;
	[tilespmem:v9+s17+$0x0] =	vst.idx.add.f32.msk $0xffff, v16  }
0x33e: {  	v8 =	vshll.u32 v8, $0x4;
	[tilespmem:v9+s18+$0x0] =	vst.idx.add.f32.msk $0xffff, v13  }
0x33f: {  	v8 =	vadd.s32 v4, v8;
	[tilespmem:v9+s19+$0x0] =	vst.idx.add.f32.msk $0xffff, v11  }
0x340: {  	v9 =	vld [tilespmem:s1+$0x40];
	v7 =	vtrunc.f32 v7  }
0x341: {  	v63 =	vld [tilespmem:s28+$0xE0];
	v7 =	vcvt.f32.s32 v7  }
0x342: {  	v21 =	vld [tilespmem:s30+$0xFFFFFF40]  }
0x343: {  	v22 =	vld [tilespmem:s30+$0xFFFFFFC0];
	v7 =	vshll.u32 v7, $0x4  }
0x344: {  	[tilespmem:v8+s16+$0x0] =	vst.idx.add.f32.msk $0xffff, v2;
	v7 =	vor.u32 v1, v7  }
0x345: {  	[tilespmem:v8+s17+$0x0] =	vst.idx.add.f32.msk $0xffff, v58;
	v9 =	vtrunc.f32 v9  }
0x346: {  	v16 =	vld [tilespmem:s30+$0x40];
	v9 =	vcvt.f32.s32 v9  }
0x347: {  	v27 =	vld [tilespmem:s30+$0xC0]  }
0x348: {  	[tilespmem:v8+s18+$0x0] =	vst.idx.add.f32.msk $0xffff, v63;
	v25 =	vmul.f32 v21, v21;
	v26 =	vmul.f32 v22, v22;
	v9 =	vshll.u32 v9, $0x4  }
0x349: {  	v9 =	vor.u32 v1, v9;
	[tilespmem:v7+s16+$0x0] =	vst.idx.add.f32.msk $0xffff, v2  }
0x34a: {  	v41 =	vtrunc.f32 v23;
	v17 =	vadd.f32 v26, v25;
	[tilespmem:v7+s17+$0x0] =	vst.idx.add.f32.msk $0xffff, v21  }
0x34b: {  	v13 =	vcvt.f32.s32 v41;
	[tilespmem:v7+s18+$0x0] =	vst.idx.add.f32.msk $0xffff, v22  }
0x34c: {  	[tilespmem:v7+s19+$0x0] =	vst.idx.add.f32.msk $0xffff, v17  }
0x34d: {  	v42 =	vshll.u32 v13, $0x4;
	v28 =	vmul.f32 v16, v16;
	v29 =	vmul.f32 v27, v27;
	v7 =	vld [tilespmem:s1+$0xFFFFFFD0]  }
0x34e: {  	v43 =	vadd.s32 v5, v42;
	[tilespmem:v9+s16+$0x0] =	vst.idx.add.f32.msk $0xffff, v2  }
0x34f: {  	v12 =	vadd.f32 v29, v28;
	[tilespmem:v9+s17+$0x0] =	vst.idx.add.f32.msk $0xffff, v16  }
0x350: {  	[tilespmem:v9+s18+$0x0] =	vst.idx.add.f32.msk $0xffff, v27  }
0x351: {  	[tilespmem:v9+s19+$0x0] =	vst.idx.add.f32.msk $0xffff, v12  }
0x352: {  	v12 =	vld [tilespmem:s1+$0x50];
	v7 =	vtrunc.f32 v7  }
0x353: {  	[tilespmem:v43+s16+$0x0] =	vst.idx.add.f32.msk $0xffff, v2;
	v7 =	vcvt.f32.s32 v7  }
0x354: {  	v30 =	vmul.f32 v58, v58;
	v31 =	vmul.f32 v63, v63;
	v32 =	vld [tilespmem:s30+$0xFFFFFF50]  }
0x355: {  	v33 =	vld [tilespmem:s30+$0xFFFFFFD0];
	v7 =	vshll.u32 v7, $0x4  }
0x356: {  	[tilespmem:v43+s17+$0x0] =	vst.idx.add.f32.msk $0xffff, v24;
	v9 =	vadd.f32 v31, v30;
	v7 =	vadd.s32 v3, v7  }
0x357: {  	[tilespmem:v43+s18+$0x0] =	vst.idx.add.f32.msk $0xffff, v6;
	v34 =	vtrunc.f32 v12  }
0x358: {  	[tilespmem:v8+s19+$0x0] =	vst.idx.add.f32.msk $0xffff, v9;
	v8 =	vcvt.f32.s32 v34  }
0x359: {  	v35 =	vld [tilespmem:s30+$0x50]  }
0x35a: {  	v38 =	vld [tilespmem:s30+$0xD0];
	v36 =	vmul.f32 v33, v33;
	v37 =	vmul.f32 v32, v32;
	v8 =	vshll.u32 v8, $0x4  }
0x35b: {  	v8 =	vadd.s32 v3, v8;
	[tilespmem:v7+s16+$0x0] =	vst.idx.add.f32.msk $0xffff, v2  }
0x35c: {  	v12 =	vadd.f32 v36, v37;
	[tilespmem:v7+s17+$0x0] =	vst.idx.add.f32.msk $0xffff, v32  }
0x35d: {  	[tilespmem:v7+s18+$0x0] =	vst.idx.add.f32.msk $0xffff, v33  }
0x35e: {  	[tilespmem:v7+s19+$0x0] =	vst.idx.add.f32.msk $0xffff, v12  }
0x35f: {  	v39 =	vmul.f32 v38, v38;
	v40 =	vmul.f32 v35, v35;
	v7 =	vld [tilespmem:s1+$0xFFFFFFE0]  }
0x360: {  	v53 =	vmul.f32 v24, v24;
	[tilespmem:v8+s16+$0x0] =	vst.idx.add.f32.msk $0xffff, v2  }
0x361: {  	v6 =	vmul.f32 v6, v6;
	v10 =	vadd.f32 v39, v40;
	[tilespmem:v8+s17+$0x0] =	vst.idx.add.f32.msk $0xffff, v35  }
0x362: {  	[tilespmem:v8+s18+$0x0] =	vst.idx.add.f32.msk $0xffff, v38  }
0x363: {  	v6 =	vadd.f32 v6, v53;
	[tilespmem:v8+s19+$0x0] =	vst.idx.add.f32.msk $0xffff, v10  }
0x364: {  	v10 =	vld [tilespmem:s1+$0x60];
	v7 =	vtrunc.f32 v7  }
0x365: {  	[tilespmem:v43+s19+$0x0] =	vst.idx.add.f32.msk $0xffff, v6;
	v7 =	vcvt.f32.s32 v7  }
0x366: {  	v45 =	vld [tilespmem:s30+$0xFFFFFF60]  }
0x367: {  	v46 =	vld [tilespmem:s30+$0xFFFFFFE0];
	v7 =	vshll.u32 v7, $0x4  }
0x368: {  	v9 =	vld [tilespmem:s29+$0x70];
	v7 =	vadd.s32 v4, v7  }
0x369: {  	v44 =	vld [tilespmem:s28+$0x70];
	v10 =	vtrunc.f32 v10  }
0x36a: {  	v47 =	vld [tilespmem:s28+$0xF0];
	v10 =	vcvt.f32.s32 v10  }
0x36b: {  	v48 =	vld [tilespmem:s30+$0x60]  }
0x36c: {  	v19 =	vld [tilespmem:s30+$0xE0];
	v49 =	vmul.f32 v46, v46;
	v50 =	vmul.f32 v45, v45;
	v10 =	vshll.u32 v10, $0x4  }
0x36d: {  	v10 =	vadd.s32 v4, v10;
	[tilespmem:v7+s16+$0x0] =	vst.idx.add.f32.msk $0xffff, v2  }
0x36e: {  	v9 =	vtrunc.f32 v9;
	v17 =	vadd.f32 v49, v50;
	[tilespmem:v7+s17+$0x0] =	vst.idx.add.f32.msk $0xffff, v45  }
0x36f: {  	v9 =	vcvt.f32.s32 v9;
	[tilespmem:v7+s18+$0x0] =	vst.idx.add.f32.msk $0xffff, v46  }
0x370: {  	[tilespmem:v7+s19+$0x0] =	vst.idx.add.f32.msk $0xffff, v17  }
0x371: {  	v9 =	vshll.u32 v9, $0x4;
	v51 =	vmul.f32 v48, v48;
	v52 =	vmul.f32 v19, v19;
	v7 =	vld [tilespmem:s1+$0xFFFFFFF0]  }
0x372: {  	v9 =	vadd.s32 v5, v9;
	[tilespmem:v10+s16+$0x0] =	vst.idx.add.f32.msk $0xffff, v2  }
0x373: {  	v12 =	vadd.f32 v52, v51;
	[tilespmem:v10+s17+$0x0] =	vst.idx.add.f32.msk $0xffff, v48  }
0x374: {  	[tilespmem:v10+s18+$0x0] =	vst.idx.add.f32.msk $0xffff, v19  }
0x375: {  	[tilespmem:v10+s19+$0x0] =	vst.idx.add.f32.msk $0xffff, v12  }
0x376: {  	v10 =	vld [tilespmem:s1+$0x70]  }
0x377: {  	v11 =	vmul.f32 v44, v44;
	[tilespmem:v9+s16+$0x0] =	vst.idx.add.f32.msk $0xffff, v2;
	v7 =	vtrunc.f32 v7  }
0x378: {  	v54 =	vmul.f32 v47, v47;
	[tilespmem:v9+s17+$0x0] =	vst.idx.add.f32.msk $0xffff, v44;
	v7 =	vcvt.f32.s32 v7  }
0x379: {  	v55 =	vld [tilespmem:s30+$0xFFFFFFF0]  }
0x37a: {  	v11 =	vadd.f32 v54, v11;
	v56 =	vld [tilespmem:s30+$0xFFFFFF70];
	v7 =	vshll.u32 v7, $0x4  }
0x37b: {  	[tilespmem:v9+s18+$0x0] =	vst.idx.add.f32.msk $0xffff, v47;
	v10 =	vtrunc.f32 v10;
	v7 =	vadd.s32 v5, v7  }
0x37c: {  	[tilespmem:v9+s19+$0x0] =	vst.idx.add.f32.msk $0xffff, v11;
	v10 =	vcvt.f32.s32 v10  }
0x37d: {  	v57 =	vld [tilespmem:s30+$0x70]  }
0x37e: {  	v58 =	vld [tilespmem:s30+$0xF0];
	v10 =	vshll.u32 v10, $0x4  }
0x37f: {  	v61 =	vmul.f32 v56, v56;
	v62 =	vmul.f32 v55, v55;
	v59 =	vadd.s32 v5, v10  }
0x380: {  	[tilespmem:v7+s16+$0x0] =	vst.idx.add.f32.msk $0xffff, v2  }
0x381: {  	s26 =	sadd.s32 $0x1, s26;
	v63 =	vadd.f32 v62, v61;
	[tilespmem:v7+s17+$0x0] =	vst.idx.add.f32.msk $0xffff, v56  }
0x382: {  	p0 =	sne.s32 s26, $0x7;
	[tilespmem:v7+s18+$0x0] =	vst.idx.add.f32.msk $0xffff, v55  }
.Ltmp2:
0x383: {  	v6 =	vmul.f32 v57, v57;
	v60 =	vmul.f32 v58, v58;
	[tilespmem:v7+s19+$0x0] =	vst.idx.add.f32.msk $0xffff, v63;
	(pc) =	sbr.rel @p0 .LBB2_2-.Ltmp2, $4  }
0x384: {  	[tilespmem:v59+s16+$0x0] =	vst.idx.add.f32.msk $0xffff, v2  }
0x385: {  	v6 =	vadd.f32 v60, v6;
	[tilespmem:v59+s17+$0x0] =	vst.idx.add.f32.msk $0xffff, v57  }
0x386: {  	[tilespmem:v59+s18+$0x0] =	vst.idx.add.f32.msk $0xffff, v58  }
0x387: {  	[tilespmem:v59+s19+$0x0] =	vst.idx.add.f32.msk $0xffff, v6  }
0x388: {  	_ =	swait.ge [sflag:s15], $0x4000  }
0x389: {  	[sflag:s15] =	ssyncset.done $0x0  }
0x38a: {  	[sflag:s15] =	ssyncadd.s32 $0xFFFFC000  }
0x38b: {  	_ =	swait.ge [sflag:s15], $0x2000  }
0x38c: {  	[sflag:s15] =	ssyncset.done $0x0  }
0x38d: {  	s28 =	simm.s32 $0x8080;
	[sflag:s15] =	ssyncadd.s32 $0xFFFFE000  }
0x38e: {  	v6 =	vld [tilespmem:s28+$0xFFFFFF80];
	_ =	sdelay $0x4  }
0x38f: {  	v6 =	vtrunc.f32 v6  }
0x390: {  	s26 =	simm.s32 $0x100;
	v6 =	vcvt.f32.s32 v6  }
0x391: {  	v7 =	vld [tilespmem:s26+$0xFFFFFF80]  }
0x392: {  	v8 =	vld [tilespmem:s26+$0xFFFFFF00];
	v6 =	vshll.u32 v6, $0x4  }
0x393: {  	v6 =	vor.u32 v1, v6;
	_ =	sdelay $0x2  }
0x394: {  	v9 =	vld [tilespmem:s28+$0x0]  }
0x395: {  	v10 =	vmul.f32 v8, v8;
	v11 =	vmul.f32 v7, v7  }
0x396: {  	[tilespmem:v6+s16+$0x0] =	vst.idx.add.f32.msk $0xffff, v2  }
0x397: {  	[tilespmem:v6+s17+$0x0] =	vst.idx.add.f32.msk $0xffff, v8;
	v8 =	vadd.f32 v11, v10  }
0x398: {  	[tilespmem:v6+s18+$0x0] =	vst.idx.add.f32.msk $0xffff, v7  }
0x399: {  	[tilespmem:v6+s19+$0x0] =	vst.idx.add.f32.msk $0xffff, v8;
	v6 =	vtrunc.f32 v9  }
0x39a: {  	v7 =	vld [tilespmem:s28+$0xFFFFFF90];
	v6 =	vcvt.f32.s32 v6  }
0x39b: {  	v8 =	vld [tilespmem:s26+$0x80]  }
0x39c: {  	v9 =	vld [tilespmem:s26+$0x0];
	v6 =	vshll.u32 v6, $0x4  }
0x39d: {  	v6 =	vor.u32 v1, v6;
	_ =	sdelay $0x1  }
0x39e: {  	v7 =	vtrunc.f32 v7  }
0x39f: {  	v10 =	vld [tilespmem:s26+$0xFFFFFF90];
	v7 =	vcvt.f32.s32 v7  }
0x3a0: {  	v12 =	vld [tilespmem:s26+$0xFFFFFF10];
	v11 =	vmul.f32 v9, v9;
	v13 =	vmul.f32 v8, v8  }
0x3a1: {  	v7 =	vshll.u32 v7, $0x4;
	[tilespmem:v6+s16+$0x0] =	vst.idx.add.f32.msk $0xffff, v2  }
0x3a2: {  	v7 =	vadd.s32 v3, v7;
	[tilespmem:v6+s17+$0x0] =	vst.idx.add.f32.msk $0xffff, v9;
	v9 =	vadd.f32 v13, v11  }
0x3a3: {  	[tilespmem:v6+s18+$0x0] =	vst.idx.add.f32.msk $0xffff, v8  }
0x3a4: {  	[tilespmem:v6+s19+$0x0] =	vst.idx.add.f32.msk $0xffff, v9  }
0x3a5: {  	v6 =	vld [tilespmem:s28+$0x10]  }
0x3a6: {  	v8 =	vmul.f32 v10, v10;
	v9 =	vmul.f32 v12, v12  }
0x3a7: {  	[tilespmem:v7+s16+$0x0] =	vst.idx.add.f32.msk $0xffff, v2  }
0x3a8: {  	v8 =	vadd.f32 v8, v9;
	[tilespmem:v7+s17+$0x0] =	vst.idx.add.f32.msk $0xffff, v12  }
0x3a9: {  	[tilespmem:v7+s18+$0x0] =	vst.idx.add.f32.msk $0xffff, v10  }
0x3aa: {  	[tilespmem:v7+s19+$0x0] =	vst.idx.add.f32.msk $0xffff, v8;
	v6 =	vtrunc.f32 v6  }
0x3ab: {  	v7 =	vld [tilespmem:s28+$0xFFFFFFA0];
	v6 =	vcvt.f32.s32 v6  }
0x3ac: {  	v9 =	vld [tilespmem:s26+$0x90]  }
0x3ad: {  	v8 =	vld [tilespmem:s26+$0x10];
	v6 =	vshll.u32 v6, $0x4  }
0x3ae: {  	v6 =	vadd.s32 v3, v6;
	_ =	sdelay $0x1  }
0x3af: {  	v7 =	vtrunc.f32 v7  }
0x3b0: {  	v10 =	vld [tilespmem:s26+$0xFFFFFFA0];
	v7 =	vcvt.f32.s32 v7  }
0x3b1: {  	v12 =	vmul.f32 v9, v9;
	v13 =	vld [tilespmem:s26+$0xFFFFFF20];
	v11 =	vmul.f32 v8, v8  }
0x3b2: {  	v7 =	vshll.u32 v7, $0x4;
	[tilespmem:v6+s16+$0x0] =	vst.idx.add.f32.msk $0xffff, v2  }
0x3b3: {  	v11 =	vadd.f32 v12, v11;
	v7 =	vadd.s32 v4, v7;
	[tilespmem:v6+s17+$0x0] =	vst.idx.add.f32.msk $0xffff, v8  }
0x3b4: {  	[tilespmem:v6+s18+$0x0] =	vst.idx.add.f32.msk $0xffff, v9  }
0x3b5: {  	[tilespmem:v6+s19+$0x0] =	vst.idx.add.f32.msk $0xffff, v11  }
0x3b6: {  	v9 =	vld [tilespmem:s28+$0x20]  }
0x3b7: {  	v8 =	vmul.f32 v13, v13;
	v6 =	vmul.f32 v10, v10  }
0x3b8: {  	[tilespmem:v7+s16+$0x0] =	vst.idx.add.f32.msk $0xffff, v2  }
0x3b9: {  	v6 =	vadd.f32 v6, v8;
	[tilespmem:v7+s17+$0x0] =	vst.idx.add.f32.msk $0xffff, v13  }
0x3ba: {  	[tilespmem:v7+s18+$0x0] =	vst.idx.add.f32.msk $0xffff, v10  }
0x3bb: {  	[tilespmem:v7+s19+$0x0] =	vst.idx.add.f32.msk $0xffff, v6;
	v6 =	vtrunc.f32 v9  }
0x3bc: {  	v7 =	vld [tilespmem:s28+$0xFFFFFFB0];
	v6 =	vcvt.f32.s32 v6  }
0x3bd: {  	v8 =	vld [tilespmem:s26+$0x20]  }
0x3be: {  	v9 =	vld [tilespmem:s26+$0xA0];
	v6 =	vshll.u32 v6, $0x4  }
0x3bf: {  	v6 =	vadd.s32 v4, v6  }
0x3c0: {  	s0 =	simm.s32 $0x8180  }
0x3c1: {  	v11 =	vld [tilespmem:s0+$0xFFFFFF80];
	v7 =	vtrunc.f32 v7  }
0x3c2: {  	v12 =	vld [tilespmem:s26+$0xFFFFFFB0];
	v7 =	vcvt.f32.s32 v7  }
0x3c3: {  	v13 =	vmul.f32 v8, v8;
	v14 =	vld [tilespmem:s26+$0xFFFFFF30];
	v15 =	vmul.f32 v9, v9  }
0x3c4: {  	v7 =	vshll.u32 v7, $0x4;
	[tilespmem:v6+s16+$0x0] =	vst.idx.add.f32.msk $0xffff, v2  }
0x3c5: {  	v13 =	vadd.f32 v15, v13;
	v7 =	vadd.s32 v5, v7;
	[tilespmem:v6+s17+$0x0] =	vst.idx.add.f32.msk $0xffff, v8  }
0x3c6: {  	[tilespmem:v6+s18+$0x0] =	vst.idx.add.f32.msk $0xffff, v9  }
0x3c7: {  	[tilespmem:v6+s19+$0x0] =	vst.idx.add.f32.msk $0xffff, v13  }
0x3c8: {  	v9 =	vld [tilespmem:s28+$0x30]  }
0x3c9: {  	v10 =	vld [tilespmem:s0+$0x0];
	v8 =	vmul.f32 v12, v12;
	v6 =	vmul.f32 v14, v14  }
0x3ca: {  	[tilespmem:v7+s16+$0x0] =	vst.idx.add.f32.msk $0xffff, v2  }
0x3cb: {  	v6 =	vadd.f32 v8, v6;
	[tilespmem:v7+s17+$0x0] =	vst.idx.add.f32.msk $0xffff, v14  }
0x3cc: {  	[tilespmem:v7+s18+$0x0] =	vst.idx.add.f32.msk $0xffff, v12  }
0x3cd: {  	[tilespmem:v7+s19+$0x0] =	vst.idx.add.f32.msk $0xffff, v6;
	v6 =	vtrunc.f32 v9  }
0x3ce: {  	v7 =	vld [tilespmem:s28+$0xFFFFFFC0];
	v6 =	vcvt.f32.s32 v6  }
0x3cf: {  	v13 =	vld [tilespmem:s26+$0xB0]  }
0x3d0: {  	s29 =	simm.s32 $0x300;
	v14 =	vld [tilespmem:s26+$0x30];
	v6 =	vshll.u32 v6, $0x4  }
0x3d1: {  	v18 =	vld [tilespmem:s29+$0x0];
	v15 =	vadd.s32 v5, v6  }
0x3d2: {  	v8 =	vtrunc.f32 v11;
	v9 =	vtrunc.f32 v10;
	v10 =	vld [tilespmem:s29+$0xFFFFFF80]  }
0x3d3: {  	v12 =	vld [tilespmem:s26+$0xFFFFFF40];
	v6 =	vcvt.f32.s32 v8;
	v7 =	vtrunc.f32 v7  }
0x3d4: {  	v11 =	vld [tilespmem:s26+$0xFFFFFFC0];
	v16 =	vcvt.f32.s32 v9;
	v17 =	vcvt.f32.s32 v7  }
0x3d5: {  	v19 =	vmul.f32 v13, v13;
	v20 =	vmul.f32 v14, v14;
	v8 =	vld [tilespmem:s29+$0x80];
	v7 =	vshll.u32 v6, $0x4  }
0x3d6: {  	v9 =	vor.u32 v1, v7;
	v7 =	vshll.u32 v16, $0x4;
	[tilespmem:v15+s16+$0x0] =	vst.idx.add.f32.msk $0xffff, v2;
	v16 =	vshll.u32 v17, $0x4  }
0x3d7: {  	[tilespmem:v15+s17+$0x0] =	vst.idx.add.f32.msk $0xffff, v14;
	v14 =	vor.u32 v1, v16  }
0x3d8: {  	v6 =	vld [tilespmem:s29+$0xFFFFFF00];
	v17 =	vadd.f32 v19, v20  }
0x3d9: {  	[tilespmem:v15+s18+$0x0] =	vst.idx.add.f32.msk $0xffff, v13  }
0x3da: {  	[tilespmem:v15+s19+$0x0] =	vst.idx.add.f32.msk $0xffff, v17  }
0x3db: {  	v16 =	vmul.f32 v11, v11;
	v13 =	vmul.f32 v12, v12;
	v15 =	vld [tilespmem:s28+$0x40]  }
0x3dc: {  	[tilespmem:v14+s16+$0x0] =	vst.idx.add.f32.msk $0xffff, v2  }
0x3dd: {  	v13 =	vadd.f32 v16, v13;
	[tilespmem:v14+s17+$0x0] =	vst.idx.add.f32.msk $0xffff, v12  }
0x3de: {  	[tilespmem:v14+s18+$0x0] =	vst.idx.add.f32.msk $0xffff, v11  }
0x3df: {  	[tilespmem:v14+s19+$0x0] =	vst.idx.add.f32.msk $0xffff, v13  }
0x3e0: {  	v7 =	vor.u32 v1, v7;
	v12 =	vld [tilespmem:s28+$0xFFFFFFD0]  }
0x3e1: {  	[tilespmem:v9+s16+$0x0] =	vst.idx.add.f32.msk $0xffff, v2;
	v11 =	vtrunc.f32 v15  }
0x3e2: {  	v17 =	vld [tilespmem:s26+$0x40];
	v15 =	vcvt.f32.s32 v11  }
0x3e3: {  	v16 =	vld [tilespmem:s26+$0xC0]  }
0x3e4: {  	v14 =	vld [tilespmem:s26+$0xFFFFFFD0];
	v15 =	vshll.u32 v15, $0x4  }
0x3e5: {  	[tilespmem:v7+s16+$0x0] =	vst.idx.add.f32.msk $0xffff, v2;
	v19 =	vtrunc.f32 v12;
	v12 =	vor.u32 v1, v15  }
0x3e6: {  	[tilespmem:v9+s17+$0x0] =	vst.idx.add.f32.msk $0xffff, v6  }
0x3e7: {  	[tilespmem:v7+s17+$0x0] =	vst.idx.add.f32.msk $0xffff, v18  }
0x3e8: {  	[tilespmem:v7+s18+$0x0] =	vst.idx.add.f32.msk $0xffff, v8;
	v11 =	vmul.f32 v18, v18  }
0x3e9: {  	s6 =	simm.s32 $0x2;
	s1 =	simm.s32 $0x8180;
	v13 =	vld [tilespmem:s26+$0xFFFFFF50];
	v15 =	vmul.f32 v14, v14;
	v18 =	vcvt.f32.s32 v19  }
.LBB2_8:
0x3ea: {  	s6 =	sadd.s32 $0x2, s6;
	v19 =	vmul.f32 v6, v6;
	s0 =	sadd.s32 $0x100, s0;
	[tilespmem:v12+s16+$0x0] =	vst.idx.add.f32.msk $0xffff, v2  }
0x3eb: {  	v20 =	vmul.f32 v10, v10;
	p0 =	slt.u32 s6, $0x3E;
	v21 =	vmul.f32 v17, v17;
	[tilespmem:v12+s17+$0x0] =	vst.idx.add.f32.msk $0xffff, v17  }
0x3ec: {  	v17 =	vshll.u32 v18, $0x4;
	v18 =	vmul.f32 v16, v16;
	[tilespmem:v12+s18+$0x0] =	vst.idx.add.f32.msk $0xffff, v16  }
0x3ed: {  	v16 =	vadd.f32 v20, v19;
	v17 =	vadd.s32 v3, v17;
	v6 =	vld [tilespmem:s0+$0x0]  }
0x3ee: {  	[tilespmem:v9+s18+$0x0] =	vst.idx.add.f32.msk $0xffff, v10;
	v10 =	vadd.f32 v18, v21  }
0x3ef: {  	[tilespmem:v9+s19+$0x0] =	vst.idx.add.f32.msk $0xffff, v16  }
0x3f0: {  	v9 =	vld [tilespmem:s1+$0xFFFFFF90]  }
0x3f1: {  	v16 =	vld [tilespmem:s29+$0xFFFFFF90]  }
0x3f2: {  	v18 =	vmul.f32 v13, v13;
	[tilespmem:v17+s16+$0x0] =	vst.idx.add.f32.msk $0xffff, v2  }
0x3f3: {  	v19 =	vld [tilespmem:s29+$0xFFFFFF10]  }
0x3f4: {  	v15 =	vadd.f32 v15, v18;
	[tilespmem:v17+s17+$0x0] =	vst.idx.add.f32.msk $0xffff, v13  }
0x3f5: {  	v9 =	vtrunc.f32 v9;
	[tilespmem:v17+s18+$0x0] =	vst.idx.add.f32.msk $0xffff, v14  }
0x3f6: {  	v9 =	vcvt.f32.s32 v9;
	[tilespmem:v17+s19+$0x0] =	vst.idx.add.f32.msk $0xffff, v15  }
0x3f7: {  	v8 =	vmul.f32 v8, v8;
	v13 =	vld [tilespmem:s28+$0xFFFFFFE0]  }
0x3f8: {  	v9 =	vshll.u32 v9, $0x4;
	v14 =	vld [tilespmem:s26+$0xFFFFFF60]  }
0x3f9: {  	v8 =	vadd.f32 v8, v11;
	v11 =	vld [tilespmem:s26+$0xFFFFFFE0]  }
0x3fa: {  	[tilespmem:v12+s19+$0x0] =	vst.idx.add.f32.msk $0xffff, v10  }
0x3fb: {  	v9 =	vadd.s32 v3, v9;
	[tilespmem:v7+s19+$0x0] =	vst.idx.add.f32.msk $0xffff, v8  }
0x3fc: {  	v7 =	vld [tilespmem:s1+$0x10];
	v8 =	vtrunc.f32 v13  }
0x3fd: {  	v8 =	vcvt.f32.s32 v8;
	v10 =	vld [tilespmem:s28+$0x50]  }
0x3fe: {  	v12 =	vmul.f32 v16, v16;
	v13 =	vmul.f32 v11, v11;
	v15 =	vld [tilespmem:s26+$0x50]  }
0x3ff: {  	v17 =	vmul.f32 v19, v19;
	v18 =	vld [tilespmem:s29+$0x10];
	v8 =	vshll.u32 v8, $0x4  }
0x400: {  	[tilespmem:v9+s16+$0x0] =	vst.idx.add.f32.msk $0xffff, v2  }
0x401: {  	v12 =	vadd.f32 v12, v17;
	v8 =	vadd.s32 v4, v8;
	v17 =	vtrunc.f32 v7;
	v20 =	vld [tilespmem:s26+$0xD0]  }
0x402: {  	v7 =	vld [tilespmem:s0+$0xFFFFFF80];
	v17 =	vcvt.f32.s32 v17;
	v10 =	vtrunc.f32 v10  }
0x403: {  	v21 =	vld [tilespmem:s29+$0x90];
	v10 =	vcvt.f32.s32 v10  }
0x404: {  	[tilespmem:v9+s17+$0x0] =	vst.idx.add.f32.msk $0xffff, v19;
	v19 =	vmul.f32 v18, v18;
	v17 =	vshll.u32 v17, $0x4  }
0x405: {  	[tilespmem:v9+s18+$0x0] =	vst.idx.add.f32.msk $0xffff, v16;
	v16 =	vadd.s32 v3, v17;
	v17 =	vmul.f32 v14, v14;
	v10 =	vshll.u32 v10, $0x4  }
0x406: {  	[tilespmem:v8+s16+$0x0] =	vst.idx.add.f32.msk $0xffff, v2;
	v22 =	vmul.f32 v20, v20;
	v10 =	vadd.s32 v3, v10  }
0x407: {  	v13 =	vadd.f32 v13, v17;
	[tilespmem:v8+s17+$0x0] =	vst.idx.add.f32.msk $0xffff, v14  }
0x408: {  	[tilespmem:v8+s18+$0x0] =	vst.idx.add.f32.msk $0xffff, v11  }
0x409: {  	[tilespmem:v8+s19+$0x0] =	vst.idx.add.f32.msk $0xffff, v13  }
0x40a: {  	v8 =	vld [tilespmem:s26+$0xFFFFFFF0]  }
0x40b: {  	v11 =	vmul.f32 v15, v15;
	[tilespmem:v10+s16+$0x0] =	vst.idx.add.f32.msk $0xffff, v2  }
0x40c: {  	[tilespmem:v10+s17+$0x0] =	vst.idx.add.f32.msk $0xffff, v15  }
0x40d: {  	[tilespmem:v9+s19+$0x0] =	vst.idx.add.f32.msk $0xffff, v12;
	v9 =	vadd.f32 v22, v11  }
0x40e: {  	[tilespmem:v10+s18+$0x0] =	vst.idx.add.f32.msk $0xffff, v20  }
0x40f: {  	v11 =	vmul.f32 v21, v21;
	[tilespmem:v10+s19+$0x0] =	vst.idx.add.f32.msk $0xffff, v9  }
0x410: {  	v9 =	vld [tilespmem:s28+$0x60]  }
0x411: {  	v10 =	vadd.f32 v11, v19;
	v11 =	vld [tilespmem:s26+$0x60]  }
0x412: {  	v12 =	vld [tilespmem:s26+$0xE0]  }
0x413: {  	v13 =	vld [tilespmem:s1+$0xFFFFFFA0]  }
0x414: {  	[tilespmem:v16+s16+$0x0] =	vst.idx.add.f32.msk $0xffff, v2  }
0x415: {  	[tilespmem:v16+s17+$0x0] =	vst.idx.add.f32.msk $0xffff, v18;
	v9 =	vtrunc.f32 v9  }
0x416: {  	v14 =	vld [tilespmem:s28+$0xFFFFFFF0];
	v9 =	vcvt.f32.s32 v9;
	v15 =	vmul.f32 v11, v11  }
0x417: {  	v17 =	vld [tilespmem:s26+$0xFFFFFF70];
	v18 =	vmul.f32 v12, v12  }
0x418: {  	v13 =	vtrunc.f32 v13;
	v19 =	vld [tilespmem:s29+$0xFFFFFFA0];
	v9 =	vshll.u32 v9, $0x4  }
0x419: {  	v13 =	vcvt.f32.s32 v13;
	v20 =	vld [tilespmem:s29+$0xFFFFFF20];
	v15 =	vadd.f32 v18, v15;
	v9 =	vadd.s32 v4, v9  }
0x41a: {  	[tilespmem:v16+s18+$0x0] =	vst.idx.add.f32.msk $0xffff, v21  }
0x41b: {  	[tilespmem:v16+s19+$0x0] =	vst.idx.add.f32.msk $0xffff, v10;
	v10 =	vtrunc.f32 v14  }
0x41c: {  	v14 =	vld [tilespmem:s29+$0x20];
	v10 =	vcvt.f32.s32 v10;
	v16 =	vmul.f32 v17, v17  }
0x41d: {  	v18 =	vmul.f32 v19, v19;
	v21 =	vld [tilespmem:s29+$0xA0]  }
0x41e: {  	v22 =	vmul.f32 v20, v20;
	v10 =	vshll.u32 v10, $0x4;
	[tilespmem:v9+s16+$0x0] =	vst.idx.add.f32.msk $0xffff, v2  }
0x41f: {  	[tilespmem:v9+s17+$0x0] =	vst.idx.add.f32.msk $0xffff, v11  }
0x420: {  	v13 =	vshll.u32 v13, $0x4;
	v11 =	vadd.f32 v18, v22;
	v18 =	vld [tilespmem:s1+$0x20]  }
0x421: {  	v13 =	vadd.s32 v4, v13;
	[tilespmem:v9+s18+$0x0] =	vst.idx.add.f32.msk $0xffff, v12  }
0x422: {  	[tilespmem:v9+s19+$0x0] =	vst.idx.add.f32.msk $0xffff, v15  }
0x423: {  	v9 =	vld [tilespmem:s28+$0x70];
	s28 =	smov.u32 s1;
	s1 =	smov.u32 s0  }
0x424: {  	v12 =	vld [tilespmem:s26+$0x70]  }
0x425: {  	v15 =	vtrunc.f32 v18;
	v18 =	vld [tilespmem:s26+$0xF0];
	s26 =	smov.u32 s29  }
0x426: {  	v22 =	vmul.f32 v14, v14;
	[tilespmem:v13+s16+$0x0] =	vst.idx.add.f32.msk $0xffff, v2;
	v15 =	vcvt.f32.s32 v15  }
0x427: {  	[tilespmem:v13+s17+$0x0] =	vst.idx.add.f32.msk $0xffff, v20  }
0x428: {  	v10 =	vadd.s32 v5, v10;
	[tilespmem:v13+s18+$0x0] =	vst.idx.add.f32.msk $0xffff, v19;
	v15 =	vshll.u32 v15, $0x4;
	v9 =	vtrunc.f32 v9  }
0x429: {  	[tilespmem:v13+s19+$0x0] =	vst.idx.add.f32.msk $0xffff, v11;
	v9 =	vcvt.f32.s32 v9;
	v11 =	vmul.f32 v12, v12  }
0x42a: {  	v13 =	vld [tilespmem:s28+$0xFFFFFFB0];
	v19 =	vmul.f32 v18, v18  }
0x42b: {  	v15 =	vadd.s32 v4, v15;
	v20 =	vld [tilespmem:s29+$0xFFFFFFB0];
	v9 =	vshll.u32 v9, $0x4  }
0x42c: {  	v24 =	vmul.f32 v21, v21;
	v23 =	vld [tilespmem:s29+$0xFFFFFF30];
	v11 =	vadd.f32 v19, v11  }
0x42d: {  	v9 =	vadd.s32 v5, v9;
	[tilespmem:v10+s16+$0x0] =	vst.idx.add.f32.msk $0xffff, v2  }
0x42e: {  	v19 =	vadd.f32 v24, v22;
	[tilespmem:v10+s17+$0x0] =	vst.idx.add.f32.msk $0xffff, v17  }
0x42f: {  	v13 =	vtrunc.f32 v13;
	[tilespmem:v10+s18+$0x0] =	vst.idx.add.f32.msk $0xffff, v8  }
0x430: {  	v13 =	vcvt.f32.s32 v13;
	[tilespmem:v15+s16+$0x0] =	vst.idx.add.f32.msk $0xffff, v2  }
0x431: {  	[tilespmem:v15+s17+$0x0] =	vst.idx.add.f32.msk $0xffff, v14  }
0x432: {  	v13 =	vshll.u32 v13, $0x4;
	[tilespmem:v9+s16+$0x0] =	vst.idx.add.f32.msk $0xffff, v2  }
0x433: {  	v8 =	vmul.f32 v8, v8;
	[tilespmem:v9+s17+$0x0] =	vst.idx.add.f32.msk $0xffff, v12  }
0x434: {  	[tilespmem:v9+s18+$0x0] =	vst.idx.add.f32.msk $0xffff, v18  }
0x435: {  	v8 =	vadd.f32 v8, v16;
	v12 =	vadd.s32 v5, v13;
	[tilespmem:v15+s18+$0x0] =	vst.idx.add.f32.msk $0xffff, v21  }
0x436: {  	[tilespmem:v9+s19+$0x0] =	vst.idx.add.f32.msk $0xffff, v11  }
0x437: {  	[tilespmem:v10+s19+$0x0] =	vst.idx.add.f32.msk $0xffff, v8  }
0x438: {  	[tilespmem:v15+s19+$0x0] =	vst.idx.add.f32.msk $0xffff, v19  }
0x439: {  	v9 =	vmul.f32 v20, v20;
	v8 =	vmul.f32 v23, v23;
	v10 =	vld [tilespmem:s28+$0x30]  }
0x43a: {  	[tilespmem:v12+s16+$0x0] =	vst.idx.add.f32.msk $0xffff, v2  }
0x43b: {  	v8 =	vadd.f32 v9, v8;
	[tilespmem:v12+s17+$0x0] =	vst.idx.add.f32.msk $0xffff, v23  }
0x43c: {  	[tilespmem:v12+s18+$0x0] =	vst.idx.add.f32.msk $0xffff, v20  }
0x43d: {  	[tilespmem:v12+s19+$0x0] =	vst.idx.add.f32.msk $0xffff, v8  }
0x43e: {  	v12 =	vld [tilespmem:s29+$0xFFFFFF40];
	v8 =	vtrunc.f32 v10  }
0x43f: {  	v7 =	vtrunc.f32 v7;
	v10 =	vld [tilespmem:s28+$0xFFFFFFC0];
	v8 =	vcvt.f32.s32 v8  }
0x440: {  	v6 =	vtrunc.f32 v6;
	v7 =	vcvt.f32.s32 v7;
	v11 =	vld [tilespmem:s29+$0xB0]  }
0x441: {  	v6 =	vcvt.f32.s32 v6;
	v13 =	vld [tilespmem:s29+$0x30];
	v8 =	vshll.u32 v8, $0x4  }
0x442: {  	v7 =	vshll.u32 v7, $0x4;
	s29 =	sadd.s32 $0x200, s29;
	v14 =	vld [tilespmem:s26+$0xFFFFFFC0];
	v15 =	vadd.s32 v5, v8  }
0x443: {  	v6 =	vshll.u32 v6, $0x4;
	v9 =	vor.u32 v1, v7;
	v8 =	vld [tilespmem:s29+$0x80];
	v16 =	vmul.f32 v12, v12  }
0x444: {  	v7 =	vor.u32 v1, v6;
	v18 =	vld [tilespmem:s29+$0x0];
	v6 =	vtrunc.f32 v10  }
0x445: {  	v10 =	vld [tilespmem:s29+$0xFFFFFF80];
	v17 =	vcvt.f32.s32 v6;
	v19 =	vmul.f32 v11, v11  }
0x446: {  	v6 =	vld [tilespmem:s29+$0xFFFFFF00];
	v20 =	vmul.f32 v13, v13  }
0x447: {  	v21 =	vmul.f32 v14, v14;
	[tilespmem:v15+s16+$0x0] =	vst.idx.add.f32.msk $0xffff, v2  }
0x448: {  	v17 =	vshll.u32 v17, $0x4;
	v19 =	vadd.f32 v19, v20;
	[tilespmem:v15+s17+$0x0] =	vst.idx.add.f32.msk $0xffff, v13  }
0x449: {  	v13 =	vadd.f32 v21, v16;
	v16 =	vor.u32 v1, v17;
	[tilespmem:v15+s18+$0x0] =	vst.idx.add.f32.msk $0xffff, v11  }
0x44a: {  	v11 =	vmul.f32 v18, v18;
	[tilespmem:v15+s19+$0x0] =	vst.idx.add.f32.msk $0xffff, v19  }
0x44b: {  	v15 =	vld [tilespmem:s28+$0x40]  }
0x44c: {  	[tilespmem:v9+s16+$0x0] =	vst.idx.add.f32.msk $0xffff, v2  }
0x44d: {  	[tilespmem:v7+s16+$0x0] =	vst.idx.add.f32.msk $0xffff, v2  }
0x44e: {  	[tilespmem:v16+s16+$0x0] =	vst.idx.add.f32.msk $0xffff, v2  }
0x44f: {  	[tilespmem:v16+s17+$0x0] =	vst.idx.add.f32.msk $0xffff, v12  }
0x450: {  	[tilespmem:v16+s18+$0x0] =	vst.idx.add.f32.msk $0xffff, v14;
	v12 =	vtrunc.f32 v15  }
0x451: {  	[tilespmem:v16+s19+$0x0] =	vst.idx.add.f32.msk $0xffff, v13;
	v12 =	vcvt.f32.s32 v12  }
0x452: {  	v15 =	vld [tilespmem:s28+$0xFFFFFFD0]  }
0x453: {  	v13 =	vld [tilespmem:s26+$0xFFFFFF50];
	v12 =	vshll.u32 v12, $0x4  }
0x454: {  	v14 =	vld [tilespmem:s26+$0xFFFFFFD0]  }
.Ltmp3:
0x455: {  	v12 =	vor.u32 v1, v12;
	[tilespmem:v9+s17+$0x0] =	vst.idx.add.f32.msk $0xffff, v6;
	(pc) =	sbr.rel @p0 .LBB2_8-.Ltmp3, $4  }
0x456: {  	v17 =	vld [tilespmem:s26+$0x40]  }
0x457: {  	v15 =	vtrunc.f32 v15;
	v16 =	vld [tilespmem:s26+$0xC0]  }
0x458: {  	[tilespmem:v7+s17+$0x0] =	vst.idx.add.f32.msk $0xffff, v18;
	v18 =	vcvt.f32.s32 v15  }
0x459: {  	[tilespmem:v7+s18+$0x0] =	vst.idx.add.f32.msk $0xffff, v8;
	v15 =	vmul.f32 v14, v14  }
0x45a: {  	_ =	sdelay $0x3  }
0x45b: {  	v6 =	vmul.f32 v6, v6;
	[tilespmem:v12+s16+$0x0] =	vst.idx.add.f32.msk $0xffff, v2;
	v19 =	vmul.f32 v10, v10  }
0x45c: {  	[tilespmem:v9+s18+$0x0] =	vst.idx.add.f32.msk $0xffff, v10;
	v8 =	vmul.f32 v8, v8  }
0x45d: {  	[tilespmem:v12+s17+$0x0] =	vst.idx.add.f32.msk $0xffff, v17;
	v6 =	vadd.f32 v19, v6  }
0x45e: {  	[tilespmem:v12+s18+$0x0] =	vst.idx.add.f32.msk $0xffff, v16;
	v8 =	vadd.f32 v8, v11  }
0x45f: {  	[tilespmem:v9+s19+$0x0] =	vst.idx.add.f32.msk $0xffff, v6  }
0x460: {  	[tilespmem:v7+s19+$0x0] =	vst.idx.add.f32.msk $0xffff, v8  }
0x461: {  	v18 =	vshll.u32 v18, $0x4;
	v6 =	vld [tilespmem:s1+$0xFFFFFF90]  }
0x462: {  	v18 =	vadd.s32 v3, v18;
	v9 =	vld [tilespmem:s29+$0xFFFFFF90]  }
0x463: {  	v56 =	vld [tilespmem:s29+$0xFFFFFF10]  }
0x464: {  	v7 =	vld [tilespmem:s1+$0x10]  }
0x465: {  	v63 =	vld [tilespmem:s29+$0x10]  }
0x466: {  	v55 =	vmul.f32 v13, v13;
	v22 =	vld [tilespmem:s29+$0x90]  }
0x467: {  	v57 =	vmul.f32 v17, v17;
	v58 =	vmul.f32 v16, v16;
	[tilespmem:v18+s16+$0x0] =	vst.idx.add.f32.msk $0xffff, v2  }
0x468: {  	v10 =	vadd.f32 v15, v55;
	[tilespmem:v18+s17+$0x0] =	vst.idx.add.f32.msk $0xffff, v13  }
0x469: {  	v13 =	vadd.f32 v58, v57;
	[tilespmem:v18+s18+$0x0] =	vst.idx.add.f32.msk $0xffff, v14;
	v6 =	vtrunc.f32 v6  }
0x46a: {  	[tilespmem:v18+s19+$0x0] =	vst.idx.add.f32.msk $0xffff, v10;
	v7 =	vtrunc.f32 v7;
	v6 =	vcvt.f32.s32 v6  }
0x46b: {  	[tilespmem:v12+s19+$0x0] =	vst.idx.add.f32.msk $0xffff, v13;
	v7 =	vcvt.f32.s32 v7  }
0x46c: {  	v10 =	vld [tilespmem:s28+$0xFFFFFFE0];
	v6 =	vshll.u32 v6, $0x4  }
0x46d: {  	v59 =	vld [tilespmem:s26+$0xFFFFFF60];
	v7 =	vshll.u32 v7, $0x4;
	v6 =	vadd.s32 v3, v6  }
0x46e: {  	v60 =	vld [tilespmem:s26+$0xFFFFFFE0];
	v7 =	vadd.s32 v3, v7  }
0x46f: {  	v62 =	vld [tilespmem:s28+$0x50]  }
0x470: {  	v12 =	vld [tilespmem:s26+$0x50]  }
0x471: {  	v21 =	vld [tilespmem:s26+$0xD0]  }
0x472: {  	[tilespmem:v6+s16+$0x0] =	vst.idx.add.f32.msk $0xffff, v2  }
0x473: {  	v23 =	vmul.f32 v9, v9;
	v61 =	vtrunc.f32 v10;
	[tilespmem:v7+s16+$0x0] =	vst.idx.add.f32.msk $0xffff, v2  }
0x474: {  	v24 =	vmul.f32 v56, v56;
	v8 =	vcvt.f32.s32 v61;
	[tilespmem:v6+s17+$0x0] =	vst.idx.add.f32.msk $0xffff, v56  }
0x475: {  	[tilespmem:v7+s17+$0x0] =	vst.idx.add.f32.msk $0xffff, v63  }
0x476: {  	v25 =	vadd.f32 v23, v24;
	v8 =	vshll.u32 v8, $0x4;
	[tilespmem:v6+s18+$0x0] =	vst.idx.add.f32.msk $0xffff, v9  }
0x477: {  	v8 =	vadd.s32 v4, v8;
	[tilespmem:v7+s18+$0x0] =	vst.idx.add.f32.msk $0xffff, v22  }
0x478: {  	[tilespmem:v6+s19+$0x0] =	vst.idx.add.f32.msk $0xffff, v25  }
0x479: {  	v27 =	vld [tilespmem:s1+$0xFFFFFFA0]  }
0x47a: {  	v31 =	vld [tilespmem:s29+$0xFFFFFFA0]  }
0x47b: {  	v26 =	vmul.f32 v22, v22;
	v6 =	vmul.f32 v63, v63;
	v32 =	vld [tilespmem:s29+$0xFFFFFF20]  }
0x47c: {  	v11 =	vmul.f32 v60, v60;
	[tilespmem:v8+s16+$0x0] =	vst.idx.add.f32.msk $0xffff, v2  }
0x47d: {  	v14 =	vmul.f32 v59, v59;
	v6 =	vadd.f32 v26, v6;
	[tilespmem:v8+s17+$0x0] =	vst.idx.add.f32.msk $0xffff, v59  }
0x47e: {  	v10 =	vtrunc.f32 v62;
	[tilespmem:v8+s18+$0x0] =	vst.idx.add.f32.msk $0xffff, v60  }
0x47f: {  	v10 =	vcvt.f32.s32 v10;
	v29 =	vadd.f32 v11, v14;
	[tilespmem:v7+s19+$0x0] =	vst.idx.add.f32.msk $0xffff, v6  }
0x480: {  	v30 =	vld [tilespmem:s1+$0x20];
	v6 =	vtrunc.f32 v27  }
0x481: {  	v28 =	vshll.u32 v10, $0x4;
	[tilespmem:v8+s19+$0x0] =	vst.idx.add.f32.msk $0xffff, v29;
	v6 =	vcvt.f32.s32 v6  }
0x482: {  	v7 =	vadd.s32 v3, v28;
	v13 =	vld [tilespmem:s29+$0x20]  }
0x483: {  	v16 =	vld [tilespmem:s29+$0xA0];
	v33 =	vshll.u32 v6, $0x4  }
0x484: {  	v53 =	vld [tilespmem:s28+$0xFFFFFFF0];
	v11 =	vadd.s32 v4, v33  }
0x485: {  	v54 =	vld [tilespmem:s26+$0xFFFFFF70];
	v9 =	vtrunc.f32 v30  }
0x486: {  	v6 =	vld [tilespmem:s26+$0xFFFFFFF0];
	v9 =	vcvt.f32.s32 v9  }
0x487: {  	[tilespmem:v7+s16+$0x0] =	vst.idx.add.f32.msk $0xffff, v2  }
0x488: {  	v34 =	vmul.f32 v31, v31;
	v35 =	vmul.f32 v32, v32;
	[tilespmem:v7+s17+$0x0] =	vst.idx.add.f32.msk $0xffff, v12;
	v9 =	vshll.u32 v9, $0x4  }
0x489: {  	v9 =	vadd.s32 v4, v9;
	[tilespmem:v11+s16+$0x0] =	vst.idx.add.f32.msk $0xffff, v2  }
0x48a: {  	v14 =	vadd.f32 v34, v35;
	[tilespmem:v11+s17+$0x0] =	vst.idx.add.f32.msk $0xffff, v32  }
0x48b: {  	[tilespmem:v11+s18+$0x0] =	vst.idx.add.f32.msk $0xffff, v31  }
0x48c: {  	[tilespmem:v11+s19+$0x0] =	vst.idx.add.f32.msk $0xffff, v14  }
0x48d: {  	v36 =	vmul.f32 v13, v13;
	v37 =	vmul.f32 v16, v16;
	v10 =	vld [tilespmem:s1+$0xFFFFFFB0]  }
0x48e: {  	[tilespmem:v9+s16+$0x0] =	vst.idx.add.f32.msk $0xffff, v2  }
0x48f: {  	v8 =	vadd.f32 v37, v36;
	[tilespmem:v9+s17+$0x0] =	vst.idx.add.f32.msk $0xffff, v13  }
0x490: {  	[tilespmem:v9+s18+$0x0] =	vst.idx.add.f32.msk $0xffff, v16  }
0x491: {  	v38 =	vmul.f32 v21, v21;
	[tilespmem:v9+s19+$0x0] =	vst.idx.add.f32.msk $0xffff, v8  }
0x492: {  	v39 =	vmul.f32 v12, v12;
	v41 =	vld [tilespmem:s1+$0x30];
	v40 =	vtrunc.f32 v10  }
0x493: {  	[tilespmem:v7+s18+$0x0] =	vst.idx.add.f32.msk $0xffff, v21;
	v9 =	vcvt.f32.s32 v40  }
0x494: {  	v42 =	vld [tilespmem:s29+$0xFFFFFFB0];
	v8 =	vadd.f32 v38, v39  }
0x495: {  	v43 =	vld [tilespmem:s29+$0xFFFFFF30];
	v9 =	vshll.u32 v9, $0x4  }
0x496: {  	[tilespmem:v7+s19+$0x0] =	vst.idx.add.f32.msk $0xffff, v8;
	v7 =	vadd.s32 v5, v9  }
0x497: {  	v13 =	vld [tilespmem:s29+$0xB0];
	v44 =	vtrunc.f32 v41  }
0x498: {  	v16 =	vld [tilespmem:s29+$0x30];
	v9 =	vcvt.f32.s32 v44  }
0x499: {  	v8 =	vld [tilespmem:s28+$0x60]  }
0x49a: {  	v46 =	vmul.f32 v43, v43;
	v47 =	vmul.f32 v42, v42;
	v45 =	vld [tilespmem:s26+$0x60];
	v9 =	vshll.u32 v9, $0x4  }
0x49b: {  	v9 =	vadd.s32 v5, v9;
	[tilespmem:v7+s16+$0x0] =	vst.idx.add.f32.msk $0xffff, v2  }
0x49c: {  	v14 =	vadd.f32 v47, v46;
	[tilespmem:v7+s17+$0x0] =	vst.idx.add.f32.msk $0xffff, v43  }
0x49d: {  	[tilespmem:v7+s18+$0x0] =	vst.idx.add.f32.msk $0xffff, v42  }
0x49e: {  	v48 =	vmul.f32 v13, v13;
	[tilespmem:v7+s19+$0x0] =	vst.idx.add.f32.msk $0xffff, v14  }
0x49f: {  	v49 =	vmul.f32 v16, v16;
	v8 =	vtrunc.f32 v8;
	v7 =	vld [tilespmem:s1+$0xFFFFFFC0]  }
0x4a0: {  	v8 =	vcvt.f32.s32 v8;
	[tilespmem:v9+s16+$0x0] =	vst.idx.add.f32.msk $0xffff, v2  }
0x4a1: {  	v11 =	vadd.f32 v48, v49;
	[tilespmem:v9+s17+$0x0] =	vst.idx.add.f32.msk $0xffff, v16  }
0x4a2: {  	v8 =	vshll.u32 v8, $0x4;
	[tilespmem:v9+s18+$0x0] =	vst.idx.add.f32.msk $0xffff, v13  }
0x4a3: {  	v8 =	vadd.s32 v4, v8;
	[tilespmem:v9+s19+$0x0] =	vst.idx.add.f32.msk $0xffff, v11  }
0x4a4: {  	v9 =	vld [tilespmem:s1+$0x40];
	v7 =	vtrunc.f32 v7  }
0x4a5: {  	v50 =	vld [tilespmem:s26+$0xE0];
	v7 =	vcvt.f32.s32 v7  }
0x4a6: {  	v51 =	vld [tilespmem:s29+$0xFFFFFF40]  }
0x4a7: {  	v52 =	vld [tilespmem:s29+$0xFFFFFFC0];
	v7 =	vshll.u32 v7, $0x4  }
0x4a8: {  	[tilespmem:v8+s16+$0x0] =	vst.idx.add.f32.msk $0xffff, v2;
	v7 =	vor.u32 v1, v7  }
0x4a9: {  	[tilespmem:v8+s17+$0x0] =	vst.idx.add.f32.msk $0xffff, v45;
	v9 =	vtrunc.f32 v9  }
0x4aa: {  	v16 =	vld [tilespmem:s29+$0x40];
	v9 =	vcvt.f32.s32 v9  }
0x4ab: {  	v57 =	vld [tilespmem:s29+$0xC0]  }
0x4ac: {  	[tilespmem:v8+s18+$0x0] =	vst.idx.add.f32.msk $0xffff, v50;
	v55 =	vmul.f32 v51, v51;
	v56 =	vmul.f32 v52, v52;
	v9 =	vshll.u32 v9, $0x4  }
0x4ad: {  	v9 =	vor.u32 v1, v9;
	[tilespmem:v7+s16+$0x0] =	vst.idx.add.f32.msk $0xffff, v2  }
0x4ae: {  	v26 =	vtrunc.f32 v53;
	v17 =	vadd.f32 v56, v55;
	[tilespmem:v7+s17+$0x0] =	vst.idx.add.f32.msk $0xffff, v51  }
0x4af: {  	v13 =	vcvt.f32.s32 v26;
	[tilespmem:v7+s18+$0x0] =	vst.idx.add.f32.msk $0xffff, v52  }
0x4b0: {  	[tilespmem:v7+s19+$0x0] =	vst.idx.add.f32.msk $0xffff, v17  }
0x4b1: {  	v27 =	vshll.u32 v13, $0x4;
	v58 =	vmul.f32 v16, v16;
	v59 =	vmul.f32 v57, v57;
	v7 =	vld [tilespmem:s1+$0xFFFFFFD0]  }
0x4b2: {  	v28 =	vadd.s32 v5, v27;
	[tilespmem:v9+s16+$0x0] =	vst.idx.add.f32.msk $0xffff, v2  }
0x4b3: {  	v12 =	vadd.f32 v59, v58;
	[tilespmem:v9+s17+$0x0] =	vst.idx.add.f32.msk $0xffff, v16  }
0x4b4: {  	[tilespmem:v9+s18+$0x0] =	vst.idx.add.f32.msk $0xffff, v57  }
0x4b5: {  	[tilespmem:v9+s19+$0x0] =	vst.idx.add.f32.msk $0xffff, v12  }
0x4b6: {  	v12 =	vld [tilespmem:s1+$0x50];
	v7 =	vtrunc.f32 v7  }
0x4b7: {  	[tilespmem:v28+s16+$0x0] =	vst.idx.add.f32.msk $0xffff, v2;
	v7 =	vcvt.f32.s32 v7  }
0x4b8: {  	v60 =	vmul.f32 v45, v45;
	v61 =	vmul.f32 v50, v50;
	v62 =	vld [tilespmem:s29+$0xFFFFFF50]  }
0x4b9: {  	v63 =	vld [tilespmem:s29+$0xFFFFFFD0];
	v7 =	vshll.u32 v7, $0x4  }
0x4ba: {  	[tilespmem:v28+s17+$0x0] =	vst.idx.add.f32.msk $0xffff, v54;
	v9 =	vadd.f32 v61, v60;
	v7 =	vadd.s32 v3, v7  }
0x4bb: {  	[tilespmem:v28+s18+$0x0] =	vst.idx.add.f32.msk $0xffff, v6;
	v19 =	vtrunc.f32 v12  }
0x4bc: {  	[tilespmem:v8+s19+$0x0] =	vst.idx.add.f32.msk $0xffff, v9;
	v8 =	vcvt.f32.s32 v19  }
0x4bd: {  	v20 =	vld [tilespmem:s29+$0x50]  }
0x4be: {  	v23 =	vld [tilespmem:s29+$0xD0];
	v21 =	vmul.f32 v63, v63;
	v22 =	vmul.f32 v62, v62;
	v8 =	vshll.u32 v8, $0x4  }
0x4bf: {  	v8 =	vadd.s32 v3, v8;
	[tilespmem:v7+s16+$0x0] =	vst.idx.add.f32.msk $0xffff, v2  }
0x4c0: {  	v12 =	vadd.f32 v21, v22;
	[tilespmem:v7+s17+$0x0] =	vst.idx.add.f32.msk $0xffff, v62  }
0x4c1: {  	[tilespmem:v7+s18+$0x0] =	vst.idx.add.f32.msk $0xffff, v63  }
0x4c2: {  	[tilespmem:v7+s19+$0x0] =	vst.idx.add.f32.msk $0xffff, v12  }
0x4c3: {  	v24 =	vmul.f32 v23, v23;
	v25 =	vmul.f32 v20, v20;
	v7 =	vld [tilespmem:s1+$0xFFFFFFE0]  }
0x4c4: {  	v38 =	vmul.f32 v54, v54;
	[tilespmem:v8+s16+$0x0] =	vst.idx.add.f32.msk $0xffff, v2  }
0x4c5: {  	v6 =	vmul.f32 v6, v6;
	v10 =	vadd.f32 v24, v25;
	[tilespmem:v8+s17+$0x0] =	vst.idx.add.f32.msk $0xffff, v20  }
0x4c6: {  	[tilespmem:v8+s18+$0x0] =	vst.idx.add.f32.msk $0xffff, v23  }
0x4c7: {  	v6 =	vadd.f32 v6, v38;
	[tilespmem:v8+s19+$0x0] =	vst.idx.add.f32.msk $0xffff, v10  }
0x4c8: {  	v10 =	vld [tilespmem:s1+$0x60];
	v7 =	vtrunc.f32 v7  }
0x4c9: {  	[tilespmem:v28+s19+$0x0] =	vst.idx.add.f32.msk $0xffff, v6;
	v7 =	vcvt.f32.s32 v7  }
0x4ca: {  	v30 =	vld [tilespmem:s29+$0xFFFFFF60]  }
0x4cb: {  	v31 =	vld [tilespmem:s29+$0xFFFFFFE0];
	v7 =	vshll.u32 v7, $0x4  }
0x4cc: {  	v9 =	vld [tilespmem:s28+$0x70];
	v7 =	vadd.s32 v4, v7  }
0x4cd: {  	v29 =	vld [tilespmem:s26+$0x70];
	v10 =	vtrunc.f32 v10  }
0x4ce: {  	v32 =	vld [tilespmem:s26+$0xF0];
	v10 =	vcvt.f32.s32 v10  }
0x4cf: {  	v33 =	vld [tilespmem:s29+$0x60]  }
0x4d0: {  	v19 =	vld [tilespmem:s29+$0xE0];
	v34 =	vmul.f32 v31, v31;
	v35 =	vmul.f32 v30, v30;
	v10 =	vshll.u32 v10, $0x4  }
0x4d1: {  	v10 =	vadd.s32 v4, v10;
	[tilespmem:v7+s16+$0x0] =	vst.idx.add.f32.msk $0xffff, v2  }
0x4d2: {  	v9 =	vtrunc.f32 v9;
	v17 =	vadd.f32 v34, v35;
	[tilespmem:v7+s17+$0x0] =	vst.idx.add.f32.msk $0xffff, v30  }
0x4d3: {  	v9 =	vcvt.f32.s32 v9;
	[tilespmem:v7+s18+$0x0] =	vst.idx.add.f32.msk $0xffff, v31  }
0x4d4: {  	[tilespmem:v7+s19+$0x0] =	vst.idx.add.f32.msk $0xffff, v17  }
0x4d5: {  	v9 =	vshll.u32 v9, $0x4;
	v36 =	vmul.f32 v33, v33;
	v37 =	vmul.f32 v19, v19;
	v7 =	vld [tilespmem:s1+$0xFFFFFFF0]  }
0x4d6: {  	v9 =	vadd.s32 v5, v9;
	[tilespmem:v10+s16+$0x0] =	vst.idx.add.f32.msk $0xffff, v2  }
0x4d7: {  	v12 =	vadd.f32 v37, v36;
	[tilespmem:v10+s17+$0x0] =	vst.idx.add.f32.msk $0xffff, v33  }
0x4d8: {  	[tilespmem:v10+s18+$0x0] =	vst.idx.add.f32.msk $0xffff, v19  }
0x4d9: {  	[tilespmem:v10+s19+$0x0] =	vst.idx.add.f32.msk $0xffff, v12  }
0x4da: {  	v10 =	vld [tilespmem:s1+$0x70]  }
0x4db: {  	v11 =	vmul.f32 v29, v29;
	[tilespmem:v9+s16+$0x0] =	vst.idx.add.f32.msk $0xffff, v2;
	v7 =	vtrunc.f32 v7  }
0x4dc: {  	v39 =	vmul.f32 v32, v32;
	[tilespmem:v9+s17+$0x0] =	vst.idx.add.f32.msk $0xffff, v29;
	v7 =	vcvt.f32.s32 v7  }
0x4dd: {  	v40 =	vld [tilespmem:s29+$0xFFFFFFF0]  }
0x4de: {  	v11 =	vadd.f32 v39, v11;
	v41 =	vld [tilespmem:s29+$0xFFFFFF70];
	v7 =	vshll.u32 v7, $0x4  }
0x4df: {  	[tilespmem:v9+s18+$0x0] =	vst.idx.add.f32.msk $0xffff, v32;
	v10 =	vtrunc.f32 v10;
	v7 =	vadd.s32 v5, v7  }
0x4e0: {  	[tilespmem:v9+s19+$0x0] =	vst.idx.add.f32.msk $0xffff, v11;
	v10 =	vcvt.f32.s32 v10  }
0x4e1: {  	v42 =	vld [tilespmem:s29+$0x70]  }
0x4e2: {  	v43 =	vld [tilespmem:s29+$0xF0];
	v10 =	vshll.u32 v10, $0x4  }
0x4e3: {  	v46 =	vmul.f32 v41, v41;
	v47 =	vmul.f32 v40, v40;
	v44 =	vadd.s32 v5, v10  }
0x4e4: {  	[tilespmem:v7+s16+$0x0] =	vst.idx.add.f32.msk $0xffff, v2  }
0x4e5: {  	v48 =	vadd.f32 v47, v46;
	[tilespmem:v7+s17+$0x0] =	vst.idx.add.f32.msk $0xffff, v41  }
0x4e6: {  	[tilespmem:v7+s18+$0x0] =	vst.idx.add.f32.msk $0xffff, v40  }
0x4e7: {  	v6 =	vmul.f32 v42, v42;
	v45 =	vmul.f32 v43, v43;
	[tilespmem:v7+s19+$0x0] =	vst.idx.add.f32.msk $0xffff, v48  }
0x4e8: {  	[tilespmem:v44+s16+$0x0] =	vst.idx.add.f32.msk $0xffff, v2  }
0x4e9: {  	v6 =	vadd.f32 v45, v6;
	[tilespmem:v44+s17+$0x0] =	vst.idx.add.f32.msk $0xffff, v42  }
0x4ea: {  	[tilespmem:v44+s18+$0x0] =	vst.idx.add.f32.msk $0xffff, v43  }
0x4eb: {  	[tilespmem:v44+s19+$0x0] =	vst.idx.add.f32.msk $0xffff, v6  }
0x4ec: {  	v6 =	vld [tilespmem:$0xC000]  }
0x4ed: {  	v7 =	vld [tilespmem:$0xC0A0]  }
0x4ee: {  	v8 =	vld [tilespmem:$0xC140]  }
0x4ef: {  	v9 =	vld [tilespmem:$0xC1E0]  }
0x4f0: {  	v49 =	vld [tilespmem:$0xC010]  }
0x4f1: {  	v50 =	vld [tilespmem:$0xC0B0]  }
0x4f2: {  	v12 =	vld [tilespmem:$0xC150]  }
0x4f3: {  	v13 =	vld [tilespmem:$0xC1F0]  }
0x4f4: {  	v51 =	vld [tilespmem:$0xC020]  }
0x4f5: {  	v52 =	vld [tilespmem:$0xC0C0]  }
0x4f6: {  	v16 =	vld [tilespmem:$0xC160]  }
0x4f7: {  	v17 =	vld [tilespmem:$0xC200]  }
0x4f8: {  	v53 =	vld [tilespmem:$0xC030]  }
0x4f9: {  	v19 =	vld [tilespmem:$0xC0D0]  }
0x4fa: {  	v20 =	vld [tilespmem:$0xC170]  }
0x4fb: {  	v21 =	vld [tilespmem:$0xC210]  }
0x4fc: {  	v22 =	vld [tilespmem:$0xC040]  }
0x4fd: {  	v23 =	vld [tilespmem:$0xC0E0]  }
0x4fe: {  	v24 =	vld [tilespmem:$0xC180]  }
0x4ff: {  	v25 =	vld [tilespmem:$0xC220]  }
0x500: {  	v26 =	vld [tilespmem:$0xC050]  }
0x501: {  	v27 =	vld [tilespmem:$0xC0F0]  }
0x502: {  	v28 =	vld [tilespmem:$0xC190]  }
0x503: {  	v29 =	vld [tilespmem:$0xC230]  }
0x504: {  	v30 =	vld [tilespmem:$0xC060]  }
0x505: {  	v31 =	vld [tilespmem:$0xC100]  }
0x506: {  	v60 =	vld [tilespmem:$0xC080]  }
0x507: {  	v62 =	vld [tilespmem:$0xC120]  }
0x508: {  	v54 =	vld [tilespmem:$0xC070]  }
0x509: {  	v55 =	vld [tilespmem:$0xC110];
	v6 =	vadd.f32 v7, v6;
	v10 =	vadd.f32 v50, v49  }
0x50a: {  	v32 =	vld [tilespmem:$0xC1A0];
	v57 =	vadd.f32 v52, v51;
	v59 =	vadd.f32 v19, v53  }
0x50b: {  	v56 =	vld [tilespmem:$0xC1B0];
	v61 =	vadd.f32 v23, v22;
	v63 =	vadd.f32 v27, v26  }
0x50c: {  	v58 =	vld [tilespmem:$0xC250];
	v33 =	vadd.f32 v31, v30;
	v15 =	vadd.f32 v62, v60  }
0x50d: {  	v7 =	vld [tilespmem:$0xC240];
	v6 =	vadd.f32 v8, v6;
	v10 =	vadd.f32 v12, v10  }
0x50e: {  	v26 =	vld [tilespmem:$0xC090];
	v19 =	vadd.f32 v28, v63;
	v8 =	vadd.f32 v55, v54  }
0x50f: {  	v27 =	vld [tilespmem:$0xC130];
	v37 =	vadd.f32 v32, v33;
	v6 =	vadd.f32 v9, v6  }
0x510: {  	v28 =	vld [tilespmem:$0xC1C0];
	v10 =	vadd.f32 v13, v10;
	v9 =	vadd.f32 v16, v57  }
0x511: {  	v34 =	vld [tilespmem:$0xC1D0];
	v16 =	vadd.f32 v24, v61;
	v35 =	vadd.f32 v29, v19;
	[tilespmem:$0xCA00] =	vst v6  }
0x512: {  	v36 =	vld [tilespmem:$0xC260];
	v13 =	vadd.f32 v20, v59;
	v9 =	vadd.f32 v17, v9;
	[tilespmem:$0xCA10] =	vst v10  }
0x513: {  	v38 =	vld [tilespmem:$0xC270];
	v8 =	vadd.f32 v56, v8;
	v6 =	vadd.f32 v25, v16;
	[tilespmem:$0xCA50] =	vst v35  }
0x514: {  	v39 =	vadd.f32 v27, v26;
	v13 =	vadd.f32 v21, v13;
	[tilespmem:$0xCA20] =	vst v9  }
0x515: {  	[tilespmem:$0xCA40] =	vst v6;
	v6 =	vadd.f32 v7, v37;
	v7 =	vadd.f32 v28, v15  }
0x516: {  	v8 =	vadd.f32 v58, v8;
	v40 =	vadd.f32 v34, v39;
	[tilespmem:$0xCA30] =	vst v13  }
0x517: {  	[tilespmem:$0xCA60] =	vst v6;
	v6 =	vadd.f32 v36, v7  }
0x518: {  	[tilespmem:$0xCA70] =	vst v8;
	v7 =	vadd.f32 v38, v40  }
0x519: {  	[tilespmem:$0xCA80] =	vst v6  }
0x51a: {  	[tilespmem:$0xCA90] =	vst v7  }
0x51b: {  	[hbm4b:s7+s21] =	stream.strided.scatter [tilespmem:s23], [sflag:$0x3], $0x100, s22, s21, $0x38;
	[tilespmem:$0xCB00] =	vst v63  }
0x51c: {  	_ =	swait.ge [sflag:s24], $0x100  }
0x51d: {  	[sflag:s24] =	ssyncset.done $0x0  }
0x51e: {  	[sflag:s24] =	ssyncadd.s32 $0xFFFFFF00  }
0x51f: {  	v6 =	vld [tilespmem:$0xC280]  }
0x520: {  	v7 =	vld [tilespmem:$0xC320]  }
0x521: {  	v41 =	vld [tilespmem:$0xC3C0]  }
0x522: {  	v42 =	vld [tilespmem:$0xC460]  }
0x523: {  	v43 =	vld [tilespmem:$0xC290]  }
0x524: {  	v44 =	vld [tilespmem:$0xC330]  }
0x525: {  	v45 =	vld [tilespmem:$0xC3D0]  }
0x526: {  	v46 =	vld [tilespmem:$0xC470]  }
0x527: {  	v47 =	vld [tilespmem:$0xC2A0]  }
0x528: {  	v48 =	vld [tilespmem:$0xC340]  }
0x529: {  	v49 =	vld [tilespmem:$0xC3E0]  }
0x52a: {  	v50 =	vld [tilespmem:$0xC480]  }
0x52b: {  	v51 =	vld [tilespmem:$0xC2B0]  }
0x52c: {  	v52 =	vld [tilespmem:$0xC350]  }
0x52d: {  	v53 =	vld [tilespmem:$0xC3F0]  }
0x52e: {  	v54 =	vld [tilespmem:$0xC490]  }
0x52f: {  	v55 =	vld [tilespmem:$0xC2C0]  }
0x530: {  	v56 =	vld [tilespmem:$0xC360]  }
0x531: {  	v57 =	vld [tilespmem:$0xC400]  }
0x532: {  	v58 =	vld [tilespmem:$0xC4A0]  }
0x533: {  	v59 =	vld [tilespmem:$0xC2D0]  }
0x534: {  	v60 =	vld [tilespmem:$0xC370]  }
0x535: {  	v61 =	vld [tilespmem:$0xC410]  }
0x536: {  	v63 =	vld [tilespmem:$0xC2E0]  }
0x537: {  	v36 =	vld [tilespmem:$0xC380]  }
0x538: {  	v38 =	vld [tilespmem:$0xC2F0]  }
0x539: {  	v39 =	vld [tilespmem:$0xC390]  }
0x53a: {  	v62 =	vld [tilespmem:$0xC4B0]  }
0x53b: {  	v37 =	vld [tilespmem:$0xC420]  }
0x53c: {  	v40 =	vld [tilespmem:$0xC430];
	v6 =	vadd.f32 v7, v6;
	v10 =	vadd.f32 v44, v43  }
0x53d: {  	v7 =	vld [tilespmem:$0xC4C0];
	v43 =	vadd.f32 v52, v51;
	v51 =	vadd.f32 v36, v63  }
0x53e: {  	v44 =	vld [tilespmem:$0xC300];
	v8 =	vadd.f32 v39, v38;
	v6 =	vadd.f32 v41, v6  }
0x53f: {  	v52 =	vld [tilespmem:$0xC450];
	v10 =	vadd.f32 v45, v10;
	v41 =	vadd.f32 v48, v47  }
0x540: {  	v45 =	vadd.f32 v56, v55;
	v13 =	vadd.f32 v53, v43;
	v48 =	vld [tilespmem:$0xC310]  }
0x541: {  	v10 =	vadd.f32 v46, v10;
	v9 =	vadd.f32 v49, v41;
	v46 =	vld [tilespmem:$0xC3A0]  }
0x542: {  	v47 =	vadd.f32 v60, v59;
	v6 =	vadd.f32 v42, v6;
	v49 =	vld [tilespmem:$0xC3B0]  }
0x543: {  	v55 =	vadd.f32 v37, v51;
	v9 =	vadd.f32 v50, v9;
	v50 =	vld [tilespmem:$0xC440]  }
0x544: {  	v42 =	vld [tilespmem:$0xC4D0];
	v16 =	vadd.f32 v57, v45;
	v13 =	vadd.f32 v54, v13;
	[tilespmem:$0xCA00] =	vst v6  }
0x545: {  	v8 =	vadd.f32 v40, v8;
	v19 =	vadd.f32 v61, v47;
	v54 =	vld [tilespmem:$0xC4E0];
	[tilespmem:$0xCA10] =	vst v10  }
0x546: {  	v56 =	vld [tilespmem:$0xC4F0];
	v6 =	vadd.f32 v58, v16;
	[tilespmem:$0xCA30] =	vst v13;
	v15 =	vadd.f32 v46, v44  }
0x547: {  	v53 =	vadd.f32 v62, v19;
	[tilespmem:$0xCA20] =	vst v9;
	v57 =	vadd.f32 v49, v48  }
0x548: {  	[tilespmem:$0xCA40] =	vst v6;
	v6 =	vadd.f32 v7, v55;
	v7 =	vadd.f32 v50, v15  }
0x549: {  	[tilespmem:$0xCA50] =	vst v53;
	v8 =	vadd.f32 v42, v8;
	v58 =	vadd.f32 v52, v57  }
0x54a: {  	[tilespmem:$0xCA60] =	vst v6;
	v6 =	vadd.f32 v54, v7  }
0x54b: {  	[tilespmem:$0xCA70] =	vst v8;
	v7 =	vadd.f32 v56, v58  }
0x54c: {  	[tilespmem:$0xCA80] =	vst v6  }
0x54d: {  	[tilespmem:$0xCA90] =	vst v7  }
0x54e: {  	[hbm4b:s8+s21] =	stream.strided.scatter [tilespmem:s23], [sflag:$0x3], $0x100, s22, s21, $0x38;
	[tilespmem:$0xCB00] =	vst v63  }
0x54f: {  	_ =	swait.ge [sflag:s24], $0x100  }
0x550: {  	[sflag:s24] =	ssyncset.done $0x0  }
0x551: {  	[sflag:s24] =	ssyncadd.s32 $0xFFFFFF00  }
0x552: {  	v6 =	vld [tilespmem:$0xC500]  }
0x553: {  	v7 =	vld [tilespmem:$0xC5A0]  }
0x554: {  	v59 =	vld [tilespmem:$0xC640]  }
0x555: {  	v60 =	vld [tilespmem:$0xC6E0]  }
0x556: {  	v61 =	vld [tilespmem:$0xC510]  }
0x557: {  	v62 =	vld [tilespmem:$0xC5B0]  }
0x558: {  	v63 =	vld [tilespmem:$0xC650]  }
0x559: {  	v36 =	vld [tilespmem:$0xC6F0]  }
0x55a: {  	v37 =	vld [tilespmem:$0xC520]  }
0x55b: {  	v38 =	vld [tilespmem:$0xC5C0]  }
0x55c: {  	v39 =	vld [tilespmem:$0xC660]  }
0x55d: {  	v40 =	vld [tilespmem:$0xC700]  }
0x55e: {  	v41 =	vld [tilespmem:$0xC530]  }
0x55f: {  	v42 =	vld [tilespmem:$0xC5D0]  }
0x560: {  	v43 =	vld [tilespmem:$0xC670]  }
0x561: {  	v44 =	vld [tilespmem:$0xC710]  }
0x562: {  	v45 =	vld [tilespmem:$0xC540]  }
0x563: {  	v46 =	vld [tilespmem:$0xC5E0]  }
0x564: {  	v47 =	vld [tilespmem:$0xC680]  }
0x565: {  	v48 =	vld [tilespmem:$0xC720]  }
0x566: {  	v49 =	vld [tilespmem:$0xC550]  }
0x567: {  	v50 =	vld [tilespmem:$0xC5F0]  }
0x568: {  	v51 =	vld [tilespmem:$0xC690]  }
0x569: {  	v52 =	vld [tilespmem:$0xC730]  }
0x56a: {  	v53 =	vld [tilespmem:$0xC560]  }
0x56b: {  	v56 =	vld [tilespmem:$0xC570]  }
0x56c: {  	v57 =	vld [tilespmem:$0xC610]  }
0x56d: {  	v54 =	vld [tilespmem:$0xC600]  }
0x56e: {  	v55 =	vld [tilespmem:$0xC6A0]  }
0x56f: {  	v58 =	vld [tilespmem:$0xC6B0];
	v6 =	vadd.f32 v7, v6;
	v10 =	vadd.f32 v62, v61  }
0x570: {  	v33 =	vld [tilespmem:$0xC620];
	v61 =	vadd.f32 v42, v41;
	v34 =	vadd.f32 v50, v49  }
0x571: {  	v35 =	vld [tilespmem:$0xC590];
	v8 =	vadd.f32 v57, v56;
	v6 =	vadd.f32 v59, v6  }
0x572: {  	v7 =	vld [tilespmem:$0xC740];
	v10 =	vadd.f32 v63, v10;
	v59 =	vadd.f32 v38, v37  }
0x573: {  	v62 =	vld [tilespmem:$0xC580];
	v63 =	vadd.f32 v46, v45;
	v13 =	vadd.f32 v43, v61  }
0x574: {  	v19 =	vadd.f32 v51, v34;
	v37 =	vld [tilespmem:$0xC6C0];
	v38 =	vadd.f32 v54, v53  }
0x575: {  	v6 =	vadd.f32 v60, v6;
	v10 =	vadd.f32 v36, v10;
	v36 =	vld [tilespmem:$0xC630]  }
0x576: {  	v8 =	vadd.f32 v58, v8;
	v60 =	vld [tilespmem:$0xC750];
	v9 =	vadd.f32 v39, v59  }
0x577: {  	v16 =	vadd.f32 v47, v63;
	v13 =	vadd.f32 v44, v13;
	v39 =	vld [tilespmem:$0xC6D0];
	[tilespmem:$0xCA00] =	vst v6  }
0x578: {  	v41 =	vld [tilespmem:$0xC760];
	v42 =	vadd.f32 v55, v38;
	v9 =	vadd.f32 v40, v9;
	[tilespmem:$0xCA10] =	vst v10  }
0x579: {  	v43 =	vld [tilespmem:$0xC770];
	v15 =	vadd.f32 v33, v62;
	v6 =	vadd.f32 v48, v16;
	[tilespmem:$0xCA30] =	vst v13  }
0x57a: {  	v40 =	vadd.f32 v52, v19;
	[tilespmem:$0xCA20] =	vst v9;
	v44 =	vadd.f32 v36, v35  }
0x57b: {  	[tilespmem:$0xCA40] =	vst v6;
	v6 =	vadd.f32 v7, v42;
	v7 =	vadd.f32 v37, v15  }
0x57c: {  	[tilespmem:$0xCA50] =	vst v40;
	v8 =	vadd.f32 v60, v8;
	v45 =	vadd.f32 v39, v44  }
0x57d: {  	[tilespmem:$0xCA60] =	vst v6;
	v6 =	vadd.f32 v41, v7  }
0x57e: {  	[tilespmem:$0xCA70] =	vst v8;
	v7 =	vadd.f32 v43, v45  }
0x57f: {  	[tilespmem:$0xCA80] =	vst v6  }
0x580: {  	[tilespmem:$0xCA90] =	vst v7  }
0x581: {  	[hbm4b:s9+s21] =	stream.strided.scatter [tilespmem:s23], [sflag:$0x3], $0x100, s22, s21, $0x38;
	[tilespmem:$0xCB00] =	vst v63  }
0x582: {  	_ =	swait.ge [sflag:s24], $0x100  }
0x583: {  	[sflag:s24] =	ssyncset.done $0x0  }
0x584: {  	[sflag:s24] =	ssyncadd.s32 $0xFFFFFF00  }
0x585: {  	v6 =	vld [tilespmem:$0xC780]  }
0x586: {  	v7 =	vld [tilespmem:$0xC820]  }
0x587: {  	v46 =	vld [tilespmem:$0xC8C0]  }
0x588: {  	v47 =	vld [tilespmem:$0xC960]  }
0x589: {  	v48 =	vld [tilespmem:$0xC790]  }
0x58a: {  	v49 =	vld [tilespmem:$0xC830]  }
0x58b: {  	v50 =	vld [tilespmem:$0xC8D0]  }
0x58c: {  	v51 =	vld [tilespmem:$0xC970]  }
0x58d: {  	v52 =	vld [tilespmem:$0xC7A0]  }
0x58e: {  	v53 =	vld [tilespmem:$0xC840]  }
0x58f: {  	v54 =	vld [tilespmem:$0xC8E0]  }
0x590: {  	v55 =	vld [tilespmem:$0xC980]  }
0x591: {  	v56 =	vld [tilespmem:$0xC7B0]  }
0x592: {  	v57 =	vld [tilespmem:$0xC850]  }
0x593: {  	v58 =	vld [tilespmem:$0xC8F0]  }
0x594: {  	v59 =	vld [tilespmem:$0xC990]  }
0x595: {  	v60 =	vld [tilespmem:$0xC7C0]  }
0x596: {  	v61 =	vld [tilespmem:$0xC860]  }
0x597: {  	v62 =	vld [tilespmem:$0xC900]  }
0x598: {  	v63 =	vld [tilespmem:$0xC9A0]  }
0x599: {  	v36 =	vld [tilespmem:$0xC7D0]  }
0x59a: {  	v37 =	vld [tilespmem:$0xC870]  }
0x59b: {  	v38 =	vld [tilespmem:$0xC910]  }
0x59c: {  	v40 =	vld [tilespmem:$0xC7E0]  }
0x59d: {  	v41 =	vld [tilespmem:$0xC880]  }
0x59e: {  	v43 =	vld [tilespmem:$0xC7F0]  }
0x59f: {  	v44 =	vld [tilespmem:$0xC890]  }
0x5a0: {  	v39 =	vld [tilespmem:$0xC9B0]  }
0x5a1: {  	v42 =	vld [tilespmem:$0xC920]  }
0x5a2: {  	v45 =	vld [tilespmem:$0xC930];
	v6 =	vadd.f32 v7, v6;
	v10 =	vadd.f32 v49, v48  }
0x5a3: {  	v7 =	vld [tilespmem:$0xC9C0];
	v48 =	vadd.f32 v57, v56;
	v56 =	vadd.f32 v41, v40  }
0x5a4: {  	v49 =	vld [tilespmem:$0xC800];
	v8 =	vadd.f32 v44, v43;
	v6 =	vadd.f32 v46, v6  }
0x5a5: {  	v57 =	vld [tilespmem:$0xC950];
	v10 =	vadd.f32 v50, v10;
	v46 =	vadd.f32 v53, v52  }
0x5a6: {  	v50 =	vadd.f32 v61, v60;
	v13 =	vadd.f32 v58, v48;
	v53 =	vld [tilespmem:$0xC810]  }
0x5a7: {  	v10 =	vadd.f32 v51, v10;
	v9 =	vadd.f32 v54, v46;
	v51 =	vld [tilespmem:$0xC8A0]  }
0x5a8: {  	v52 =	vadd.f32 v37, v36;
	v6 =	vadd.f32 v47, v6;
	v54 =	vld [tilespmem:$0xC8B0]  }
0x5a9: {  	v60 =	vadd.f32 v42, v56;
	v9 =	vadd.f32 v55, v9;
	v55 =	vld [tilespmem:$0xC940]  }
0x5aa: {  	v47 =	vld [tilespmem:$0xC9D0];
	v16 =	vadd.f32 v62, v50;
	v13 =	vadd.f32 v59, v13;
	[tilespmem:$0xCA00] =	vst v6  }
0x5ab: {  	v8 =	vadd.f32 v45, v8;
	v19 =	vadd.f32 v38, v52;
	v59 =	vld [tilespmem:$0xC9E0];
	[tilespmem:$0xCA10] =	vst v10  }
0x5ac: {  	v61 =	vld [tilespmem:$0xC9F0];
	v6 =	vadd.f32 v63, v16;
	[tilespmem:$0xCA30] =	vst v13;
	v15 =	vadd.f32 v51, v49  }
0x5ad: {  	v58 =	vadd.f32 v39, v19;
	[tilespmem:$0xCA20] =	vst v9;
	v62 =	vadd.f32 v54, v53  }
0x5ae: {  	[tilespmem:$0xCA40] =	vst v6;
	v6 =	vadd.f32 v7, v60;
	v7 =	vadd.f32 v55, v15  }
0x5af: {  	[tilespmem:$0xCA50] =	vst v58;
	v8 =	vadd.f32 v47, v8;
	v63 =	vadd.f32 v57, v62  }
0x5b0: {  	[tilespmem:$0xCA60] =	vst v6;
	v6 =	vadd.f32 v59, v7  }
0x5b1: {  	s25 =	sadd.s32 $0x1, s25;
	[tilespmem:$0xCA70] =	vst v8;
	v7 =	vadd.f32 v61, v63  }
0x5b2: {  	p0 =	sne.s32 s25, s11;
	[tilespmem:$0xCA80] =	vst v6  }
.Ltmp4:
0x5b3: {  	[tilespmem:$0xCA90] =	vst v7;
	(pc) =	sbr.rel @p0 .LBB2_1-.Ltmp4, $4  }
0x5b4: {  	[hbm4b:s10+s21] =	stream.strided.scatter [tilespmem:s23], [sflag:$0x3], $0x100, s22, s21, $0x38;
	[tilespmem:$0xCB00] =	vst v63  }
0x5b5: {  	_ =	swait.ge [sflag:s24], $0x100  }
0x5b6: {  	[sflag:s24] =	ssyncset.done $0x0  }
0x5b7: {  	[sflag:s24] =	ssyncadd.s32 $0xFFFFFF00  }
0x5b8: {  	_ =	sfence.sel $0x180000  }
0x5b9: {  	[bflag:$0x0] =	sbarrier.arrive $0xFFFF  }
0x5ba: {  	_ =	strace $0x90000047  }
0x5bb: {  	s0 =	stileid.u32;
	[bflag:$0x2] =	sbarrier.arrive $0xFFFF  }
0x5bc: {  	p0 =	sne.s32 s0, $0x0;
	s0 =	rddreg [dreg:$0x3]  }
0x5bd: {  	s0 =	sadd.s32 @!p0 $0x100000, s0  }
0x5be: {  	[sflag:s0] =	ssyncadd.tile.s32 @!p0 $0x1;
	_ =	shalt  }
.Lfunc_end2:
_tile_overlayer_lowered:
.L_overlay_start_2:
0x5bf: {  	(tag) =	ssettag $0x2  }
0x5c0: {  	s0 =	rddreg [dreg:$0x0];
	s2 =	stileid.u32  }
0x5c1: {  	s1 =	rddreg [dreg:$0x1];
	p0 =	sne.s32 s2, $0x0  }
0x5c2: {  	s3 =	rddreg [dreg:$0x2];
	[bflag:$0x3] =	sbarrier.arrive $0xFFFF;
	s2 =	simm.s32 @!p0 $0x1C03  }
0x5c3: {  	[timem:s3], [sflag:s2] =	dma.local @!p0 [hbm:s0], s1  }
0x5c4: {  	s0 =	simm.s32 @!p0 $0x3  }
0x5c5: {  	_ =	swait.ge @!p0 [sflag:s0], s1  }
0x5c6: {  	s1 =	ssub.s32 @!p0 $0x0, s1;
	[sflag:s0] =	ssyncset.done @!p0 $0x0  }
0x5c7: {  	[sflag:s0] =	ssyncadd.s32 @!p0 s1  }
0x5c8: {  	[bflag:$0x3] =	sbarrier.arrive $0xFFFF  }
0x5c9: {  	_ =	shalt  }

</sc_bundles>
